<compile_context>
chip_gen: v7x
topology: tpu7x:2x2x1
jax: 0.10.2.dev20260603
libtpu: 0.0.44.dev20260713+nightly
codegen_flags: <defaults>
</compile_context>

<pallas_src>
import functools

import jax
import jax.numpy as jnp
from jax import lax
from jax.experimental import pallas as pl
from jax.experimental.pallas import tpu as pltpu
from jax.experimental.pallas import tpu_sc as plsc

_N = 16384
_D = 2048
_TEMP = 0.1
_THRESH = 0.85
_K = 100
_EPS = 1e-8

_NS = 7680
_NT = _N - _NS
_BLK = 512
_TSTEPS = _NT // _BLK

_NC = 2
_NSUB = 16
_NW = _NC * _NSUB
_RPW = _NS // _NW
_CH = 16
_NBUF = 3
_NCH = _RPW // _CH
_LANE = 16



def _tc_body(qcol_ref, pblk_ref, o_ref):
    qcol = qcol_ref[...]
    blk = pblk_ref[...]
    dotq = lax.dot_general(blk, qcol, (((1,), (0,)), ((), ())),
                           preferred_element_type=jnp.float32)
    sq = blk * blk
    ones = jnp.ones((_D, 1), dtype=jnp.float32)
    ssq = lax.dot_general(sq, ones, (((1,), (0,)), ((), ())),
                          preferred_element_type=jnp.float32)
    qn = jnp.maximum(jnp.sqrt(jnp.sum(qcol * qcol)), _EPS)
    pn = jnp.maximum(jnp.sqrt(ssq), _EPS)
    s = (dotq / (pn * qn)) / _TEMP
    i = pl.program_id(0)
    half = _BLK // 128
    o_ref[pl.ds((i % 2) * half, half), :] = s.reshape(half, 128)


def _tc_sims(qcol, patterns):
    return pl.pallas_call(
        _tc_body,
        grid=(_TSTEPS,),
        in_specs=[
            pl.BlockSpec((_D, 1), lambda i: (0, 0)),
            pl.BlockSpec((_BLK, _D), lambda i: (i, 0)),
        ],
        out_specs=pl.BlockSpec((2 * _BLK // 128, 128), lambda i: (i // 2, 0)),
        out_shape=jax.ShapeDtypeStruct((_NT // 128, 128), jnp.float32),
    )(qcol, patterns)



_DN = lax.GatherDimensionNumbers(offset_dims=(), collapsed_slice_dims=(0,),
                                 start_index_map=(0,))


def _shuf(v, idx):
    return lax.gather(v, idx[:, None], _DN, (1,),
                      mode=lax.GatherScatterMode.PROMISE_IN_BOUNDS)


def _lanesum(v):
    lanes = lax.iota(jnp.int32, _LANE)
    for sh in (8, 4, 2, 1):
        v = v + _shuf(v, lanes ^ sh)
    return v


def _sc_body(q_hbm, pat_hbm, dot_hbm, ssq_hbm,
             qv, b0, b1, b2, dots_v, ssqs_v,
             qsem, s0, s1, s2):
    bufs = (b0, b1, b2)
    sems = (s0, s1, s2)
    wid = lax.axis_index("s") * _NC + lax.axis_index("c")
    base = _NT + wid * _RPW

    pltpu.async_copy(q_hbm, qv, qsem).wait()
    for b in range(_NBUF):
        pltpu.async_copy(pat_hbm.at[pl.ds(base + b * _CH, _CH)], bufs[b], sems[b])

    lanes = lax.iota(jnp.int32, _LANE)
    zz = jnp.zeros((_LANE,), jnp.float32)

    def chunk_results(buf):
        accs = [jnp.zeros((_LANE,), jnp.float32) for _ in range(2 * _CH)]

        def col_body(c, accs):
            accs = list(accs)
            qc = qv[pl.ds(c * _LANE, _LANE)]
            for r in range(_CH):
                v = buf[r, pl.ds(c * _LANE, _LANE)]
                accs[2 * r] = accs[2 * r] + v * qc
                accs[2 * r + 1] = accs[2 * r + 1] + v * v
            return tuple(accs)

        accs = lax.fori_loop(0, _D // _LANE, col_body, tuple(accs))
        drow = [_lanesum(accs[2 * r]) for r in range(_CH)]
        srow = [_lanesum(accs[2 * r + 1]) for r in range(_CH)]
        return drow, srow

    def group(g, _):
        dsc, ssc = [], []
        for b in range(_NBUF):
            j = g * _NBUF + b
            pltpu.make_async_copy(
                pat_hbm.at[pl.ds(0, _CH)], bufs[b], sems[b]).wait()
            drow, srow = chunk_results(bufs[b])
            dsc += drow
            ssc += srow
            jn = j + _NBUF

            @pl.when(jn < _NCH)
            def _():
                pltpu.async_copy(
                    pat_hbm.at[pl.ds(base + jn * _CH, _CH)], bufs[b], sems[b])

        for h in range(_NBUF * _CH // _LANE):
            dvec, svec = zz, zz
            for r in range(_LANE):
                sel = lanes == r
                dvec = jnp.where(sel, dsc[h * _LANE + r], dvec)
                svec = jnp.where(sel, ssc[h * _LANE + r], svec)
            off = g * _NBUF * _CH + h * _LANE
            dots_v[pl.ds(off, _LANE)] = dvec
            ssqs_v[pl.ds(off, _LANE)] = svec
        return 0

    lax.fori_loop(0, _NCH // _NBUF, group, 0)

    pltpu.sync_copy(dots_v, dot_hbm.at[pl.ds(wid * _RPW, _RPW)])
    pltpu.sync_copy(ssqs_v, ssq_hbm.at[pl.ds(wid * _RPW, _RPW)])


def _sc_dots(query_pattern, patterns):
    mesh = plsc.VectorSubcoreMesh(core_axis_name="c", subcore_axis_name="s")
    f = functools.partial(
        pl.kernel,
        mesh=mesh,
        out_type=[
            jax.ShapeDtypeStruct((_NS,), jnp.float32),
            jax.ShapeDtypeStruct((_NS,), jnp.float32),
        ],
        scratch_types=[
            pltpu.VMEM((_D,), jnp.float32),
        ] + [pltpu.VMEM((_CH, _D), jnp.float32) for _ in range(_NBUF)] + [
            pltpu.VMEM((_RPW,), jnp.float32),
            pltpu.VMEM((_RPW,), jnp.float32),
        ] + [pltpu.SemaphoreType.DMA for _ in range(_NBUF + 1)],
    )(_sc_body)
    return f(query_pattern, patterns)



def _fin_body(qcol_ref, slo_ref, dhi_ref, shi_ref, pany_ref,
              outp_ref, outv_ref, sims_sc, sem):
    qcol = qcol_ref[...]
    qn = jnp.maximum(jnp.sqrt(jnp.sum(qcol * qcol)), _EPS)
    sims_sc[pl.ds(0, _NT // 128), :] = slo_ref[...]
    pn = jnp.maximum(jnp.sqrt(shi_ref[...]), _EPS)
    sims_sc[pl.ds(_NT // 128, _NS // 128), :] = (dhi_ref[...] / (pn * qn)) / _TEMP

    outp_ref[...] = jnp.zeros_like(outp_ref)
    outv_ref[...] = jnp.zeros_like(outv_ref)
    lin = (lax.broadcasted_iota(jnp.int32, (128, 128), 0) * 128
           + lax.broadcasted_iota(jnp.int32, (128, 128), 1))
    lid = lax.broadcasted_iota(jnp.int32, (_K,), 0)
    big = jnp.int32(2 ** 30)

    m0 = jnp.max(sims_sc[...])

    def cond(c):
        k, m = c
        return (k < _K) & (m >= _THRESH)

    def body(c):
        k, m = c
        s = sims_sc[...]
        idx = jnp.min(jnp.where(s == m, lin, big))
        outv_ref[...] = jnp.where(lid == k, m, outv_ref[...])
        sims_sc[...] = jnp.where(lin == idx, -jnp.inf, s)
        cp = pltpu.make_async_copy(
            pany_ref.at[pl.ds(idx, 1)], outp_ref.at[pl.ds(k, 1)], sem)
        cp.start()
        cp.wait()
        return k + 1, jnp.max(sims_sc[...])

    lax.while_loop(cond, body, (jnp.int32(0), m0))


def _finish(qcol, sims_lo, dot_hi, ssq_hi, patterns):
    return pl.pallas_call(
        _fin_body,
        grid=(1,),
        in_specs=[
            pl.BlockSpec((_D, 1), lambda i: (0, 0)),
            pl.BlockSpec((_NT // 128, 128), lambda i: (0, 0)),
            pl.BlockSpec((_NS // 128, 128), lambda i: (0, 0)),
            pl.BlockSpec((_NS // 128, 128), lambda i: (0, 0)),
            pl.BlockSpec(memory_space=pl.ANY),
        ],
        out_specs=[
            pl.BlockSpec((_K, _D), lambda i: (0, 0)),
            pl.BlockSpec((_K,), lambda i: (0,)),
        ],
        out_shape=[
            jax.ShapeDtypeStruct((_K, _D), jnp.float32),
            jax.ShapeDtypeStruct((_K,), jnp.float32),
        ],
        scratch_shapes=[
            pltpu.VMEM((128, 128), jnp.float32),
            pltpu.SemaphoreType.DMA,
        ],
    )(qcol, sims_lo, dot_hi.reshape(_NS // 128, 128),
      ssq_hi.reshape(_NS // 128, 128), patterns)


@jax.jit
def _run(query_pattern, patterns):
    qcol = query_pattern.reshape(_D, 1)
    sims_lo = _tc_sims(qcol, patterns)
    dot_hi, ssq_hi = _sc_dots(query_pattern, patterns)
    outp, outv = _finish(qcol, sims_lo, dot_hi, ssq_hi, patterns)
    return outp, outv


def kernel(query_pattern, patterns):
    return _run(query_pattern, patterns)

# --- scband reference (transcript-rebuilt; emitter-appended) ---
"""Pipeline reference for scband-stvmcache-29429115912893 (READ-ONLY COPY).

The authoritative reference and input builder live on the scoring server;
editing this copy changes nothing except your own understanding.
"""

import jax, jax.numpy as jnp
import numpy as np

STVM_SIZE = 16384
PATTERN_DIM = 2048
TEMPERATURE = 0.1
CACHE_THRESHOLD = 0.85
MAX_PATTERNS = 100
EPS = 1e-8


def setup_inputs(seed: int = 0) -> dict:
    key = jax.random.key(seed)
    k1, k2 = jax.random.split(key)
    query_pattern = jax.random.normal(k1, (PATTERN_DIM,), dtype=jnp.float32)
    # learned/cached pattern bank (parameter in the torch module); filled with
    # random data so that norms are non-degenerate (torch inits to zeros, which
    # would make cosine similarity ill-defined).
    patterns = jax.random.normal(k2, (STVM_SIZE, PATTERN_DIM), dtype=jnp.float32)
    return {"query_pattern": query_pattern, "patterns": patterns}


def reference(query_pattern, patterns):
    # F.cosine_similarity(query.unsqueeze(0), patterns, dim=1)
    q_norm = jnp.maximum(jnp.sqrt(jnp.sum(query_pattern * query_pattern)), EPS)
    p_norm = jnp.maximum(jnp.sqrt(jnp.sum(patterns * patterns, axis=1)), EPS)
    sims = (patterns @ query_pattern) / (p_norm * q_norm)
    sims = sims / TEMPERATURE
    # top_k = min(len(similarities), max_patterns) -> 100 here
    top_sims, top_idx = jax.lax.top_k(sims, MAX_PATTERNS)
    # threshold mask; JAX requires static shapes, so instead of shrinking the
    # result we zero-out entries below the cache threshold.
    mask = top_sims >= CACHE_THRESHOLD
    top_patterns = jnp.take(patterns, top_idx, axis=0)
    top_patterns = top_patterns * mask[:, None].astype(top_patterns.dtype)
    top_sims = jnp.where(mask, top_sims, jnp.zeros_like(top_sims))
    return (top_patterns, top_sims)

if __name__ == "__main__":
    import jax
    _d = setup_inputs()
    print(jax.jit(kernel)(*tuple(_d.values())))

</pallas_src>

<mosaic_0001>
#map = affine_map<(d0, d1) -> (0)>
#map1 = affine_map<(d0, d1) -> (0, 0)>
module attributes {stable_mosaic.version = 14 : i64} {
  func.func @_sc_body(%arg0: i32, %arg1: i32, %arg2: memref<2048xf32, #tpu.memory_space<hbm>>, %arg3: memref<16384x2048xf32, #tpu.memory_space<hbm>>, %arg4: memref<7680xf32, #tpu.memory_space<hbm>>, %arg5: memref<7680xf32, #tpu.memory_space<hbm>>, %arg6: memref<2048xf32, #tpu.memory_space<vmem>>, %arg7: memref<16x2048xf32, #tpu.memory_space<vmem>>, %arg8: memref<16x2048xf32, #tpu.memory_space<vmem>>, %arg9: memref<16x2048xf32, #tpu.memory_space<vmem>>, %arg10: memref<240xf32, #tpu.memory_space<vmem>>, %arg11: memref<240xf32, #tpu.memory_space<vmem>>, %arg12: memref<!tpu.dma_semaphore, #tpu.memory_space<semaphore_mem>>, %arg13: memref<!tpu.dma_semaphore, #tpu.memory_space<semaphore_mem>>, %arg14: memref<!tpu.dma_semaphore, #tpu.memory_space<semaphore_mem>>, %arg15: memref<!tpu.dma_semaphore, #tpu.memory_space<semaphore_mem>>) attributes {dimension_semantics = [#tpu.dimension_semantics<core_parallel>, #tpu.dimension_semantics<subcore_parallel>], iteration_bounds = array<i64: 2, 16>, scalar_prefetch = 0 : i64, scratch_operands = 10 : i64, tpu.core_type = #tpu.core_type<sc_vector_subcore>, window_params = [{transform_indices = #map}, {transform_indices = #map1}, {transform_indices = #map}, {transform_indices = #map}]} {
    %mul3A = arith.constant 2 : i32
    %mul3A_0 = arith.muli %arg1, %mul3A : i32
    %add3A = arith.addi %mul3A_0, %arg0 : i32
    %mul3A_1 = arith.constant 240 : i32
    %mul3A_2 = arith.muli %add3A, %mul3A_1 : i32
    %add3A_3 = arith.constant 8704 : i32
    %add3A_4 = arith.addi %add3A_3, %mul3A_2 : i32
    tpu.enqueue_dma source(%arg2 : memref<2048xf32, #tpu.memory_space<hbm>>) target(%arg6 : memref<2048xf32, #tpu.memory_space<vmem>>) target_semaphore(%arg12 : memref<!tpu.dma_semaphore, #tpu.memory_space<semaphore_mem>>)
    tpu.wait_dma2 semaphore(%arg12 : memref<!tpu.dma_semaphore, #tpu.memory_space<semaphore_mem>>) src(%arg2 : memref<2048xf32, #tpu.memory_space<hbm>>) dst(%arg6 : memref<2048xf32, #tpu.memory_space<vmem>>)
    %add3A_5 = arith.constant 0 : i32
    %add3A_6 = arith.addi %add3A_4, %add3A_5 : i32
    %dma_start3A = arith.constant 0 : i32
    %dma_start3A_7 = tpu.memref_slice %arg3[%add3A_6, %dma_start3A] : memref<16384x2048xf32, #tpu.memory_space<hbm>> -> memref<16x2048xf32, #tpu.memory_space<hbm>>
    %dma_start3A_8 = arith.constant 0 : i32
    %dma_start3A_9 = tpu.memref_slice %arg3[%add3A_6, %dma_start3A_8] : memref<16384x2048xf32, #tpu.memory_space<hbm>> -> memref<16x2048xf32, #tpu.memory_space<hbm>>
    tpu.enqueue_dma source(%dma_start3A_9 : memref<16x2048xf32, #tpu.memory_space<hbm>>) target(%arg7 : memref<16x2048xf32, #tpu.memory_space<vmem>>) target_semaphore(%arg13 : memref<!tpu.dma_semaphore, #tpu.memory_space<semaphore_mem>>)
    %add3A_10 = arith.constant 16 : i32
    %add3A_11 = arith.addi %add3A_4, %add3A_10 : i32
    %dma_start3A_12 = arith.constant 0 : i32
    %dma_start3A_13 = tpu.memref_slice %arg3[%add3A_11, %dma_start3A_12] : memref<16384x2048xf32, #tpu.memory_space<hbm>> -> memref<16x2048xf32, #tpu.memory_space<hbm>>
    %dma_start3A_14 = arith.constant 0 : i32
    %dma_start3A_15 = tpu.memref_slice %arg3[%add3A_11, %dma_start3A_14] : memref<16384x2048xf32, #tpu.memory_space<hbm>> -> memref<16x2048xf32, #tpu.memory_space<hbm>>
    tpu.enqueue_dma source(%dma_start3A_15 : memref<16x2048xf32, #tpu.memory_space<hbm>>) target(%arg8 : memref<16x2048xf32, #tpu.memory_space<vmem>>) target_semaphore(%arg14 : memref<!tpu.dma_semaphore, #tpu.memory_space<semaphore_mem>>)
    %add3A_16 = arith.constant 32 : i32
    %add3A_17 = arith.addi %add3A_4, %add3A_16 : i32
    %dma_start3A_18 = arith.constant 0 : i32
    %dma_start3A_19 = tpu.memref_slice %arg3[%add3A_17, %dma_start3A_18] : memref<16384x2048xf32, #tpu.memory_space<hbm>> -> memref<16x2048xf32, #tpu.memory_space<hbm>>
    %dma_start3A_20 = arith.constant 0 : i32
    %dma_start3A_21 = tpu.memref_slice %arg3[%add3A_17, %dma_start3A_20] : memref<16384x2048xf32, #tpu.memory_space<hbm>> -> memref<16x2048xf32, #tpu.memory_space<hbm>>
    tpu.enqueue_dma source(%dma_start3A_21 : memref<16x2048xf32, #tpu.memory_space<hbm>>) target(%arg9 : memref<16x2048xf32, #tpu.memory_space<vmem>>) target_semaphore(%arg15 : memref<!tpu.dma_semaphore, #tpu.memory_space<semaphore_mem>>)
    %iota3A = tpu.iota {dimensions = array<i32: 0>} : vector<16xi32>
    %broadcast_in_dim3A = arith.constant 0.000000e+00 : f32
    %broadcast_in_dim3A_22 = vector.broadcast %broadcast_in_dim3A : f32 to vector<16xf32>
    %scan3A = arith.constant 0 : i32
    %scan3A_23 = arith.constant 0 : i32
    %scan3A_24 = arith.constant 5 : i32
    %scan3A_25 = arith.addi %scan3A_23, %scan3A_24 : i32
    %scan3A_26 = arith.constant 1 : i32
    %scan3A_27 = scf.for %scan3A_33 = %scan3A_23 to %scan3A_25 step %scan3A_26 iter_args(%scan3A_34 = %scan3A) -> (i32)  : i32 {
      %mul3A_35 = arith.constant 3 : i32
      %mul3A_36 = arith.muli %scan3A_33, %mul3A_35 : i32
      %add3A_37 = arith.constant 0 : i32
      %add3A_38 = arith.addi %mul3A_36, %add3A_37 : i32
      %dma_wait3A = arith.constant 0 : i32
      %dma_wait3A_39 = arith.constant 0 : i32
      %dma_wait3A_40 = tpu.memref_slice %arg3[%dma_wait3A, %dma_wait3A_39] : memref<16384x2048xf32, #tpu.memory_space<hbm>> -> memref<16x2048xf32, #tpu.memory_space<hbm>>
      %dma_wait3A_41 = arith.constant 0 : i32
      %dma_wait3A_42 = arith.constant 0 : i32
      %dma_wait3A_43 = tpu.memref_slice %arg3[%dma_wait3A_41, %dma_wait3A_42] : memref<16384x2048xf32, #tpu.memory_space<hbm>> -> memref<16x2048xf32, #tpu.memory_space<hbm>>
      tpu.wait_dma2 semaphore(%arg13 : memref<!tpu.dma_semaphore, #tpu.memory_space<semaphore_mem>>) src(%dma_wait3A_43 : memref<16x2048xf32, #tpu.memory_space<hbm>>) dst(%arg7 : memref<16x2048xf32, #tpu.memory_space<vmem>>)
      %broadcast_in_dim3A_44 = arith.constant 0.000000e+00 : f32
      %broadcast_in_dim3A_45 = vector.broadcast %broadcast_in_dim3A_44 : f32 to vector<16xf32>
      %broadcast_in_dim3A_46 = arith.constant 0.000000e+00 : f32
      %broadcast_in_dim3A_47 = vector.broadcast %broadcast_in_dim3A_46 : f32 to vector<16xf32>
      %broadcast_in_dim3A_48 = arith.constant 0.000000e+00 : f32
      %broadcast_in_dim3A_49 = vector.broadcast %broadcast_in_dim3A_48 : f32 to vector<16xf32>
      %broadcast_in_dim3A_50 = arith.constant 0.000000e+00 : f32
      %broadcast_in_dim3A_51 = vector.broadcast %broadcast_in_dim3A_50 : f32 to vector<16xf32>
      %broadcast_in_dim3A_52 = arith.constant 0.000000e+00 : f32
      %broadcast_in_dim3A_53 = vector.broadcast %broadcast_in_dim3A_52 : f32 to vector<16xf32>
      %broadcast_in_dim3A_54 = arith.constant 0.000000e+00 : f32
      %broadcast_in_dim3A_55 = vector.broadcast %broadcast_in_dim3A_54 : f32 to vector<16xf32>
      %broadcast_in_dim3A_56 = arith.constant 0.000000e+00 : f32
      %broadcast_in_dim3A_57 = vector.broadcast %broadcast_in_dim3A_56 : f32 to vector<16xf32>
      %broadcast_in_dim3A_58 = arith.constant 0.000000e+00 : f32
      %broadcast_in_dim3A_59 = vector.broadcast %broadcast_in_dim3A_58 : f32 to vector<16xf32>
      %broadcast_in_dim3A_60 = arith.constant 0.000000e+00 : f32
      %broadcast_in_dim3A_61 = vector.broadcast %broadcast_in_dim3A_60 : f32 to vector<16xf32>
      %broadcast_in_dim3A_62 = arith.constant 0.000000e+00 : f32
      %broadcast_in_dim3A_63 = vector.broadcast %broadcast_in_dim3A_62 : f32 to vector<16xf32>
      %broadcast_in_dim3A_64 = arith.constant 0.000000e+00 : f32
      %broadcast_in_dim3A_65 = vector.broadcast %broadcast_in_dim3A_64 : f32 to vector<16xf32>
      %broadcast_in_dim3A_66 = arith.constant 0.000000e+00 : f32
      %broadcast_in_dim3A_67 = vector.broadcast %broadcast_in_dim3A_66 : f32 to vector<16xf32>
      %broadcast_in_dim3A_68 = arith.constant 0.000000e+00 : f32
      %broadcast_in_dim3A_69 = vector.broadcast %broadcast_in_dim3A_68 : f32 to vector<16xf32>
      %broadcast_in_dim3A_70 = arith.constant 0.000000e+00 : f32
      %broadcast_in_dim3A_71 = vector.broadcast %broadcast_in_dim3A_70 : f32 to vector<16xf32>
      %broadcast_in_dim3A_72 = arith.constant 0.000000e+00 : f32
      %broadcast_in_dim3A_73 = vector.broadcast %broadcast_in_dim3A_72 : f32 to vector<16xf32>
      %broadcast_in_dim3A_74 = arith.constant 0.000000e+00 : f32
      %broadcast_in_dim3A_75 = vector.broadcast %broadcast_in_dim3A_74 : f32 to vector<16xf32>
      %broadcast_in_dim3A_76 = arith.constant 0.000000e+00 : f32
      %broadcast_in_dim3A_77 = vector.broadcast %broadcast_in_dim3A_76 : f32 to vector<16xf32>
      %broadcast_in_dim3A_78 = arith.constant 0.000000e+00 : f32
      %broadcast_in_dim3A_79 = vector.broadcast %broadcast_in_dim3A_78 : f32 to vector<16xf32>
      %broadcast_in_dim3A_80 = arith.constant 0.000000e+00 : f32
      %broadcast_in_dim3A_81 = vector.broadcast %broadcast_in_dim3A_80 : f32 to vector<16xf32>
      %broadcast_in_dim3A_82 = arith.constant 0.000000e+00 : f32
      %broadcast_in_dim3A_83 = vector.broadcast %broadcast_in_dim3A_82 : f32 to vector<16xf32>
      %broadcast_in_dim3A_84 = arith.constant 0.000000e+00 : f32
      %broadcast_in_dim3A_85 = vector.broadcast %broadcast_in_dim3A_84 : f32 to vector<16xf32>
      %broadcast_in_dim3A_86 = arith.constant 0.000000e+00 : f32
      %broadcast_in_dim3A_87 = vector.broadcast %broadcast_in_dim3A_86 : f32 to vector<16xf32>
      %broadcast_in_dim3A_88 = arith.constant 0.000000e+00 : f32
      %broadcast_in_dim3A_89 = vector.broadcast %broadcast_in_dim3A_88 : f32 to vector<16xf32>
      %broadcast_in_dim3A_90 = arith.constant 0.000000e+00 : f32
      %broadcast_in_dim3A_91 = vector.broadcast %broadcast_in_dim3A_90 : f32 to vector<16xf32>
      %broadcast_in_dim3A_92 = arith.constant 0.000000e+00 : f32
      %broadcast_in_dim3A_93 = vector.broadcast %broadcast_in_dim3A_92 : f32 to vector<16xf32>
      %broadcast_in_dim3A_94 = arith.constant 0.000000e+00 : f32
      %broadcast_in_dim3A_95 = vector.broadcast %broadcast_in_dim3A_94 : f32 to vector<16xf32>
      %broadcast_in_dim3A_96 = arith.constant 0.000000e+00 : f32
      %broadcast_in_dim3A_97 = vector.broadcast %broadcast_in_dim3A_96 : f32 to vector<16xf32>
      %broadcast_in_dim3A_98 = arith.constant 0.000000e+00 : f32
      %broadcast_in_dim3A_99 = vector.broadcast %broadcast_in_dim3A_98 : f32 to vector<16xf32>
      %broadcast_in_dim3A_100 = arith.constant 0.000000e+00 : f32
      %broadcast_in_dim3A_101 = vector.broadcast %broadcast_in_dim3A_100 : f32 to vector<16xf32>
      %broadcast_in_dim3A_102 = arith.constant 0.000000e+00 : f32
      %broadcast_in_dim3A_103 = vector.broadcast %broadcast_in_dim3A_102 : f32 to vector<16xf32>
      %broadcast_in_dim3A_104 = arith.constant 0.000000e+00 : f32
      %broadcast_in_dim3A_105 = vector.broadcast %broadcast_in_dim3A_104 : f32 to vector<16xf32>
      %broadcast_in_dim3A_106 = arith.constant 0.000000e+00 : f32
      %broadcast_in_dim3A_107 = vector.broadcast %broadcast_in_dim3A_106 : f32 to vector<16xf32>
      %scan3A_108 = arith.constant 0 : i32
      %scan3A_109 = arith.constant 128 : i32
      %scan3A_110 = arith.addi %scan3A_108, %scan3A_109 : i32
      %scan3A_111 = arith.constant 1 : i32
      %scan3A_112:32 = scf.for %scan3A_3354 = %scan3A_108 to %scan3A_110 step %scan3A_111 iter_args(%scan3A_3355 = %broadcast_in_dim3A_45, %scan3A_3356 = %broadcast_in_dim3A_47, %scan3A_3357 = %broadcast_in_dim3A_49, %scan3A_3358 = %broadcast_in_dim3A_51, %scan3A_3359 = %broadcast_in_dim3A_53, %scan3A_3360 = %broadcast_in_dim3A_55, %scan3A_3361 = %broadcast_in_dim3A_57, %scan3A_3362 = %broadcast_in_dim3A_59, %scan3A_3363 = %broadcast_in_dim3A_61, %scan3A_3364 = %broadcast_in_dim3A_63, %scan3A_3365 = %broadcast_in_dim3A_65, %scan3A_3366 = %broadcast_in_dim3A_67, %scan3A_3367 = %broadcast_in_dim3A_69, %scan3A_3368 = %broadcast_in_dim3A_71, %scan3A_3369 = %broadcast_in_dim3A_73, %scan3A_3370 = %broadcast_in_dim3A_75, %scan3A_3371 = %broadcast_in_dim3A_77, %scan3A_3372 = %broadcast_in_dim3A_79, %scan3A_3373 = %broadcast_in_dim3A_81, %scan3A_3374 = %broadcast_in_dim3A_83, %scan3A_3375 = %broadcast_in_dim3A_85, %scan3A_3376 = %broadcast_in_dim3A_87, %scan3A_3377 = %broadcast_in_dim3A_89, %scan3A_3378 = %broadcast_in_dim3A_91, %scan3A_3379 = %broadcast_in_dim3A_93, %scan3A_3380 = %broadcast_in_dim3A_95, %scan3A_3381 = %broadcast_in_dim3A_97, %scan3A_3382 = %broadcast_in_dim3A_99, %scan3A_3383 = %broadcast_in_dim3A_101, %scan3A_3384 = %broadcast_in_dim3A_103, %scan3A_3385 = %broadcast_in_dim3A_105, %scan3A_3386 = %broadcast_in_dim3A_107) -> (vector<16xf32>, vector<16xf32>, vector<16xf32>, vector<16xf32>, vector<16xf32>, vector<16xf32>, vector<16xf32>, vector<16xf32>, vector<16xf32>, vector<16xf32>, vector<16xf32>, vector<16xf32>, vector<16xf32>, vector<16xf32>, vector<16xf32>, vector<16xf32>, vector<16xf32>, vector<16xf32>, vector<16xf32>, vector<16xf32>, vector<16xf32>, vector<16xf32>, vector<16xf32>, vector<16xf32>, vector<16xf32>, vector<16xf32>, vector<16xf32>, vector<16xf32>, vector<16xf32>, vector<16xf32>, vector<16xf32>, vector<16xf32>)  : i32 {
        %mul3A_3387 = arith.constant 16 : i32
        %mul3A_3388 = arith.muli %scan3A_3354, %mul3A_3387 : i32
        %get3A = arith.index_cast %mul3A_3388 : i32 to index
        %get3A_3389 = tpu.vector_load %arg6[%get3A] {strides = array<i32>} : memref<2048xf32, #tpu.memory_space<vmem>>, vector<16xf32>,
        %get3A_3390 = vector.shape_cast %get3A_3389 : vector<16xf32> to vector<16xf32>
        %mul3A_3391 = arith.constant 16 : i32
        %mul3A_3392 = arith.muli %scan3A_3354, %mul3A_3391 : i32
        %get3A_3393 = arith.constant 0 : i32
        %get3A_3394 = arith.index_cast %get3A_3393 : i32 to index
        %get3A_3395 = arith.index_cast %mul3A_3392 : i32 to index
        %get3A_3396 = tpu.vector_load %arg7[%get3A_3394, %get3A_3395] {strides = array<i32>} : memref<16x2048xf32, #tpu.memory_space<vmem>>, vector<1x16xf32>,
        %get3A_3397 = vector.shape_cast %get3A_3396 : vector<1x16xf32> to vector<16xf32>
        %mul3A_3398 = arith.mulf %get3A_3397, %get3A_3390 : vector<16xf32>
        %add3A_3399 = arith.addf %scan3A_3355, %mul3A_3398 : vector<16xf32>
        %mul3A_3400 = arith.mulf %get3A_3397, %get3A_3397 : vector<16xf32>
        %add3A_3401 = arith.addf %scan3A_3356, %mul3A_3400 : vector<16xf32>
        %mul3A_3402 = arith.constant 16 : i32
        %mul3A_3403 = arith.muli %scan3A_3354, %mul3A_3402 : i32
        %get3A_3404 = arith.constant 1 : i32
        %get3A_3405 = arith.index_cast %get3A_3404 : i32 to index
        %get3A_3406 = arith.index_cast %mul3A_3403 : i32 to index
        %get3A_3407 = tpu.vector_load %arg7[%get3A_3405, %get3A_3406] {strides = array<i32>} : memref<16x2048xf32, #tpu.memory_space<vmem>>, vector<1x16xf32>,
        %get3A_3408 = vector.shape_cast %get3A_3407 : vector<1x16xf32> to vector<16xf32>
        %mul3A_3409 = arith.mulf %get3A_3408, %get3A_3390 : vector<16xf32>
        %add3A_3410 = arith.addf %scan3A_3357, %mul3A_3409 : vector<16xf32>
        %mul3A_3411 = arith.mulf %get3A_3408, %get3A_3408 : vector<16xf32>
        %add3A_3412 = arith.addf %scan3A_3358, %mul3A_3411 : vector<16xf32>
        %mul3A_3413 = arith.constant 16 : i32
        %mul3A_3414 = arith.muli %scan3A_3354, %mul3A_3413 : i32
        %get3A_3415 = arith.constant 2 : i32
        %get3A_3416 = arith.index_cast %get3A_3415 : i32 to index
        %get3A_3417 = arith.index_cast %mul3A_3414 : i32 to index
        %get3A_3418 = tpu.vector_load %arg7[%get3A_3416, %get3A_3417] {strides = array<i32>} : memref<16x2048xf32, #tpu.memory_space<vmem>>, vector<1x16xf32>,
        %get3A_3419 = vector.shape_cast %get3A_3418 : vector<1x16xf32> to vector<16xf32>
        %mul3A_3420 = arith.mulf %get3A_3419, %get3A_3390 : vector<16xf32>
        %add3A_3421 = arith.addf %scan3A_3359, %mul3A_3420 : vector<16xf32>
        %mul3A_3422 = arith.mulf %get3A_3419, %get3A_3419 : vector<16xf32>
        %add3A_3423 = arith.addf %scan3A_3360, %mul3A_3422 : vector<16xf32>
        %mul3A_3424 = arith.constant 16 : i32
        %mul3A_3425 = arith.muli %scan3A_3354, %mul3A_3424 : i32
        %get3A_3426 = arith.constant 3 : i32
        %get3A_3427 = arith.index_cast %get3A_3426 : i32 to index
        %get3A_3428 = arith.index_cast %mul3A_3425 : i32 to index
        %get3A_3429 = tpu.vector_load %arg7[%get3A_3427, %get3A_3428] {strides = array<i32>} : memref<16x2048xf32, #tpu.memory_space<vmem>>, vector<1x16xf32>,
        %get3A_3430 = vector.shape_cast %get3A_3429 : vector<1x16xf32> to vector<16xf32>
        %mul3A_3431 = arith.mulf %get3A_3430, %get3A_3390 : vector<16xf32>
        %add3A_3432 = arith.addf %scan3A_3361, %mul3A_3431 : vector<16xf32>
        %mul3A_3433 = arith.mulf %get3A_3430, %get3A_3430 : vector<16xf32>
        %add3A_3434 = arith.addf %scan3A_3362, %mul3A_3433 : vector<16xf32>
        %mul3A_3435 = arith.constant 16 : i32
        %mul3A_3436 = arith.muli %scan3A_3354, %mul3A_3435 : i32
        %get3A_3437 = arith.constant 4 : i32
        %get3A_3438 = arith.index_cast %get3A_3437 : i32 to index
        %get3A_3439 = arith.index_cast %mul3A_3436 : i32 to index
        %get3A_3440 = tpu.vector_load %arg7[%get3A_3438, %get3A_3439] {strides = array<i32>} : memref<16x2048xf32, #tpu.memory_space<vmem>>, vector<1x16xf32>,
        %get3A_3441 = vector.shape_cast %get3A_3440 : vector<1x16xf32> to vector<16xf32>
        %mul3A_3442 = arith.mulf %get3A_3441, %get3A_3390 : vector<16xf32>
        %add3A_3443 = arith.addf %scan3A_3363, %mul3A_3442 : vector<16xf32>
        %mul3A_3444 = arith.mulf %get3A_3441, %get3A_3441 : vector<16xf32>
        %add3A_3445 = arith.addf %scan3A_3364, %mul3A_3444 : vector<16xf32>
        %mul3A_3446 = arith.constant 16 : i32
        %mul3A_3447 = arith.muli %scan3A_3354, %mul3A_3446 : i32
        %get3A_3448 = arith.constant 5 : i32
        %get3A_3449 = arith.index_cast %get3A_3448 : i32 to index
        %get3A_3450 = arith.index_cast %mul3A_3447 : i32 to index
        %get3A_3451 = tpu.vector_load %arg7[%get3A_3449, %get3A_3450] {strides = array<i32>} : memref<16x2048xf32, #tpu.memory_space<vmem>>, vector<1x16xf32>,
        %get3A_3452 = vector.shape_cast %get3A_3451 : vector<1x16xf32> to vector<16xf32>
        %mul3A_3453 = arith.mulf %get3A_3452, %get3A_3390 : vector<16xf32>
        %add3A_3454 = arith.addf %scan3A_3365, %mul3A_3453 : vector<16xf32>
        %mul3A_3455 = arith.mulf %get3A_3452, %get3A_3452 : vector<16xf32>
        %add3A_3456 = arith.addf %scan3A_3366, %mul3A_3455 : vector<16xf32>
        %mul3A_3457 = arith.constant 16 : i32
        %mul3A_3458 = arith.muli %scan3A_3354, %mul3A_3457 : i32
        %get3A_3459 = arith.constant 6 : i32
        %get3A_3460 = arith.index_cast %get3A_3459 : i32 to index
        %get3A_3461 = arith.index_cast %mul3A_3458 : i32 to index
        %get3A_3462 = tpu.vector_load %arg7[%get3A_3460, %get3A_3461] {strides = array<i32>} : memref<16x2048xf32, #tpu.memory_space<vmem>>, vector<1x16xf32>,
        %get3A_3463 = vector.shape_cast %get3A_3462 : vector<1x16xf32> to vector<16xf32>
        %mul3A_3464 = arith.mulf %get3A_3463, %get3A_3390 : vector<16xf32>
        %add3A_3465 = arith.addf %scan3A_3367, %mul3A_3464 : vector<16xf32>
        %mul3A_3466 = arith.mulf %get3A_3463, %get3A_3463 : vector<16xf32>
        %add3A_3467 = arith.addf %scan3A_3368, %mul3A_3466 : vector<16xf32>
        %mul3A_3468 = arith.constant 16 : i32
        %mul3A_3469 = arith.muli %scan3A_3354, %mul3A_3468 : i32
        %get3A_3470 = arith.constant 7 : i32
        %get3A_3471 = arith.index_cast %get3A_3470 : i32 to index
        %get3A_3472 = arith.index_cast %mul3A_3469 : i32 to index
        %get3A_3473 = tpu.vector_load %arg7[%get3A_3471, %get3A_3472] {strides = array<i32>} : memref<16x2048xf32, #tpu.memory_space<vmem>>, vector<1x16xf32>,
        %get3A_3474 = vector.shape_cast %get3A_3473 : vector<1x16xf32> to vector<16xf32>
        %mul3A_3475 = arith.mulf %get3A_3474, %get3A_3390 : vector<16xf32>
        %add3A_3476 = arith.addf %scan3A_3369, %mul3A_3475 : vector<16xf32>
        %mul3A_3477 = arith.mulf %get3A_3474, %get3A_3474 : vector<16xf32>
        %add3A_3478 = arith.addf %scan3A_3370, %mul3A_3477 : vector<16xf32>
        %mul3A_3479 = arith.constant 16 : i32
        %mul3A_3480 = arith.muli %scan3A_3354, %mul3A_3479 : i32
        %get3A_3481 = arith.constant 8 : i32
        %get3A_3482 = arith.index_cast %get3A_3481 : i32 to index
        %get3A_3483 = arith.index_cast %mul3A_3480 : i32 to index
        %get3A_3484 = tpu.vector_load %arg7[%get3A_3482, %get3A_3483] {strides = array<i32>} : memref<16x2048xf32, #tpu.memory_space<vmem>>, vector<1x16xf32>,
        %get3A_3485 = vector.shape_cast %get3A_3484 : vector<1x16xf32> to vector<16xf32>
        %mul3A_3486 = arith.mulf %get3A_3485, %get3A_3390 : vector<16xf32>
        %add3A_3487 = arith.addf %scan3A_3371, %mul3A_3486 : vector<16xf32>
        %mul3A_3488 = arith.mulf %get3A_3485, %get3A_3485 : vector<16xf32>
        %add3A_3489 = arith.addf %scan3A_3372, %mul3A_3488 : vector<16xf32>
        %mul3A_3490 = arith.constant 16 : i32
        %mul3A_3491 = arith.muli %scan3A_3354, %mul3A_3490 : i32
        %get3A_3492 = arith.constant 9 : i32
        %get3A_3493 = arith.index_cast %get3A_3492 : i32 to index
        %get3A_3494 = arith.index_cast %mul3A_3491 : i32 to index
        %get3A_3495 = tpu.vector_load %arg7[%get3A_3493, %get3A_3494] {strides = array<i32>} : memref<16x2048xf32, #tpu.memory_space<vmem>>, vector<1x16xf32>,
        %get3A_3496 = vector.shape_cast %get3A_3495 : vector<1x16xf32> to vector<16xf32>
        %mul3A_3497 = arith.mulf %get3A_3496, %get3A_3390 : vector<16xf32>
        %add3A_3498 = arith.addf %scan3A_3373, %mul3A_3497 : vector<16xf32>
        %mul3A_3499 = arith.mulf %get3A_3496, %get3A_3496 : vector<16xf32>
        %add3A_3500 = arith.addf %scan3A_3374, %mul3A_3499 : vector<16xf32>
        %mul3A_3501 = arith.constant 16 : i32
        %mul3A_3502 = arith.muli %scan3A_3354, %mul3A_3501 : i32
        %get3A_3503 = arith.constant 10 : i32
        %get3A_3504 = arith.index_cast %get3A_3503 : i32 to index
        %get3A_3505 = arith.index_cast %mul3A_3502 : i32 to index
        %get3A_3506 = tpu.vector_load %arg7[%get3A_3504, %get3A_3505] {strides = array<i32>} : memref<16x2048xf32, #tpu.memory_space<vmem>>, vector<1x16xf32>,
        %get3A_3507 = vector.shape_cast %get3A_3506 : vector<1x16xf32> to vector<16xf32>
        %mul3A_3508 = arith.mulf %get3A_3507, %get3A_3390 : vector<16xf32>
        %add3A_3509 = arith.addf %scan3A_3375, %mul3A_3508 : vector<16xf32>
        %mul3A_3510 = arith.mulf %get3A_3507, %get3A_3507 : vector<16xf32>
        %add3A_3511 = arith.addf %scan3A_3376, %mul3A_3510 : vector<16xf32>
        %mul3A_3512 = arith.constant 16 : i32
        %mul3A_3513 = arith.muli %scan3A_3354, %mul3A_3512 : i32
        %get3A_3514 = arith.constant 11 : i32
        %get3A_3515 = arith.index_cast %get3A_3514 : i32 to index
        %get3A_3516 = arith.index_cast %mul3A_3513 : i32 to index
        %get3A_3517 = tpu.vector_load %arg7[%get3A_3515, %get3A_3516] {strides = array<i32>} : memref<16x2048xf32, #tpu.memory_space<vmem>>, vector<1x16xf32>,
        %get3A_3518 = vector.shape_cast %get3A_3517 : vector<1x16xf32> to vector<16xf32>
        %mul3A_3519 = arith.mulf %get3A_3518, %get3A_3390 : vector<16xf32>
        %add3A_3520 = arith.addf %scan3A_3377, %mul3A_3519 : vector<16xf32>
        %mul3A_3521 = arith.mulf %get3A_3518, %get3A_3518 : vector<16xf32>
        %add3A_3522 = arith.addf %scan3A_3378, %mul3A_3521 : vector<16xf32>
        %mul3A_3523 = arith.constant 16 : i32
        %mul3A_3524 = arith.muli %scan3A_3354, %mul3A_3523 : i32
        %get3A_3525 = arith.constant 12 : i32
        %get3A_3526 = arith.index_cast %get3A_3525 : i32 to index
        %get3A_3527 = arith.index_cast %mul3A_3524 : i32 to index
        %get3A_3528 = tpu.vector_load %arg7[%get3A_3526, %get3A_3527] {strides = array<i32>} : memref<16x2048xf32, #tpu.memory_space<vmem>>, vector<1x16xf32>,
        %get3A_3529 = vector.shape_cast %get3A_3528 : vector<1x16xf32> to vector<16xf32>
        %mul3A_3530 = arith.mulf %get3A_3529, %get3A_3390 : vector<16xf32>
        %add3A_3531 = arith.addf %scan3A_3379, %mul3A_3530 : vector<16xf32>
        %mul3A_3532 = arith.mulf %get3A_3529, %get3A_3529 : vector<16xf32>
        %add3A_3533 = arith.addf %scan3A_3380, %mul3A_3532 : vector<16xf32>
        %mul3A_3534 = arith.constant 16 : i32
        %mul3A_3535 = arith.muli %scan3A_3354, %mul3A_3534 : i32
        %get3A_3536 = arith.constant 13 : i32
        %get3A_3537 = arith.index_cast %get3A_3536 : i32 to index
        %get3A_3538 = arith.index_cast %mul3A_3535 : i32 to index
        %get3A_3539 = tpu.vector_load %arg7[%get3A_3537, %get3A_3538] {strides = array<i32>} : memref<16x2048xf32, #tpu.memory_space<vmem>>, vector<1x16xf32>,
        %get3A_3540 = vector.shape_cast %get3A_3539 : vector<1x16xf32> to vector<16xf32>
        %mul3A_3541 = arith.mulf %get3A_3540, %get3A_3390 : vector<16xf32>
        %add3A_3542 = arith.addf %scan3A_3381, %mul3A_3541 : vector<16xf32>
        %mul3A_3543 = arith.mulf %get3A_3540, %get3A_3540 : vector<16xf32>
        %add3A_3544 = arith.addf %scan3A_3382, %mul3A_3543 : vector<16xf32>
        %mul3A_3545 = arith.constant 16 : i32
        %mul3A_3546 = arith.muli %scan3A_3354, %mul3A_3545 : i32
        %get3A_3547 = arith.constant 14 : i32
        %get3A_3548 = arith.index_cast %get3A_3547 : i32 to index
        %get3A_3549 = arith.index_cast %mul3A_3546 : i32 to index
        %get3A_3550 = tpu.vector_load %arg7[%get3A_3548, %get3A_3549] {strides = array<i32>} : memref<16x2048xf32, #tpu.memory_space<vmem>>, vector<1x16xf32>,
        %get3A_3551 = vector.shape_cast %get3A_3550 : vector<1x16xf32> to vector<16xf32>
        %mul3A_3552 = arith.mulf %get3A_3551, %get3A_3390 : vector<16xf32>
        %add3A_3553 = arith.addf %scan3A_3383, %mul3A_3552 : vector<16xf32>
        %mul3A_3554 = arith.mulf %get3A_3551, %get3A_3551 : vector<16xf32>
        %add3A_3555 = arith.addf %scan3A_3384, %mul3A_3554 : vector<16xf32>
        %mul3A_3556 = arith.constant 16 : i32
        %mul3A_3557 = arith.muli %scan3A_3354, %mul3A_3556 : i32
        %get3A_3558 = arith.constant 15 : i32
        %get3A_3559 = arith.index_cast %get3A_3558 : i32 to index
        %get3A_3560 = arith.index_cast %mul3A_3557 : i32 to index
        %get3A_3561 = tpu.vector_load %arg7[%get3A_3559, %get3A_3560] {strides = array<i32>} : memref<16x2048xf32, #tpu.memory_space<vmem>>, vector<1x16xf32>,
        %get3A_3562 = vector.shape_cast %get3A_3561 : vector<1x16xf32> to vector<16xf32>
        %mul3A_3563 = arith.mulf %get3A_3562, %get3A_3390 : vector<16xf32>
        %add3A_3564 = arith.addf %scan3A_3385, %mul3A_3563 : vector<16xf32>
        %mul3A_3565 = arith.mulf %get3A_3562, %get3A_3562 : vector<16xf32>
        %add3A_3566 = arith.addf %scan3A_3386, %mul3A_3565 : vector<16xf32>
        scf.yield %add3A_3399, %add3A_3401, %add3A_3410, %add3A_3412, %add3A_3421, %add3A_3423, %add3A_3432, %add3A_3434, %add3A_3443, %add3A_3445, %add3A_3454, %add3A_3456, %add3A_3465, %add3A_3467, %add3A_3476, %add3A_3478, %add3A_3487, %add3A_3489, %add3A_3498, %add3A_3500, %add3A_3509, %add3A_3511, %add3A_3520, %add3A_3522, %add3A_3531, %add3A_3533, %add3A_3542, %add3A_3544, %add3A_3553, %add3A_3555, %add3A_3564, %add3A_3566 : vector<16xf32>, vector<16xf32>, vector<16xf32>, vector<16xf32>, vector<16xf32>, vector<16xf32>, vector<16xf32>, vector<16xf32>, vector<16xf32>, vector<16xf32>, vector<16xf32>, vector<16xf32>, vector<16xf32>, vector<16xf32>, vector<16xf32>, vector<16xf32>, vector<16xf32>, vector<16xf32>, vector<16xf32>, vector<16xf32>, vector<16xf32>, vector<16xf32>, vector<16xf32>, vector<16xf32>, vector<16xf32>, vector<16xf32>, vector<16xf32>, vector<16xf32>, vector<16xf32>, vector<16xf32>, vector<16xf32>, vector<16xf32>
      }
      %scan3A_113 = arith.constant 128 : i32
      %iota3A_114 = tpu.iota {dimensions = array<i32: 0>} : vector<16xi32>
      %xor3A = arith.constant 8 : i32
      %xor3A_115 = vector.broadcast %xor3A : i32 to vector<16xi32>
      %xor3A_116 = arith.xori %iota3A_114, %xor3A_115 : vector<16xi32>
      %broadcast_in_dim3A_117 = vector.shape_cast %xor3A_116 : vector<16xi32> to vector<16x1xi32>
      %gather3A = vector.shape_cast %broadcast_in_dim3A_117 : vector<16x1xi32> to vector<16xi32>
      %gather3A_118 = tpu.dynamic_gather %scan3A_112#0[%gather3A] in [0] : vector<16xf32>, vector<16xi32> -> vector<16xf32>
      %add3A_119 = arith.addf %scan3A_112#0, %gather3A_118 : vector<16xf32>
      %xor3A_120 = arith.constant 4 : i32
      %xor3A_121 = vector.broadcast %xor3A_120 : i32 to vector<16xi32>
      %xor3A_122 = arith.xori %iota3A_114, %xor3A_121 : vector<16xi32>
      %broadcast_in_dim3A_123 = vector.shape_cast %xor3A_122 : vector<16xi32> to vector<16x1xi32>
      %gather3A_124 = vector.shape_cast %broadcast_in_dim3A_123 : vector<16x1xi32> to vector<16xi32>
      %gather3A_125 = tpu.dynamic_gather %add3A_119[%gather3A_124] in [0] : vector<16xf32>, vector<16xi32> -> vector<16xf32>
      %add3A_126 = arith.addf %add3A_119, %gather3A_125 : vector<16xf32>
      %xor3A_127 = arith.constant 2 : i32
      %xor3A_128 = vector.broadcast %xor3A_127 : i32 to vector<16xi32>
      %xor3A_129 = arith.xori %iota3A_114, %xor3A_128 : vector<16xi32>
      %broadcast_in_dim3A_130 = vector.shape_cast %xor3A_129 : vector<16xi32> to vector<16x1xi32>
      %gather3A_131 = vector.shape_cast %broadcast_in_dim3A_130 : vector<16x1xi32> to vector<16xi32>
      %gather3A_132 = tpu.dynamic_gather %add3A_126[%gather3A_131] in [0] : vector<16xf32>, vector<16xi32> -> vector<16xf32>
      %add3A_133 = arith.addf %add3A_126, %gather3A_132 : vector<16xf32>
      %xor3A_134 = arith.constant 1 : i32
      %xor3A_135 = vector.broadcast %xor3A_134 : i32 to vector<16xi32>
      %xor3A_136 = arith.xori %iota3A_114, %xor3A_135 : vector<16xi32>
      %broadcast_in_dim3A_137 = vector.shape_cast %xor3A_136 : vector<16xi32> to vector<16x1xi32>
      %gather3A_138 = vector.shape_cast %broadcast_in_dim3A_137 : vector<16x1xi32> to vector<16xi32>
      %gather3A_139 = tpu.dynamic_gather %add3A_133[%gather3A_138] in [0] : vector<16xf32>, vector<16xi32> -> vector<16xf32>
      %add3A_140 = arith.addf %add3A_133, %gather3A_139 : vector<16xf32>
      %iota3A_141 = tpu.iota {dimensions = array<i32: 0>} : vector<16xi32>
      %xor3A_142 = arith.constant 8 : i32
      %xor3A_143 = vector.broadcast %xor3A_142 : i32 to vector<16xi32>
      %xor3A_144 = arith.xori %iota3A_141, %xor3A_143 : vector<16xi32>
      %broadcast_in_dim3A_145 = vector.shape_cast %xor3A_144 : vector<16xi32> to vector<16x1xi32>
      %gather3A_146 = vector.shape_cast %broadcast_in_dim3A_145 : vector<16x1xi32> to vector<16xi32>
      %gather3A_147 = tpu.dynamic_gather %scan3A_112#2[%gather3A_146] in [0] : vector<16xf32>, vector<16xi32> -> vector<16xf32>
      %add3A_148 = arith.addf %scan3A_112#2, %gather3A_147 : vector<16xf32>
      %xor3A_149 = arith.constant 4 : i32
      %xor3A_150 = vector.broadcast %xor3A_149 : i32 to vector<16xi32>
      %xor3A_151 = arith.xori %iota3A_141, %xor3A_150 : vector<16xi32>
      %broadcast_in_dim3A_152 = vector.shape_cast %xor3A_151 : vector<16xi32> to vector<16x1xi32>
      %gather3A_153 = vector.shape_cast %broadcast_in_dim3A_152 : vector<16x1xi32> to vector<16xi32>
      %gather3A_154 = tpu.dynamic_gather %add3A_148[%gather3A_153] in [0] : vector<16xf32>, vector<16xi32> -> vector<16xf32>
      %add3A_155 = arith.addf %add3A_148, %gather3A_154 : vector<16xf32>
      %xor3A_156 = arith.constant 2 : i32
      %xor3A_157 = vector.broadcast %xor3A_156 : i32 to vector<16xi32>
      %xor3A_158 = arith.xori %iota3A_141, %xor3A_157 : vector<16xi32>
      %broadcast_in_dim3A_159 = vector.shape_cast %xor3A_158 : vector<16xi32> to vector<16x1xi32>
      %gather3A_160 = vector.shape_cast %broadcast_in_dim3A_159 : vector<16x1xi32> to vector<16xi32>
      %gather3A_161 = tpu.dynamic_gather %add3A_155[%gather3A_160] in [0] : vector<16xf32>, vector<16xi32> -> vector<16xf32>
      %add3A_162 = arith.addf %add3A_155, %gather3A_161 : vector<16xf32>
      %xor3A_163 = arith.constant 1 : i32
      %xor3A_164 = vector.broadcast %xor3A_163 : i32 to vector<16xi32>
      %xor3A_165 = arith.xori %iota3A_141, %xor3A_164 : vector<16xi32>
      %broadcast_in_dim3A_166 = vector.shape_cast %xor3A_165 : vector<16xi32> to vector<16x1xi32>
      %gather3A_167 = vector.shape_cast %broadcast_in_dim3A_166 : vector<16x1xi32> to vector<16xi32>
      %gather3A_168 = tpu.dynamic_gather %add3A_162[%gather3A_167] in [0] : vector<16xf32>, vector<16xi32> -> vector<16xf32>
      %add3A_169 = arith.addf %add3A_162, %gather3A_168 : vector<16xf32>
      %iota3A_170 = tpu.iota {dimensions = array<i32: 0>} : vector<16xi32>
      %xor3A_171 = arith.constant 8 : i32
      %xor3A_172 = vector.broadcast %xor3A_171 : i32 to vector<16xi32>
      %xor3A_173 = arith.xori %iota3A_170, %xor3A_172 : vector<16xi32>
      %broadcast_in_dim3A_174 = vector.shape_cast %xor3A_173 : vector<16xi32> to vector<16x1xi32>
      %gather3A_175 = vector.shape_cast %broadcast_in_dim3A_174 : vector<16x1xi32> to vector<16xi32>
      %gather3A_176 = tpu.dynamic_gather %scan3A_112#4[%gather3A_175] in [0] : vector<16xf32>, vector<16xi32> -> vector<16xf32>
      %add3A_177 = arith.addf %scan3A_112#4, %gather3A_176 : vector<16xf32>
      %xor3A_178 = arith.constant 4 : i32
      %xor3A_179 = vector.broadcast %xor3A_178 : i32 to vector<16xi32>
      %xor3A_180 = arith.xori %iota3A_170, %xor3A_179 : vector<16xi32>
      %broadcast_in_dim3A_181 = vector.shape_cast %xor3A_180 : vector<16xi32> to vector<16x1xi32>
      %gather3A_182 = vector.shape_cast %broadcast_in_dim3A_181 : vector<16x1xi32> to vector<16xi32>
      %gather3A_183 = tpu.dynamic_gather %add3A_177[%gather3A_182] in [0] : vector<16xf32>, vector<16xi32> -> vector<16xf32>
      %add3A_184 = arith.addf %add3A_177, %gather3A_183 : vector<16xf32>
      %xor3A_185 = arith.constant 2 : i32
      %xor3A_186 = vector.broadcast %xor3A_185 : i32 to vector<16xi32>
      %xor3A_187 = arith.xori %iota3A_170, %xor3A_186 : vector<16xi32>
      %broadcast_in_dim3A_188 = vector.shape_cast %xor3A_187 : vector<16xi32> to vector<16x1xi32>
      %gather3A_189 = vector.shape_cast %broadcast_in_dim3A_188 : vector<16x1xi32> to vector<16xi32>
      %gather3A_190 = tpu.dynamic_gather %add3A_184[%gather3A_189] in [0] : vector<16xf32>, vector<16xi32> -> vector<16xf32>
      %add3A_191 = arith.addf %add3A_184, %gather3A_190 : vector<16xf32>
      %xor3A_192 = arith.constant 1 : i32
      %xor3A_193 = vector.broadcast %xor3A_192 : i32 to vector<16xi32>
      %xor3A_194 = arith.xori %iota3A_170, %xor3A_193 : vector<16xi32>
      %broadcast_in_dim3A_195 = vector.shape_cast %xor3A_194 : vector<16xi32> to vector<16x1xi32>
      %gather3A_196 = vector.shape_cast %broadcast_in_dim3A_195 : vector<16x1xi32> to vector<16xi32>
      %gather3A_197 = tpu.dynamic_gather %add3A_191[%gather3A_196] in [0] : vector<16xf32>, vector<16xi32> -> vector<16xf32>
      %add3A_198 = arith.addf %add3A_191, %gather3A_197 : vector<16xf32>
      %iota3A_199 = tpu.iota {dimensions = array<i32: 0>} : vector<16xi32>
      %xor3A_200 = arith.constant 8 : i32
      %xor3A_201 = vector.broadcast %xor3A_200 : i32 to vector<16xi32>
      %xor3A_202 = arith.xori %iota3A_199, %xor3A_201 : vector<16xi32>
      %broadcast_in_dim3A_203 = vector.shape_cast %xor3A_202 : vector<16xi32> to vector<16x1xi32>
      %gather3A_204 = vector.shape_cast %broadcast_in_dim3A_203 : vector<16x1xi32> to vector<16xi32>
      %gather3A_205 = tpu.dynamic_gather %scan3A_112#6[%gather3A_204] in [0] : vector<16xf32>, vector<16xi32> -> vector<16xf32>
      %add3A_206 = arith.addf %scan3A_112#6, %gather3A_205 : vector<16xf32>
      %xor3A_207 = arith.constant 4 : i32
      %xor3A_208 = vector.broadcast %xor3A_207 : i32 to vector<16xi32>
      %xor3A_209 = arith.xori %iota3A_199, %xor3A_208 : vector<16xi32>
      %broadcast_in_dim3A_210 = vector.shape_cast %xor3A_209 : vector<16xi32> to vector<16x1xi32>
      %gather3A_211 = vector.shape_cast %broadcast_in_dim3A_210 : vector<16x1xi32> to vector<16xi32>
      %gather3A_212 = tpu.dynamic_gather %add3A_206[%gather3A_211] in [0] : vector<16xf32>, vector<16xi32> -> vector<16xf32>
      %add3A_213 = arith.addf %add3A_206, %gather3A_212 : vector<16xf32>
      %xor3A_214 = arith.constant 2 : i32
      %xor3A_215 = vector.broadcast %xor3A_214 : i32 to vector<16xi32>
      %xor3A_216 = arith.xori %iota3A_199, %xor3A_215 : vector<16xi32>
      %broadcast_in_dim3A_217 = vector.shape_cast %xor3A_216 : vector<16xi32> to vector<16x1xi32>
      %gather3A_218 = vector.shape_cast %broadcast_in_dim3A_217 : vector<16x1xi32> to vector<16xi32>
      %gather3A_219 = tpu.dynamic_gather %add3A_213[%gather3A_218] in [0] : vector<16xf32>, vector<16xi32> -> vector<16xf32>
      %add3A_220 = arith.addf %add3A_213, %gather3A_219 : vector<16xf32>
      %xor3A_221 = arith.constant 1 : i32
      %xor3A_222 = vector.broadcast %xor3A_221 : i32 to vector<16xi32>
      %xor3A_223 = arith.xori %iota3A_199, %xor3A_222 : vector<16xi32>
      %broadcast_in_dim3A_224 = vector.shape_cast %xor3A_223 : vector<16xi32> to vector<16x1xi32>
      %gather3A_225 = vector.shape_cast %broadcast_in_dim3A_224 : vector<16x1xi32> to vector<16xi32>
      %gather3A_226 = tpu.dynamic_gather %add3A_220[%gather3A_225] in [0] : vector<16xf32>, vector<16xi32> -> vector<16xf32>
      %add3A_227 = arith.addf %add3A_220, %gather3A_226 : vector<16xf32>
      %iota3A_228 = tpu.iota {dimensions = array<i32: 0>} : vector<16xi32>
      %xor3A_229 = arith.constant 8 : i32
      %xor3A_230 = vector.broadcast %xor3A_229 : i32 to vector<16xi32>
      %xor3A_231 = arith.xori %iota3A_228, %xor3A_230 : vector<16xi32>
      %broadcast_in_dim3A_232 = vector.shape_cast %xor3A_231 : vector<16xi32> to vector<16x1xi32>
      %gather3A_233 = vector.shape_cast %broadcast_in_dim3A_232 : vector<16x1xi32> to vector<16xi32>
      %gather3A_234 = tpu.dynamic_gather %scan3A_112#8[%gather3A_233] in [0] : vector<16xf32>, vector<16xi32> -> vector<16xf32>
      %add3A_235 = arith.addf %scan3A_112#8, %gather3A_234 : vector<16xf32>
      %xor3A_236 = arith.constant 4 : i32
      %xor3A_237 = vector.broadcast %xor3A_236 : i32 to vector<16xi32>
      %xor3A_238 = arith.xori %iota3A_228, %xor3A_237 : vector<16xi32>
      %broadcast_in_dim3A_239 = vector.shape_cast %xor3A_238 : vector<16xi32> to vector<16x1xi32>
      %gather3A_240 = vector.shape_cast %broadcast_in_dim3A_239 : vector<16x1xi32> to vector<16xi32>
      %gather3A_241 = tpu.dynamic_gather %add3A_235[%gather3A_240] in [0] : vector<16xf32>, vector<16xi32> -> vector<16xf32>
      %add3A_242 = arith.addf %add3A_235, %gather3A_241 : vector<16xf32>
      %xor3A_243 = arith.constant 2 : i32
      %xor3A_244 = vector.broadcast %xor3A_243 : i32 to vector<16xi32>
      %xor3A_245 = arith.xori %iota3A_228, %xor3A_244 : vector<16xi32>
      %broadcast_in_dim3A_246 = vector.shape_cast %xor3A_245 : vector<16xi32> to vector<16x1xi32>
      %gather3A_247 = vector.shape_cast %broadcast_in_dim3A_246 : vector<16x1xi32> to vector<16xi32>
      %gather3A_248 = tpu.dynamic_gather %add3A_242[%gather3A_247] in [0] : vector<16xf32>, vector<16xi32> -> vector<16xf32>
      %add3A_249 = arith.addf %add3A_242, %gather3A_248 : vector<16xf32>
      %xor3A_250 = arith.constant 1 : i32
      %xor3A_251 = vector.broadcast %xor3A_250 : i32 to vector<16xi32>
      %xor3A_252 = arith.xori %iota3A_228, %xor3A_251 : vector<16xi32>
      %broadcast_in_dim3A_253 = vector.shape_cast %xor3A_252 : vector<16xi32> to vector<16x1xi32>
      %gather3A_254 = vector.shape_cast %broadcast_in_dim3A_253 : vector<16x1xi32> to vector<16xi32>
      %gather3A_255 = tpu.dynamic_gather %add3A_249[%gather3A_254] in [0] : vector<16xf32>, vector<16xi32> -> vector<16xf32>
      %add3A_256 = arith.addf %add3A_249, %gather3A_255 : vector<16xf32>
      %iota3A_257 = tpu.iota {dimensions = array<i32: 0>} : vector<16xi32>
      %xor3A_258 = arith.constant 8 : i32
      %xor3A_259 = vector.broadcast %xor3A_258 : i32 to vector<16xi32>
      %xor3A_260 = arith.xori %iota3A_257, %xor3A_259 : vector<16xi32>
      %broadcast_in_dim3A_261 = vector.shape_cast %xor3A_260 : vector<16xi32> to vector<16x1xi32>
      %gather3A_262 = vector.shape_cast %broadcast_in_dim3A_261 : vector<16x1xi32> to vector<16xi32>
      %gather3A_263 = tpu.dynamic_gather %scan3A_112#10[%gather3A_262] in [0] : vector<16xf32>, vector<16xi32> -> vector<16xf32>
      %add3A_264 = arith.addf %scan3A_112#10, %gather3A_263 : vector<16xf32>
      %xor3A_265 = arith.constant 4 : i32
      %xor3A_266 = vector.broadcast %xor3A_265 : i32 to vector<16xi32>
      %xor3A_267 = arith.xori %iota3A_257, %xor3A_266 : vector<16xi32>
      %broadcast_in_dim3A_268 = vector.shape_cast %xor3A_267 : vector<16xi32> to vector<16x1xi32>
      %gather3A_269 = vector.shape_cast %broadcast_in_dim3A_268 : vector<16x1xi32> to vector<16xi32>
      %gather3A_270 = tpu.dynamic_gather %add3A_264[%gather3A_269] in [0] : vector<16xf32>, vector<16xi32> -> vector<16xf32>
      %add3A_271 = arith.addf %add3A_264, %gather3A_270 : vector<16xf32>
      %xor3A_272 = arith.constant 2 : i32
      %xor3A_273 = vector.broadcast %xor3A_272 : i32 to vector<16xi32>
      %xor3A_274 = arith.xori %iota3A_257, %xor3A_273 : vector<16xi32>
      %broadcast_in_dim3A_275 = vector.shape_cast %xor3A_274 : vector<16xi32> to vector<16x1xi32>
      %gather3A_276 = vector.shape_cast %broadcast_in_dim3A_275 : vector<16x1xi32> to vector<16xi32>
      %gather3A_277 = tpu.dynamic_gather %add3A_271[%gather3A_276] in [0] : vector<16xf32>, vector<16xi32> -> vector<16xf32>
      %add3A_278 = arith.addf %add3A_271, %gather3A_277 : vector<16xf32>
      %xor3A_279 = arith.constant 1 : i32
      %xor3A_280 = vector.broadcast %xor3A_279 : i32 to vector<16xi32>
      %xor3A_281 = arith.xori %iota3A_257, %xor3A_280 : vector<16xi32>
      %broadcast_in_dim3A_282 = vector.shape_cast %xor3A_281 : vector<16xi32> to vector<16x1xi32>
      %gather3A_283 = vector.shape_cast %broadcast_in_dim3A_282 : vector<16x1xi32> to vector<16xi32>
      %gather3A_284 = tpu.dynamic_gather %add3A_278[%gather3A_283] in [0] : vector<16xf32>, vector<16xi32> -> vector<16xf32>
      %add3A_285 = arith.addf %add3A_278, %gather3A_284 : vector<16xf32>
      %iota3A_286 = tpu.iota {dimensions = array<i32: 0>} : vector<16xi32>
      %xor3A_287 = arith.constant 8 : i32
      %xor3A_288 = vector.broadcast %xor3A_287 : i32 to vector<16xi32>
      %xor3A_289 = arith.xori %iota3A_286, %xor3A_288 : vector<16xi32>
      %broadcast_in_dim3A_290 = vector.shape_cast %xor3A_289 : vector<16xi32> to vector<16x1xi32>
      %gather3A_291 = vector.shape_cast %broadcast_in_dim3A_290 : vector<16x1xi32> to vector<16xi32>
      %gather3A_292 = tpu.dynamic_gather %scan3A_112#12[%gather3A_291] in [0] : vector<16xf32>, vector<16xi32> -> vector<16xf32>
      %add3A_293 = arith.addf %scan3A_112#12, %gather3A_292 : vector<16xf32>
      %xor3A_294 = arith.constant 4 : i32
      %xor3A_295 = vector.broadcast %xor3A_294 : i32 to vector<16xi32>
      %xor3A_296 = arith.xori %iota3A_286, %xor3A_295 : vector<16xi32>
      %broadcast_in_dim3A_297 = vector.shape_cast %xor3A_296 : vector<16xi32> to vector<16x1xi32>
      %gather3A_298 = vector.shape_cast %broadcast_in_dim3A_297 : vector<16x1xi32> to vector<16xi32>
      %gather3A_299 = tpu.dynamic_gather %add3A_293[%gather3A_298] in [0] : vector<16xf32>, vector<16xi32> -> vector<16xf32>
      %add3A_300 = arith.addf %add3A_293, %gather3A_299 : vector<16xf32>
      %xor3A_301 = arith.constant 2 : i32
      %xor3A_302 = vector.broadcast %xor3A_301 : i32 to vector<16xi32>
      %xor3A_303 = arith.xori %iota3A_286, %xor3A_302 : vector<16xi32>
      %broadcast_in_dim3A_304 = vector.shape_cast %xor3A_303 : vector<16xi32> to vector<16x1xi32>
      %gather3A_305 = vector.shape_cast %broadcast_in_dim3A_304 : vector<16x1xi32> to vector<16xi32>
      %gather3A_306 = tpu.dynamic_gather %add3A_300[%gather3A_305] in [0] : vector<16xf32>, vector<16xi32> -> vector<16xf32>
      %add3A_307 = arith.addf %add3A_300, %gather3A_306 : vector<16xf32>
      %xor3A_308 = arith.constant 1 : i32
      %xor3A_309 = vector.broadcast %xor3A_308 : i32 to vector<16xi32>
      %xor3A_310 = arith.xori %iota3A_286, %xor3A_309 : vector<16xi32>
      %broadcast_in_dim3A_311 = vector.shape_cast %xor3A_310 : vector<16xi32> to vector<16x1xi32>
      %gather3A_312 = vector.shape_cast %broadcast_in_dim3A_311 : vector<16x1xi32> to vector<16xi32>
      %gather3A_313 = tpu.dynamic_gather %add3A_307[%gather3A_312] in [0] : vector<16xf32>, vector<16xi32> -> vector<16xf32>
      %add3A_314 = arith.addf %add3A_307, %gather3A_313 : vector<16xf32>
      %iota3A_315 = tpu.iota {dimensions = array<i32: 0>} : vector<16xi32>
      %xor3A_316 = arith.constant 8 : i32
      %xor3A_317 = vector.broadcast %xor3A_316 : i32 to vector<16xi32>
      %xor3A_318 = arith.xori %iota3A_315, %xor3A_317 : vector<16xi32>
      %broadcast_in_dim3A_319 = vector.shape_cast %xor3A_318 : vector<16xi32> to vector<16x1xi32>
      %gather3A_320 = vector.shape_cast %broadcast_in_dim3A_319 : vector<16x1xi32> to vector<16xi32>
      %gather3A_321 = tpu.dynamic_gather %scan3A_112#14[%gather3A_320] in [0] : vector<16xf32>, vector<16xi32> -> vector<16xf32>
      %add3A_322 = arith.addf %scan3A_112#14, %gather3A_321 : vector<16xf32>
      %xor3A_323 = arith.constant 4 : i32
      %xor3A_324 = vector.broadcast %xor3A_323 : i32 to vector<16xi32>
      %xor3A_325 = arith.xori %iota3A_315, %xor3A_324 : vector<16xi32>
      %broadcast_in_dim3A_326 = vector.shape_cast %xor3A_325 : vector<16xi32> to vector<16x1xi32>
      %gather3A_327 = vector.shape_cast %broadcast_in_dim3A_326 : vector<16x1xi32> to vector<16xi32>
      %gather3A_328 = tpu.dynamic_gather %add3A_322[%gather3A_327] in [0] : vector<16xf32>, vector<16xi32> -> vector<16xf32>
      %add3A_329 = arith.addf %add3A_322, %gather3A_328 : vector<16xf32>
      %xor3A_330 = arith.constant 2 : i32
      %xor3A_331 = vector.broadcast %xor3A_330 : i32 to vector<16xi32>
      %xor3A_332 = arith.xori %iota3A_315, %xor3A_331 : vector<16xi32>
      %broadcast_in_dim3A_333 = vector.shape_cast %xor3A_332 : vector<16xi32> to vector<16x1xi32>
      %gather3A_334 = vector.shape_cast %broadcast_in_dim3A_333 : vector<16x1xi32> to vector<16xi32>
      %gather3A_335 = tpu.dynamic_gather %add3A_329[%gather3A_334] in [0] : vector<16xf32>, vector<16xi32> -> vector<16xf32>
      %add3A_336 = arith.addf %add3A_329, %gather3A_335 : vector<16xf32>
      %xor3A_337 = arith.constant 1 : i32
      %xor3A_338 = vector.broadcast %xor3A_337 : i32 to vector<16xi32>
      %xor3A_339 = arith.xori %iota3A_315, %xor3A_338 : vector<16xi32>
      %broadcast_in_dim3A_340 = vector.shape_cast %xor3A_339 : vector<16xi32> to vector<16x1xi32>
      %gather3A_341 = vector.shape_cast %broadcast_in_dim3A_340 : vector<16x1xi32> to vector<16xi32>
      %gather3A_342 = tpu.dynamic_gather %add3A_336[%gather3A_341] in [0] : vector<16xf32>, vector<16xi32> -> vector<16xf32>
      %add3A_343 = arith.addf %add3A_336, %gather3A_342 : vector<16xf32>
      %iota3A_344 = tpu.iota {dimensions = array<i32: 0>} : vector<16xi32>
      %xor3A_345 = arith.constant 8 : i32
      %xor3A_346 = vector.broadcast %xor3A_345 : i32 to vector<16xi32>
      %xor3A_347 = arith.xori %iota3A_344, %xor3A_346 : vector<16xi32>
      %broadcast_in_dim3A_348 = vector.shape_cast %xor3A_347 : vector<16xi32> to vector<16x1xi32>
      %gather3A_349 = vector.shape_cast %broadcast_in_dim3A_348 : vector<16x1xi32> to vector<16xi32>
      %gather3A_350 = tpu.dynamic_gather %scan3A_112#16[%gather3A_349] in [0] : vector<16xf32>, vector<16xi32> -> vector<16xf32>
      %add3A_351 = arith.addf %scan3A_112#16, %gather3A_350 : vector<16xf32>
      %xor3A_352 = arith.constant 4 : i32
      %xor3A_353 = vector.broadcast %xor3A_352 : i32 to vector<16xi32>
      %xor3A_354 = arith.xori %iota3A_344, %xor3A_353 : vector<16xi32>
      %broadcast_in_dim3A_355 = vector.shape_cast %xor3A_354 : vector<16xi32> to vector<16x1xi32>
      %gather3A_356 = vector.shape_cast %broadcast_in_dim3A_355 : vector<16x1xi32> to vector<16xi32>
      %gather3A_357 = tpu.dynamic_gather %add3A_351[%gather3A_356] in [0] : vector<16xf32>, vector<16xi32> -> vector<16xf32>
      %add3A_358 = arith.addf %add3A_351, %gather3A_357 : vector<16xf32>
      %xor3A_359 = arith.constant 2 : i32
      %xor3A_360 = vector.broadcast %xor3A_359 : i32 to vector<16xi32>
      %xor3A_361 = arith.xori %iota3A_344, %xor3A_360 : vector<16xi32>
      %broadcast_in_dim3A_362 = vector.shape_cast %xor3A_361 : vector<16xi32> to vector<16x1xi32>
      %gather3A_363 = vector.shape_cast %broadcast_in_dim3A_362 : vector<16x1xi32> to vector<16xi32>
      %gather3A_364 = tpu.dynamic_gather %add3A_358[%gather3A_363] in [0] : vector<16xf32>, vector<16xi32> -> vector<16xf32>
      %add3A_365 = arith.addf %add3A_358, %gather3A_364 : vector<16xf32>
      %xor3A_366 = arith.constant 1 : i32
      %xor3A_367 = vector.broadcast %xor3A_366 : i32 to vector<16xi32>
      %xor3A_368 = arith.xori %iota3A_344, %xor3A_367 : vector<16xi32>
      %broadcast_in_dim3A_369 = vector.shape_cast %xor3A_368 : vector<16xi32> to vector<16x1xi32>
      %gather3A_370 = vector.shape_cast %broadcast_in_dim3A_369 : vector<16x1xi32> to vector<16xi32>
      %gather3A_371 = tpu.dynamic_gather %add3A_365[%gather3A_370] in [0] : vector<16xf32>, vector<16xi32> -> vector<16xf32>
      %add3A_372 = arith.addf %add3A_365, %gather3A_371 : vector<16xf32>
      %iota3A_373 = tpu.iota {dimensions = array<i32: 0>} : vector<16xi32>
      %xor3A_374 = arith.constant 8 : i32
      %xor3A_375 = vector.broadcast %xor3A_374 : i32 to vector<16xi32>
      %xor3A_376 = arith.xori %iota3A_373, %xor3A_375 : vector<16xi32>
      %broadcast_in_dim3A_377 = vector.shape_cast %xor3A_376 : vector<16xi32> to vector<16x1xi32>
      %gather3A_378 = vector.shape_cast %broadcast_in_dim3A_377 : vector<16x1xi32> to vector<16xi32>
      %gather3A_379 = tpu.dynamic_gather %scan3A_112#18[%gather3A_378] in [0] : vector<16xf32>, vector<16xi32> -> vector<16xf32>
      %add3A_380 = arith.addf %scan3A_112#18, %gather3A_379 : vector<16xf32>
      %xor3A_381 = arith.constant 4 : i32
      %xor3A_382 = vector.broadcast %xor3A_381 : i32 to vector<16xi32>
      %xor3A_383 = arith.xori %iota3A_373, %xor3A_382 : vector<16xi32>
      %broadcast_in_dim3A_384 = vector.shape_cast %xor3A_383 : vector<16xi32> to vector<16x1xi32>
      %gather3A_385 = vector.shape_cast %broadcast_in_dim3A_384 : vector<16x1xi32> to vector<16xi32>
      %gather3A_386 = tpu.dynamic_gather %add3A_380[%gather3A_385] in [0] : vector<16xf32>, vector<16xi32> -> vector<16xf32>
      %add3A_387 = arith.addf %add3A_380, %gather3A_386 : vector<16xf32>
      %xor3A_388 = arith.constant 2 : i32
      %xor3A_389 = vector.broadcast %xor3A_388 : i32 to vector<16xi32>
      %xor3A_390 = arith.xori %iota3A_373, %xor3A_389 : vector<16xi32>
      %broadcast_in_dim3A_391 = vector.shape_cast %xor3A_390 : vector<16xi32> to vector<16x1xi32>
      %gather3A_392 = vector.shape_cast %broadcast_in_dim3A_391 : vector<16x1xi32> to vector<16xi32>
      %gather3A_393 = tpu.dynamic_gather %add3A_387[%gather3A_392] in [0] : vector<16xf32>, vector<16xi32> -> vector<16xf32>
      %add3A_394 = arith.addf %add3A_387, %gather3A_393 : vector<16xf32>
      %xor3A_395 = arith.constant 1 : i32
      %xor3A_396 = vector.broadcast %xor3A_395 : i32 to vector<16xi32>
      %xor3A_397 = arith.xori %iota3A_373, %xor3A_396 : vector<16xi32>
      %broadcast_in_dim3A_398 = vector.shape_cast %xor3A_397 : vector<16xi32> to vector<16x1xi32>
      %gather3A_399 = vector.shape_cast %broadcast_in_dim3A_398 : vector<16x1xi32> to vector<16xi32>
      %gather3A_400 = tpu.dynamic_gather %add3A_394[%gather3A_399] in [0] : vector<16xf32>, vector<16xi32> -> vector<16xf32>
      %add3A_401 = arith.addf %add3A_394, %gather3A_400 : vector<16xf32>
      %iota3A_402 = tpu.iota {dimensions = array<i32: 0>} : vector<16xi32>
      %xor3A_403 = arith.constant 8 : i32
      %xor3A_404 = vector.broadcast %xor3A_403 : i32 to vector<16xi32>
      %xor3A_405 = arith.xori %iota3A_402, %xor3A_404 : vector<16xi32>
      %broadcast_in_dim3A_406 = vector.shape_cast %xor3A_405 : vector<16xi32> to vector<16x1xi32>
      %gather3A_407 = vector.shape_cast %broadcast_in_dim3A_406 : vector<16x1xi32> to vector<16xi32>
      %gather3A_408 = tpu.dynamic_gather %scan3A_112#20[%gather3A_407] in [0] : vector<16xf32>, vector<16xi32> -> vector<16xf32>
      %add3A_409 = arith.addf %scan3A_112#20, %gather3A_408 : vector<16xf32>
      %xor3A_410 = arith.constant 4 : i32
      %xor3A_411 = vector.broadcast %xor3A_410 : i32 to vector<16xi32>
      %xor3A_412 = arith.xori %iota3A_402, %xor3A_411 : vector<16xi32>
      %broadcast_in_dim3A_413 = vector.shape_cast %xor3A_412 : vector<16xi32> to vector<16x1xi32>
      %gather3A_414 = vector.shape_cast %broadcast_in_dim3A_413 : vector<16x1xi32> to vector<16xi32>
      %gather3A_415 = tpu.dynamic_gather %add3A_409[%gather3A_414] in [0] : vector<16xf32>, vector<16xi32> -> vector<16xf32>
      %add3A_416 = arith.addf %add3A_409, %gather3A_415 : vector<16xf32>
      %xor3A_417 = arith.constant 2 : i32
      %xor3A_418 = vector.broadcast %xor3A_417 : i32 to vector<16xi32>
      %xor3A_419 = arith.xori %iota3A_402, %xor3A_418 : vector<16xi32>
      %broadcast_in_dim3A_420 = vector.shape_cast %xor3A_419 : vector<16xi32> to vector<16x1xi32>
      %gather3A_421 = vector.shape_cast %broadcast_in_dim3A_420 : vector<16x1xi32> to vector<16xi32>
      %gather3A_422 = tpu.dynamic_gather %add3A_416[%gather3A_421] in [0] : vector<16xf32>, vector<16xi32> -> vector<16xf32>
      %add3A_423 = arith.addf %add3A_416, %gather3A_422 : vector<16xf32>
      %xor3A_424 = arith.constant 1 : i32
      %xor3A_425 = vector.broadcast %xor3A_424 : i32 to vector<16xi32>
      %xor3A_426 = arith.xori %iota3A_402, %xor3A_425 : vector<16xi32>
      %broadcast_in_dim3A_427 = vector.shape_cast %xor3A_426 : vector<16xi32> to vector<16x1xi32>
      %gather3A_428 = vector.shape_cast %broadcast_in_dim3A_427 : vector<16x1xi32> to vector<16xi32>
      %gather3A_429 = tpu.dynamic_gather %add3A_423[%gather3A_428] in [0] : vector<16xf32>, vector<16xi32> -> vector<16xf32>
      %add3A_430 = arith.addf %add3A_423, %gather3A_429 : vector<16xf32>
      %iota3A_431 = tpu.iota {dimensions = array<i32: 0>} : vector<16xi32>
      %xor3A_432 = arith.constant 8 : i32
      %xor3A_433 = vector.broadcast %xor3A_432 : i32 to vector<16xi32>
      %xor3A_434 = arith.xori %iota3A_431, %xor3A_433 : vector<16xi32>
      %broadcast_in_dim3A_435 = vector.shape_cast %xor3A_434 : vector<16xi32> to vector<16x1xi32>
      %gather3A_436 = vector.shape_cast %broadcast_in_dim3A_435 : vector<16x1xi32> to vector<16xi32>
      %gather3A_437 = tpu.dynamic_gather %scan3A_112#22[%gather3A_436] in [0] : vector<16xf32>, vector<16xi32> -> vector<16xf32>
      %add3A_438 = arith.addf %scan3A_112#22, %gather3A_437 : vector<16xf32>
      %xor3A_439 = arith.constant 4 : i32
      %xor3A_440 = vector.broadcast %xor3A_439 : i32 to vector<16xi32>
      %xor3A_441 = arith.xori %iota3A_431, %xor3A_440 : vector<16xi32>
      %broadcast_in_dim3A_442 = vector.shape_cast %xor3A_441 : vector<16xi32> to vector<16x1xi32>
      %gather3A_443 = vector.shape_cast %broadcast_in_dim3A_442 : vector<16x1xi32> to vector<16xi32>
      %gather3A_444 = tpu.dynamic_gather %add3A_438[%gather3A_443] in [0] : vector<16xf32>, vector<16xi32> -> vector<16xf32>
      %add3A_445 = arith.addf %add3A_438, %gather3A_444 : vector<16xf32>
      %xor3A_446 = arith.constant 2 : i32
      %xor3A_447 = vector.broadcast %xor3A_446 : i32 to vector<16xi32>
      %xor3A_448 = arith.xori %iota3A_431, %xor3A_447 : vector<16xi32>
      %broadcast_in_dim3A_449 = vector.shape_cast %xor3A_448 : vector<16xi32> to vector<16x1xi32>
      %gather3A_450 = vector.shape_cast %broadcast_in_dim3A_449 : vector<16x1xi32> to vector<16xi32>
      %gather3A_451 = tpu.dynamic_gather %add3A_445[%gather3A_450] in [0] : vector<16xf32>, vector<16xi32> -> vector<16xf32>
      %add3A_452 = arith.addf %add3A_445, %gather3A_451 : vector<16xf32>
      %xor3A_453 = arith.constant 1 : i32
      %xor3A_454 = vector.broadcast %xor3A_453 : i32 to vector<16xi32>
      %xor3A_455 = arith.xori %iota3A_431, %xor3A_454 : vector<16xi32>
      %broadcast_in_dim3A_456 = vector.shape_cast %xor3A_455 : vector<16xi32> to vector<16x1xi32>
      %gather3A_457 = vector.shape_cast %broadcast_in_dim3A_456 : vector<16x1xi32> to vector<16xi32>
      %gather3A_458 = tpu.dynamic_gather %add3A_452[%gather3A_457] in [0] : vector<16xf32>, vector<16xi32> -> vector<16xf32>
      %add3A_459 = arith.addf %add3A_452, %gather3A_458 : vector<16xf32>
      %iota3A_460 = tpu.iota {dimensions = array<i32: 0>} : vector<16xi32>
      %xor3A_461 = arith.constant 8 : i32
      %xor3A_462 = vector.broadcast %xor3A_461 : i32 to vector<16xi32>
      %xor3A_463 = arith.xori %iota3A_460, %xor3A_462 : vector<16xi32>
      %broadcast_in_dim3A_464 = vector.shape_cast %xor3A_463 : vector<16xi32> to vector<16x1xi32>
      %gather3A_465 = vector.shape_cast %broadcast_in_dim3A_464 : vector<16x1xi32> to vector<16xi32>
      %gather3A_466 = tpu.dynamic_gather %scan3A_112#24[%gather3A_465] in [0] : vector<16xf32>, vector<16xi32> -> vector<16xf32>
      %add3A_467 = arith.addf %scan3A_112#24, %gather3A_466 : vector<16xf32>
      %xor3A_468 = arith.constant 4 : i32
      %xor3A_469 = vector.broadcast %xor3A_468 : i32 to vector<16xi32>
      %xor3A_470 = arith.xori %iota3A_460, %xor3A_469 : vector<16xi32>
      %broadcast_in_dim3A_471 = vector.shape_cast %xor3A_470 : vector<16xi32> to vector<16x1xi32>
      %gather3A_472 = vector.shape_cast %broadcast_in_dim3A_471 : vector<16x1xi32> to vector<16xi32>
      %gather3A_473 = tpu.dynamic_gather %add3A_467[%gather3A_472] in [0] : vector<16xf32>, vector<16xi32> -> vector<16xf32>
      %add3A_474 = arith.addf %add3A_467, %gather3A_473 : vector<16xf32>
      %xor3A_475 = arith.constant 2 : i32
      %xor3A_476 = vector.broadcast %xor3A_475 : i32 to vector<16xi32>
      %xor3A_477 = arith.xori %iota3A_460, %xor3A_476 : vector<16xi32>
      %broadcast_in_dim3A_478 = vector.shape_cast %xor3A_477 : vector<16xi32> to vector<16x1xi32>
      %gather3A_479 = vector.shape_cast %broadcast_in_dim3A_478 : vector<16x1xi32> to vector<16xi32>
      %gather3A_480 = tpu.dynamic_gather %add3A_474[%gather3A_479] in [0] : vector<16xf32>, vector<16xi32> -> vector<16xf32>
      %add3A_481 = arith.addf %add3A_474, %gather3A_480 : vector<16xf32>
      %xor3A_482 = arith.constant 1 : i32
      %xor3A_483 = vector.broadcast %xor3A_482 : i32 to vector<16xi32>
      %xor3A_484 = arith.xori %iota3A_460, %xor3A_483 : vector<16xi32>
      %broadcast_in_dim3A_485 = vector.shape_cast %xor3A_484 : vector<16xi32> to vector<16x1xi32>
      %gather3A_486 = vector.shape_cast %broadcast_in_dim3A_485 : vector<16x1xi32> to vector<16xi32>
      %gather3A_487 = tpu.dynamic_gather %add3A_481[%gather3A_486] in [0] : vector<16xf32>, vector<16xi32> -> vector<16xf32>
      %add3A_488 = arith.addf %add3A_481, %gather3A_487 : vector<16xf32>
      %iota3A_489 = tpu.iota {dimensions = array<i32: 0>} : vector<16xi32>
      %xor3A_490 = arith.constant 8 : i32
      %xor3A_491 = vector.broadcast %xor3A_490 : i32 to vector<16xi32>
      %xor3A_492 = arith.xori %iota3A_489, %xor3A_491 : vector<16xi32>
      %broadcast_in_dim3A_493 = vector.shape_cast %xor3A_492 : vector<16xi32> to vector<16x1xi32>
      %gather3A_494 = vector.shape_cast %broadcast_in_dim3A_493 : vector<16x1xi32> to vector<16xi32>
      %gather3A_495 = tpu.dynamic_gather %scan3A_112#26[%gather3A_494] in [0] : vector<16xf32>, vector<16xi32> -> vector<16xf32>
      %add3A_496 = arith.addf %scan3A_112#26, %gather3A_495 : vector<16xf32>
      %xor3A_497 = arith.constant 4 : i32
      %xor3A_498 = vector.broadcast %xor3A_497 : i32 to vector<16xi32>
      %xor3A_499 = arith.xori %iota3A_489, %xor3A_498 : vector<16xi32>
      %broadcast_in_dim3A_500 = vector.shape_cast %xor3A_499 : vector<16xi32> to vector<16x1xi32>
      %gather3A_501 = vector.shape_cast %broadcast_in_dim3A_500 : vector<16x1xi32> to vector<16xi32>
      %gather3A_502 = tpu.dynamic_gather %add3A_496[%gather3A_501] in [0] : vector<16xf32>, vector<16xi32> -> vector<16xf32>
      %add3A_503 = arith.addf %add3A_496, %gather3A_502 : vector<16xf32>
      %xor3A_504 = arith.constant 2 : i32
      %xor3A_505 = vector.broadcast %xor3A_504 : i32 to vector<16xi32>
      %xor3A_506 = arith.xori %iota3A_489, %xor3A_505 : vector<16xi32>
      %broadcast_in_dim3A_507 = vector.shape_cast %xor3A_506 : vector<16xi32> to vector<16x1xi32>
      %gather3A_508 = vector.shape_cast %broadcast_in_dim3A_507 : vector<16x1xi32> to vector<16xi32>
      %gather3A_509 = tpu.dynamic_gather %add3A_503[%gather3A_508] in [0] : vector<16xf32>, vector<16xi32> -> vector<16xf32>
      %add3A_510 = arith.addf %add3A_503, %gather3A_509 : vector<16xf32>
      %xor3A_511 = arith.constant 1 : i32
      %xor3A_512 = vector.broadcast %xor3A_511 : i32 to vector<16xi32>
      %xor3A_513 = arith.xori %iota3A_489, %xor3A_512 : vector<16xi32>
      %broadcast_in_dim3A_514 = vector.shape_cast %xor3A_513 : vector<16xi32> to vector<16x1xi32>
      %gather3A_515 = vector.shape_cast %broadcast_in_dim3A_514 : vector<16x1xi32> to vector<16xi32>
      %gather3A_516 = tpu.dynamic_gather %add3A_510[%gather3A_515] in [0] : vector<16xf32>, vector<16xi32> -> vector<16xf32>
      %add3A_517 = arith.addf %add3A_510, %gather3A_516 : vector<16xf32>
      %iota3A_518 = tpu.iota {dimensions = array<i32: 0>} : vector<16xi32>
      %xor3A_519 = arith.constant 8 : i32
      %xor3A_520 = vector.broadcast %xor3A_519 : i32 to vector<16xi32>
      %xor3A_521 = arith.xori %iota3A_518, %xor3A_520 : vector<16xi32>
      %broadcast_in_dim3A_522 = vector.shape_cast %xor3A_521 : vector<16xi32> to vector<16x1xi32>
      %gather3A_523 = vector.shape_cast %broadcast_in_dim3A_522 : vector<16x1xi32> to vector<16xi32>
      %gather3A_524 = tpu.dynamic_gather %scan3A_112#28[%gather3A_523] in [0] : vector<16xf32>, vector<16xi32> -> vector<16xf32>
      %add3A_525 = arith.addf %scan3A_112#28, %gather3A_524 : vector<16xf32>
      %xor3A_526 = arith.constant 4 : i32
      %xor3A_527 = vector.broadcast %xor3A_526 : i32 to vector<16xi32>
      %xor3A_528 = arith.xori %iota3A_518, %xor3A_527 : vector<16xi32>
      %broadcast_in_dim3A_529 = vector.shape_cast %xor3A_528 : vector<16xi32> to vector<16x1xi32>
      %gather3A_530 = vector.shape_cast %broadcast_in_dim3A_529 : vector<16x1xi32> to vector<16xi32>
      %gather3A_531 = tpu.dynamic_gather %add3A_525[%gather3A_530] in [0] : vector<16xf32>, vector<16xi32> -> vector<16xf32>
      %add3A_532 = arith.addf %add3A_525, %gather3A_531 : vector<16xf32>
      %xor3A_533 = arith.constant 2 : i32
      %xor3A_534 = vector.broadcast %xor3A_533 : i32 to vector<16xi32>
      %xor3A_535 = arith.xori %iota3A_518, %xor3A_534 : vector<16xi32>
      %broadcast_in_dim3A_536 = vector.shape_cast %xor3A_535 : vector<16xi32> to vector<16x1xi32>
      %gather3A_537 = vector.shape_cast %broadcast_in_dim3A_536 : vector<16x1xi32> to vector<16xi32>
      %gather3A_538 = tpu.dynamic_gather %add3A_532[%gather3A_537] in [0] : vector<16xf32>, vector<16xi32> -> vector<16xf32>
      %add3A_539 = arith.addf %add3A_532, %gather3A_538 : vector<16xf32>
      %xor3A_540 = arith.constant 1 : i32
      %xor3A_541 = vector.broadcast %xor3A_540 : i32 to vector<16xi32>
      %xor3A_542 = arith.xori %iota3A_518, %xor3A_541 : vector<16xi32>
      %broadcast_in_dim3A_543 = vector.shape_cast %xor3A_542 : vector<16xi32> to vector<16x1xi32>
      %gather3A_544 = vector.shape_cast %broadcast_in_dim3A_543 : vector<16x1xi32> to vector<16xi32>
      %gather3A_545 = tpu.dynamic_gather %add3A_539[%gather3A_544] in [0] : vector<16xf32>, vector<16xi32> -> vector<16xf32>
      %add3A_546 = arith.addf %add3A_539, %gather3A_545 : vector<16xf32>
      %iota3A_547 = tpu.iota {dimensions = array<i32: 0>} : vector<16xi32>
      %xor3A_548 = arith.constant 8 : i32
      %xor3A_549 = vector.broadcast %xor3A_548 : i32 to vector<16xi32>
      %xor3A_550 = arith.xori %iota3A_547, %xor3A_549 : vector<16xi32>
      %broadcast_in_dim3A_551 = vector.shape_cast %xor3A_550 : vector<16xi32> to vector<16x1xi32>
      %gather3A_552 = vector.shape_cast %broadcast_in_dim3A_551 : vector<16x1xi32> to vector<16xi32>
      %gather3A_553 = tpu.dynamic_gather %scan3A_112#30[%gather3A_552] in [0] : vector<16xf32>, vector<16xi32> -> vector<16xf32>
      %add3A_554 = arith.addf %scan3A_112#30, %gather3A_553 : vector<16xf32>
      %xor3A_555 = arith.constant 4 : i32
      %xor3A_556 = vector.broadcast %xor3A_555 : i32 to vector<16xi32>
      %xor3A_557 = arith.xori %iota3A_547, %xor3A_556 : vector<16xi32>
      %broadcast_in_dim3A_558 = vector.shape_cast %xor3A_557 : vector<16xi32> to vector<16x1xi32>
      %gather3A_559 = vector.shape_cast %broadcast_in_dim3A_558 : vector<16x1xi32> to vector<16xi32>
      %gather3A_560 = tpu.dynamic_gather %add3A_554[%gather3A_559] in [0] : vector<16xf32>, vector<16xi32> -> vector<16xf32>
      %add3A_561 = arith.addf %add3A_554, %gather3A_560 : vector<16xf32>
      %xor3A_562 = arith.constant 2 : i32
      %xor3A_563 = vector.broadcast %xor3A_562 : i32 to vector<16xi32>
      %xor3A_564 = arith.xori %iota3A_547, %xor3A_563 : vector<16xi32>
      %broadcast_in_dim3A_565 = vector.shape_cast %xor3A_564 : vector<16xi32> to vector<16x1xi32>
      %gather3A_566 = vector.shape_cast %broadcast_in_dim3A_565 : vector<16x1xi32> to vector<16xi32>
      %gather3A_567 = tpu.dynamic_gather %add3A_561[%gather3A_566] in [0] : vector<16xf32>, vector<16xi32> -> vector<16xf32>
      %add3A_568 = arith.addf %add3A_561, %gather3A_567 : vector<16xf32>
      %xor3A_569 = arith.constant 1 : i32
      %xor3A_570 = vector.broadcast %xor3A_569 : i32 to vector<16xi32>
      %xor3A_571 = arith.xori %iota3A_547, %xor3A_570 : vector<16xi32>
      %broadcast_in_dim3A_572 = vector.shape_cast %xor3A_571 : vector<16xi32> to vector<16x1xi32>
      %gather3A_573 = vector.shape_cast %broadcast_in_dim3A_572 : vector<16x1xi32> to vector<16xi32>
      %gather3A_574 = tpu.dynamic_gather %add3A_568[%gather3A_573] in [0] : vector<16xf32>, vector<16xi32> -> vector<16xf32>
      %add3A_575 = arith.addf %add3A_568, %gather3A_574 : vector<16xf32>
      %iota3A_576 = tpu.iota {dimensions = array<i32: 0>} : vector<16xi32>
      %xor3A_577 = arith.constant 8 : i32
      %xor3A_578 = vector.broadcast %xor3A_577 : i32 to vector<16xi32>
      %xor3A_579 = arith.xori %iota3A_576, %xor3A_578 : vector<16xi32>
      %broadcast_in_dim3A_580 = vector.shape_cast %xor3A_579 : vector<16xi32> to vector<16x1xi32>
      %gather3A_581 = vector.shape_cast %broadcast_in_dim3A_580 : vector<16x1xi32> to vector<16xi32>
      %gather3A_582 = tpu.dynamic_gather %scan3A_112#1[%gather3A_581] in [0] : vector<16xf32>, vector<16xi32> -> vector<16xf32>
      %add3A_583 = arith.addf %scan3A_112#1, %gather3A_582 : vector<16xf32>
      %xor3A_584 = arith.constant 4 : i32
      %xor3A_585 = vector.broadcast %xor3A_584 : i32 to vector<16xi32>
      %xor3A_586 = arith.xori %iota3A_576, %xor3A_585 : vector<16xi32>
      %broadcast_in_dim3A_587 = vector.shape_cast %xor3A_586 : vector<16xi32> to vector<16x1xi32>
      %gather3A_588 = vector.shape_cast %broadcast_in_dim3A_587 : vector<16x1xi32> to vector<16xi32>
      %gather3A_589 = tpu.dynamic_gather %add3A_583[%gather3A_588] in [0] : vector<16xf32>, vector<16xi32> -> vector<16xf32>
      %add3A_590 = arith.addf %add3A_583, %gather3A_589 : vector<16xf32>
      %xor3A_591 = arith.constant 2 : i32
      %xor3A_592 = vector.broadcast %xor3A_591 : i32 to vector<16xi32>
      %xor3A_593 = arith.xori %iota3A_576, %xor3A_592 : vector<16xi32>
      %broadcast_in_dim3A_594 = vector.shape_cast %xor3A_593 : vector<16xi32> to vector<16x1xi32>
      %gather3A_595 = vector.shape_cast %broadcast_in_dim3A_594 : vector<16x1xi32> to vector<16xi32>
      %gather3A_596 = tpu.dynamic_gather %add3A_590[%gather3A_595] in [0] : vector<16xf32>, vector<16xi32> -> vector<16xf32>
      %add3A_597 = arith.addf %add3A_590, %gather3A_596 : vector<16xf32>
      %xor3A_598 = arith.constant 1 : i32
      %xor3A_599 = vector.broadcast %xor3A_598 : i32 to vector<16xi32>
      %xor3A_600 = arith.xori %iota3A_576, %xor3A_599 : vector<16xi32>
      %broadcast_in_dim3A_601 = vector.shape_cast %xor3A_600 : vector<16xi32> to vector<16x1xi32>
      %gather3A_602 = vector.shape_cast %broadcast_in_dim3A_601 : vector<16x1xi32> to vector<16xi32>
      %gather3A_603 = tpu.dynamic_gather %add3A_597[%gather3A_602] in [0] : vector<16xf32>, vector<16xi32> -> vector<16xf32>
      %add3A_604 = arith.addf %add3A_597, %gather3A_603 : vector<16xf32>
      %iota3A_605 = tpu.iota {dimensions = array<i32: 0>} : vector<16xi32>
      %xor3A_606 = arith.constant 8 : i32
      %xor3A_607 = vector.broadcast %xor3A_606 : i32 to vector<16xi32>
      %xor3A_608 = arith.xori %iota3A_605, %xor3A_607 : vector<16xi32>
      %broadcast_in_dim3A_609 = vector.shape_cast %xor3A_608 : vector<16xi32> to vector<16x1xi32>
      %gather3A_610 = vector.shape_cast %broadcast_in_dim3A_609 : vector<16x1xi32> to vector<16xi32>
      %gather3A_611 = tpu.dynamic_gather %scan3A_112#3[%gather3A_610] in [0] : vector<16xf32>, vector<16xi32> -> vector<16xf32>
      %add3A_612 = arith.addf %scan3A_112#3, %gather3A_611 : vector<16xf32>
      %xor3A_613 = arith.constant 4 : i32
      %xor3A_614 = vector.broadcast %xor3A_613 : i32 to vector<16xi32>
      %xor3A_615 = arith.xori %iota3A_605, %xor3A_614 : vector<16xi32>
      %broadcast_in_dim3A_616 = vector.shape_cast %xor3A_615 : vector<16xi32> to vector<16x1xi32>
      %gather3A_617 = vector.shape_cast %broadcast_in_dim3A_616 : vector<16x1xi32> to vector<16xi32>
      %gather3A_618 = tpu.dynamic_gather %add3A_612[%gather3A_617] in [0] : vector<16xf32>, vector<16xi32> -> vector<16xf32>
      %add3A_619 = arith.addf %add3A_612, %gather3A_618 : vector<16xf32>
      %xor3A_620 = arith.constant 2 : i32
      %xor3A_621 = vector.broadcast %xor3A_620 : i32 to vector<16xi32>
      %xor3A_622 = arith.xori %iota3A_605, %xor3A_621 : vector<16xi32>
      %broadcast_in_dim3A_623 = vector.shape_cast %xor3A_622 : vector<16xi32> to vector<16x1xi32>
      %gather3A_624 = vector.shape_cast %broadcast_in_dim3A_623 : vector<16x1xi32> to vector<16xi32>
      %gather3A_625 = tpu.dynamic_gather %add3A_619[%gather3A_624] in [0] : vector<16xf32>, vector<16xi32> -> vector<16xf32>
      %add3A_626 = arith.addf %add3A_619, %gather3A_625 : vector<16xf32>
      %xor3A_627 = arith.constant 1 : i32
      %xor3A_628 = vector.broadcast %xor3A_627 : i32 to vector<16xi32>
      %xor3A_629 = arith.xori %iota3A_605, %xor3A_628 : vector<16xi32>
      %broadcast_in_dim3A_630 = vector.shape_cast %xor3A_629 : vector<16xi32> to vector<16x1xi32>
      %gather3A_631 = vector.shape_cast %broadcast_in_dim3A_630 : vector<16x1xi32> to vector<16xi32>
      %gather3A_632 = tpu.dynamic_gather %add3A_626[%gather3A_631] in [0] : vector<16xf32>, vector<16xi32> -> vector<16xf32>
      %add3A_633 = arith.addf %add3A_626, %gather3A_632 : vector<16xf32>
      %iota3A_634 = tpu.iota {dimensions = array<i32: 0>} : vector<16xi32>
      %xor3A_635 = arith.constant 8 : i32
      %xor3A_636 = vector.broadcast %xor3A_635 : i32 to vector<16xi32>
      %xor3A_637 = arith.xori %iota3A_634, %xor3A_636 : vector<16xi32>
      %broadcast_in_dim3A_638 = vector.shape_cast %xor3A_637 : vector<16xi32> to vector<16x1xi32>
      %gather3A_639 = vector.shape_cast %broadcast_in_dim3A_638 : vector<16x1xi32> to vector<16xi32>
      %gather3A_640 = tpu.dynamic_gather %scan3A_112#5[%gather3A_639] in [0] : vector<16xf32>, vector<16xi32> -> vector<16xf32>
      %add3A_641 = arith.addf %scan3A_112#5, %gather3A_640 : vector<16xf32>
      %xor3A_642 = arith.constant 4 : i32
      %xor3A_643 = vector.broadcast %xor3A_642 : i32 to vector<16xi32>
      %xor3A_644 = arith.xori %iota3A_634, %xor3A_643 : vector<16xi32>
      %broadcast_in_dim3A_645 = vector.shape_cast %xor3A_644 : vector<16xi32> to vector<16x1xi32>
      %gather3A_646 = vector.shape_cast %broadcast_in_dim3A_645 : vector<16x1xi32> to vector<16xi32>
      %gather3A_647 = tpu.dynamic_gather %add3A_641[%gather3A_646] in [0] : vector<16xf32>, vector<16xi32> -> vector<16xf32>
      %add3A_648 = arith.addf %add3A_641, %gather3A_647 : vector<16xf32>
      %xor3A_649 = arith.constant 2 : i32
      %xor3A_650 = vector.broadcast %xor3A_649 : i32 to vector<16xi32>
      %xor3A_651 = arith.xori %iota3A_634, %xor3A_650 : vector<16xi32>
      %broadcast_in_dim3A_652 = vector.shape_cast %xor3A_651 : vector<16xi32> to vector<16x1xi32>
      %gather3A_653 = vector.shape_cast %broadcast_in_dim3A_652 : vector<16x1xi32> to vector<16xi32>
      %gather3A_654 = tpu.dynamic_gather %add3A_648[%gather3A_653] in [0] : vector<16xf32>, vector<16xi32> -> vector<16xf32>
      %add3A_655 = arith.addf %add3A_648, %gather3A_654 : vector<16xf32>
      %xor3A_656 = arith.constant 1 : i32
      %xor3A_657 = vector.broadcast %xor3A_656 : i32 to vector<16xi32>
      %xor3A_658 = arith.xori %iota3A_634, %xor3A_657 : vector<16xi32>
      %broadcast_in_dim3A_659 = vector.shape_cast %xor3A_658 : vector<16xi32> to vector<16x1xi32>
      %gather3A_660 = vector.shape_cast %broadcast_in_dim3A_659 : vector<16x1xi32> to vector<16xi32>
      %gather3A_661 = tpu.dynamic_gather %add3A_655[%gather3A_660] in [0] : vector<16xf32>, vector<16xi32> -> vector<16xf32>
      %add3A_662 = arith.addf %add3A_655, %gather3A_661 : vector<16xf32>
      %iota3A_663 = tpu.iota {dimensions = array<i32: 0>} : vector<16xi32>
      %xor3A_664 = arith.constant 8 : i32
      %xor3A_665 = vector.broadcast %xor3A_664 : i32 to vector<16xi32>
      %xor3A_666 = arith.xori %iota3A_663, %xor3A_665 : vector<16xi32>
      %broadcast_in_dim3A_667 = vector.shape_cast %xor3A_666 : vector<16xi32> to vector<16x1xi32>
      %gather3A_668 = vector.shape_cast %broadcast_in_dim3A_667 : vector<16x1xi32> to vector<16xi32>
      %gather3A_669 = tpu.dynamic_gather %scan3A_112#7[%gather3A_668] in [0] : vector<16xf32>, vector<16xi32> -> vector<16xf32>
      %add3A_670 = arith.addf %scan3A_112#7, %gather3A_669 : vector<16xf32>
      %xor3A_671 = arith.constant 4 : i32
      %xor3A_672 = vector.broadcast %xor3A_671 : i32 to vector<16xi32>
      %xor3A_673 = arith.xori %iota3A_663, %xor3A_672 : vector<16xi32>
      %broadcast_in_dim3A_674 = vector.shape_cast %xor3A_673 : vector<16xi32> to vector<16x1xi32>
      %gather3A_675 = vector.shape_cast %broadcast_in_dim3A_674 : vector<16x1xi32> to vector<16xi32>
      %gather3A_676 = tpu.dynamic_gather %add3A_670[%gather3A_675] in [0] : vector<16xf32>, vector<16xi32> -> vector<16xf32>
      %add3A_677 = arith.addf %add3A_670, %gather3A_676 : vector<16xf32>
      %xor3A_678 = arith.constant 2 : i32
      %xor3A_679 = vector.broadcast %xor3A_678 : i32 to vector<16xi32>
      %xor3A_680 = arith.xori %iota3A_663, %xor3A_679 : vector<16xi32>
      %broadcast_in_dim3A_681 = vector.shape_cast %xor3A_680 : vector<16xi32> to vector<16x1xi32>
      %gather3A_682 = vector.shape_cast %broadcast_in_dim3A_681 : vector<16x1xi32> to vector<16xi32>
      %gather3A_683 = tpu.dynamic_gather %add3A_677[%gather3A_682] in [0] : vector<16xf32>, vector<16xi32> -> vector<16xf32>
      %add3A_684 = arith.addf %add3A_677, %gather3A_683 : vector<16xf32>
      %xor3A_685 = arith.constant 1 : i32
      %xor3A_686 = vector.broadcast %xor3A_685 : i32 to vector<16xi32>
      %xor3A_687 = arith.xori %iota3A_663, %xor3A_686 : vector<16xi32>
      %broadcast_in_dim3A_688 = vector.shape_cast %xor3A_687 : vector<16xi32> to vector<16x1xi32>
      %gather3A_689 = vector.shape_cast %broadcast_in_dim3A_688 : vector<16x1xi32> to vector<16xi32>
      %gather3A_690 = tpu.dynamic_gather %add3A_684[%gather3A_689] in [0] : vector<16xf32>, vector<16xi32> -> vector<16xf32>
      %add3A_691 = arith.addf %add3A_684, %gather3A_690 : vector<16xf32>
      %iota3A_692 = tpu.iota {dimensions = array<i32: 0>} : vector<16xi32>
      %xor3A_693 = arith.constant 8 : i32
      %xor3A_694 = vector.broadcast %xor3A_693 : i32 to vector<16xi32>
      %xor3A_695 = arith.xori %iota3A_692, %xor3A_694 : vector<16xi32>
      %broadcast_in_dim3A_696 = vector.shape_cast %xor3A_695 : vector<16xi32> to vector<16x1xi32>
      %gather3A_697 = vector.shape_cast %broadcast_in_dim3A_696 : vector<16x1xi32> to vector<16xi32>
      %gather3A_698 = tpu.dynamic_gather %scan3A_112#9[%gather3A_697] in [0] : vector<16xf32>, vector<16xi32> -> vector<16xf32>
      %add3A_699 = arith.addf %scan3A_112#9, %gather3A_698 : vector<16xf32>
      %xor3A_700 = arith.constant 4 : i32
      %xor3A_701 = vector.broadcast %xor3A_700 : i32 to vector<16xi32>
      %xor3A_702 = arith.xori %iota3A_692, %xor3A_701 : vector<16xi32>
      %broadcast_in_dim3A_703 = vector.shape_cast %xor3A_702 : vector<16xi32> to vector<16x1xi32>
      %gather3A_704 = vector.shape_cast %broadcast_in_dim3A_703 : vector<16x1xi32> to vector<16xi32>
      %gather3A_705 = tpu.dynamic_gather %add3A_699[%gather3A_704] in [0] : vector<16xf32>, vector<16xi32> -> vector<16xf32>
      %add3A_706 = arith.addf %add3A_699, %gather3A_705 : vector<16xf32>
      %xor3A_707 = arith.constant 2 : i32
      %xor3A_708 = vector.broadcast %xor3A_707 : i32 to vector<16xi32>
      %xor3A_709 = arith.xori %iota3A_692, %xor3A_708 : vector<16xi32>
      %broadcast_in_dim3A_710 = vector.shape_cast %xor3A_709 : vector<16xi32> to vector<16x1xi32>
      %gather3A_711 = vector.shape_cast %broadcast_in_dim3A_710 : vector<16x1xi32> to vector<16xi32>
      %gather3A_712 = tpu.dynamic_gather %add3A_706[%gather3A_711] in [0] : vector<16xf32>, vector<16xi32> -> vector<16xf32>
      %add3A_713 = arith.addf %add3A_706, %gather3A_712 : vector<16xf32>
      %xor3A_714 = arith.constant 1 : i32
      %xor3A_715 = vector.broadcast %xor3A_714 : i32 to vector<16xi32>
      %xor3A_716 = arith.xori %iota3A_692, %xor3A_715 : vector<16xi32>
      %broadcast_in_dim3A_717 = vector.shape_cast %xor3A_716 : vector<16xi32> to vector<16x1xi32>
      %gather3A_718 = vector.shape_cast %broadcast_in_dim3A_717 : vector<16x1xi32> to vector<16xi32>
      %gather3A_719 = tpu.dynamic_gather %add3A_713[%gather3A_718] in [0] : vector<16xf32>, vector<16xi32> -> vector<16xf32>
      %add3A_720 = arith.addf %add3A_713, %gather3A_719 : vector<16xf32>
      %iota3A_721 = tpu.iota {dimensions = array<i32: 0>} : vector<16xi32>
      %xor3A_722 = arith.constant 8 : i32
      %xor3A_723 = vector.broadcast %xor3A_722 : i32 to vector<16xi32>
      %xor3A_724 = arith.xori %iota3A_721, %xor3A_723 : vector<16xi32>
      %broadcast_in_dim3A_725 = vector.shape_cast %xor3A_724 : vector<16xi32> to vector<16x1xi32>
      %gather3A_726 = vector.shape_cast %broadcast_in_dim3A_725 : vector<16x1xi32> to vector<16xi32>
      %gather3A_727 = tpu.dynamic_gather %scan3A_112#11[%gather3A_726] in [0] : vector<16xf32>, vector<16xi32> -> vector<16xf32>
      %add3A_728 = arith.addf %scan3A_112#11, %gather3A_727 : vector<16xf32>
      %xor3A_729 = arith.constant 4 : i32
      %xor3A_730 = vector.broadcast %xor3A_729 : i32 to vector<16xi32>
      %xor3A_731 = arith.xori %iota3A_721, %xor3A_730 : vector<16xi32>
      %broadcast_in_dim3A_732 = vector.shape_cast %xor3A_731 : vector<16xi32> to vector<16x1xi32>
      %gather3A_733 = vector.shape_cast %broadcast_in_dim3A_732 : vector<16x1xi32> to vector<16xi32>
      %gather3A_734 = tpu.dynamic_gather %add3A_728[%gather3A_733] in [0] : vector<16xf32>, vector<16xi32> -> vector<16xf32>
      %add3A_735 = arith.addf %add3A_728, %gather3A_734 : vector<16xf32>
      %xor3A_736 = arith.constant 2 : i32
      %xor3A_737 = vector.broadcast %xor3A_736 : i32 to vector<16xi32>
      %xor3A_738 = arith.xori %iota3A_721, %xor3A_737 : vector<16xi32>
      %broadcast_in_dim3A_739 = vector.shape_cast %xor3A_738 : vector<16xi32> to vector<16x1xi32>
      %gather3A_740 = vector.shape_cast %broadcast_in_dim3A_739 : vector<16x1xi32> to vector<16xi32>
      %gather3A_741 = tpu.dynamic_gather %add3A_735[%gather3A_740] in [0] : vector<16xf32>, vector<16xi32> -> vector<16xf32>
      %add3A_742 = arith.addf %add3A_735, %gather3A_741 : vector<16xf32>
      %xor3A_743 = arith.constant 1 : i32
      %xor3A_744 = vector.broadcast %xor3A_743 : i32 to vector<16xi32>
      %xor3A_745 = arith.xori %iota3A_721, %xor3A_744 : vector<16xi32>
      %broadcast_in_dim3A_746 = vector.shape_cast %xor3A_745 : vector<16xi32> to vector<16x1xi32>
      %gather3A_747 = vector.shape_cast %broadcast_in_dim3A_746 : vector<16x1xi32> to vector<16xi32>
      %gather3A_748 = tpu.dynamic_gather %add3A_742[%gather3A_747] in [0] : vector<16xf32>, vector<16xi32> -> vector<16xf32>
      %add3A_749 = arith.addf %add3A_742, %gather3A_748 : vector<16xf32>
      %iota3A_750 = tpu.iota {dimensions = array<i32: 0>} : vector<16xi32>
      %xor3A_751 = arith.constant 8 : i32
      %xor3A_752 = vector.broadcast %xor3A_751 : i32 to vector<16xi32>
      %xor3A_753 = arith.xori %iota3A_750, %xor3A_752 : vector<16xi32>
      %broadcast_in_dim3A_754 = vector.shape_cast %xor3A_753 : vector<16xi32> to vector<16x1xi32>
      %gather3A_755 = vector.shape_cast %broadcast_in_dim3A_754 : vector<16x1xi32> to vector<16xi32>
      %gather3A_756 = tpu.dynamic_gather %scan3A_112#13[%gather3A_755] in [0] : vector<16xf32>, vector<16xi32> -> vector<16xf32>
      %add3A_757 = arith.addf %scan3A_112#13, %gather3A_756 : vector<16xf32>
      %xor3A_758 = arith.constant 4 : i32
      %xor3A_759 = vector.broadcast %xor3A_758 : i32 to vector<16xi32>
      %xor3A_760 = arith.xori %iota3A_750, %xor3A_759 : vector<16xi32>
      %broadcast_in_dim3A_761 = vector.shape_cast %xor3A_760 : vector<16xi32> to vector<16x1xi32>
      %gather3A_762 = vector.shape_cast %broadcast_in_dim3A_761 : vector<16x1xi32> to vector<16xi32>
      %gather3A_763 = tpu.dynamic_gather %add3A_757[%gather3A_762] in [0] : vector<16xf32>, vector<16xi32> -> vector<16xf32>
      %add3A_764 = arith.addf %add3A_757, %gather3A_763 : vector<16xf32>
      %xor3A_765 = arith.constant 2 : i32
      %xor3A_766 = vector.broadcast %xor3A_765 : i32 to vector<16xi32>
      %xor3A_767 = arith.xori %iota3A_750, %xor3A_766 : vector<16xi32>
      %broadcast_in_dim3A_768 = vector.shape_cast %xor3A_767 : vector<16xi32> to vector<16x1xi32>
      %gather3A_769 = vector.shape_cast %broadcast_in_dim3A_768 : vector<16x1xi32> to vector<16xi32>
      %gather3A_770 = tpu.dynamic_gather %add3A_764[%gather3A_769] in [0] : vector<16xf32>, vector<16xi32> -> vector<16xf32>
      %add3A_771 = arith.addf %add3A_764, %gather3A_770 : vector<16xf32>
      %xor3A_772 = arith.constant 1 : i32
      %xor3A_773 = vector.broadcast %xor3A_772 : i32 to vector<16xi32>
      %xor3A_774 = arith.xori %iota3A_750, %xor3A_773 : vector<16xi32>
      %broadcast_in_dim3A_775 = vector.shape_cast %xor3A_774 : vector<16xi32> to vector<16x1xi32>
      %gather3A_776 = vector.shape_cast %broadcast_in_dim3A_775 : vector<16x1xi32> to vector<16xi32>
      %gather3A_777 = tpu.dynamic_gather %add3A_771[%gather3A_776] in [0] : vector<16xf32>, vector<16xi32> -> vector<16xf32>
      %add3A_778 = arith.addf %add3A_771, %gather3A_777 : vector<16xf32>
      %iota3A_779 = tpu.iota {dimensions = array<i32: 0>} : vector<16xi32>
      %xor3A_780 = arith.constant 8 : i32
      %xor3A_781 = vector.broadcast %xor3A_780 : i32 to vector<16xi32>
      %xor3A_782 = arith.xori %iota3A_779, %xor3A_781 : vector<16xi32>
      %broadcast_in_dim3A_783 = vector.shape_cast %xor3A_782 : vector<16xi32> to vector<16x1xi32>
      %gather3A_784 = vector.shape_cast %broadcast_in_dim3A_783 : vector<16x1xi32> to vector<16xi32>
      %gather3A_785 = tpu.dynamic_gather %scan3A_112#15[%gather3A_784] in [0] : vector<16xf32>, vector<16xi32> -> vector<16xf32>
      %add3A_786 = arith.addf %scan3A_112#15, %gather3A_785 : vector<16xf32>
      %xor3A_787 = arith.constant 4 : i32
      %xor3A_788 = vector.broadcast %xor3A_787 : i32 to vector<16xi32>
      %xor3A_789 = arith.xori %iota3A_779, %xor3A_788 : vector<16xi32>
      %broadcast_in_dim3A_790 = vector.shape_cast %xor3A_789 : vector<16xi32> to vector<16x1xi32>
      %gather3A_791 = vector.shape_cast %broadcast_in_dim3A_790 : vector<16x1xi32> to vector<16xi32>
      %gather3A_792 = tpu.dynamic_gather %add3A_786[%gather3A_791] in [0] : vector<16xf32>, vector<16xi32> -> vector<16xf32>
      %add3A_793 = arith.addf %add3A_786, %gather3A_792 : vector<16xf32>
      %xor3A_794 = arith.constant 2 : i32
      %xor3A_795 = vector.broadcast %xor3A_794 : i32 to vector<16xi32>
      %xor3A_796 = arith.xori %iota3A_779, %xor3A_795 : vector<16xi32>
      %broadcast_in_dim3A_797 = vector.shape_cast %xor3A_796 : vector<16xi32> to vector<16x1xi32>
      %gather3A_798 = vector.shape_cast %broadcast_in_dim3A_797 : vector<16x1xi32> to vector<16xi32>
      %gather3A_799 = tpu.dynamic_gather %add3A_793[%gather3A_798] in [0] : vector<16xf32>, vector<16xi32> -> vector<16xf32>
      %add3A_800 = arith.addf %add3A_793, %gather3A_799 : vector<16xf32>
      %xor3A_801 = arith.constant 1 : i32
      %xor3A_802 = vector.broadcast %xor3A_801 : i32 to vector<16xi32>
      %xor3A_803 = arith.xori %iota3A_779, %xor3A_802 : vector<16xi32>
      %broadcast_in_dim3A_804 = vector.shape_cast %xor3A_803 : vector<16xi32> to vector<16x1xi32>
      %gather3A_805 = vector.shape_cast %broadcast_in_dim3A_804 : vector<16x1xi32> to vector<16xi32>
      %gather3A_806 = tpu.dynamic_gather %add3A_800[%gather3A_805] in [0] : vector<16xf32>, vector<16xi32> -> vector<16xf32>
      %add3A_807 = arith.addf %add3A_800, %gather3A_806 : vector<16xf32>
      %iota3A_808 = tpu.iota {dimensions = array<i32: 0>} : vector<16xi32>
      %xor3A_809 = arith.constant 8 : i32
      %xor3A_810 = vector.broadcast %xor3A_809 : i32 to vector<16xi32>
      %xor3A_811 = arith.xori %iota3A_808, %xor3A_810 : vector<16xi32>
      %broadcast_in_dim3A_812 = vector.shape_cast %xor3A_811 : vector<16xi32> to vector<16x1xi32>
      %gather3A_813 = vector.shape_cast %broadcast_in_dim3A_812 : vector<16x1xi32> to vector<16xi32>
      %gather3A_814 = tpu.dynamic_gather %scan3A_112#17[%gather3A_813] in [0] : vector<16xf32>, vector<16xi32> -> vector<16xf32>
      %add3A_815 = arith.addf %scan3A_112#17, %gather3A_814 : vector<16xf32>
      %xor3A_816 = arith.constant 4 : i32
      %xor3A_817 = vector.broadcast %xor3A_816 : i32 to vector<16xi32>
      %xor3A_818 = arith.xori %iota3A_808, %xor3A_817 : vector<16xi32>
      %broadcast_in_dim3A_819 = vector.shape_cast %xor3A_818 : vector<16xi32> to vector<16x1xi32>
      %gather3A_820 = vector.shape_cast %broadcast_in_dim3A_819 : vector<16x1xi32> to vector<16xi32>
      %gather3A_821 = tpu.dynamic_gather %add3A_815[%gather3A_820] in [0] : vector<16xf32>, vector<16xi32> -> vector<16xf32>
      %add3A_822 = arith.addf %add3A_815, %gather3A_821 : vector<16xf32>
      %xor3A_823 = arith.constant 2 : i32
      %xor3A_824 = vector.broadcast %xor3A_823 : i32 to vector<16xi32>
      %xor3A_825 = arith.xori %iota3A_808, %xor3A_824 : vector<16xi32>
      %broadcast_in_dim3A_826 = vector.shape_cast %xor3A_825 : vector<16xi32> to vector<16x1xi32>
      %gather3A_827 = vector.shape_cast %broadcast_in_dim3A_826 : vector<16x1xi32> to vector<16xi32>
      %gather3A_828 = tpu.dynamic_gather %add3A_822[%gather3A_827] in [0] : vector<16xf32>, vector<16xi32> -> vector<16xf32>
      %add3A_829 = arith.addf %add3A_822, %gather3A_828 : vector<16xf32>
      %xor3A_830 = arith.constant 1 : i32
      %xor3A_831 = vector.broadcast %xor3A_830 : i32 to vector<16xi32>
      %xor3A_832 = arith.xori %iota3A_808, %xor3A_831 : vector<16xi32>
      %broadcast_in_dim3A_833 = vector.shape_cast %xor3A_832 : vector<16xi32> to vector<16x1xi32>
      %gather3A_834 = vector.shape_cast %broadcast_in_dim3A_833 : vector<16x1xi32> to vector<16xi32>
      %gather3A_835 = tpu.dynamic_gather %add3A_829[%gather3A_834] in [0] : vector<16xf32>, vector<16xi32> -> vector<16xf32>
      %add3A_836 = arith.addf %add3A_829, %gather3A_835 : vector<16xf32>
      %iota3A_837 = tpu.iota {dimensions = array<i32: 0>} : vector<16xi32>
      %xor3A_838 = arith.constant 8 : i32
      %xor3A_839 = vector.broadcast %xor3A_838 : i32 to vector<16xi32>
      %xor3A_840 = arith.xori %iota3A_837, %xor3A_839 : vector<16xi32>
      %broadcast_in_dim3A_841 = vector.shape_cast %xor3A_840 : vector<16xi32> to vector<16x1xi32>
      %gather3A_842 = vector.shape_cast %broadcast_in_dim3A_841 : vector<16x1xi32> to vector<16xi32>
      %gather3A_843 = tpu.dynamic_gather %scan3A_112#19[%gather3A_842] in [0] : vector<16xf32>, vector<16xi32> -> vector<16xf32>
      %add3A_844 = arith.addf %scan3A_112#19, %gather3A_843 : vector<16xf32>
      %xor3A_845 = arith.constant 4 : i32
      %xor3A_846 = vector.broadcast %xor3A_845 : i32 to vector<16xi32>
      %xor3A_847 = arith.xori %iota3A_837, %xor3A_846 : vector<16xi32>
      %broadcast_in_dim3A_848 = vector.shape_cast %xor3A_847 : vector<16xi32> to vector<16x1xi32>
      %gather3A_849 = vector.shape_cast %broadcast_in_dim3A_848 : vector<16x1xi32> to vector<16xi32>
      %gather3A_850 = tpu.dynamic_gather %add3A_844[%gather3A_849] in [0] : vector<16xf32>, vector<16xi32> -> vector<16xf32>
      %add3A_851 = arith.addf %add3A_844, %gather3A_850 : vector<16xf32>
      %xor3A_852 = arith.constant 2 : i32
      %xor3A_853 = vector.broadcast %xor3A_852 : i32 to vector<16xi32>
      %xor3A_854 = arith.xori %iota3A_837, %xor3A_853 : vector<16xi32>
      %broadcast_in_dim3A_855 = vector.shape_cast %xor3A_854 : vector<16xi32> to vector<16x1xi32>
      %gather3A_856 = vector.shape_cast %broadcast_in_dim3A_855 : vector<16x1xi32> to vector<16xi32>
      %gather3A_857 = tpu.dynamic_gather %add3A_851[%gather3A_856] in [0] : vector<16xf32>, vector<16xi32> -> vector<16xf32>
      %add3A_858 = arith.addf %add3A_851, %gather3A_857 : vector<16xf32>
      %xor3A_859 = arith.constant 1 : i32
      %xor3A_860 = vector.broadcast %xor3A_859 : i32 to vector<16xi32>
      %xor3A_861 = arith.xori %iota3A_837, %xor3A_860 : vector<16xi32>
      %broadcast_in_dim3A_862 = vector.shape_cast %xor3A_861 : vector<16xi32> to vector<16x1xi32>
      %gather3A_863 = vector.shape_cast %broadcast_in_dim3A_862 : vector<16x1xi32> to vector<16xi32>
      %gather3A_864 = tpu.dynamic_gather %add3A_858[%gather3A_863] in [0] : vector<16xf32>, vector<16xi32> -> vector<16xf32>
      %add3A_865 = arith.addf %add3A_858, %gather3A_864 : vector<16xf32>
      %iota3A_866 = tpu.iota {dimensions = array<i32: 0>} : vector<16xi32>
      %xor3A_867 = arith.constant 8 : i32
      %xor3A_868 = vector.broadcast %xor3A_867 : i32 to vector<16xi32>
      %xor3A_869 = arith.xori %iota3A_866, %xor3A_868 : vector<16xi32>
      %broadcast_in_dim3A_870 = vector.shape_cast %xor3A_869 : vector<16xi32> to vector<16x1xi32>
      %gather3A_871 = vector.shape_cast %broadcast_in_dim3A_870 : vector<16x1xi32> to vector<16xi32>
      %gather3A_872 = tpu.dynamic_gather %scan3A_112#21[%gather3A_871] in [0] : vector<16xf32>, vector<16xi32> -> vector<16xf32>
      %add3A_873 = arith.addf %scan3A_112#21, %gather3A_872 : vector<16xf32>
      %xor3A_874 = arith.constant 4 : i32
      %xor3A_875 = vector.broadcast %xor3A_874 : i32 to vector<16xi32>
      %xor3A_876 = arith.xori %iota3A_866, %xor3A_875 : vector<16xi32>
      %broadcast_in_dim3A_877 = vector.shape_cast %xor3A_876 : vector<16xi32> to vector<16x1xi32>
      %gather3A_878 = vector.shape_cast %broadcast_in_dim3A_877 : vector<16x1xi32> to vector<16xi32>
      %gather3A_879 = tpu.dynamic_gather %add3A_873[%gather3A_878] in [0] : vector<16xf32>, vector<16xi32> -> vector<16xf32>
      %add3A_880 = arith.addf %add3A_873, %gather3A_879 : vector<16xf32>
      %xor3A_881 = arith.constant 2 : i32
      %xor3A_882 = vector.broadcast %xor3A_881 : i32 to vector<16xi32>
      %xor3A_883 = arith.xori %iota3A_866, %xor3A_882 : vector<16xi32>
      %broadcast_in_dim3A_884 = vector.shape_cast %xor3A_883 : vector<16xi32> to vector<16x1xi32>
      %gather3A_885 = vector.shape_cast %broadcast_in_dim3A_884 : vector<16x1xi32> to vector<16xi32>
      %gather3A_886 = tpu.dynamic_gather %add3A_880[%gather3A_885] in [0] : vector<16xf32>, vector<16xi32> -> vector<16xf32>
      %add3A_887 = arith.addf %add3A_880, %gather3A_886 : vector<16xf32>
      %xor3A_888 = arith.constant 1 : i32
      %xor3A_889 = vector.broadcast %xor3A_888 : i32 to vector<16xi32>
      %xor3A_890 = arith.xori %iota3A_866, %xor3A_889 : vector<16xi32>
      %broadcast_in_dim3A_891 = vector.shape_cast %xor3A_890 : vector<16xi32> to vector<16x1xi32>
      %gather3A_892 = vector.shape_cast %broadcast_in_dim3A_891 : vector<16x1xi32> to vector<16xi32>
      %gather3A_893 = tpu.dynamic_gather %add3A_887[%gather3A_892] in [0] : vector<16xf32>, vector<16xi32> -> vector<16xf32>
      %add3A_894 = arith.addf %add3A_887, %gather3A_893 : vector<16xf32>
      %iota3A_895 = tpu.iota {dimensions = array<i32: 0>} : vector<16xi32>
      %xor3A_896 = arith.constant 8 : i32
      %xor3A_897 = vector.broadcast %xor3A_896 : i32 to vector<16xi32>
      %xor3A_898 = arith.xori %iota3A_895, %xor3A_897 : vector<16xi32>
      %broadcast_in_dim3A_899 = vector.shape_cast %xor3A_898 : vector<16xi32> to vector<16x1xi32>
      %gather3A_900 = vector.shape_cast %broadcast_in_dim3A_899 : vector<16x1xi32> to vector<16xi32>
      %gather3A_901 = tpu.dynamic_gather %scan3A_112#23[%gather3A_900] in [0] : vector<16xf32>, vector<16xi32> -> vector<16xf32>
      %add3A_902 = arith.addf %scan3A_112#23, %gather3A_901 : vector<16xf32>
      %xor3A_903 = arith.constant 4 : i32
      %xor3A_904 = vector.broadcast %xor3A_903 : i32 to vector<16xi32>
      %xor3A_905 = arith.xori %iota3A_895, %xor3A_904 : vector<16xi32>
      %broadcast_in_dim3A_906 = vector.shape_cast %xor3A_905 : vector<16xi32> to vector<16x1xi32>
      %gather3A_907 = vector.shape_cast %broadcast_in_dim3A_906 : vector<16x1xi32> to vector<16xi32>
      %gather3A_908 = tpu.dynamic_gather %add3A_902[%gather3A_907] in [0] : vector<16xf32>, vector<16xi32> -> vector<16xf32>
      %add3A_909 = arith.addf %add3A_902, %gather3A_908 : vector<16xf32>
      %xor3A_910 = arith.constant 2 : i32
      %xor3A_911 = vector.broadcast %xor3A_910 : i32 to vector<16xi32>
      %xor3A_912 = arith.xori %iota3A_895, %xor3A_911 : vector<16xi32>
      %broadcast_in_dim3A_913 = vector.shape_cast %xor3A_912 : vector<16xi32> to vector<16x1xi32>
      %gather3A_914 = vector.shape_cast %broadcast_in_dim3A_913 : vector<16x1xi32> to vector<16xi32>
      %gather3A_915 = tpu.dynamic_gather %add3A_909[%gather3A_914] in [0] : vector<16xf32>, vector<16xi32> -> vector<16xf32>
      %add3A_916 = arith.addf %add3A_909, %gather3A_915 : vector<16xf32>
      %xor3A_917 = arith.constant 1 : i32
      %xor3A_918 = vector.broadcast %xor3A_917 : i32 to vector<16xi32>
      %xor3A_919 = arith.xori %iota3A_895, %xor3A_918 : vector<16xi32>
      %broadcast_in_dim3A_920 = vector.shape_cast %xor3A_919 : vector<16xi32> to vector<16x1xi32>
      %gather3A_921 = vector.shape_cast %broadcast_in_dim3A_920 : vector<16x1xi32> to vector<16xi32>
      %gather3A_922 = tpu.dynamic_gather %add3A_916[%gather3A_921] in [0] : vector<16xf32>, vector<16xi32> -> vector<16xf32>
      %add3A_923 = arith.addf %add3A_916, %gather3A_922 : vector<16xf32>
      %iota3A_924 = tpu.iota {dimensions = array<i32: 0>} : vector<16xi32>
      %xor3A_925 = arith.constant 8 : i32
      %xor3A_926 = vector.broadcast %xor3A_925 : i32 to vector<16xi32>
      %xor3A_927 = arith.xori %iota3A_924, %xor3A_926 : vector<16xi32>
      %broadcast_in_dim3A_928 = vector.shape_cast %xor3A_927 : vector<16xi32> to vector<16x1xi32>
      %gather3A_929 = vector.shape_cast %broadcast_in_dim3A_928 : vector<16x1xi32> to vector<16xi32>
      %gather3A_930 = tpu.dynamic_gather %scan3A_112#25[%gather3A_929] in [0] : vector<16xf32>, vector<16xi32> -> vector<16xf32>
      %add3A_931 = arith.addf %scan3A_112#25, %gather3A_930 : vector<16xf32>
      %xor3A_932 = arith.constant 4 : i32
      %xor3A_933 = vector.broadcast %xor3A_932 : i32 to vector<16xi32>
      %xor3A_934 = arith.xori %iota3A_924, %xor3A_933 : vector<16xi32>
      %broadcast_in_dim3A_935 = vector.shape_cast %xor3A_934 : vector<16xi32> to vector<16x1xi32>
      %gather3A_936 = vector.shape_cast %broadcast_in_dim3A_935 : vector<16x1xi32> to vector<16xi32>
      %gather3A_937 = tpu.dynamic_gather %add3A_931[%gather3A_936] in [0] : vector<16xf32>, vector<16xi32> -> vector<16xf32>
      %add3A_938 = arith.addf %add3A_931, %gather3A_937 : vector<16xf32>
      %xor3A_939 = arith.constant 2 : i32
      %xor3A_940 = vector.broadcast %xor3A_939 : i32 to vector<16xi32>
      %xor3A_941 = arith.xori %iota3A_924, %xor3A_940 : vector<16xi32>
      %broadcast_in_dim3A_942 = vector.shape_cast %xor3A_941 : vector<16xi32> to vector<16x1xi32>
      %gather3A_943 = vector.shape_cast %broadcast_in_dim3A_942 : vector<16x1xi32> to vector<16xi32>
      %gather3A_944 = tpu.dynamic_gather %add3A_938[%gather3A_943] in [0] : vector<16xf32>, vector<16xi32> -> vector<16xf32>
      %add3A_945 = arith.addf %add3A_938, %gather3A_944 : vector<16xf32>
      %xor3A_946 = arith.constant 1 : i32
      %xor3A_947 = vector.broadcast %xor3A_946 : i32 to vector<16xi32>
      %xor3A_948 = arith.xori %iota3A_924, %xor3A_947 : vector<16xi32>
      %broadcast_in_dim3A_949 = vector.shape_cast %xor3A_948 : vector<16xi32> to vector<16x1xi32>
      %gather3A_950 = vector.shape_cast %broadcast_in_dim3A_949 : vector<16x1xi32> to vector<16xi32>
      %gather3A_951 = tpu.dynamic_gather %add3A_945[%gather3A_950] in [0] : vector<16xf32>, vector<16xi32> -> vector<16xf32>
      %add3A_952 = arith.addf %add3A_945, %gather3A_951 : vector<16xf32>
      %iota3A_953 = tpu.iota {dimensions = array<i32: 0>} : vector<16xi32>
      %xor3A_954 = arith.constant 8 : i32
      %xor3A_955 = vector.broadcast %xor3A_954 : i32 to vector<16xi32>
      %xor3A_956 = arith.xori %iota3A_953, %xor3A_955 : vector<16xi32>
      %broadcast_in_dim3A_957 = vector.shape_cast %xor3A_956 : vector<16xi32> to vector<16x1xi32>
      %gather3A_958 = vector.shape_cast %broadcast_in_dim3A_957 : vector<16x1xi32> to vector<16xi32>
      %gather3A_959 = tpu.dynamic_gather %scan3A_112#27[%gather3A_958] in [0] : vector<16xf32>, vector<16xi32> -> vector<16xf32>
      %add3A_960 = arith.addf %scan3A_112#27, %gather3A_959 : vector<16xf32>
      %xor3A_961 = arith.constant 4 : i32
      %xor3A_962 = vector.broadcast %xor3A_961 : i32 to vector<16xi32>
      %xor3A_963 = arith.xori %iota3A_953, %xor3A_962 : vector<16xi32>
      %broadcast_in_dim3A_964 = vector.shape_cast %xor3A_963 : vector<16xi32> to vector<16x1xi32>
      %gather3A_965 = vector.shape_cast %broadcast_in_dim3A_964 : vector<16x1xi32> to vector<16xi32>
      %gather3A_966 = tpu.dynamic_gather %add3A_960[%gather3A_965] in [0] : vector<16xf32>, vector<16xi32> -> vector<16xf32>
      %add3A_967 = arith.addf %add3A_960, %gather3A_966 : vector<16xf32>
      %xor3A_968 = arith.constant 2 : i32
      %xor3A_969 = vector.broadcast %xor3A_968 : i32 to vector<16xi32>
      %xor3A_970 = arith.xori %iota3A_953, %xor3A_969 : vector<16xi32>
      %broadcast_in_dim3A_971 = vector.shape_cast %xor3A_970 : vector<16xi32> to vector<16x1xi32>
      %gather3A_972 = vector.shape_cast %broadcast_in_dim3A_971 : vector<16x1xi32> to vector<16xi32>
      %gather3A_973 = tpu.dynamic_gather %add3A_967[%gather3A_972] in [0] : vector<16xf32>, vector<16xi32> -> vector<16xf32>
      %add3A_974 = arith.addf %add3A_967, %gather3A_973 : vector<16xf32>
      %xor3A_975 = arith.constant 1 : i32
      %xor3A_976 = vector.broadcast %xor3A_975 : i32 to vector<16xi32>
      %xor3A_977 = arith.xori %iota3A_953, %xor3A_976 : vector<16xi32>
      %broadcast_in_dim3A_978 = vector.shape_cast %xor3A_977 : vector<16xi32> to vector<16x1xi32>
      %gather3A_979 = vector.shape_cast %broadcast_in_dim3A_978 : vector<16x1xi32> to vector<16xi32>
      %gather3A_980 = tpu.dynamic_gather %add3A_974[%gather3A_979] in [0] : vector<16xf32>, vector<16xi32> -> vector<16xf32>
      %add3A_981 = arith.addf %add3A_974, %gather3A_980 : vector<16xf32>
      %iota3A_982 = tpu.iota {dimensions = array<i32: 0>} : vector<16xi32>
      %xor3A_983 = arith.constant 8 : i32
      %xor3A_984 = vector.broadcast %xor3A_983 : i32 to vector<16xi32>
      %xor3A_985 = arith.xori %iota3A_982, %xor3A_984 : vector<16xi32>
      %broadcast_in_dim3A_986 = vector.shape_cast %xor3A_985 : vector<16xi32> to vector<16x1xi32>
      %gather3A_987 = vector.shape_cast %broadcast_in_dim3A_986 : vector<16x1xi32> to vector<16xi32>
      %gather3A_988 = tpu.dynamic_gather %scan3A_112#29[%gather3A_987] in [0] : vector<16xf32>, vector<16xi32> -> vector<16xf32>
      %add3A_989 = arith.addf %scan3A_112#29, %gather3A_988 : vector<16xf32>
      %xor3A_990 = arith.constant 4 : i32
      %xor3A_991 = vector.broadcast %xor3A_990 : i32 to vector<16xi32>
      %xor3A_992 = arith.xori %iota3A_982, %xor3A_991 : vector<16xi32>
      %broadcast_in_dim3A_993 = vector.shape_cast %xor3A_992 : vector<16xi32> to vector<16x1xi32>
      %gather3A_994 = vector.shape_cast %broadcast_in_dim3A_993 : vector<16x1xi32> to vector<16xi32>
      %gather3A_995 = tpu.dynamic_gather %add3A_989[%gather3A_994] in [0] : vector<16xf32>, vector<16xi32> -> vector<16xf32>
      %add3A_996 = arith.addf %add3A_989, %gather3A_995 : vector<16xf32>
      %xor3A_997 = arith.constant 2 : i32
      %xor3A_998 = vector.broadcast %xor3A_997 : i32 to vector<16xi32>
      %xor3A_999 = arith.xori %iota3A_982, %xor3A_998 : vector<16xi32>
      %broadcast_in_dim3A_1000 = vector.shape_cast %xor3A_999 : vector<16xi32> to vector<16x1xi32>
      %gather3A_1001 = vector.shape_cast %broadcast_in_dim3A_1000 : vector<16x1xi32> to vector<16xi32>
      %gather3A_1002 = tpu.dynamic_gather %add3A_996[%gather3A_1001] in [0] : vector<16xf32>, vector<16xi32> -> vector<16xf32>
      %add3A_1003 = arith.addf %add3A_996, %gather3A_1002 : vector<16xf32>
      %xor3A_1004 = arith.constant 1 : i32
      %xor3A_1005 = vector.broadcast %xor3A_1004 : i32 to vector<16xi32>
      %xor3A_1006 = arith.xori %iota3A_982, %xor3A_1005 : vector<16xi32>
      %broadcast_in_dim3A_1007 = vector.shape_cast %xor3A_1006 : vector<16xi32> to vector<16x1xi32>
      %gather3A_1008 = vector.shape_cast %broadcast_in_dim3A_1007 : vector<16x1xi32> to vector<16xi32>
      %gather3A_1009 = tpu.dynamic_gather %add3A_1003[%gather3A_1008] in [0] : vector<16xf32>, vector<16xi32> -> vector<16xf32>
      %add3A_1010 = arith.addf %add3A_1003, %gather3A_1009 : vector<16xf32>
      %iota3A_1011 = tpu.iota {dimensions = array<i32: 0>} : vector<16xi32>
      %xor3A_1012 = arith.constant 8 : i32
      %xor3A_1013 = vector.broadcast %xor3A_1012 : i32 to vector<16xi32>
      %xor3A_1014 = arith.xori %iota3A_1011, %xor3A_1013 : vector<16xi32>
      %broadcast_in_dim3A_1015 = vector.shape_cast %xor3A_1014 : vector<16xi32> to vector<16x1xi32>
      %gather3A_1016 = vector.shape_cast %broadcast_in_dim3A_1015 : vector<16x1xi32> to vector<16xi32>
      %gather3A_1017 = tpu.dynamic_gather %scan3A_112#31[%gather3A_1016] in [0] : vector<16xf32>, vector<16xi32> -> vector<16xf32>
      %add3A_1018 = arith.addf %scan3A_112#31, %gather3A_1017 : vector<16xf32>
      %xor3A_1019 = arith.constant 4 : i32
      %xor3A_1020 = vector.broadcast %xor3A_1019 : i32 to vector<16xi32>
      %xor3A_1021 = arith.xori %iota3A_1011, %xor3A_1020 : vector<16xi32>
      %broadcast_in_dim3A_1022 = vector.shape_cast %xor3A_1021 : vector<16xi32> to vector<16x1xi32>
      %gather3A_1023 = vector.shape_cast %broadcast_in_dim3A_1022 : vector<16x1xi32> to vector<16xi32>
      %gather3A_1024 = tpu.dynamic_gather %add3A_1018[%gather3A_1023] in [0] : vector<16xf32>, vector<16xi32> -> vector<16xf32>
      %add3A_1025 = arith.addf %add3A_1018, %gather3A_1024 : vector<16xf32>
      %xor3A_1026 = arith.constant 2 : i32
      %xor3A_1027 = vector.broadcast %xor3A_1026 : i32 to vector<16xi32>
      %xor3A_1028 = arith.xori %iota3A_1011, %xor3A_1027 : vector<16xi32>
      %broadcast_in_dim3A_1029 = vector.shape_cast %xor3A_1028 : vector<16xi32> to vector<16x1xi32>
      %gather3A_1030 = vector.shape_cast %broadcast_in_dim3A_1029 : vector<16x1xi32> to vector<16xi32>
      %gather3A_1031 = tpu.dynamic_gather %add3A_1025[%gather3A_1030] in [0] : vector<16xf32>, vector<16xi32> -> vector<16xf32>
      %add3A_1032 = arith.addf %add3A_1025, %gather3A_1031 : vector<16xf32>
      %xor3A_1033 = arith.constant 1 : i32
      %xor3A_1034 = vector.broadcast %xor3A_1033 : i32 to vector<16xi32>
      %xor3A_1035 = arith.xori %iota3A_1011, %xor3A_1034 : vector<16xi32>
      %broadcast_in_dim3A_1036 = vector.shape_cast %xor3A_1035 : vector<16xi32> to vector<16x1xi32>
      %gather3A_1037 = vector.shape_cast %broadcast_in_dim3A_1036 : vector<16x1xi32> to vector<16xi32>
      %gather3A_1038 = tpu.dynamic_gather %add3A_1032[%gather3A_1037] in [0] : vector<16xf32>, vector<16xi32> -> vector<16xf32>
      %add3A_1039 = arith.addf %add3A_1032, %gather3A_1038 : vector<16xf32>
      %add3A_1040 = arith.constant 3 : i32
      %add3A_1041 = arith.addi %add3A_38, %add3A_1040 : i32
      %lt3A = arith.constant 15 : i32
      %lt3A_1042 = arith.cmpi slt, %add3A_1041, %lt3A : i32
      %convert_element_type3A = arith.extui %lt3A_1042 : i1 to i32
      %cond3A = arith.constant 0 : i32
      %cond3A_1043 = arith.cmpi ne, %convert_element_type3A, %cond3A : i32
      scf.if %cond3A_1043 {
        %mul3A_3354 = arith.constant 16 : i32
        %mul3A_3355 = arith.muli %add3A_1041, %mul3A_3354 : i32
        %add3A_3356 = arith.addi %add3A_4, %mul3A_3355 : i32
        %dma_start3A_3357 = arith.constant 0 : i32
        %dma_start3A_3358 = tpu.memref_slice %arg3[%add3A_3356, %dma_start3A_3357] : memref<16384x2048xf32, #tpu.memory_space<hbm>> -> memref<16x2048xf32, #tpu.memory_space<hbm>>
        %dma_start3A_3359 = arith.constant 0 : i32
        %dma_start3A_3360 = tpu.memref_slice %arg3[%add3A_3356, %dma_start3A_3359] : memref<16384x2048xf32, #tpu.memory_space<hbm>> -> memref<16x2048xf32, #tpu.memory_space<hbm>>
        tpu.enqueue_dma source(%dma_start3A_3360 : memref<16x2048xf32, #tpu.memory_space<hbm>>) target(%arg7 : memref<16x2048xf32, #tpu.memory_space<vmem>>) target_semaphore(%arg13 : memref<!tpu.dma_semaphore, #tpu.memory_space<semaphore_mem>>)
      } else {
      }
      %mul3A_1044 = arith.constant 3 : i32
      %mul3A_1045 = arith.muli %scan3A_33, %mul3A_1044 : i32
      %add3A_1046 = arith.constant 1 : i32
      %add3A_1047 = arith.addi %mul3A_1045, %add3A_1046 : i32
      %dma_wait3A_1048 = arith.constant 0 : i32
      %dma_wait3A_1049 = arith.constant 0 : i32
      %dma_wait3A_1050 = tpu.memref_slice %arg3[%dma_wait3A_1048, %dma_wait3A_1049] : memref<16384x2048xf32, #tpu.memory_space<hbm>> -> memref<16x2048xf32, #tpu.memory_space<hbm>>
      %dma_wait3A_1051 = arith.constant 0 : i32
      %dma_wait3A_1052 = arith.constant 0 : i32
      %dma_wait3A_1053 = tpu.memref_slice %arg3[%dma_wait3A_1051, %dma_wait3A_1052] : memref<16384x2048xf32, #tpu.memory_space<hbm>> -> memref<16x2048xf32, #tpu.memory_space<hbm>>
      tpu.wait_dma2 semaphore(%arg14 : memref<!tpu.dma_semaphore, #tpu.memory_space<semaphore_mem>>) src(%dma_wait3A_1053 : memref<16x2048xf32, #tpu.memory_space<hbm>>) dst(%arg8 : memref<16x2048xf32, #tpu.memory_space<vmem>>)
      %broadcast_in_dim3A_1054 = arith.constant 0.000000e+00 : f32
      %broadcast_in_dim3A_1055 = vector.broadcast %broadcast_in_dim3A_1054 : f32 to vector<16xf32>
      %broadcast_in_dim3A_1056 = arith.constant 0.000000e+00 : f32
      %broadcast_in_dim3A_1057 = vector.broadcast %broadcast_in_dim3A_1056 : f32 to vector<16xf32>
      %broadcast_in_dim3A_1058 = arith.constant 0.000000e+00 : f32
      %broadcast_in_dim3A_1059 = vector.broadcast %broadcast_in_dim3A_1058 : f32 to vector<16xf32>
      %broadcast_in_dim3A_1060 = arith.constant 0.000000e+00 : f32
      %broadcast_in_dim3A_1061 = vector.broadcast %broadcast_in_dim3A_1060 : f32 to vector<16xf32>
      %broadcast_in_dim3A_1062 = arith.constant 0.000000e+00 : f32
      %broadcast_in_dim3A_1063 = vector.broadcast %broadcast_in_dim3A_1062 : f32 to vector<16xf32>
      %broadcast_in_dim3A_1064 = arith.constant 0.000000e+00 : f32
      %broadcast_in_dim3A_1065 = vector.broadcast %broadcast_in_dim3A_1064 : f32 to vector<16xf32>
      %broadcast_in_dim3A_1066 = arith.constant 0.000000e+00 : f32
      %broadcast_in_dim3A_1067 = vector.broadcast %broadcast_in_dim3A_1066 : f32 to vector<16xf32>
      %broadcast_in_dim3A_1068 = arith.constant 0.000000e+00 : f32
      %broadcast_in_dim3A_1069 = vector.broadcast %broadcast_in_dim3A_1068 : f32 to vector<16xf32>
      %broadcast_in_dim3A_1070 = arith.constant 0.000000e+00 : f32
      %broadcast_in_dim3A_1071 = vector.broadcast %broadcast_in_dim3A_1070 : f32 to vector<16xf32>
      %broadcast_in_dim3A_1072 = arith.constant 0.000000e+00 : f32
      %broadcast_in_dim3A_1073 = vector.broadcast %broadcast_in_dim3A_1072 : f32 to vector<16xf32>
      %broadcast_in_dim3A_1074 = arith.constant 0.000000e+00 : f32
      %broadcast_in_dim3A_1075 = vector.broadcast %broadcast_in_dim3A_1074 : f32 to vector<16xf32>
      %broadcast_in_dim3A_1076 = arith.constant 0.000000e+00 : f32
      %broadcast_in_dim3A_1077 = vector.broadcast %broadcast_in_dim3A_1076 : f32 to vector<16xf32>
      %broadcast_in_dim3A_1078 = arith.constant 0.000000e+00 : f32
      %broadcast_in_dim3A_1079 = vector.broadcast %broadcast_in_dim3A_1078 : f32 to vector<16xf32>
      %broadcast_in_dim3A_1080 = arith.constant 0.000000e+00 : f32
      %broadcast_in_dim3A_1081 = vector.broadcast %broadcast_in_dim3A_1080 : f32 to vector<16xf32>
      %broadcast_in_dim3A_1082 = arith.constant 0.000000e+00 : f32
      %broadcast_in_dim3A_1083 = vector.broadcast %broadcast_in_dim3A_1082 : f32 to vector<16xf32>
      %broadcast_in_dim3A_1084 = arith.constant 0.000000e+00 : f32
      %broadcast_in_dim3A_1085 = vector.broadcast %broadcast_in_dim3A_1084 : f32 to vector<16xf32>
      %broadcast_in_dim3A_1086 = arith.constant 0.000000e+00 : f32
      %broadcast_in_dim3A_1087 = vector.broadcast %broadcast_in_dim3A_1086 : f32 to vector<16xf32>
      %broadcast_in_dim3A_1088 = arith.constant 0.000000e+00 : f32
      %broadcast_in_dim3A_1089 = vector.broadcast %broadcast_in_dim3A_1088 : f32 to vector<16xf32>
      %broadcast_in_dim3A_1090 = arith.constant 0.000000e+00 : f32
      %broadcast_in_dim3A_1091 = vector.broadcast %broadcast_in_dim3A_1090 : f32 to vector<16xf32>
      %broadcast_in_dim3A_1092 = arith.constant 0.000000e+00 : f32
      %broadcast_in_dim3A_1093 = vector.broadcast %broadcast_in_dim3A_1092 : f32 to vector<16xf32>
      %broadcast_in_dim3A_1094 = arith.constant 0.000000e+00 : f32
      %broadcast_in_dim3A_1095 = vector.broadcast %broadcast_in_dim3A_1094 : f32 to vector<16xf32>
      %broadcast_in_dim3A_1096 = arith.constant 0.000000e+00 : f32
      %broadcast_in_dim3A_1097 = vector.broadcast %broadcast_in_dim3A_1096 : f32 to vector<16xf32>
      %broadcast_in_dim3A_1098 = arith.constant 0.000000e+00 : f32
      %broadcast_in_dim3A_1099 = vector.broadcast %broadcast_in_dim3A_1098 : f32 to vector<16xf32>
      %broadcast_in_dim3A_1100 = arith.constant 0.000000e+00 : f32
      %broadcast_in_dim3A_1101 = vector.broadcast %broadcast_in_dim3A_1100 : f32 to vector<16xf32>
      %broadcast_in_dim3A_1102 = arith.constant 0.000000e+00 : f32
      %broadcast_in_dim3A_1103 = vector.broadcast %broadcast_in_dim3A_1102 : f32 to vector<16xf32>
      %broadcast_in_dim3A_1104 = arith.constant 0.000000e+00 : f32
      %broadcast_in_dim3A_1105 = vector.broadcast %broadcast_in_dim3A_1104 : f32 to vector<16xf32>
      %broadcast_in_dim3A_1106 = arith.constant 0.000000e+00 : f32
      %broadcast_in_dim3A_1107 = vector.broadcast %broadcast_in_dim3A_1106 : f32 to vector<16xf32>
      %broadcast_in_dim3A_1108 = arith.constant 0.000000e+00 : f32
      %broadcast_in_dim3A_1109 = vector.broadcast %broadcast_in_dim3A_1108 : f32 to vector<16xf32>
      %broadcast_in_dim3A_1110 = arith.constant 0.000000e+00 : f32
      %broadcast_in_dim3A_1111 = vector.broadcast %broadcast_in_dim3A_1110 : f32 to vector<16xf32>
      %broadcast_in_dim3A_1112 = arith.constant 0.000000e+00 : f32
      %broadcast_in_dim3A_1113 = vector.broadcast %broadcast_in_dim3A_1112 : f32 to vector<16xf32>
      %broadcast_in_dim3A_1114 = arith.constant 0.000000e+00 : f32
      %broadcast_in_dim3A_1115 = vector.broadcast %broadcast_in_dim3A_1114 : f32 to vector<16xf32>
      %broadcast_in_dim3A_1116 = arith.constant 0.000000e+00 : f32
      %broadcast_in_dim3A_1117 = vector.broadcast %broadcast_in_dim3A_1116 : f32 to vector<16xf32>
      %scan3A_1118 = arith.constant 0 : i32
      %scan3A_1119 = arith.constant 128 : i32
      %scan3A_1120 = arith.addi %scan3A_1118, %scan3A_1119 : i32
      %scan3A_1121 = arith.constant 1 : i32
      %scan3A_1122:32 = scf.for %scan3A_3354 = %scan3A_1118 to %scan3A_1120 step %scan3A_1121 iter_args(%scan3A_3355 = %broadcast_in_dim3A_1055, %scan3A_3356 = %broadcast_in_dim3A_1057, %scan3A_3357 = %broadcast_in_dim3A_1059, %scan3A_3358 = %broadcast_in_dim3A_1061, %scan3A_3359 = %broadcast_in_dim3A_1063, %scan3A_3360 = %broadcast_in_dim3A_1065, %scan3A_3361 = %broadcast_in_dim3A_1067, %scan3A_3362 = %broadcast_in_dim3A_1069, %scan3A_3363 = %broadcast_in_dim3A_1071, %scan3A_3364 = %broadcast_in_dim3A_1073, %scan3A_3365 = %broadcast_in_dim3A_1075, %scan3A_3366 = %broadcast_in_dim3A_1077, %scan3A_3367 = %broadcast_in_dim3A_1079, %scan3A_3368 = %broadcast_in_dim3A_1081, %scan3A_3369 = %broadcast_in_dim3A_1083, %scan3A_3370 = %broadcast_in_dim3A_1085, %scan3A_3371 = %broadcast_in_dim3A_1087, %scan3A_3372 = %broadcast_in_dim3A_1089, %scan3A_3373 = %broadcast_in_dim3A_1091, %scan3A_3374 = %broadcast_in_dim3A_1093, %scan3A_3375 = %broadcast_in_dim3A_1095, %scan3A_3376 = %broadcast_in_dim3A_1097, %scan3A_3377 = %broadcast_in_dim3A_1099, %scan3A_3378 = %broadcast_in_dim3A_1101, %scan3A_3379 = %broadcast_in_dim3A_1103, %scan3A_3380 = %broadcast_in_dim3A_1105, %scan3A_3381 = %broadcast_in_dim3A_1107, %scan3A_3382 = %broadcast_in_dim3A_1109, %scan3A_3383 = %broadcast_in_dim3A_1111, %scan3A_3384 = %broadcast_in_dim3A_1113, %scan3A_3385 = %broadcast_in_dim3A_1115, %scan3A_3386 = %broadcast_in_dim3A_1117) -> (vector<16xf32>, vector<16xf32>, vector<16xf32>, vector<16xf32>, vector<16xf32>, vector<16xf32>, vector<16xf32>, vector<16xf32>, vector<16xf32>, vector<16xf32>, vector<16xf32>, vector<16xf32>, vector<16xf32>, vector<16xf32>, vector<16xf32>, vector<16xf32>, vector<16xf32>, vector<16xf32>, vector<16xf32>, vector<16xf32>, vector<16xf32>, vector<16xf32>, vector<16xf32>, vector<16xf32>, vector<16xf32>, vector<16xf32>, vector<16xf32>, vector<16xf32>, vector<16xf32>, vector<16xf32>, vector<16xf32>, vector<16xf32>)  : i32 {
        %mul3A_3387 = arith.constant 16 : i32
        %mul3A_3388 = arith.muli %scan3A_3354, %mul3A_3387 : i32
        %get3A = arith.index_cast %mul3A_3388 : i32 to index
        %get3A_3389 = tpu.vector_load %arg6[%get3A] {strides = array<i32>} : memref<2048xf32, #tpu.memory_space<vmem>>, vector<16xf32>,
        %get3A_3390 = vector.shape_cast %get3A_3389 : vector<16xf32> to vector<16xf32>
        %mul3A_3391 = arith.constant 16 : i32
        %mul3A_3392 = arith.muli %scan3A_3354, %mul3A_3391 : i32
        %get3A_3393 = arith.constant 0 : i32
        %get3A_3394 = arith.index_cast %get3A_3393 : i32 to index
        %get3A_3395 = arith.index_cast %mul3A_3392 : i32 to index
        %get3A_3396 = tpu.vector_load %arg8[%get3A_3394, %get3A_3395] {strides = array<i32>} : memref<16x2048xf32, #tpu.memory_space<vmem>>, vector<1x16xf32>,
        %get3A_3397 = vector.shape_cast %get3A_3396 : vector<1x16xf32> to vector<16xf32>
        %mul3A_3398 = arith.mulf %get3A_3397, %get3A_3390 : vector<16xf32>
        %add3A_3399 = arith.addf %scan3A_3355, %mul3A_3398 : vector<16xf32>
        %mul3A_3400 = arith.mulf %get3A_3397, %get3A_3397 : vector<16xf32>
        %add3A_3401 = arith.addf %scan3A_3356, %mul3A_3400 : vector<16xf32>
        %mul3A_3402 = arith.constant 16 : i32
        %mul3A_3403 = arith.muli %scan3A_3354, %mul3A_3402 : i32
        %get3A_3404 = arith.constant 1 : i32
        %get3A_3405 = arith.index_cast %get3A_3404 : i32 to index
        %get3A_3406 = arith.index_cast %mul3A_3403 : i32 to index
        %get3A_3407 = tpu.vector_load %arg8[%get3A_3405, %get3A_3406] {strides = array<i32>} : memref<16x2048xf32, #tpu.memory_space<vmem>>, vector<1x16xf32>,
        %get3A_3408 = vector.shape_cast %get3A_3407 : vector<1x16xf32> to vector<16xf32>
        %mul3A_3409 = arith.mulf %get3A_3408, %get3A_3390 : vector<16xf32>
        %add3A_3410 = arith.addf %scan3A_3357, %mul3A_3409 : vector<16xf32>
        %mul3A_3411 = arith.mulf %get3A_3408, %get3A_3408 : vector<16xf32>
        %add3A_3412 = arith.addf %scan3A_3358, %mul3A_3411 : vector<16xf32>
        %mul3A_3413 = arith.constant 16 : i32
        %mul3A_3414 = arith.muli %scan3A_3354, %mul3A_3413 : i32
        %get3A_3415 = arith.constant 2 : i32
        %get3A_3416 = arith.index_cast %get3A_3415 : i32 to index
        %get3A_3417 = arith.index_cast %mul3A_3414 : i32 to index
        %get3A_3418 = tpu.vector_load %arg8[%get3A_3416, %get3A_3417] {strides = array<i32>} : memref<16x2048xf32, #tpu.memory_space<vmem>>, vector<1x16xf32>,
        %get3A_3419 = vector.shape_cast %get3A_3418 : vector<1x16xf32> to vector<16xf32>
        %mul3A_3420 = arith.mulf %get3A_3419, %get3A_3390 : vector<16xf32>
        %add3A_3421 = arith.addf %scan3A_3359, %mul3A_3420 : vector<16xf32>
        %mul3A_3422 = arith.mulf %get3A_3419, %get3A_3419 : vector<16xf32>
        %add3A_3423 = arith.addf %scan3A_3360, %mul3A_3422 : vector<16xf32>
        %mul3A_3424 = arith.constant 16 : i32
        %mul3A_3425 = arith.muli %scan3A_3354, %mul3A_3424 : i32
        %get3A_3426 = arith.constant 3 : i32
        %get3A_3427 = arith.index_cast %get3A_3426 : i32 to index
        %get3A_3428 = arith.index_cast %mul3A_3425 : i32 to index
        %get3A_3429 = tpu.vector_load %arg8[%get3A_3427, %get3A_3428] {strides = array<i32>} : memref<16x2048xf32, #tpu.memory_space<vmem>>, vector<1x16xf32>,
        %get3A_3430 = vector.shape_cast %get3A_3429 : vector<1x16xf32> to vector<16xf32>
        %mul3A_3431 = arith.mulf %get3A_3430, %get3A_3390 : vector<16xf32>
        %add3A_3432 = arith.addf %scan3A_3361, %mul3A_3431 : vector<16xf32>
        %mul3A_3433 = arith.mulf %get3A_3430, %get3A_3430 : vector<16xf32>
        %add3A_3434 = arith.addf %scan3A_3362, %mul3A_3433 : vector<16xf32>
        %mul3A_3435 = arith.constant 16 : i32
        %mul3A_3436 = arith.muli %scan3A_3354, %mul3A_3435 : i32
        %get3A_3437 = arith.constant 4 : i32
        %get3A_3438 = arith.index_cast %get3A_3437 : i32 to index
        %get3A_3439 = arith.index_cast %mul3A_3436 : i32 to index
        %get3A_3440 = tpu.vector_load %arg8[%get3A_3438, %get3A_3439] {strides = array<i32>} : memref<16x2048xf32, #tpu.memory_space<vmem>>, vector<1x16xf32>,
        %get3A_3441 = vector.shape_cast %get3A_3440 : vector<1x16xf32> to vector<16xf32>
        %mul3A_3442 = arith.mulf %get3A_3441, %get3A_3390 : vector<16xf32>
        %add3A_3443 = arith.addf %scan3A_3363, %mul3A_3442 : vector<16xf32>
        %mul3A_3444 = arith.mulf %get3A_3441, %get3A_3441 : vector<16xf32>
        %add3A_3445 = arith.addf %scan3A_3364, %mul3A_3444 : vector<16xf32>
        %mul3A_3446 = arith.constant 16 : i32
        %mul3A_3447 = arith.muli %scan3A_3354, %mul3A_3446 : i32
        %get3A_3448 = arith.constant 5 : i32
        %get3A_3449 = arith.index_cast %get3A_3448 : i32 to index
        %get3A_3450 = arith.index_cast %mul3A_3447 : i32 to index
        %get3A_3451 = tpu.vector_load %arg8[%get3A_3449, %get3A_3450] {strides = array<i32>} : memref<16x2048xf32, #tpu.memory_space<vmem>>, vector<1x16xf32>,
        %get3A_3452 = vector.shape_cast %get3A_3451 : vector<1x16xf32> to vector<16xf32>
        %mul3A_3453 = arith.mulf %get3A_3452, %get3A_3390 : vector<16xf32>
        %add3A_3454 = arith.addf %scan3A_3365, %mul3A_3453 : vector<16xf32>
        %mul3A_3455 = arith.mulf %get3A_3452, %get3A_3452 : vector<16xf32>
        %add3A_3456 = arith.addf %scan3A_3366, %mul3A_3455 : vector<16xf32>
        %mul3A_3457 = arith.constant 16 : i32
        %mul3A_3458 = arith.muli %scan3A_3354, %mul3A_3457 : i32
        %get3A_3459 = arith.constant 6 : i32
        %get3A_3460 = arith.index_cast %get3A_3459 : i32 to index
        %get3A_3461 = arith.index_cast %mul3A_3458 : i32 to index
        %get3A_3462 = tpu.vector_load %arg8[%get3A_3460, %get3A_3461] {strides = array<i32>} : memref<16x2048xf32, #tpu.memory_space<vmem>>, vector<1x16xf32>,
        %get3A_3463 = vector.shape_cast %get3A_3462 : vector<1x16xf32> to vector<16xf32>
        %mul3A_3464 = arith.mulf %get3A_3463, %get3A_3390 : vector<16xf32>
        %add3A_3465 = arith.addf %scan3A_3367, %mul3A_3464 : vector<16xf32>
        %mul3A_3466 = arith.mulf %get3A_3463, %get3A_3463 : vector<16xf32>
        %add3A_3467 = arith.addf %scan3A_3368, %mul3A_3466 : vector<16xf32>
        %mul3A_3468 = arith.constant 16 : i32
        %mul3A_3469 = arith.muli %scan3A_3354, %mul3A_3468 : i32
        %get3A_3470 = arith.constant 7 : i32
        %get3A_3471 = arith.index_cast %get3A_3470 : i32 to index
        %get3A_3472 = arith.index_cast %mul3A_3469 : i32 to index
        %get3A_3473 = tpu.vector_load %arg8[%get3A_3471, %get3A_3472] {strides = array<i32>} : memref<16x2048xf32, #tpu.memory_space<vmem>>, vector<1x16xf32>,
        %get3A_3474 = vector.shape_cast %get3A_3473 : vector<1x16xf32> to vector<16xf32>
        %mul3A_3475 = arith.mulf %get3A_3474, %get3A_3390 : vector<16xf32>
        %add3A_3476 = arith.addf %scan3A_3369, %mul3A_3475 : vector<16xf32>
        %mul3A_3477 = arith.mulf %get3A_3474, %get3A_3474 : vector<16xf32>
        %add3A_3478 = arith.addf %scan3A_3370, %mul3A_3477 : vector<16xf32>
        %mul3A_3479 = arith.constant 16 : i32
        %mul3A_3480 = arith.muli %scan3A_3354, %mul3A_3479 : i32
        %get3A_3481 = arith.constant 8 : i32
        %get3A_3482 = arith.index_cast %get3A_3481 : i32 to index
        %get3A_3483 = arith.index_cast %mul3A_3480 : i32 to index
        %get3A_3484 = tpu.vector_load %arg8[%get3A_3482, %get3A_3483] {strides = array<i32>} : memref<16x2048xf32, #tpu.memory_space<vmem>>, vector<1x16xf32>,
        %get3A_3485 = vector.shape_cast %get3A_3484 : vector<1x16xf32> to vector<16xf32>
        %mul3A_3486 = arith.mulf %get3A_3485, %get3A_3390 : vector<16xf32>
        %add3A_3487 = arith.addf %scan3A_3371, %mul3A_3486 : vector<16xf32>
        %mul3A_3488 = arith.mulf %get3A_3485, %get3A_3485 : vector<16xf32>
        %add3A_3489 = arith.addf %scan3A_3372, %mul3A_3488 : vector<16xf32>
        %mul3A_3490 = arith.constant 16 : i32
        %mul3A_3491 = arith.muli %scan3A_3354, %mul3A_3490 : i32
        %get3A_3492 = arith.constant 9 : i32
        %get3A_3493 = arith.index_cast %get3A_3492 : i32 to index
        %get3A_3494 = arith.index_cast %mul3A_3491 : i32 to index
        %get3A_3495 = tpu.vector_load %arg8[%get3A_3493, %get3A_3494] {strides = array<i32>} : memref<16x2048xf32, #tpu.memory_space<vmem>>, vector<1x16xf32>,
        %get3A_3496 = vector.shape_cast %get3A_3495 : vector<1x16xf32> to vector<16xf32>
        %mul3A_3497 = arith.mulf %get3A_3496, %get3A_3390 : vector<16xf32>
        %add3A_3498 = arith.addf %scan3A_3373, %mul3A_3497 : vector<16xf32>
        %mul3A_3499 = arith.mulf %get3A_3496, %get3A_3496 : vector<16xf32>
        %add3A_3500 = arith.addf %scan3A_3374, %mul3A_3499 : vector<16xf32>
        %mul3A_3501 = arith.constant 16 : i32
        %mul3A_3502 = arith.muli %scan3A_3354, %mul3A_3501 : i32
        %get3A_3503 = arith.constant 10 : i32
        %get3A_3504 = arith.index_cast %get3A_3503 : i32 to index
        %get3A_3505 = arith.index_cast %mul3A_3502 : i32 to index
        %get3A_3506 = tpu.vector_load %arg8[%get3A_3504, %get3A_3505] {strides = array<i32>} : memref<16x2048xf32, #tpu.memory_space<vmem>>, vector<1x16xf32>,
        %get3A_3507 = vector.shape_cast %get3A_3506 : vector<1x16xf32> to vector<16xf32>
        %mul3A_3508 = arith.mulf %get3A_3507, %get3A_3390 : vector<16xf32>
        %add3A_3509 = arith.addf %scan3A_3375, %mul3A_3508 : vector<16xf32>
        %mul3A_3510 = arith.mulf %get3A_3507, %get3A_3507 : vector<16xf32>
        %add3A_3511 = arith.addf %scan3A_3376, %mul3A_3510 : vector<16xf32>
        %mul3A_3512 = arith.constant 16 : i32
        %mul3A_3513 = arith.muli %scan3A_3354, %mul3A_3512 : i32
        %get3A_3514 = arith.constant 11 : i32
        %get3A_3515 = arith.index_cast %get3A_3514 : i32 to index
        %get3A_3516 = arith.index_cast %mul3A_3513 : i32 to index
        %get3A_3517 = tpu.vector_load %arg8[%get3A_3515, %get3A_3516] {strides = array<i32>} : memref<16x2048xf32, #tpu.memory_space<vmem>>, vector<1x16xf32>,
        %get3A_3518 = vector.shape_cast %get3A_3517 : vector<1x16xf32> to vector<16xf32>
        %mul3A_3519 = arith.mulf %get3A_3518, %get3A_3390 : vector<16xf32>
        %add3A_3520 = arith.addf %scan3A_3377, %mul3A_3519 : vector<16xf32>
        %mul3A_3521 = arith.mulf %get3A_3518, %get3A_3518 : vector<16xf32>
        %add3A_3522 = arith.addf %scan3A_3378, %mul3A_3521 : vector<16xf32>
        %mul3A_3523 = arith.constant 16 : i32
        %mul3A_3524 = arith.muli %scan3A_3354, %mul3A_3523 : i32
        %get3A_3525 = arith.constant 12 : i32
        %get3A_3526 = arith.index_cast %get3A_3525 : i32 to index
        %get3A_3527 = arith.index_cast %mul3A_3524 : i32 to index
        %get3A_3528 = tpu.vector_load %arg8[%get3A_3526, %get3A_3527] {strides = array<i32>} : memref<16x2048xf32, #tpu.memory_space<vmem>>, vector<1x16xf32>,
        %get3A_3529 = vector.shape_cast %get3A_3528 : vector<1x16xf32> to vector<16xf32>
        %mul3A_3530 = arith.mulf %get3A_3529, %get3A_3390 : vector<16xf32>
        %add3A_3531 = arith.addf %scan3A_3379, %mul3A_3530 : vector<16xf32>
        %mul3A_3532 = arith.mulf %get3A_3529, %get3A_3529 : vector<16xf32>
        %add3A_3533 = arith.addf %scan3A_3380, %mul3A_3532 : vector<16xf32>
        %mul3A_3534 = arith.constant 16 : i32
        %mul3A_3535 = arith.muli %scan3A_3354, %mul3A_3534 : i32
        %get3A_3536 = arith.constant 13 : i32
        %get3A_3537 = arith.index_cast %get3A_3536 : i32 to index
        %get3A_3538 = arith.index_cast %mul3A_3535 : i32 to index
        %get3A_3539 = tpu.vector_load %arg8[%get3A_3537, %get3A_3538] {strides = array<i32>} : memref<16x2048xf32, #tpu.memory_space<vmem>>, vector<1x16xf32>,
        %get3A_3540 = vector.shape_cast %get3A_3539 : vector<1x16xf32> to vector<16xf32>
        %mul3A_3541 = arith.mulf %get3A_3540, %get3A_3390 : vector<16xf32>
        %add3A_3542 = arith.addf %scan3A_3381, %mul3A_3541 : vector<16xf32>
        %mul3A_3543 = arith.mulf %get3A_3540, %get3A_3540 : vector<16xf32>
        %add3A_3544 = arith.addf %scan3A_3382, %mul3A_3543 : vector<16xf32>
        %mul3A_3545 = arith.constant 16 : i32
        %mul3A_3546 = arith.muli %scan3A_3354, %mul3A_3545 : i32
        %get3A_3547 = arith.constant 14 : i32
        %get3A_3548 = arith.index_cast %get3A_3547 : i32 to index
        %get3A_3549 = arith.index_cast %mul3A_3546 : i32 to index
        %get3A_3550 = tpu.vector_load %arg8[%get3A_3548, %get3A_3549] {strides = array<i32>} : memref<16x2048xf32, #tpu.memory_space<vmem>>, vector<1x16xf32>,
        %get3A_3551 = vector.shape_cast %get3A_3550 : vector<1x16xf32> to vector<16xf32>
        %mul3A_3552 = arith.mulf %get3A_3551, %get3A_3390 : vector<16xf32>
        %add3A_3553 = arith.addf %scan3A_3383, %mul3A_3552 : vector<16xf32>
        %mul3A_3554 = arith.mulf %get3A_3551, %get3A_3551 : vector<16xf32>
        %add3A_3555 = arith.addf %scan3A_3384, %mul3A_3554 : vector<16xf32>
        %mul3A_3556 = arith.constant 16 : i32
        %mul3A_3557 = arith.muli %scan3A_3354, %mul3A_3556 : i32
        %get3A_3558 = arith.constant 15 : i32
        %get3A_3559 = arith.index_cast %get3A_3558 : i32 to index
        %get3A_3560 = arith.index_cast %mul3A_3557 : i32 to index
        %get3A_3561 = tpu.vector_load %arg8[%get3A_3559, %get3A_3560] {strides = array<i32>} : memref<16x2048xf32, #tpu.memory_space<vmem>>, vector<1x16xf32>,
        %get3A_3562 = vector.shape_cast %get3A_3561 : vector<1x16xf32> to vector<16xf32>
        %mul3A_3563 = arith.mulf %get3A_3562, %get3A_3390 : vector<16xf32>
        %add3A_3564 = arith.addf %scan3A_3385, %mul3A_3563 : vector<16xf32>
        %mul3A_3565 = arith.mulf %get3A_3562, %get3A_3562 : vector<16xf32>
        %add3A_3566 = arith.addf %scan3A_3386, %mul3A_3565 : vector<16xf32>
        scf.yield %add3A_3399, %add3A_3401, %add3A_3410, %add3A_3412, %add3A_3421, %add3A_3423, %add3A_3432, %add3A_3434, %add3A_3443, %add3A_3445, %add3A_3454, %add3A_3456, %add3A_3465, %add3A_3467, %add3A_3476, %add3A_3478, %add3A_3487, %add3A_3489, %add3A_3498, %add3A_3500, %add3A_3509, %add3A_3511, %add3A_3520, %add3A_3522, %add3A_3531, %add3A_3533, %add3A_3542, %add3A_3544, %add3A_3553, %add3A_3555, %add3A_3564, %add3A_3566 : vector<16xf32>, vector<16xf32>, vector<16xf32>, vector<16xf32>, vector<16xf32>, vector<16xf32>, vector<16xf32>, vector<16xf32>, vector<16xf32>, vector<16xf32>, vector<16xf32>, vector<16xf32>, vector<16xf32>, vector<16xf32>, vector<16xf32>, vector<16xf32>, vector<16xf32>, vector<16xf32>, vector<16xf32>, vector<16xf32>, vector<16xf32>, vector<16xf32>, vector<16xf32>, vector<16xf32>, vector<16xf32>, vector<16xf32>, vector<16xf32>, vector<16xf32>, vector<16xf32>, vector<16xf32>, vector<16xf32>, vector<16xf32>
      }
      %scan3A_1123 = arith.constant 128 : i32
      %iota3A_1124 = tpu.iota {dimensions = array<i32: 0>} : vector<16xi32>
      %xor3A_1125 = arith.constant 8 : i32
      %xor3A_1126 = vector.broadcast %xor3A_1125 : i32 to vector<16xi32>
      %xor3A_1127 = arith.xori %iota3A_1124, %xor3A_1126 : vector<16xi32>
      %broadcast_in_dim3A_1128 = vector.shape_cast %xor3A_1127 : vector<16xi32> to vector<16x1xi32>
      %gather3A_1129 = vector.shape_cast %broadcast_in_dim3A_1128 : vector<16x1xi32> to vector<16xi32>
      %gather3A_1130 = tpu.dynamic_gather %scan3A_1122#0[%gather3A_1129] in [0] : vector<16xf32>, vector<16xi32> -> vector<16xf32>
      %add3A_1131 = arith.addf %scan3A_1122#0, %gather3A_1130 : vector<16xf32>
      %xor3A_1132 = arith.constant 4 : i32
      %xor3A_1133 = vector.broadcast %xor3A_1132 : i32 to vector<16xi32>
      %xor3A_1134 = arith.xori %iota3A_1124, %xor3A_1133 : vector<16xi32>
      %broadcast_in_dim3A_1135 = vector.shape_cast %xor3A_1134 : vector<16xi32> to vector<16x1xi32>
      %gather3A_1136 = vector.shape_cast %broadcast_in_dim3A_1135 : vector<16x1xi32> to vector<16xi32>
      %gather3A_1137 = tpu.dynamic_gather %add3A_1131[%gather3A_1136] in [0] : vector<16xf32>, vector<16xi32> -> vector<16xf32>
      %add3A_1138 = arith.addf %add3A_1131, %gather3A_1137 : vector<16xf32>
      %xor3A_1139 = arith.constant 2 : i32
      %xor3A_1140 = vector.broadcast %xor3A_1139 : i32 to vector<16xi32>
      %xor3A_1141 = arith.xori %iota3A_1124, %xor3A_1140 : vector<16xi32>
      %broadcast_in_dim3A_1142 = vector.shape_cast %xor3A_1141 : vector<16xi32> to vector<16x1xi32>
      %gather3A_1143 = vector.shape_cast %broadcast_in_dim3A_1142 : vector<16x1xi32> to vector<16xi32>
      %gather3A_1144 = tpu.dynamic_gather %add3A_1138[%gather3A_1143] in [0] : vector<16xf32>, vector<16xi32> -> vector<16xf32>
      %add3A_1145 = arith.addf %add3A_1138, %gather3A_1144 : vector<16xf32>
      %xor3A_1146 = arith.constant 1 : i32
      %xor3A_1147 = vector.broadcast %xor3A_1146 : i32 to vector<16xi32>
      %xor3A_1148 = arith.xori %iota3A_1124, %xor3A_1147 : vector<16xi32>
      %broadcast_in_dim3A_1149 = vector.shape_cast %xor3A_1148 : vector<16xi32> to vector<16x1xi32>
      %gather3A_1150 = vector.shape_cast %broadcast_in_dim3A_1149 : vector<16x1xi32> to vector<16xi32>
      %gather3A_1151 = tpu.dynamic_gather %add3A_1145[%gather3A_1150] in [0] : vector<16xf32>, vector<16xi32> -> vector<16xf32>
      %add3A_1152 = arith.addf %add3A_1145, %gather3A_1151 : vector<16xf32>
      %iota3A_1153 = tpu.iota {dimensions = array<i32: 0>} : vector<16xi32>
      %xor3A_1154 = arith.constant 8 : i32
      %xor3A_1155 = vector.broadcast %xor3A_1154 : i32 to vector<16xi32>
      %xor3A_1156 = arith.xori %iota3A_1153, %xor3A_1155 : vector<16xi32>
      %broadcast_in_dim3A_1157 = vector.shape_cast %xor3A_1156 : vector<16xi32> to vector<16x1xi32>
      %gather3A_1158 = vector.shape_cast %broadcast_in_dim3A_1157 : vector<16x1xi32> to vector<16xi32>
      %gather3A_1159 = tpu.dynamic_gather %scan3A_1122#2[%gather3A_1158] in [0] : vector<16xf32>, vector<16xi32> -> vector<16xf32>
      %add3A_1160 = arith.addf %scan3A_1122#2, %gather3A_1159 : vector<16xf32>
      %xor3A_1161 = arith.constant 4 : i32
      %xor3A_1162 = vector.broadcast %xor3A_1161 : i32 to vector<16xi32>
      %xor3A_1163 = arith.xori %iota3A_1153, %xor3A_1162 : vector<16xi32>
      %broadcast_in_dim3A_1164 = vector.shape_cast %xor3A_1163 : vector<16xi32> to vector<16x1xi32>
      %gather3A_1165 = vector.shape_cast %broadcast_in_dim3A_1164 : vector<16x1xi32> to vector<16xi32>
      %gather3A_1166 = tpu.dynamic_gather %add3A_1160[%gather3A_1165] in [0] : vector<16xf32>, vector<16xi32> -> vector<16xf32>
      %add3A_1167 = arith.addf %add3A_1160, %gather3A_1166 : vector<16xf32>
      %xor3A_1168 = arith.constant 2 : i32
      %xor3A_1169 = vector.broadcast %xor3A_1168 : i32 to vector<16xi32>
      %xor3A_1170 = arith.xori %iota3A_1153, %xor3A_1169 : vector<16xi32>
      %broadcast_in_dim3A_1171 = vector.shape_cast %xor3A_1170 : vector<16xi32> to vector<16x1xi32>
      %gather3A_1172 = vector.shape_cast %broadcast_in_dim3A_1171 : vector<16x1xi32> to vector<16xi32>
      %gather3A_1173 = tpu.dynamic_gather %add3A_1167[%gather3A_1172] in [0] : vector<16xf32>, vector<16xi32> -> vector<16xf32>
      %add3A_1174 = arith.addf %add3A_1167, %gather3A_1173 : vector<16xf32>
      %xor3A_1175 = arith.constant 1 : i32
      %xor3A_1176 = vector.broadcast %xor3A_1175 : i32 to vector<16xi32>
      %xor3A_1177 = arith.xori %iota3A_1153, %xor3A_1176 : vector<16xi32>
      %broadcast_in_dim3A_1178 = vector.shape_cast %xor3A_1177 : vector<16xi32> to vector<16x1xi32>
      %gather3A_1179 = vector.shape_cast %broadcast_in_dim3A_1178 : vector<16x1xi32> to vector<16xi32>
      %gather3A_1180 = tpu.dynamic_gather %add3A_1174[%gather3A_1179] in [0] : vector<16xf32>, vector<16xi32> -> vector<16xf32>
      %add3A_1181 = arith.addf %add3A_1174, %gather3A_1180 : vector<16xf32>
      %iota3A_1182 = tpu.iota {dimensions = array<i32: 0>} : vector<16xi32>
      %xor3A_1183 = arith.constant 8 : i32
      %xor3A_1184 = vector.broadcast %xor3A_1183 : i32 to vector<16xi32>
      %xor3A_1185 = arith.xori %iota3A_1182, %xor3A_1184 : vector<16xi32>
      %broadcast_in_dim3A_1186 = vector.shape_cast %xor3A_1185 : vector<16xi32> to vector<16x1xi32>
      %gather3A_1187 = vector.shape_cast %broadcast_in_dim3A_1186 : vector<16x1xi32> to vector<16xi32>
      %gather3A_1188 = tpu.dynamic_gather %scan3A_1122#4[%gather3A_1187] in [0] : vector<16xf32>, vector<16xi32> -> vector<16xf32>
      %add3A_1189 = arith.addf %scan3A_1122#4, %gather3A_1188 : vector<16xf32>
      %xor3A_1190 = arith.constant 4 : i32
      %xor3A_1191 = vector.broadcast %xor3A_1190 : i32 to vector<16xi32>
      %xor3A_1192 = arith.xori %iota3A_1182, %xor3A_1191 : vector<16xi32>
      %broadcast_in_dim3A_1193 = vector.shape_cast %xor3A_1192 : vector<16xi32> to vector<16x1xi32>
      %gather3A_1194 = vector.shape_cast %broadcast_in_dim3A_1193 : vector<16x1xi32> to vector<16xi32>
      %gather3A_1195 = tpu.dynamic_gather %add3A_1189[%gather3A_1194] in [0] : vector<16xf32>, vector<16xi32> -> vector<16xf32>
      %add3A_1196 = arith.addf %add3A_1189, %gather3A_1195 : vector<16xf32>
      %xor3A_1197 = arith.constant 2 : i32
      %xor3A_1198 = vector.broadcast %xor3A_1197 : i32 to vector<16xi32>
      %xor3A_1199 = arith.xori %iota3A_1182, %xor3A_1198 : vector<16xi32>
      %broadcast_in_dim3A_1200 = vector.shape_cast %xor3A_1199 : vector<16xi32> to vector<16x1xi32>
      %gather3A_1201 = vector.shape_cast %broadcast_in_dim3A_1200 : vector<16x1xi32> to vector<16xi32>
      %gather3A_1202 = tpu.dynamic_gather %add3A_1196[%gather3A_1201] in [0] : vector<16xf32>, vector<16xi32> -> vector<16xf32>
      %add3A_1203 = arith.addf %add3A_1196, %gather3A_1202 : vector<16xf32>
      %xor3A_1204 = arith.constant 1 : i32
      %xor3A_1205 = vector.broadcast %xor3A_1204 : i32 to vector<16xi32>
      %xor3A_1206 = arith.xori %iota3A_1182, %xor3A_1205 : vector<16xi32>
      %broadcast_in_dim3A_1207 = vector.shape_cast %xor3A_1206 : vector<16xi32> to vector<16x1xi32>
      %gather3A_1208 = vector.shape_cast %broadcast_in_dim3A_1207 : vector<16x1xi32> to vector<16xi32>
      %gather3A_1209 = tpu.dynamic_gather %add3A_1203[%gather3A_1208] in [0] : vector<16xf32>, vector<16xi32> -> vector<16xf32>
      %add3A_1210 = arith.addf %add3A_1203, %gather3A_1209 : vector<16xf32>
      %iota3A_1211 = tpu.iota {dimensions = array<i32: 0>} : vector<16xi32>
      %xor3A_1212 = arith.constant 8 : i32
      %xor3A_1213 = vector.broadcast %xor3A_1212 : i32 to vector<16xi32>
      %xor3A_1214 = arith.xori %iota3A_1211, %xor3A_1213 : vector<16xi32>
      %broadcast_in_dim3A_1215 = vector.shape_cast %xor3A_1214 : vector<16xi32> to vector<16x1xi32>
      %gather3A_1216 = vector.shape_cast %broadcast_in_dim3A_1215 : vector<16x1xi32> to vector<16xi32>
      %gather3A_1217 = tpu.dynamic_gather %scan3A_1122#6[%gather3A_1216] in [0] : vector<16xf32>, vector<16xi32> -> vector<16xf32>
      %add3A_1218 = arith.addf %scan3A_1122#6, %gather3A_1217 : vector<16xf32>
      %xor3A_1219 = arith.constant 4 : i32
      %xor3A_1220 = vector.broadcast %xor3A_1219 : i32 to vector<16xi32>
      %xor3A_1221 = arith.xori %iota3A_1211, %xor3A_1220 : vector<16xi32>
      %broadcast_in_dim3A_1222 = vector.shape_cast %xor3A_1221 : vector<16xi32> to vector<16x1xi32>
      %gather3A_1223 = vector.shape_cast %broadcast_in_dim3A_1222 : vector<16x1xi32> to vector<16xi32>
      %gather3A_1224 = tpu.dynamic_gather %add3A_1218[%gather3A_1223] in [0] : vector<16xf32>, vector<16xi32> -> vector<16xf32>
      %add3A_1225 = arith.addf %add3A_1218, %gather3A_1224 : vector<16xf32>
      %xor3A_1226 = arith.constant 2 : i32
      %xor3A_1227 = vector.broadcast %xor3A_1226 : i32 to vector<16xi32>
      %xor3A_1228 = arith.xori %iota3A_1211, %xor3A_1227 : vector<16xi32>
      %broadcast_in_dim3A_1229 = vector.shape_cast %xor3A_1228 : vector<16xi32> to vector<16x1xi32>
      %gather3A_1230 = vector.shape_cast %broadcast_in_dim3A_1229 : vector<16x1xi32> to vector<16xi32>
      %gather3A_1231 = tpu.dynamic_gather %add3A_1225[%gather3A_1230] in [0] : vector<16xf32>, vector<16xi32> -> vector<16xf32>
      %add3A_1232 = arith.addf %add3A_1225, %gather3A_1231 : vector<16xf32>
      %xor3A_1233 = arith.constant 1 : i32
      %xor3A_1234 = vector.broadcast %xor3A_1233 : i32 to vector<16xi32>
      %xor3A_1235 = arith.xori %iota3A_1211, %xor3A_1234 : vector<16xi32>
      %broadcast_in_dim3A_1236 = vector.shape_cast %xor3A_1235 : vector<16xi32> to vector<16x1xi32>
      %gather3A_1237 = vector.shape_cast %broadcast_in_dim3A_1236 : vector<16x1xi32> to vector<16xi32>
      %gather3A_1238 = tpu.dynamic_gather %add3A_1232[%gather3A_1237] in [0] : vector<16xf32>, vector<16xi32> -> vector<16xf32>
      %add3A_1239 = arith.addf %add3A_1232, %gather3A_1238 : vector<16xf32>
      %iota3A_1240 = tpu.iota {dimensions = array<i32: 0>} : vector<16xi32>
      %xor3A_1241 = arith.constant 8 : i32
      %xor3A_1242 = vector.broadcast %xor3A_1241 : i32 to vector<16xi32>
      %xor3A_1243 = arith.xori %iota3A_1240, %xor3A_1242 : vector<16xi32>
      %broadcast_in_dim3A_1244 = vector.shape_cast %xor3A_1243 : vector<16xi32> to vector<16x1xi32>
      %gather3A_1245 = vector.shape_cast %broadcast_in_dim3A_1244 : vector<16x1xi32> to vector<16xi32>
      %gather3A_1246 = tpu.dynamic_gather %scan3A_1122#8[%gather3A_1245] in [0] : vector<16xf32>, vector<16xi32> -> vector<16xf32>
      %add3A_1247 = arith.addf %scan3A_1122#8, %gather3A_1246 : vector<16xf32>
      %xor3A_1248 = arith.constant 4 : i32
      %xor3A_1249 = vector.broadcast %xor3A_1248 : i32 to vector<16xi32>
      %xor3A_1250 = arith.xori %iota3A_1240, %xor3A_1249 : vector<16xi32>
      %broadcast_in_dim3A_1251 = vector.shape_cast %xor3A_1250 : vector<16xi32> to vector<16x1xi32>
      %gather3A_1252 = vector.shape_cast %broadcast_in_dim3A_1251 : vector<16x1xi32> to vector<16xi32>
      %gather3A_1253 = tpu.dynamic_gather %add3A_1247[%gather3A_1252] in [0] : vector<16xf32>, vector<16xi32> -> vector<16xf32>
      %add3A_1254 = arith.addf %add3A_1247, %gather3A_1253 : vector<16xf32>
      %xor3A_1255 = arith.constant 2 : i32
      %xor3A_1256 = vector.broadcast %xor3A_1255 : i32 to vector<16xi32>
      %xor3A_1257 = arith.xori %iota3A_1240, %xor3A_1256 : vector<16xi32>
      %broadcast_in_dim3A_1258 = vector.shape_cast %xor3A_1257 : vector<16xi32> to vector<16x1xi32>
      %gather3A_1259 = vector.shape_cast %broadcast_in_dim3A_1258 : vector<16x1xi32> to vector<16xi32>
      %gather3A_1260 = tpu.dynamic_gather %add3A_1254[%gather3A_1259] in [0] : vector<16xf32>, vector<16xi32> -> vector<16xf32>
      %add3A_1261 = arith.addf %add3A_1254, %gather3A_1260 : vector<16xf32>
      %xor3A_1262 = arith.constant 1 : i32
      %xor3A_1263 = vector.broadcast %xor3A_1262 : i32 to vector<16xi32>
      %xor3A_1264 = arith.xori %iota3A_1240, %xor3A_1263 : vector<16xi32>
      %broadcast_in_dim3A_1265 = vector.shape_cast %xor3A_1264 : vector<16xi32> to vector<16x1xi32>
      %gather3A_1266 = vector.shape_cast %broadcast_in_dim3A_1265 : vector<16x1xi32> to vector<16xi32>
      %gather3A_1267 = tpu.dynamic_gather %add3A_1261[%gather3A_1266] in [0] : vector<16xf32>, vector<16xi32> -> vector<16xf32>
      %add3A_1268 = arith.addf %add3A_1261, %gather3A_1267 : vector<16xf32>
      %iota3A_1269 = tpu.iota {dimensions = array<i32: 0>} : vector<16xi32>
      %xor3A_1270 = arith.constant 8 : i32
      %xor3A_1271 = vector.broadcast %xor3A_1270 : i32 to vector<16xi32>
      %xor3A_1272 = arith.xori %iota3A_1269, %xor3A_1271 : vector<16xi32>
      %broadcast_in_dim3A_1273 = vector.shape_cast %xor3A_1272 : vector<16xi32> to vector<16x1xi32>
      %gather3A_1274 = vector.shape_cast %broadcast_in_dim3A_1273 : vector<16x1xi32> to vector<16xi32>
      %gather3A_1275 = tpu.dynamic_gather %scan3A_1122#10[%gather3A_1274] in [0] : vector<16xf32>, vector<16xi32> -> vector<16xf32>
      %add3A_1276 = arith.addf %scan3A_1122#10, %gather3A_1275 : vector<16xf32>
      %xor3A_1277 = arith.constant 4 : i32
      %xor3A_1278 = vector.broadcast %xor3A_1277 : i32 to vector<16xi32>
      %xor3A_1279 = arith.xori %iota3A_1269, %xor3A_1278 : vector<16xi32>
      %broadcast_in_dim3A_1280 = vector.shape_cast %xor3A_1279 : vector<16xi32> to vector<16x1xi32>
      %gather3A_1281 = vector.shape_cast %broadcast_in_dim3A_1280 : vector<16x1xi32> to vector<16xi32>
      %gather3A_1282 = tpu.dynamic_gather %add3A_1276[%gather3A_1281] in [0] : vector<16xf32>, vector<16xi32> -> vector<16xf32>
      %add3A_1283 = arith.addf %add3A_1276, %gather3A_1282 : vector<16xf32>
      %xor3A_1284 = arith.constant 2 : i32
      %xor3A_1285 = vector.broadcast %xor3A_1284 : i32 to vector<16xi32>
      %xor3A_1286 = arith.xori %iota3A_1269, %xor3A_1285 : vector<16xi32>
      %broadcast_in_dim3A_1287 = vector.shape_cast %xor3A_1286 : vector<16xi32> to vector<16x1xi32>
      %gather3A_1288 = vector.shape_cast %broadcast_in_dim3A_1287 : vector<16x1xi32> to vector<16xi32>
      %gather3A_1289 = tpu.dynamic_gather %add3A_1283[%gather3A_1288] in [0] : vector<16xf32>, vector<16xi32> -> vector<16xf32>
      %add3A_1290 = arith.addf %add3A_1283, %gather3A_1289 : vector<16xf32>
      %xor3A_1291 = arith.constant 1 : i32
      %xor3A_1292 = vector.broadcast %xor3A_1291 : i32 to vector<16xi32>
      %xor3A_1293 = arith.xori %iota3A_1269, %xor3A_1292 : vector<16xi32>
      %broadcast_in_dim3A_1294 = vector.shape_cast %xor3A_1293 : vector<16xi32> to vector<16x1xi32>
      %gather3A_1295 = vector.shape_cast %broadcast_in_dim3A_1294 : vector<16x1xi32> to vector<16xi32>
      %gather3A_1296 = tpu.dynamic_gather %add3A_1290[%gather3A_1295] in [0] : vector<16xf32>, vector<16xi32> -> vector<16xf32>
      %add3A_1297 = arith.addf %add3A_1290, %gather3A_1296 : vector<16xf32>
      %iota3A_1298 = tpu.iota {dimensions = array<i32: 0>} : vector<16xi32>
      %xor3A_1299 = arith.constant 8 : i32
      %xor3A_1300 = vector.broadcast %xor3A_1299 : i32 to vector<16xi32>
      %xor3A_1301 = arith.xori %iota3A_1298, %xor3A_1300 : vector<16xi32>
      %broadcast_in_dim3A_1302 = vector.shape_cast %xor3A_1301 : vector<16xi32> to vector<16x1xi32>
      %gather3A_1303 = vector.shape_cast %broadcast_in_dim3A_1302 : vector<16x1xi32> to vector<16xi32>
      %gather3A_1304 = tpu.dynamic_gather %scan3A_1122#12[%gather3A_1303] in [0] : vector<16xf32>, vector<16xi32> -> vector<16xf32>
      %add3A_1305 = arith.addf %scan3A_1122#12, %gather3A_1304 : vector<16xf32>
      %xor3A_1306 = arith.constant 4 : i32
      %xor3A_1307 = vector.broadcast %xor3A_1306 : i32 to vector<16xi32>
      %xor3A_1308 = arith.xori %iota3A_1298, %xor3A_1307 : vector<16xi32>
      %broadcast_in_dim3A_1309 = vector.shape_cast %xor3A_1308 : vector<16xi32> to vector<16x1xi32>
      %gather3A_1310 = vector.shape_cast %broadcast_in_dim3A_1309 : vector<16x1xi32> to vector<16xi32>
      %gather3A_1311 = tpu.dynamic_gather %add3A_1305[%gather3A_1310] in [0] : vector<16xf32>, vector<16xi32> -> vector<16xf32>
      %add3A_1312 = arith.addf %add3A_1305, %gather3A_1311 : vector<16xf32>
      %xor3A_1313 = arith.constant 2 : i32
      %xor3A_1314 = vector.broadcast %xor3A_1313 : i32 to vector<16xi32>
      %xor3A_1315 = arith.xori %iota3A_1298, %xor3A_1314 : vector<16xi32>
      %broadcast_in_dim3A_1316 = vector.shape_cast %xor3A_1315 : vector<16xi32> to vector<16x1xi32>
      %gather3A_1317 = vector.shape_cast %broadcast_in_dim3A_1316 : vector<16x1xi32> to vector<16xi32>
      %gather3A_1318 = tpu.dynamic_gather %add3A_1312[%gather3A_1317] in [0] : vector<16xf32>, vector<16xi32> -> vector<16xf32>
      %add3A_1319 = arith.addf %add3A_1312, %gather3A_1318 : vector<16xf32>
      %xor3A_1320 = arith.constant 1 : i32
      %xor3A_1321 = vector.broadcast %xor3A_1320 : i32 to vector<16xi32>
      %xor3A_1322 = arith.xori %iota3A_1298, %xor3A_1321 : vector<16xi32>
      %broadcast_in_dim3A_1323 = vector.shape_cast %xor3A_1322 : vector<16xi32> to vector<16x1xi32>
      %gather3A_1324 = vector.shape_cast %broadcast_in_dim3A_1323 : vector<16x1xi32> to vector<16xi32>
      %gather3A_1325 = tpu.dynamic_gather %add3A_1319[%gather3A_1324] in [0] : vector<16xf32>, vector<16xi32> -> vector<16xf32>
      %add3A_1326 = arith.addf %add3A_1319, %gather3A_1325 : vector<16xf32>
      %iota3A_1327 = tpu.iota {dimensions = array<i32: 0>} : vector<16xi32>
      %xor3A_1328 = arith.constant 8 : i32
      %xor3A_1329 = vector.broadcast %xor3A_1328 : i32 to vector<16xi32>
      %xor3A_1330 = arith.xori %iota3A_1327, %xor3A_1329 : vector<16xi32>
      %broadcast_in_dim3A_1331 = vector.shape_cast %xor3A_1330 : vector<16xi32> to vector<16x1xi32>
      %gather3A_1332 = vector.shape_cast %broadcast_in_dim3A_1331 : vector<16x1xi32> to vector<16xi32>
      %gather3A_1333 = tpu.dynamic_gather %scan3A_1122#14[%gather3A_1332] in [0] : vector<16xf32>, vector<16xi32> -> vector<16xf32>
      %add3A_1334 = arith.addf %scan3A_1122#14, %gather3A_1333 : vector<16xf32>
      %xor3A_1335 = arith.constant 4 : i32
      %xor3A_1336 = vector.broadcast %xor3A_1335 : i32 to vector<16xi32>
      %xor3A_1337 = arith.xori %iota3A_1327, %xor3A_1336 : vector<16xi32>
      %broadcast_in_dim3A_1338 = vector.shape_cast %xor3A_1337 : vector<16xi32> to vector<16x1xi32>
      %gather3A_1339 = vector.shape_cast %broadcast_in_dim3A_1338 : vector<16x1xi32> to vector<16xi32>
      %gather3A_1340 = tpu.dynamic_gather %add3A_1334[%gather3A_1339] in [0] : vector<16xf32>, vector<16xi32> -> vector<16xf32>
      %add3A_1341 = arith.addf %add3A_1334, %gather3A_1340 : vector<16xf32>
      %xor3A_1342 = arith.constant 2 : i32
      %xor3A_1343 = vector.broadcast %xor3A_1342 : i32 to vector<16xi32>
      %xor3A_1344 = arith.xori %iota3A_1327, %xor3A_1343 : vector<16xi32>
      %broadcast_in_dim3A_1345 = vector.shape_cast %xor3A_1344 : vector<16xi32> to vector<16x1xi32>
      %gather3A_1346 = vector.shape_cast %broadcast_in_dim3A_1345 : vector<16x1xi32> to vector<16xi32>
      %gather3A_1347 = tpu.dynamic_gather %add3A_1341[%gather3A_1346] in [0] : vector<16xf32>, vector<16xi32> -> vector<16xf32>
      %add3A_1348 = arith.addf %add3A_1341, %gather3A_1347 : vector<16xf32>
      %xor3A_1349 = arith.constant 1 : i32
      %xor3A_1350 = vector.broadcast %xor3A_1349 : i32 to vector<16xi32>
      %xor3A_1351 = arith.xori %iota3A_1327, %xor3A_1350 : vector<16xi32>
      %broadcast_in_dim3A_1352 = vector.shape_cast %xor3A_1351 : vector<16xi32> to vector<16x1xi32>
      %gather3A_1353 = vector.shape_cast %broadcast_in_dim3A_1352 : vector<16x1xi32> to vector<16xi32>
      %gather3A_1354 = tpu.dynamic_gather %add3A_1348[%gather3A_1353] in [0] : vector<16xf32>, vector<16xi32> -> vector<16xf32>
      %add3A_1355 = arith.addf %add3A_1348, %gather3A_1354 : vector<16xf32>
      %iota3A_1356 = tpu.iota {dimensions = array<i32: 0>} : vector<16xi32>
      %xor3A_1357 = arith.constant 8 : i32
      %xor3A_1358 = vector.broadcast %xor3A_1357 : i32 to vector<16xi32>
      %xor3A_1359 = arith.xori %iota3A_1356, %xor3A_1358 : vector<16xi32>
      %broadcast_in_dim3A_1360 = vector.shape_cast %xor3A_1359 : vector<16xi32> to vector<16x1xi32>
      %gather3A_1361 = vector.shape_cast %broadcast_in_dim3A_1360 : vector<16x1xi32> to vector<16xi32>
      %gather3A_1362 = tpu.dynamic_gather %scan3A_1122#16[%gather3A_1361] in [0] : vector<16xf32>, vector<16xi32> -> vector<16xf32>
      %add3A_1363 = arith.addf %scan3A_1122#16, %gather3A_1362 : vector<16xf32>
      %xor3A_1364 = arith.constant 4 : i32
      %xor3A_1365 = vector.broadcast %xor3A_1364 : i32 to vector<16xi32>
      %xor3A_1366 = arith.xori %iota3A_1356, %xor3A_1365 : vector<16xi32>
      %broadcast_in_dim3A_1367 = vector.shape_cast %xor3A_1366 : vector<16xi32> to vector<16x1xi32>
      %gather3A_1368 = vector.shape_cast %broadcast_in_dim3A_1367 : vector<16x1xi32> to vector<16xi32>
      %gather3A_1369 = tpu.dynamic_gather %add3A_1363[%gather3A_1368] in [0] : vector<16xf32>, vector<16xi32> -> vector<16xf32>
      %add3A_1370 = arith.addf %add3A_1363, %gather3A_1369 : vector<16xf32>
      %xor3A_1371 = arith.constant 2 : i32
      %xor3A_1372 = vector.broadcast %xor3A_1371 : i32 to vector<16xi32>
      %xor3A_1373 = arith.xori %iota3A_1356, %xor3A_1372 : vector<16xi32>
      %broadcast_in_dim3A_1374 = vector.shape_cast %xor3A_1373 : vector<16xi32> to vector<16x1xi32>
      %gather3A_1375 = vector.shape_cast %broadcast_in_dim3A_1374 : vector<16x1xi32> to vector<16xi32>
      %gather3A_1376 = tpu.dynamic_gather %add3A_1370[%gather3A_1375] in [0] : vector<16xf32>, vector<16xi32> -> vector<16xf32>
      %add3A_1377 = arith.addf %add3A_1370, %gather3A_1376 : vector<16xf32>
      %xor3A_1378 = arith.constant 1 : i32
      %xor3A_1379 = vector.broadcast %xor3A_1378 : i32 to vector<16xi32>
      %xor3A_1380 = arith.xori %iota3A_1356, %xor3A_1379 : vector<16xi32>
      %broadcast_in_dim3A_1381 = vector.shape_cast %xor3A_1380 : vector<16xi32> to vector<16x1xi32>
      %gather3A_1382 = vector.shape_cast %broadcast_in_dim3A_1381 : vector<16x1xi32> to vector<16xi32>
      %gather3A_1383 = tpu.dynamic_gather %add3A_1377[%gather3A_1382] in [0] : vector<16xf32>, vector<16xi32> -> vector<16xf32>
      %add3A_1384 = arith.addf %add3A_1377, %gather3A_1383 : vector<16xf32>
      %iota3A_1385 = tpu.iota {dimensions = array<i32: 0>} : vector<16xi32>
      %xor3A_1386 = arith.constant 8 : i32
      %xor3A_1387 = vector.broadcast %xor3A_1386 : i32 to vector<16xi32>
      %xor3A_1388 = arith.xori %iota3A_1385, %xor3A_1387 : vector<16xi32>
      %broadcast_in_dim3A_1389 = vector.shape_cast %xor3A_1388 : vector<16xi32> to vector<16x1xi32>
      %gather3A_1390 = vector.shape_cast %broadcast_in_dim3A_1389 : vector<16x1xi32> to vector<16xi32>
      %gather3A_1391 = tpu.dynamic_gather %scan3A_1122#18[%gather3A_1390] in [0] : vector<16xf32>, vector<16xi32> -> vector<16xf32>
      %add3A_1392 = arith.addf %scan3A_1122#18, %gather3A_1391 : vector<16xf32>
      %xor3A_1393 = arith.constant 4 : i32
      %xor3A_1394 = vector.broadcast %xor3A_1393 : i32 to vector<16xi32>
      %xor3A_1395 = arith.xori %iota3A_1385, %xor3A_1394 : vector<16xi32>
      %broadcast_in_dim3A_1396 = vector.shape_cast %xor3A_1395 : vector<16xi32> to vector<16x1xi32>
      %gather3A_1397 = vector.shape_cast %broadcast_in_dim3A_1396 : vector<16x1xi32> to vector<16xi32>
      %gather3A_1398 = tpu.dynamic_gather %add3A_1392[%gather3A_1397] in [0] : vector<16xf32>, vector<16xi32> -> vector<16xf32>
      %add3A_1399 = arith.addf %add3A_1392, %gather3A_1398 : vector<16xf32>
      %xor3A_1400 = arith.constant 2 : i32
      %xor3A_1401 = vector.broadcast %xor3A_1400 : i32 to vector<16xi32>
      %xor3A_1402 = arith.xori %iota3A_1385, %xor3A_1401 : vector<16xi32>
      %broadcast_in_dim3A_1403 = vector.shape_cast %xor3A_1402 : vector<16xi32> to vector<16x1xi32>
      %gather3A_1404 = vector.shape_cast %broadcast_in_dim3A_1403 : vector<16x1xi32> to vector<16xi32>
      %gather3A_1405 = tpu.dynamic_gather %add3A_1399[%gather3A_1404] in [0] : vector<16xf32>, vector<16xi32> -> vector<16xf32>
      %add3A_1406 = arith.addf %add3A_1399, %gather3A_1405 : vector<16xf32>
      %xor3A_1407 = arith.constant 1 : i32
      %xor3A_1408 = vector.broadcast %xor3A_1407 : i32 to vector<16xi32>
      %xor3A_1409 = arith.xori %iota3A_1385, %xor3A_1408 : vector<16xi32>
      %broadcast_in_dim3A_1410 = vector.shape_cast %xor3A_1409 : vector<16xi32> to vector<16x1xi32>
      %gather3A_1411 = vector.shape_cast %broadcast_in_dim3A_1410 : vector<16x1xi32> to vector<16xi32>
      %gather3A_1412 = tpu.dynamic_gather %add3A_1406[%gather3A_1411] in [0] : vector<16xf32>, vector<16xi32> -> vector<16xf32>
      %add3A_1413 = arith.addf %add3A_1406, %gather3A_1412 : vector<16xf32>
      %iota3A_1414 = tpu.iota {dimensions = array<i32: 0>} : vector<16xi32>
      %xor3A_1415 = arith.constant 8 : i32
      %xor3A_1416 = vector.broadcast %xor3A_1415 : i32 to vector<16xi32>
      %xor3A_1417 = arith.xori %iota3A_1414, %xor3A_1416 : vector<16xi32>
      %broadcast_in_dim3A_1418 = vector.shape_cast %xor3A_1417 : vector<16xi32> to vector<16x1xi32>
      %gather3A_1419 = vector.shape_cast %broadcast_in_dim3A_1418 : vector<16x1xi32> to vector<16xi32>
      %gather3A_1420 = tpu.dynamic_gather %scan3A_1122#20[%gather3A_1419] in [0] : vector<16xf32>, vector<16xi32> -> vector<16xf32>
      %add3A_1421 = arith.addf %scan3A_1122#20, %gather3A_1420 : vector<16xf32>
      %xor3A_1422 = arith.constant 4 : i32
      %xor3A_1423 = vector.broadcast %xor3A_1422 : i32 to vector<16xi32>
      %xor3A_1424 = arith.xori %iota3A_1414, %xor3A_1423 : vector<16xi32>
      %broadcast_in_dim3A_1425 = vector.shape_cast %xor3A_1424 : vector<16xi32> to vector<16x1xi32>
      %gather3A_1426 = vector.shape_cast %broadcast_in_dim3A_1425 : vector<16x1xi32> to vector<16xi32>
      %gather3A_1427 = tpu.dynamic_gather %add3A_1421[%gather3A_1426] in [0] : vector<16xf32>, vector<16xi32> -> vector<16xf32>
      %add3A_1428 = arith.addf %add3A_1421, %gather3A_1427 : vector<16xf32>
      %xor3A_1429 = arith.constant 2 : i32
      %xor3A_1430 = vector.broadcast %xor3A_1429 : i32 to vector<16xi32>
      %xor3A_1431 = arith.xori %iota3A_1414, %xor3A_1430 : vector<16xi32>
      %broadcast_in_dim3A_1432 = vector.shape_cast %xor3A_1431 : vector<16xi32> to vector<16x1xi32>
      %gather3A_1433 = vector.shape_cast %broadcast_in_dim3A_1432 : vector<16x1xi32> to vector<16xi32>
      %gather3A_1434 = tpu.dynamic_gather %add3A_1428[%gather3A_1433] in [0] : vector<16xf32>, vector<16xi32> -> vector<16xf32>
      %add3A_1435 = arith.addf %add3A_1428, %gather3A_1434 : vector<16xf32>
      %xor3A_1436 = arith.constant 1 : i32
      %xor3A_1437 = vector.broadcast %xor3A_1436 : i32 to vector<16xi32>
      %xor3A_1438 = arith.xori %iota3A_1414, %xor3A_1437 : vector<16xi32>
      %broadcast_in_dim3A_1439 = vector.shape_cast %xor3A_1438 : vector<16xi32> to vector<16x1xi32>
      %gather3A_1440 = vector.shape_cast %broadcast_in_dim3A_1439 : vector<16x1xi32> to vector<16xi32>
      %gather3A_1441 = tpu.dynamic_gather %add3A_1435[%gather3A_1440] in [0] : vector<16xf32>, vector<16xi32> -> vector<16xf32>
      %add3A_1442 = arith.addf %add3A_1435, %gather3A_1441 : vector<16xf32>
      %iota3A_1443 = tpu.iota {dimensions = array<i32: 0>} : vector<16xi32>
      %xor3A_1444 = arith.constant 8 : i32
      %xor3A_1445 = vector.broadcast %xor3A_1444 : i32 to vector<16xi32>
      %xor3A_1446 = arith.xori %iota3A_1443, %xor3A_1445 : vector<16xi32>
      %broadcast_in_dim3A_1447 = vector.shape_cast %xor3A_1446 : vector<16xi32> to vector<16x1xi32>
      %gather3A_1448 = vector.shape_cast %broadcast_in_dim3A_1447 : vector<16x1xi32> to vector<16xi32>
      %gather3A_1449 = tpu.dynamic_gather %scan3A_1122#22[%gather3A_1448] in [0] : vector<16xf32>, vector<16xi32> -> vector<16xf32>
      %add3A_1450 = arith.addf %scan3A_1122#22, %gather3A_1449 : vector<16xf32>
      %xor3A_1451 = arith.constant 4 : i32
      %xor3A_1452 = vector.broadcast %xor3A_1451 : i32 to vector<16xi32>
      %xor3A_1453 = arith.xori %iota3A_1443, %xor3A_1452 : vector<16xi32>
      %broadcast_in_dim3A_1454 = vector.shape_cast %xor3A_1453 : vector<16xi32> to vector<16x1xi32>
      %gather3A_1455 = vector.shape_cast %broadcast_in_dim3A_1454 : vector<16x1xi32> to vector<16xi32>
      %gather3A_1456 = tpu.dynamic_gather %add3A_1450[%gather3A_1455] in [0] : vector<16xf32>, vector<16xi32> -> vector<16xf32>
      %add3A_1457 = arith.addf %add3A_1450, %gather3A_1456 : vector<16xf32>
      %xor3A_1458 = arith.constant 2 : i32
      %xor3A_1459 = vector.broadcast %xor3A_1458 : i32 to vector<16xi32>
      %xor3A_1460 = arith.xori %iota3A_1443, %xor3A_1459 : vector<16xi32>
      %broadcast_in_dim3A_1461 = vector.shape_cast %xor3A_1460 : vector<16xi32> to vector<16x1xi32>
      %gather3A_1462 = vector.shape_cast %broadcast_in_dim3A_1461 : vector<16x1xi32> to vector<16xi32>
      %gather3A_1463 = tpu.dynamic_gather %add3A_1457[%gather3A_1462] in [0] : vector<16xf32>, vector<16xi32> -> vector<16xf32>
      %add3A_1464 = arith.addf %add3A_1457, %gather3A_1463 : vector<16xf32>
      %xor3A_1465 = arith.constant 1 : i32
      %xor3A_1466 = vector.broadcast %xor3A_1465 : i32 to vector<16xi32>
      %xor3A_1467 = arith.xori %iota3A_1443, %xor3A_1466 : vector<16xi32>
      %broadcast_in_dim3A_1468 = vector.shape_cast %xor3A_1467 : vector<16xi32> to vector<16x1xi32>
      %gather3A_1469 = vector.shape_cast %broadcast_in_dim3A_1468 : vector<16x1xi32> to vector<16xi32>
      %gather3A_1470 = tpu.dynamic_gather %add3A_1464[%gather3A_1469] in [0] : vector<16xf32>, vector<16xi32> -> vector<16xf32>
      %add3A_1471 = arith.addf %add3A_1464, %gather3A_1470 : vector<16xf32>
      %iota3A_1472 = tpu.iota {dimensions = array<i32: 0>} : vector<16xi32>
      %xor3A_1473 = arith.constant 8 : i32
      %xor3A_1474 = vector.broadcast %xor3A_1473 : i32 to vector<16xi32>
      %xor3A_1475 = arith.xori %iota3A_1472, %xor3A_1474 : vector<16xi32>
      %broadcast_in_dim3A_1476 = vector.shape_cast %xor3A_1475 : vector<16xi32> to vector<16x1xi32>
      %gather3A_1477 = vector.shape_cast %broadcast_in_dim3A_1476 : vector<16x1xi32> to vector<16xi32>
      %gather3A_1478 = tpu.dynamic_gather %scan3A_1122#24[%gather3A_1477] in [0] : vector<16xf32>, vector<16xi32> -> vector<16xf32>
      %add3A_1479 = arith.addf %scan3A_1122#24, %gather3A_1478 : vector<16xf32>
      %xor3A_1480 = arith.constant 4 : i32
      %xor3A_1481 = vector.broadcast %xor3A_1480 : i32 to vector<16xi32>
      %xor3A_1482 = arith.xori %iota3A_1472, %xor3A_1481 : vector<16xi32>
      %broadcast_in_dim3A_1483 = vector.shape_cast %xor3A_1482 : vector<16xi32> to vector<16x1xi32>
      %gather3A_1484 = vector.shape_cast %broadcast_in_dim3A_1483 : vector<16x1xi32> to vector<16xi32>
      %gather3A_1485 = tpu.dynamic_gather %add3A_1479[%gather3A_1484] in [0] : vector<16xf32>, vector<16xi32> -> vector<16xf32>
      %add3A_1486 = arith.addf %add3A_1479, %gather3A_1485 : vector<16xf32>
      %xor3A_1487 = arith.constant 2 : i32
      %xor3A_1488 = vector.broadcast %xor3A_1487 : i32 to vector<16xi32>
      %xor3A_1489 = arith.xori %iota3A_1472, %xor3A_1488 : vector<16xi32>
      %broadcast_in_dim3A_1490 = vector.shape_cast %xor3A_1489 : vector<16xi32> to vector<16x1xi32>
      %gather3A_1491 = vector.shape_cast %broadcast_in_dim3A_1490 : vector<16x1xi32> to vector<16xi32>
      %gather3A_1492 = tpu.dynamic_gather %add3A_1486[%gather3A_1491] in [0] : vector<16xf32>, vector<16xi32> -> vector<16xf32>
      %add3A_1493 = arith.addf %add3A_1486, %gather3A_1492 : vector<16xf32>
      %xor3A_1494 = arith.constant 1 : i32
      %xor3A_1495 = vector.broadcast %xor3A_1494 : i32 to vector<16xi32>
      %xor3A_1496 = arith.xori %iota3A_1472, %xor3A_1495 : vector<16xi32>
      %broadcast_in_dim3A_1497 = vector.shape_cast %xor3A_1496 : vector<16xi32> to vector<16x1xi32>
      %gather3A_1498 = vector.shape_cast %broadcast_in_dim3A_1497 : vector<16x1xi32> to vector<16xi32>
      %gather3A_1499 = tpu.dynamic_gather %add3A_1493[%gather3A_1498] in [0] : vector<16xf32>, vector<16xi32> -> vector<16xf32>
      %add3A_1500 = arith.addf %add3A_1493, %gather3A_1499 : vector<16xf32>
      %iota3A_1501 = tpu.iota {dimensions = array<i32: 0>} : vector<16xi32>
      %xor3A_1502 = arith.constant 8 : i32
      %xor3A_1503 = vector.broadcast %xor3A_1502 : i32 to vector<16xi32>
      %xor3A_1504 = arith.xori %iota3A_1501, %xor3A_1503 : vector<16xi32>
      %broadcast_in_dim3A_1505 = vector.shape_cast %xor3A_1504 : vector<16xi32> to vector<16x1xi32>
      %gather3A_1506 = vector.shape_cast %broadcast_in_dim3A_1505 : vector<16x1xi32> to vector<16xi32>
      %gather3A_1507 = tpu.dynamic_gather %scan3A_1122#26[%gather3A_1506] in [0] : vector<16xf32>, vector<16xi32> -> vector<16xf32>
      %add3A_1508 = arith.addf %scan3A_1122#26, %gather3A_1507 : vector<16xf32>
      %xor3A_1509 = arith.constant 4 : i32
      %xor3A_1510 = vector.broadcast %xor3A_1509 : i32 to vector<16xi32>
      %xor3A_1511 = arith.xori %iota3A_1501, %xor3A_1510 : vector<16xi32>
      %broadcast_in_dim3A_1512 = vector.shape_cast %xor3A_1511 : vector<16xi32> to vector<16x1xi32>
      %gather3A_1513 = vector.shape_cast %broadcast_in_dim3A_1512 : vector<16x1xi32> to vector<16xi32>
      %gather3A_1514 = tpu.dynamic_gather %add3A_1508[%gather3A_1513] in [0] : vector<16xf32>, vector<16xi32> -> vector<16xf32>
      %add3A_1515 = arith.addf %add3A_1508, %gather3A_1514 : vector<16xf32>
      %xor3A_1516 = arith.constant 2 : i32
      %xor3A_1517 = vector.broadcast %xor3A_1516 : i32 to vector<16xi32>
      %xor3A_1518 = arith.xori %iota3A_1501, %xor3A_1517 : vector<16xi32>
      %broadcast_in_dim3A_1519 = vector.shape_cast %xor3A_1518 : vector<16xi32> to vector<16x1xi32>
      %gather3A_1520 = vector.shape_cast %broadcast_in_dim3A_1519 : vector<16x1xi32> to vector<16xi32>
      %gather3A_1521 = tpu.dynamic_gather %add3A_1515[%gather3A_1520] in [0] : vector<16xf32>, vector<16xi32> -> vector<16xf32>
      %add3A_1522 = arith.addf %add3A_1515, %gather3A_1521 : vector<16xf32>
      %xor3A_1523 = arith.constant 1 : i32
      %xor3A_1524 = vector.broadcast %xor3A_1523 : i32 to vector<16xi32>
      %xor3A_1525 = arith.xori %iota3A_1501, %xor3A_1524 : vector<16xi32>
      %broadcast_in_dim3A_1526 = vector.shape_cast %xor3A_1525 : vector<16xi32> to vector<16x1xi32>
      %gather3A_1527 = vector.shape_cast %broadcast_in_dim3A_1526 : vector<16x1xi32> to vector<16xi32>
      %gather3A_1528 = tpu.dynamic_gather %add3A_1522[%gather3A_1527] in [0] : vector<16xf32>, vector<16xi32> -> vector<16xf32>
      %add3A_1529 = arith.addf %add3A_1522, %gather3A_1528 : vector<16xf32>
      %iota3A_1530 = tpu.iota {dimensions = array<i32: 0>} : vector<16xi32>
      %xor3A_1531 = arith.constant 8 : i32
      %xor3A_1532 = vector.broadcast %xor3A_1531 : i32 to vector<16xi32>
      %xor3A_1533 = arith.xori %iota3A_1530, %xor3A_1532 : vector<16xi32>
      %broadcast_in_dim3A_1534 = vector.shape_cast %xor3A_1533 : vector<16xi32> to vector<16x1xi32>
      %gather3A_1535 = vector.shape_cast %broadcast_in_dim3A_1534 : vector<16x1xi32> to vector<16xi32>
      %gather3A_1536 = tpu.dynamic_gather %scan3A_1122#28[%gather3A_1535] in [0] : vector<16xf32>, vector<16xi32> -> vector<16xf32>
      %add3A_1537 = arith.addf %scan3A_1122#28, %gather3A_1536 : vector<16xf32>
      %xor3A_1538 = arith.constant 4 : i32
      %xor3A_1539 = vector.broadcast %xor3A_1538 : i32 to vector<16xi32>
      %xor3A_1540 = arith.xori %iota3A_1530, %xor3A_1539 : vector<16xi32>
      %broadcast_in_dim3A_1541 = vector.shape_cast %xor3A_1540 : vector<16xi32> to vector<16x1xi32>
      %gather3A_1542 = vector.shape_cast %broadcast_in_dim3A_1541 : vector<16x1xi32> to vector<16xi32>
      %gather3A_1543 = tpu.dynamic_gather %add3A_1537[%gather3A_1542] in [0] : vector<16xf32>, vector<16xi32> -> vector<16xf32>
      %add3A_1544 = arith.addf %add3A_1537, %gather3A_1543 : vector<16xf32>
      %xor3A_1545 = arith.constant 2 : i32
      %xor3A_1546 = vector.broadcast %xor3A_1545 : i32 to vector<16xi32>
      %xor3A_1547 = arith.xori %iota3A_1530, %xor3A_1546 : vector<16xi32>
      %broadcast_in_dim3A_1548 = vector.shape_cast %xor3A_1547 : vector<16xi32> to vector<16x1xi32>
      %gather3A_1549 = vector.shape_cast %broadcast_in_dim3A_1548 : vector<16x1xi32> to vector<16xi32>
      %gather3A_1550 = tpu.dynamic_gather %add3A_1544[%gather3A_1549] in [0] : vector<16xf32>, vector<16xi32> -> vector<16xf32>
      %add3A_1551 = arith.addf %add3A_1544, %gather3A_1550 : vector<16xf32>
      %xor3A_1552 = arith.constant 1 : i32
      %xor3A_1553 = vector.broadcast %xor3A_1552 : i32 to vector<16xi32>
      %xor3A_1554 = arith.xori %iota3A_1530, %xor3A_1553 : vector<16xi32>
      %broadcast_in_dim3A_1555 = vector.shape_cast %xor3A_1554 : vector<16xi32> to vector<16x1xi32>
      %gather3A_1556 = vector.shape_cast %broadcast_in_dim3A_1555 : vector<16x1xi32> to vector<16xi32>
      %gather3A_1557 = tpu.dynamic_gather %add3A_1551[%gather3A_1556] in [0] : vector<16xf32>, vector<16xi32> -> vector<16xf32>
      %add3A_1558 = arith.addf %add3A_1551, %gather3A_1557 : vector<16xf32>
      %iota3A_1559 = tpu.iota {dimensions = array<i32: 0>} : vector<16xi32>
      %xor3A_1560 = arith.constant 8 : i32
      %xor3A_1561 = vector.broadcast %xor3A_1560 : i32 to vector<16xi32>
      %xor3A_1562 = arith.xori %iota3A_1559, %xor3A_1561 : vector<16xi32>
      %broadcast_in_dim3A_1563 = vector.shape_cast %xor3A_1562 : vector<16xi32> to vector<16x1xi32>
      %gather3A_1564 = vector.shape_cast %broadcast_in_dim3A_1563 : vector<16x1xi32> to vector<16xi32>
      %gather3A_1565 = tpu.dynamic_gather %scan3A_1122#30[%gather3A_1564] in [0] : vector<16xf32>, vector<16xi32> -> vector<16xf32>
      %add3A_1566 = arith.addf %scan3A_1122#30, %gather3A_1565 : vector<16xf32>
      %xor3A_1567 = arith.constant 4 : i32
      %xor3A_1568 = vector.broadcast %xor3A_1567 : i32 to vector<16xi32>
      %xor3A_1569 = arith.xori %iota3A_1559, %xor3A_1568 : vector<16xi32>
      %broadcast_in_dim3A_1570 = vector.shape_cast %xor3A_1569 : vector<16xi32> to vector<16x1xi32>
      %gather3A_1571 = vector.shape_cast %broadcast_in_dim3A_1570 : vector<16x1xi32> to vector<16xi32>
      %gather3A_1572 = tpu.dynamic_gather %add3A_1566[%gather3A_1571] in [0] : vector<16xf32>, vector<16xi32> -> vector<16xf32>
      %add3A_1573 = arith.addf %add3A_1566, %gather3A_1572 : vector<16xf32>
      %xor3A_1574 = arith.constant 2 : i32
      %xor3A_1575 = vector.broadcast %xor3A_1574 : i32 to vector<16xi32>
      %xor3A_1576 = arith.xori %iota3A_1559, %xor3A_1575 : vector<16xi32>
      %broadcast_in_dim3A_1577 = vector.shape_cast %xor3A_1576 : vector<16xi32> to vector<16x1xi32>
      %gather3A_1578 = vector.shape_cast %broadcast_in_dim3A_1577 : vector<16x1xi32> to vector<16xi32>
      %gather3A_1579 = tpu.dynamic_gather %add3A_1573[%gather3A_1578] in [0] : vector<16xf32>, vector<16xi32> -> vector<16xf32>
      %add3A_1580 = arith.addf %add3A_1573, %gather3A_1579 : vector<16xf32>
      %xor3A_1581 = arith.constant 1 : i32
      %xor3A_1582 = vector.broadcast %xor3A_1581 : i32 to vector<16xi32>
      %xor3A_1583 = arith.xori %iota3A_1559, %xor3A_1582 : vector<16xi32>
      %broadcast_in_dim3A_1584 = vector.shape_cast %xor3A_1583 : vector<16xi32> to vector<16x1xi32>
      %gather3A_1585 = vector.shape_cast %broadcast_in_dim3A_1584 : vector<16x1xi32> to vector<16xi32>
      %gather3A_1586 = tpu.dynamic_gather %add3A_1580[%gather3A_1585] in [0] : vector<16xf32>, vector<16xi32> -> vector<16xf32>
      %add3A_1587 = arith.addf %add3A_1580, %gather3A_1586 : vector<16xf32>
      %iota3A_1588 = tpu.iota {dimensions = array<i32: 0>} : vector<16xi32>
      %xor3A_1589 = arith.constant 8 : i32
      %xor3A_1590 = vector.broadcast %xor3A_1589 : i32 to vector<16xi32>
      %xor3A_1591 = arith.xori %iota3A_1588, %xor3A_1590 : vector<16xi32>
      %broadcast_in_dim3A_1592 = vector.shape_cast %xor3A_1591 : vector<16xi32> to vector<16x1xi32>
      %gather3A_1593 = vector.shape_cast %broadcast_in_dim3A_1592 : vector<16x1xi32> to vector<16xi32>
      %gather3A_1594 = tpu.dynamic_gather %scan3A_1122#1[%gather3A_1593] in [0] : vector<16xf32>, vector<16xi32> -> vector<16xf32>
      %add3A_1595 = arith.addf %scan3A_1122#1, %gather3A_1594 : vector<16xf32>
      %xor3A_1596 = arith.constant 4 : i32
      %xor3A_1597 = vector.broadcast %xor3A_1596 : i32 to vector<16xi32>
      %xor3A_1598 = arith.xori %iota3A_1588, %xor3A_1597 : vector<16xi32>
      %broadcast_in_dim3A_1599 = vector.shape_cast %xor3A_1598 : vector<16xi32> to vector<16x1xi32>
      %gather3A_1600 = vector.shape_cast %broadcast_in_dim3A_1599 : vector<16x1xi32> to vector<16xi32>
      %gather3A_1601 = tpu.dynamic_gather %add3A_1595[%gather3A_1600] in [0] : vector<16xf32>, vector<16xi32> -> vector<16xf32>
      %add3A_1602 = arith.addf %add3A_1595, %gather3A_1601 : vector<16xf32>
      %xor3A_1603 = arith.constant 2 : i32
      %xor3A_1604 = vector.broadcast %xor3A_1603 : i32 to vector<16xi32>
      %xor3A_1605 = arith.xori %iota3A_1588, %xor3A_1604 : vector<16xi32>
      %broadcast_in_dim3A_1606 = vector.shape_cast %xor3A_1605 : vector<16xi32> to vector<16x1xi32>
      %gather3A_1607 = vector.shape_cast %broadcast_in_dim3A_1606 : vector<16x1xi32> to vector<16xi32>
      %gather3A_1608 = tpu.dynamic_gather %add3A_1602[%gather3A_1607] in [0] : vector<16xf32>, vector<16xi32> -> vector<16xf32>
      %add3A_1609 = arith.addf %add3A_1602, %gather3A_1608 : vector<16xf32>
      %xor3A_1610 = arith.constant 1 : i32
      %xor3A_1611 = vector.broadcast %xor3A_1610 : i32 to vector<16xi32>
      %xor3A_1612 = arith.xori %iota3A_1588, %xor3A_1611 : vector<16xi32>
      %broadcast_in_dim3A_1613 = vector.shape_cast %xor3A_1612 : vector<16xi32> to vector<16x1xi32>
      %gather3A_1614 = vector.shape_cast %broadcast_in_dim3A_1613 : vector<16x1xi32> to vector<16xi32>
      %gather3A_1615 = tpu.dynamic_gather %add3A_1609[%gather3A_1614] in [0] : vector<16xf32>, vector<16xi32> -> vector<16xf32>
      %add3A_1616 = arith.addf %add3A_1609, %gather3A_1615 : vector<16xf32>
      %iota3A_1617 = tpu.iota {dimensions = array<i32: 0>} : vector<16xi32>
      %xor3A_1618 = arith.constant 8 : i32
      %xor3A_1619 = vector.broadcast %xor3A_1618 : i32 to vector<16xi32>
      %xor3A_1620 = arith.xori %iota3A_1617, %xor3A_1619 : vector<16xi32>
      %broadcast_in_dim3A_1621 = vector.shape_cast %xor3A_1620 : vector<16xi32> to vector<16x1xi32>
      %gather3A_1622 = vector.shape_cast %broadcast_in_dim3A_1621 : vector<16x1xi32> to vector<16xi32>
      %gather3A_1623 = tpu.dynamic_gather %scan3A_1122#3[%gather3A_1622] in [0] : vector<16xf32>, vector<16xi32> -> vector<16xf32>
      %add3A_1624 = arith.addf %scan3A_1122#3, %gather3A_1623 : vector<16xf32>
      %xor3A_1625 = arith.constant 4 : i32
      %xor3A_1626 = vector.broadcast %xor3A_1625 : i32 to vector<16xi32>
      %xor3A_1627 = arith.xori %iota3A_1617, %xor3A_1626 : vector<16xi32>
      %broadcast_in_dim3A_1628 = vector.shape_cast %xor3A_1627 : vector<16xi32> to vector<16x1xi32>
      %gather3A_1629 = vector.shape_cast %broadcast_in_dim3A_1628 : vector<16x1xi32> to vector<16xi32>
      %gather3A_1630 = tpu.dynamic_gather %add3A_1624[%gather3A_1629] in [0] : vector<16xf32>, vector<16xi32> -> vector<16xf32>
      %add3A_1631 = arith.addf %add3A_1624, %gather3A_1630 : vector<16xf32>
      %xor3A_1632 = arith.constant 2 : i32
      %xor3A_1633 = vector.broadcast %xor3A_1632 : i32 to vector<16xi32>
      %xor3A_1634 = arith.xori %iota3A_1617, %xor3A_1633 : vector<16xi32>
      %broadcast_in_dim3A_1635 = vector.shape_cast %xor3A_1634 : vector<16xi32> to vector<16x1xi32>
      %gather3A_1636 = vector.shape_cast %broadcast_in_dim3A_1635 : vector<16x1xi32> to vector<16xi32>
      %gather3A_1637 = tpu.dynamic_gather %add3A_1631[%gather3A_1636] in [0] : vector<16xf32>, vector<16xi32> -> vector<16xf32>
      %add3A_1638 = arith.addf %add3A_1631, %gather3A_1637 : vector<16xf32>
      %xor3A_1639 = arith.constant 1 : i32
      %xor3A_1640 = vector.broadcast %xor3A_1639 : i32 to vector<16xi32>
      %xor3A_1641 = arith.xori %iota3A_1617, %xor3A_1640 : vector<16xi32>
      %broadcast_in_dim3A_1642 = vector.shape_cast %xor3A_1641 : vector<16xi32> to vector<16x1xi32>
      %gather3A_1643 = vector.shape_cast %broadcast_in_dim3A_1642 : vector<16x1xi32> to vector<16xi32>
      %gather3A_1644 = tpu.dynamic_gather %add3A_1638[%gather3A_1643] in [0] : vector<16xf32>, vector<16xi32> -> vector<16xf32>
      %add3A_1645 = arith.addf %add3A_1638, %gather3A_1644 : vector<16xf32>
      %iota3A_1646 = tpu.iota {dimensions = array<i32: 0>} : vector<16xi32>
      %xor3A_1647 = arith.constant 8 : i32
      %xor3A_1648 = vector.broadcast %xor3A_1647 : i32 to vector<16xi32>
      %xor3A_1649 = arith.xori %iota3A_1646, %xor3A_1648 : vector<16xi32>
      %broadcast_in_dim3A_1650 = vector.shape_cast %xor3A_1649 : vector<16xi32> to vector<16x1xi32>
      %gather3A_1651 = vector.shape_cast %broadcast_in_dim3A_1650 : vector<16x1xi32> to vector<16xi32>
      %gather3A_1652 = tpu.dynamic_gather %scan3A_1122#5[%gather3A_1651] in [0] : vector<16xf32>, vector<16xi32> -> vector<16xf32>
      %add3A_1653 = arith.addf %scan3A_1122#5, %gather3A_1652 : vector<16xf32>
      %xor3A_1654 = arith.constant 4 : i32
      %xor3A_1655 = vector.broadcast %xor3A_1654 : i32 to vector<16xi32>
      %xor3A_1656 = arith.xori %iota3A_1646, %xor3A_1655 : vector<16xi32>
      %broadcast_in_dim3A_1657 = vector.shape_cast %xor3A_1656 : vector<16xi32> to vector<16x1xi32>
      %gather3A_1658 = vector.shape_cast %broadcast_in_dim3A_1657 : vector<16x1xi32> to vector<16xi32>
      %gather3A_1659 = tpu.dynamic_gather %add3A_1653[%gather3A_1658] in [0] : vector<16xf32>, vector<16xi32> -> vector<16xf32>
      %add3A_1660 = arith.addf %add3A_1653, %gather3A_1659 : vector<16xf32>
      %xor3A_1661 = arith.constant 2 : i32
      %xor3A_1662 = vector.broadcast %xor3A_1661 : i32 to vector<16xi32>
      %xor3A_1663 = arith.xori %iota3A_1646, %xor3A_1662 : vector<16xi32>
      %broadcast_in_dim3A_1664 = vector.shape_cast %xor3A_1663 : vector<16xi32> to vector<16x1xi32>
      %gather3A_1665 = vector.shape_cast %broadcast_in_dim3A_1664 : vector<16x1xi32> to vector<16xi32>
      %gather3A_1666 = tpu.dynamic_gather %add3A_1660[%gather3A_1665] in [0] : vector<16xf32>, vector<16xi32> -> vector<16xf32>
      %add3A_1667 = arith.addf %add3A_1660, %gather3A_1666 : vector<16xf32>
      %xor3A_1668 = arith.constant 1 : i32
      %xor3A_1669 = vector.broadcast %xor3A_1668 : i32 to vector<16xi32>
      %xor3A_1670 = arith.xori %iota3A_1646, %xor3A_1669 : vector<16xi32>
      %broadcast_in_dim3A_1671 = vector.shape_cast %xor3A_1670 : vector<16xi32> to vector<16x1xi32>
      %gather3A_1672 = vector.shape_cast %broadcast_in_dim3A_1671 : vector<16x1xi32> to vector<16xi32>
      %gather3A_1673 = tpu.dynamic_gather %add3A_1667[%gather3A_1672] in [0] : vector<16xf32>, vector<16xi32> -> vector<16xf32>
      %add3A_1674 = arith.addf %add3A_1667, %gather3A_1673 : vector<16xf32>
      %iota3A_1675 = tpu.iota {dimensions = array<i32: 0>} : vector<16xi32>
      %xor3A_1676 = arith.constant 8 : i32
      %xor3A_1677 = vector.broadcast %xor3A_1676 : i32 to vector<16xi32>
      %xor3A_1678 = arith.xori %iota3A_1675, %xor3A_1677 : vector<16xi32>
      %broadcast_in_dim3A_1679 = vector.shape_cast %xor3A_1678 : vector<16xi32> to vector<16x1xi32>
      %gather3A_1680 = vector.shape_cast %broadcast_in_dim3A_1679 : vector<16x1xi32> to vector<16xi32>
      %gather3A_1681 = tpu.dynamic_gather %scan3A_1122#7[%gather3A_1680] in [0] : vector<16xf32>, vector<16xi32> -> vector<16xf32>
      %add3A_1682 = arith.addf %scan3A_1122#7, %gather3A_1681 : vector<16xf32>
      %xor3A_1683 = arith.constant 4 : i32
      %xor3A_1684 = vector.broadcast %xor3A_1683 : i32 to vector<16xi32>
      %xor3A_1685 = arith.xori %iota3A_1675, %xor3A_1684 : vector<16xi32>
      %broadcast_in_dim3A_1686 = vector.shape_cast %xor3A_1685 : vector<16xi32> to vector<16x1xi32>
      %gather3A_1687 = vector.shape_cast %broadcast_in_dim3A_1686 : vector<16x1xi32> to vector<16xi32>
      %gather3A_1688 = tpu.dynamic_gather %add3A_1682[%gather3A_1687] in [0] : vector<16xf32>, vector<16xi32> -> vector<16xf32>
      %add3A_1689 = arith.addf %add3A_1682, %gather3A_1688 : vector<16xf32>
      %xor3A_1690 = arith.constant 2 : i32
      %xor3A_1691 = vector.broadcast %xor3A_1690 : i32 to vector<16xi32>
      %xor3A_1692 = arith.xori %iota3A_1675, %xor3A_1691 : vector<16xi32>
      %broadcast_in_dim3A_1693 = vector.shape_cast %xor3A_1692 : vector<16xi32> to vector<16x1xi32>
      %gather3A_1694 = vector.shape_cast %broadcast_in_dim3A_1693 : vector<16x1xi32> to vector<16xi32>
      %gather3A_1695 = tpu.dynamic_gather %add3A_1689[%gather3A_1694] in [0] : vector<16xf32>, vector<16xi32> -> vector<16xf32>
      %add3A_1696 = arith.addf %add3A_1689, %gather3A_1695 : vector<16xf32>
      %xor3A_1697 = arith.constant 1 : i32
      %xor3A_1698 = vector.broadcast %xor3A_1697 : i32 to vector<16xi32>
      %xor3A_1699 = arith.xori %iota3A_1675, %xor3A_1698 : vector<16xi32>
      %broadcast_in_dim3A_1700 = vector.shape_cast %xor3A_1699 : vector<16xi32> to vector<16x1xi32>
      %gather3A_1701 = vector.shape_cast %broadcast_in_dim3A_1700 : vector<16x1xi32> to vector<16xi32>
      %gather3A_1702 = tpu.dynamic_gather %add3A_1696[%gather3A_1701] in [0] : vector<16xf32>, vector<16xi32> -> vector<16xf32>
      %add3A_1703 = arith.addf %add3A_1696, %gather3A_1702 : vector<16xf32>
      %iota3A_1704 = tpu.iota {dimensions = array<i32: 0>} : vector<16xi32>
      %xor3A_1705 = arith.constant 8 : i32
      %xor3A_1706 = vector.broadcast %xor3A_1705 : i32 to vector<16xi32>
      %xor3A_1707 = arith.xori %iota3A_1704, %xor3A_1706 : vector<16xi32>
      %broadcast_in_dim3A_1708 = vector.shape_cast %xor3A_1707 : vector<16xi32> to vector<16x1xi32>
      %gather3A_1709 = vector.shape_cast %broadcast_in_dim3A_1708 : vector<16x1xi32> to vector<16xi32>
      %gather3A_1710 = tpu.dynamic_gather %scan3A_1122#9[%gather3A_1709] in [0] : vector<16xf32>, vector<16xi32> -> vector<16xf32>
      %add3A_1711 = arith.addf %scan3A_1122#9, %gather3A_1710 : vector<16xf32>
      %xor3A_1712 = arith.constant 4 : i32
      %xor3A_1713 = vector.broadcast %xor3A_1712 : i32 to vector<16xi32>
      %xor3A_1714 = arith.xori %iota3A_1704, %xor3A_1713 : vector<16xi32>
      %broadcast_in_dim3A_1715 = vector.shape_cast %xor3A_1714 : vector<16xi32> to vector<16x1xi32>
      %gather3A_1716 = vector.shape_cast %broadcast_in_dim3A_1715 : vector<16x1xi32> to vector<16xi32>
      %gather3A_1717 = tpu.dynamic_gather %add3A_1711[%gather3A_1716] in [0] : vector<16xf32>, vector<16xi32> -> vector<16xf32>
      %add3A_1718 = arith.addf %add3A_1711, %gather3A_1717 : vector<16xf32>
      %xor3A_1719 = arith.constant 2 : i32
      %xor3A_1720 = vector.broadcast %xor3A_1719 : i32 to vector<16xi32>
      %xor3A_1721 = arith.xori %iota3A_1704, %xor3A_1720 : vector<16xi32>
      %broadcast_in_dim3A_1722 = vector.shape_cast %xor3A_1721 : vector<16xi32> to vector<16x1xi32>
      %gather3A_1723 = vector.shape_cast %broadcast_in_dim3A_1722 : vector<16x1xi32> to vector<16xi32>
      %gather3A_1724 = tpu.dynamic_gather %add3A_1718[%gather3A_1723] in [0] : vector<16xf32>, vector<16xi32> -> vector<16xf32>
      %add3A_1725 = arith.addf %add3A_1718, %gather3A_1724 : vector<16xf32>
      %xor3A_1726 = arith.constant 1 : i32
      %xor3A_1727 = vector.broadcast %xor3A_1726 : i32 to vector<16xi32>
      %xor3A_1728 = arith.xori %iota3A_1704, %xor3A_1727 : vector<16xi32>
      %broadcast_in_dim3A_1729 = vector.shape_cast %xor3A_1728 : vector<16xi32> to vector<16x1xi32>
      %gather3A_1730 = vector.shape_cast %broadcast_in_dim3A_1729 : vector<16x1xi32> to vector<16xi32>
      %gather3A_1731 = tpu.dynamic_gather %add3A_1725[%gather3A_1730] in [0] : vector<16xf32>, vector<16xi32> -> vector<16xf32>
      %add3A_1732 = arith.addf %add3A_1725, %gather3A_1731 : vector<16xf32>
      %iota3A_1733 = tpu.iota {dimensions = array<i32: 0>} : vector<16xi32>
      %xor3A_1734 = arith.constant 8 : i32
      %xor3A_1735 = vector.broadcast %xor3A_1734 : i32 to vector<16xi32>
      %xor3A_1736 = arith.xori %iota3A_1733, %xor3A_1735 : vector<16xi32>
      %broadcast_in_dim3A_1737 = vector.shape_cast %xor3A_1736 : vector<16xi32> to vector<16x1xi32>
      %gather3A_1738 = vector.shape_cast %broadcast_in_dim3A_1737 : vector<16x1xi32> to vector<16xi32>
      %gather3A_1739 = tpu.dynamic_gather %scan3A_1122#11[%gather3A_1738] in [0] : vector<16xf32>, vector<16xi32> -> vector<16xf32>
      %add3A_1740 = arith.addf %scan3A_1122#11, %gather3A_1739 : vector<16xf32>
      %xor3A_1741 = arith.constant 4 : i32
      %xor3A_1742 = vector.broadcast %xor3A_1741 : i32 to vector<16xi32>
      %xor3A_1743 = arith.xori %iota3A_1733, %xor3A_1742 : vector<16xi32>
      %broadcast_in_dim3A_1744 = vector.shape_cast %xor3A_1743 : vector<16xi32> to vector<16x1xi32>
      %gather3A_1745 = vector.shape_cast %broadcast_in_dim3A_1744 : vector<16x1xi32> to vector<16xi32>
      %gather3A_1746 = tpu.dynamic_gather %add3A_1740[%gather3A_1745] in [0] : vector<16xf32>, vector<16xi32> -> vector<16xf32>
      %add3A_1747 = arith.addf %add3A_1740, %gather3A_1746 : vector<16xf32>
      %xor3A_1748 = arith.constant 2 : i32
      %xor3A_1749 = vector.broadcast %xor3A_1748 : i32 to vector<16xi32>
      %xor3A_1750 = arith.xori %iota3A_1733, %xor3A_1749 : vector<16xi32>
      %broadcast_in_dim3A_1751 = vector.shape_cast %xor3A_1750 : vector<16xi32> to vector<16x1xi32>
      %gather3A_1752 = vector.shape_cast %broadcast_in_dim3A_1751 : vector<16x1xi32> to vector<16xi32>
      %gather3A_1753 = tpu.dynamic_gather %add3A_1747[%gather3A_1752] in [0] : vector<16xf32>, vector<16xi32> -> vector<16xf32>
      %add3A_1754 = arith.addf %add3A_1747, %gather3A_1753 : vector<16xf32>
      %xor3A_1755 = arith.constant 1 : i32
      %xor3A_1756 = vector.broadcast %xor3A_1755 : i32 to vector<16xi32>
      %xor3A_1757 = arith.xori %iota3A_1733, %xor3A_1756 : vector<16xi32>
      %broadcast_in_dim3A_1758 = vector.shape_cast %xor3A_1757 : vector<16xi32> to vector<16x1xi32>
      %gather3A_1759 = vector.shape_cast %broadcast_in_dim3A_1758 : vector<16x1xi32> to vector<16xi32>
      %gather3A_1760 = tpu.dynamic_gather %add3A_1754[%gather3A_1759] in [0] : vector<16xf32>, vector<16xi32> -> vector<16xf32>
      %add3A_1761 = arith.addf %add3A_1754, %gather3A_1760 : vector<16xf32>
      %iota3A_1762 = tpu.iota {dimensions = array<i32: 0>} : vector<16xi32>
      %xor3A_1763 = arith.constant 8 : i32
      %xor3A_1764 = vector.broadcast %xor3A_1763 : i32 to vector<16xi32>
      %xor3A_1765 = arith.xori %iota3A_1762, %xor3A_1764 : vector<16xi32>
      %broadcast_in_dim3A_1766 = vector.shape_cast %xor3A_1765 : vector<16xi32> to vector<16x1xi32>
      %gather3A_1767 = vector.shape_cast %broadcast_in_dim3A_1766 : vector<16x1xi32> to vector<16xi32>
      %gather3A_1768 = tpu.dynamic_gather %scan3A_1122#13[%gather3A_1767] in [0] : vector<16xf32>, vector<16xi32> -> vector<16xf32>
      %add3A_1769 = arith.addf %scan3A_1122#13, %gather3A_1768 : vector<16xf32>
      %xor3A_1770 = arith.constant 4 : i32
      %xor3A_1771 = vector.broadcast %xor3A_1770 : i32 to vector<16xi32>
      %xor3A_1772 = arith.xori %iota3A_1762, %xor3A_1771 : vector<16xi32>
      %broadcast_in_dim3A_1773 = vector.shape_cast %xor3A_1772 : vector<16xi32> to vector<16x1xi32>
      %gather3A_1774 = vector.shape_cast %broadcast_in_dim3A_1773 : vector<16x1xi32> to vector<16xi32>
      %gather3A_1775 = tpu.dynamic_gather %add3A_1769[%gather3A_1774] in [0] : vector<16xf32>, vector<16xi32> -> vector<16xf32>
      %add3A_1776 = arith.addf %add3A_1769, %gather3A_1775 : vector<16xf32>
      %xor3A_1777 = arith.constant 2 : i32
      %xor3A_1778 = vector.broadcast %xor3A_1777 : i32 to vector<16xi32>
      %xor3A_1779 = arith.xori %iota3A_1762, %xor3A_1778 : vector<16xi32>
      %broadcast_in_dim3A_1780 = vector.shape_cast %xor3A_1779 : vector<16xi32> to vector<16x1xi32>
      %gather3A_1781 = vector.shape_cast %broadcast_in_dim3A_1780 : vector<16x1xi32> to vector<16xi32>
      %gather3A_1782 = tpu.dynamic_gather %add3A_1776[%gather3A_1781] in [0] : vector<16xf32>, vector<16xi32> -> vector<16xf32>
      %add3A_1783 = arith.addf %add3A_1776, %gather3A_1782 : vector<16xf32>
      %xor3A_1784 = arith.constant 1 : i32
      %xor3A_1785 = vector.broadcast %xor3A_1784 : i32 to vector<16xi32>
      %xor3A_1786 = arith.xori %iota3A_1762, %xor3A_1785 : vector<16xi32>
      %broadcast_in_dim3A_1787 = vector.shape_cast %xor3A_1786 : vector<16xi32> to vector<16x1xi32>
      %gather3A_1788 = vector.shape_cast %broadcast_in_dim3A_1787 : vector<16x1xi32> to vector<16xi32>
      %gather3A_1789 = tpu.dynamic_gather %add3A_1783[%gather3A_1788] in [0] : vector<16xf32>, vector<16xi32> -> vector<16xf32>
      %add3A_1790 = arith.addf %add3A_1783, %gather3A_1789 : vector<16xf32>
      %iota3A_1791 = tpu.iota {dimensions = array<i32: 0>} : vector<16xi32>
      %xor3A_1792 = arith.constant 8 : i32
      %xor3A_1793 = vector.broadcast %xor3A_1792 : i32 to vector<16xi32>
      %xor3A_1794 = arith.xori %iota3A_1791, %xor3A_1793 : vector<16xi32>
      %broadcast_in_dim3A_1795 = vector.shape_cast %xor3A_1794 : vector<16xi32> to vector<16x1xi32>
      %gather3A_1796 = vector.shape_cast %broadcast_in_dim3A_1795 : vector<16x1xi32> to vector<16xi32>
      %gather3A_1797 = tpu.dynamic_gather %scan3A_1122#15[%gather3A_1796] in [0] : vector<16xf32>, vector<16xi32> -> vector<16xf32>
      %add3A_1798 = arith.addf %scan3A_1122#15, %gather3A_1797 : vector<16xf32>
      %xor3A_1799 = arith.constant 4 : i32
      %xor3A_1800 = vector.broadcast %xor3A_1799 : i32 to vector<16xi32>
      %xor3A_1801 = arith.xori %iota3A_1791, %xor3A_1800 : vector<16xi32>
      %broadcast_in_dim3A_1802 = vector.shape_cast %xor3A_1801 : vector<16xi32> to vector<16x1xi32>
      %gather3A_1803 = vector.shape_cast %broadcast_in_dim3A_1802 : vector<16x1xi32> to vector<16xi32>
      %gather3A_1804 = tpu.dynamic_gather %add3A_1798[%gather3A_1803] in [0] : vector<16xf32>, vector<16xi32> -> vector<16xf32>
      %add3A_1805 = arith.addf %add3A_1798, %gather3A_1804 : vector<16xf32>
      %xor3A_1806 = arith.constant 2 : i32
      %xor3A_1807 = vector.broadcast %xor3A_1806 : i32 to vector<16xi32>
      %xor3A_1808 = arith.xori %iota3A_1791, %xor3A_1807 : vector<16xi32>
      %broadcast_in_dim3A_1809 = vector.shape_cast %xor3A_1808 : vector<16xi32> to vector<16x1xi32>
      %gather3A_1810 = vector.shape_cast %broadcast_in_dim3A_1809 : vector<16x1xi32> to vector<16xi32>
      %gather3A_1811 = tpu.dynamic_gather %add3A_1805[%gather3A_1810] in [0] : vector<16xf32>, vector<16xi32> -> vector<16xf32>
      %add3A_1812 = arith.addf %add3A_1805, %gather3A_1811 : vector<16xf32>
      %xor3A_1813 = arith.constant 1 : i32
      %xor3A_1814 = vector.broadcast %xor3A_1813 : i32 to vector<16xi32>
      %xor3A_1815 = arith.xori %iota3A_1791, %xor3A_1814 : vector<16xi32>
      %broadcast_in_dim3A_1816 = vector.shape_cast %xor3A_1815 : vector<16xi32> to vector<16x1xi32>
      %gather3A_1817 = vector.shape_cast %broadcast_in_dim3A_1816 : vector<16x1xi32> to vector<16xi32>
      %gather3A_1818 = tpu.dynamic_gather %add3A_1812[%gather3A_1817] in [0] : vector<16xf32>, vector<16xi32> -> vector<16xf32>
      %add3A_1819 = arith.addf %add3A_1812, %gather3A_1818 : vector<16xf32>
      %iota3A_1820 = tpu.iota {dimensions = array<i32: 0>} : vector<16xi32>
      %xor3A_1821 = arith.constant 8 : i32
      %xor3A_1822 = vector.broadcast %xor3A_1821 : i32 to vector<16xi32>
      %xor3A_1823 = arith.xori %iota3A_1820, %xor3A_1822 : vector<16xi32>
      %broadcast_in_dim3A_1824 = vector.shape_cast %xor3A_1823 : vector<16xi32> to vector<16x1xi32>
      %gather3A_1825 = vector.shape_cast %broadcast_in_dim3A_1824 : vector<16x1xi32> to vector<16xi32>
      %gather3A_1826 = tpu.dynamic_gather %scan3A_1122#17[%gather3A_1825] in [0] : vector<16xf32>, vector<16xi32> -> vector<16xf32>
      %add3A_1827 = arith.addf %scan3A_1122#17, %gather3A_1826 : vector<16xf32>
      %xor3A_1828 = arith.constant 4 : i32
      %xor3A_1829 = vector.broadcast %xor3A_1828 : i32 to vector<16xi32>
      %xor3A_1830 = arith.xori %iota3A_1820, %xor3A_1829 : vector<16xi32>
      %broadcast_in_dim3A_1831 = vector.shape_cast %xor3A_1830 : vector<16xi32> to vector<16x1xi32>
      %gather3A_1832 = vector.shape_cast %broadcast_in_dim3A_1831 : vector<16x1xi32> to vector<16xi32>
      %gather3A_1833 = tpu.dynamic_gather %add3A_1827[%gather3A_1832] in [0] : vector<16xf32>, vector<16xi32> -> vector<16xf32>
      %add3A_1834 = arith.addf %add3A_1827, %gather3A_1833 : vector<16xf32>
      %xor3A_1835 = arith.constant 2 : i32
      %xor3A_1836 = vector.broadcast %xor3A_1835 : i32 to vector<16xi32>
      %xor3A_1837 = arith.xori %iota3A_1820, %xor3A_1836 : vector<16xi32>
      %broadcast_in_dim3A_1838 = vector.shape_cast %xor3A_1837 : vector<16xi32> to vector<16x1xi32>
      %gather3A_1839 = vector.shape_cast %broadcast_in_dim3A_1838 : vector<16x1xi32> to vector<16xi32>
      %gather3A_1840 = tpu.dynamic_gather %add3A_1834[%gather3A_1839] in [0] : vector<16xf32>, vector<16xi32> -> vector<16xf32>
      %add3A_1841 = arith.addf %add3A_1834, %gather3A_1840 : vector<16xf32>
      %xor3A_1842 = arith.constant 1 : i32
      %xor3A_1843 = vector.broadcast %xor3A_1842 : i32 to vector<16xi32>
      %xor3A_1844 = arith.xori %iota3A_1820, %xor3A_1843 : vector<16xi32>
      %broadcast_in_dim3A_1845 = vector.shape_cast %xor3A_1844 : vector<16xi32> to vector<16x1xi32>
      %gather3A_1846 = vector.shape_cast %broadcast_in_dim3A_1845 : vector<16x1xi32> to vector<16xi32>
      %gather3A_1847 = tpu.dynamic_gather %add3A_1841[%gather3A_1846] in [0] : vector<16xf32>, vector<16xi32> -> vector<16xf32>
      %add3A_1848 = arith.addf %add3A_1841, %gather3A_1847 : vector<16xf32>
      %iota3A_1849 = tpu.iota {dimensions = array<i32: 0>} : vector<16xi32>
      %xor3A_1850 = arith.constant 8 : i32
      %xor3A_1851 = vector.broadcast %xor3A_1850 : i32 to vector<16xi32>
      %xor3A_1852 = arith.xori %iota3A_1849, %xor3A_1851 : vector<16xi32>
      %broadcast_in_dim3A_1853 = vector.shape_cast %xor3A_1852 : vector<16xi32> to vector<16x1xi32>
      %gather3A_1854 = vector.shape_cast %broadcast_in_dim3A_1853 : vector<16x1xi32> to vector<16xi32>
      %gather3A_1855 = tpu.dynamic_gather %scan3A_1122#19[%gather3A_1854] in [0] : vector<16xf32>, vector<16xi32> -> vector<16xf32>
      %add3A_1856 = arith.addf %scan3A_1122#19, %gather3A_1855 : vector<16xf32>
      %xor3A_1857 = arith.constant 4 : i32
      %xor3A_1858 = vector.broadcast %xor3A_1857 : i32 to vector<16xi32>
      %xor3A_1859 = arith.xori %iota3A_1849, %xor3A_1858 : vector<16xi32>
      %broadcast_in_dim3A_1860 = vector.shape_cast %xor3A_1859 : vector<16xi32> to vector<16x1xi32>
      %gather3A_1861 = vector.shape_cast %broadcast_in_dim3A_1860 : vector<16x1xi32> to vector<16xi32>
      %gather3A_1862 = tpu.dynamic_gather %add3A_1856[%gather3A_1861] in [0] : vector<16xf32>, vector<16xi32> -> vector<16xf32>
      %add3A_1863 = arith.addf %add3A_1856, %gather3A_1862 : vector<16xf32>
      %xor3A_1864 = arith.constant 2 : i32
      %xor3A_1865 = vector.broadcast %xor3A_1864 : i32 to vector<16xi32>
      %xor3A_1866 = arith.xori %iota3A_1849, %xor3A_1865 : vector<16xi32>
      %broadcast_in_dim3A_1867 = vector.shape_cast %xor3A_1866 : vector<16xi32> to vector<16x1xi32>
      %gather3A_1868 = vector.shape_cast %broadcast_in_dim3A_1867 : vector<16x1xi32> to vector<16xi32>
      %gather3A_1869 = tpu.dynamic_gather %add3A_1863[%gather3A_1868] in [0] : vector<16xf32>, vector<16xi32> -> vector<16xf32>
      %add3A_1870 = arith.addf %add3A_1863, %gather3A_1869 : vector<16xf32>
      %xor3A_1871 = arith.constant 1 : i32
      %xor3A_1872 = vector.broadcast %xor3A_1871 : i32 to vector<16xi32>
      %xor3A_1873 = arith.xori %iota3A_1849, %xor3A_1872 : vector<16xi32>
      %broadcast_in_dim3A_1874 = vector.shape_cast %xor3A_1873 : vector<16xi32> to vector<16x1xi32>
      %gather3A_1875 = vector.shape_cast %broadcast_in_dim3A_1874 : vector<16x1xi32> to vector<16xi32>
      %gather3A_1876 = tpu.dynamic_gather %add3A_1870[%gather3A_1875] in [0] : vector<16xf32>, vector<16xi32> -> vector<16xf32>
      %add3A_1877 = arith.addf %add3A_1870, %gather3A_1876 : vector<16xf32>
      %iota3A_1878 = tpu.iota {dimensions = array<i32: 0>} : vector<16xi32>
      %xor3A_1879 = arith.constant 8 : i32
      %xor3A_1880 = vector.broadcast %xor3A_1879 : i32 to vector<16xi32>
      %xor3A_1881 = arith.xori %iota3A_1878, %xor3A_1880 : vector<16xi32>
      %broadcast_in_dim3A_1882 = vector.shape_cast %xor3A_1881 : vector<16xi32> to vector<16x1xi32>
      %gather3A_1883 = vector.shape_cast %broadcast_in_dim3A_1882 : vector<16x1xi32> to vector<16xi32>
      %gather3A_1884 = tpu.dynamic_gather %scan3A_1122#21[%gather3A_1883] in [0] : vector<16xf32>, vector<16xi32> -> vector<16xf32>
      %add3A_1885 = arith.addf %scan3A_1122#21, %gather3A_1884 : vector<16xf32>
      %xor3A_1886 = arith.constant 4 : i32
      %xor3A_1887 = vector.broadcast %xor3A_1886 : i32 to vector<16xi32>
      %xor3A_1888 = arith.xori %iota3A_1878, %xor3A_1887 : vector<16xi32>
      %broadcast_in_dim3A_1889 = vector.shape_cast %xor3A_1888 : vector<16xi32> to vector<16x1xi32>
      %gather3A_1890 = vector.shape_cast %broadcast_in_dim3A_1889 : vector<16x1xi32> to vector<16xi32>
      %gather3A_1891 = tpu.dynamic_gather %add3A_1885[%gather3A_1890] in [0] : vector<16xf32>, vector<16xi32> -> vector<16xf32>
      %add3A_1892 = arith.addf %add3A_1885, %gather3A_1891 : vector<16xf32>
      %xor3A_1893 = arith.constant 2 : i32
      %xor3A_1894 = vector.broadcast %xor3A_1893 : i32 to vector<16xi32>
      %xor3A_1895 = arith.xori %iota3A_1878, %xor3A_1894 : vector<16xi32>
      %broadcast_in_dim3A_1896 = vector.shape_cast %xor3A_1895 : vector<16xi32> to vector<16x1xi32>
      %gather3A_1897 = vector.shape_cast %broadcast_in_dim3A_1896 : vector<16x1xi32> to vector<16xi32>
      %gather3A_1898 = tpu.dynamic_gather %add3A_1892[%gather3A_1897] in [0] : vector<16xf32>, vector<16xi32> -> vector<16xf32>
      %add3A_1899 = arith.addf %add3A_1892, %gather3A_1898 : vector<16xf32>
      %xor3A_1900 = arith.constant 1 : i32
      %xor3A_1901 = vector.broadcast %xor3A_1900 : i32 to vector<16xi32>
      %xor3A_1902 = arith.xori %iota3A_1878, %xor3A_1901 : vector<16xi32>
      %broadcast_in_dim3A_1903 = vector.shape_cast %xor3A_1902 : vector<16xi32> to vector<16x1xi32>
      %gather3A_1904 = vector.shape_cast %broadcast_in_dim3A_1903 : vector<16x1xi32> to vector<16xi32>
      %gather3A_1905 = tpu.dynamic_gather %add3A_1899[%gather3A_1904] in [0] : vector<16xf32>, vector<16xi32> -> vector<16xf32>
      %add3A_1906 = arith.addf %add3A_1899, %gather3A_1905 : vector<16xf32>
      %iota3A_1907 = tpu.iota {dimensions = array<i32: 0>} : vector<16xi32>
      %xor3A_1908 = arith.constant 8 : i32
      %xor3A_1909 = vector.broadcast %xor3A_1908 : i32 to vector<16xi32>
      %xor3A_1910 = arith.xori %iota3A_1907, %xor3A_1909 : vector<16xi32>
      %broadcast_in_dim3A_1911 = vector.shape_cast %xor3A_1910 : vector<16xi32> to vector<16x1xi32>
      %gather3A_1912 = vector.shape_cast %broadcast_in_dim3A_1911 : vector<16x1xi32> to vector<16xi32>
      %gather3A_1913 = tpu.dynamic_gather %scan3A_1122#23[%gather3A_1912] in [0] : vector<16xf32>, vector<16xi32> -> vector<16xf32>
      %add3A_1914 = arith.addf %scan3A_1122#23, %gather3A_1913 : vector<16xf32>
      %xor3A_1915 = arith.constant 4 : i32
      %xor3A_1916 = vector.broadcast %xor3A_1915 : i32 to vector<16xi32>
      %xor3A_1917 = arith.xori %iota3A_1907, %xor3A_1916 : vector<16xi32>
      %broadcast_in_dim3A_1918 = vector.shape_cast %xor3A_1917 : vector<16xi32> to vector<16x1xi32>
      %gather3A_1919 = vector.shape_cast %broadcast_in_dim3A_1918 : vector<16x1xi32> to vector<16xi32>
      %gather3A_1920 = tpu.dynamic_gather %add3A_1914[%gather3A_1919] in [0] : vector<16xf32>, vector<16xi32> -> vector<16xf32>
      %add3A_1921 = arith.addf %add3A_1914, %gather3A_1920 : vector<16xf32>
      %xor3A_1922 = arith.constant 2 : i32
      %xor3A_1923 = vector.broadcast %xor3A_1922 : i32 to vector<16xi32>
      %xor3A_1924 = arith.xori %iota3A_1907, %xor3A_1923 : vector<16xi32>
      %broadcast_in_dim3A_1925 = vector.shape_cast %xor3A_1924 : vector<16xi32> to vector<16x1xi32>
      %gather3A_1926 = vector.shape_cast %broadcast_in_dim3A_1925 : vector<16x1xi32> to vector<16xi32>
      %gather3A_1927 = tpu.dynamic_gather %add3A_1921[%gather3A_1926] in [0] : vector<16xf32>, vector<16xi32> -> vector<16xf32>
      %add3A_1928 = arith.addf %add3A_1921, %gather3A_1927 : vector<16xf32>
      %xor3A_1929 = arith.constant 1 : i32
      %xor3A_1930 = vector.broadcast %xor3A_1929 : i32 to vector<16xi32>
      %xor3A_1931 = arith.xori %iota3A_1907, %xor3A_1930 : vector<16xi32>
      %broadcast_in_dim3A_1932 = vector.shape_cast %xor3A_1931 : vector<16xi32> to vector<16x1xi32>
      %gather3A_1933 = vector.shape_cast %broadcast_in_dim3A_1932 : vector<16x1xi32> to vector<16xi32>
      %gather3A_1934 = tpu.dynamic_gather %add3A_1928[%gather3A_1933] in [0] : vector<16xf32>, vector<16xi32> -> vector<16xf32>
      %add3A_1935 = arith.addf %add3A_1928, %gather3A_1934 : vector<16xf32>
      %iota3A_1936 = tpu.iota {dimensions = array<i32: 0>} : vector<16xi32>
      %xor3A_1937 = arith.constant 8 : i32
      %xor3A_1938 = vector.broadcast %xor3A_1937 : i32 to vector<16xi32>
      %xor3A_1939 = arith.xori %iota3A_1936, %xor3A_1938 : vector<16xi32>
      %broadcast_in_dim3A_1940 = vector.shape_cast %xor3A_1939 : vector<16xi32> to vector<16x1xi32>
      %gather3A_1941 = vector.shape_cast %broadcast_in_dim3A_1940 : vector<16x1xi32> to vector<16xi32>
      %gather3A_1942 = tpu.dynamic_gather %scan3A_1122#25[%gather3A_1941] in [0] : vector<16xf32>, vector<16xi32> -> vector<16xf32>
      %add3A_1943 = arith.addf %scan3A_1122#25, %gather3A_1942 : vector<16xf32>
      %xor3A_1944 = arith.constant 4 : i32
      %xor3A_1945 = vector.broadcast %xor3A_1944 : i32 to vector<16xi32>
      %xor3A_1946 = arith.xori %iota3A_1936, %xor3A_1945 : vector<16xi32>
      %broadcast_in_dim3A_1947 = vector.shape_cast %xor3A_1946 : vector<16xi32> to vector<16x1xi32>
      %gather3A_1948 = vector.shape_cast %broadcast_in_dim3A_1947 : vector<16x1xi32> to vector<16xi32>
      %gather3A_1949 = tpu.dynamic_gather %add3A_1943[%gather3A_1948] in [0] : vector<16xf32>, vector<16xi32> -> vector<16xf32>
      %add3A_1950 = arith.addf %add3A_1943, %gather3A_1949 : vector<16xf32>
      %xor3A_1951 = arith.constant 2 : i32
      %xor3A_1952 = vector.broadcast %xor3A_1951 : i32 to vector<16xi32>
      %xor3A_1953 = arith.xori %iota3A_1936, %xor3A_1952 : vector<16xi32>
      %broadcast_in_dim3A_1954 = vector.shape_cast %xor3A_1953 : vector<16xi32> to vector<16x1xi32>
      %gather3A_1955 = vector.shape_cast %broadcast_in_dim3A_1954 : vector<16x1xi32> to vector<16xi32>
      %gather3A_1956 = tpu.dynamic_gather %add3A_1950[%gather3A_1955] in [0] : vector<16xf32>, vector<16xi32> -> vector<16xf32>
      %add3A_1957 = arith.addf %add3A_1950, %gather3A_1956 : vector<16xf32>
      %xor3A_1958 = arith.constant 1 : i32
      %xor3A_1959 = vector.broadcast %xor3A_1958 : i32 to vector<16xi32>
      %xor3A_1960 = arith.xori %iota3A_1936, %xor3A_1959 : vector<16xi32>
      %broadcast_in_dim3A_1961 = vector.shape_cast %xor3A_1960 : vector<16xi32> to vector<16x1xi32>
      %gather3A_1962 = vector.shape_cast %broadcast_in_dim3A_1961 : vector<16x1xi32> to vector<16xi32>
      %gather3A_1963 = tpu.dynamic_gather %add3A_1957[%gather3A_1962] in [0] : vector<16xf32>, vector<16xi32> -> vector<16xf32>
      %add3A_1964 = arith.addf %add3A_1957, %gather3A_1963 : vector<16xf32>
      %iota3A_1965 = tpu.iota {dimensions = array<i32: 0>} : vector<16xi32>
      %xor3A_1966 = arith.constant 8 : i32
      %xor3A_1967 = vector.broadcast %xor3A_1966 : i32 to vector<16xi32>
      %xor3A_1968 = arith.xori %iota3A_1965, %xor3A_1967 : vector<16xi32>
      %broadcast_in_dim3A_1969 = vector.shape_cast %xor3A_1968 : vector<16xi32> to vector<16x1xi32>
      %gather3A_1970 = vector.shape_cast %broadcast_in_dim3A_1969 : vector<16x1xi32> to vector<16xi32>
      %gather3A_1971 = tpu.dynamic_gather %scan3A_1122#27[%gather3A_1970] in [0] : vector<16xf32>, vector<16xi32> -> vector<16xf32>
      %add3A_1972 = arith.addf %scan3A_1122#27, %gather3A_1971 : vector<16xf32>
      %xor3A_1973 = arith.constant 4 : i32
      %xor3A_1974 = vector.broadcast %xor3A_1973 : i32 to vector<16xi32>
      %xor3A_1975 = arith.xori %iota3A_1965, %xor3A_1974 : vector<16xi32>
      %broadcast_in_dim3A_1976 = vector.shape_cast %xor3A_1975 : vector<16xi32> to vector<16x1xi32>
      %gather3A_1977 = vector.shape_cast %broadcast_in_dim3A_1976 : vector<16x1xi32> to vector<16xi32>
      %gather3A_1978 = tpu.dynamic_gather %add3A_1972[%gather3A_1977] in [0] : vector<16xf32>, vector<16xi32> -> vector<16xf32>
      %add3A_1979 = arith.addf %add3A_1972, %gather3A_1978 : vector<16xf32>
      %xor3A_1980 = arith.constant 2 : i32
      %xor3A_1981 = vector.broadcast %xor3A_1980 : i32 to vector<16xi32>
      %xor3A_1982 = arith.xori %iota3A_1965, %xor3A_1981 : vector<16xi32>
      %broadcast_in_dim3A_1983 = vector.shape_cast %xor3A_1982 : vector<16xi32> to vector<16x1xi32>
      %gather3A_1984 = vector.shape_cast %broadcast_in_dim3A_1983 : vector<16x1xi32> to vector<16xi32>
      %gather3A_1985 = tpu.dynamic_gather %add3A_1979[%gather3A_1984] in [0] : vector<16xf32>, vector<16xi32> -> vector<16xf32>
      %add3A_1986 = arith.addf %add3A_1979, %gather3A_1985 : vector<16xf32>
      %xor3A_1987 = arith.constant 1 : i32
      %xor3A_1988 = vector.broadcast %xor3A_1987 : i32 to vector<16xi32>
      %xor3A_1989 = arith.xori %iota3A_1965, %xor3A_1988 : vector<16xi32>
      %broadcast_in_dim3A_1990 = vector.shape_cast %xor3A_1989 : vector<16xi32> to vector<16x1xi32>
      %gather3A_1991 = vector.shape_cast %broadcast_in_dim3A_1990 : vector<16x1xi32> to vector<16xi32>
      %gather3A_1992 = tpu.dynamic_gather %add3A_1986[%gather3A_1991] in [0] : vector<16xf32>, vector<16xi32> -> vector<16xf32>
      %add3A_1993 = arith.addf %add3A_1986, %gather3A_1992 : vector<16xf32>
      %iota3A_1994 = tpu.iota {dimensions = array<i32: 0>} : vector<16xi32>
      %xor3A_1995 = arith.constant 8 : i32
      %xor3A_1996 = vector.broadcast %xor3A_1995 : i32 to vector<16xi32>
      %xor3A_1997 = arith.xori %iota3A_1994, %xor3A_1996 : vector<16xi32>
      %broadcast_in_dim3A_1998 = vector.shape_cast %xor3A_1997 : vector<16xi32> to vector<16x1xi32>
      %gather3A_1999 = vector.shape_cast %broadcast_in_dim3A_1998 : vector<16x1xi32> to vector<16xi32>
      %gather3A_2000 = tpu.dynamic_gather %scan3A_1122#29[%gather3A_1999] in [0] : vector<16xf32>, vector<16xi32> -> vector<16xf32>
      %add3A_2001 = arith.addf %scan3A_1122#29, %gather3A_2000 : vector<16xf32>
      %xor3A_2002 = arith.constant 4 : i32
      %xor3A_2003 = vector.broadcast %xor3A_2002 : i32 to vector<16xi32>
      %xor3A_2004 = arith.xori %iota3A_1994, %xor3A_2003 : vector<16xi32>
      %broadcast_in_dim3A_2005 = vector.shape_cast %xor3A_2004 : vector<16xi32> to vector<16x1xi32>
      %gather3A_2006 = vector.shape_cast %broadcast_in_dim3A_2005 : vector<16x1xi32> to vector<16xi32>
      %gather3A_2007 = tpu.dynamic_gather %add3A_2001[%gather3A_2006] in [0] : vector<16xf32>, vector<16xi32> -> vector<16xf32>
      %add3A_2008 = arith.addf %add3A_2001, %gather3A_2007 : vector<16xf32>
      %xor3A_2009 = arith.constant 2 : i32
      %xor3A_2010 = vector.broadcast %xor3A_2009 : i32 to vector<16xi32>
      %xor3A_2011 = arith.xori %iota3A_1994, %xor3A_2010 : vector<16xi32>
      %broadcast_in_dim3A_2012 = vector.shape_cast %xor3A_2011 : vector<16xi32> to vector<16x1xi32>
      %gather3A_2013 = vector.shape_cast %broadcast_in_dim3A_2012 : vector<16x1xi32> to vector<16xi32>
      %gather3A_2014 = tpu.dynamic_gather %add3A_2008[%gather3A_2013] in [0] : vector<16xf32>, vector<16xi32> -> vector<16xf32>
      %add3A_2015 = arith.addf %add3A_2008, %gather3A_2014 : vector<16xf32>
      %xor3A_2016 = arith.constant 1 : i32
      %xor3A_2017 = vector.broadcast %xor3A_2016 : i32 to vector<16xi32>
      %xor3A_2018 = arith.xori %iota3A_1994, %xor3A_2017 : vector<16xi32>
      %broadcast_in_dim3A_2019 = vector.shape_cast %xor3A_2018 : vector<16xi32> to vector<16x1xi32>
      %gather3A_2020 = vector.shape_cast %broadcast_in_dim3A_2019 : vector<16x1xi32> to vector<16xi32>
      %gather3A_2021 = tpu.dynamic_gather %add3A_2015[%gather3A_2020] in [0] : vector<16xf32>, vector<16xi32> -> vector<16xf32>
      %add3A_2022 = arith.addf %add3A_2015, %gather3A_2021 : vector<16xf32>
      %iota3A_2023 = tpu.iota {dimensions = array<i32: 0>} : vector<16xi32>
      %xor3A_2024 = arith.constant 8 : i32
      %xor3A_2025 = vector.broadcast %xor3A_2024 : i32 to vector<16xi32>
      %xor3A_2026 = arith.xori %iota3A_2023, %xor3A_2025 : vector<16xi32>
      %broadcast_in_dim3A_2027 = vector.shape_cast %xor3A_2026 : vector<16xi32> to vector<16x1xi32>
      %gather3A_2028 = vector.shape_cast %broadcast_in_dim3A_2027 : vector<16x1xi32> to vector<16xi32>
      %gather3A_2029 = tpu.dynamic_gather %scan3A_1122#31[%gather3A_2028] in [0] : vector<16xf32>, vector<16xi32> -> vector<16xf32>
      %add3A_2030 = arith.addf %scan3A_1122#31, %gather3A_2029 : vector<16xf32>
      %xor3A_2031 = arith.constant 4 : i32
      %xor3A_2032 = vector.broadcast %xor3A_2031 : i32 to vector<16xi32>
      %xor3A_2033 = arith.xori %iota3A_2023, %xor3A_2032 : vector<16xi32>
      %broadcast_in_dim3A_2034 = vector.shape_cast %xor3A_2033 : vector<16xi32> to vector<16x1xi32>
      %gather3A_2035 = vector.shape_cast %broadcast_in_dim3A_2034 : vector<16x1xi32> to vector<16xi32>
      %gather3A_2036 = tpu.dynamic_gather %add3A_2030[%gather3A_2035] in [0] : vector<16xf32>, vector<16xi32> -> vector<16xf32>
      %add3A_2037 = arith.addf %add3A_2030, %gather3A_2036 : vector<16xf32>
      %xor3A_2038 = arith.constant 2 : i32
      %xor3A_2039 = vector.broadcast %xor3A_2038 : i32 to vector<16xi32>
      %xor3A_2040 = arith.xori %iota3A_2023, %xor3A_2039 : vector<16xi32>
      %broadcast_in_dim3A_2041 = vector.shape_cast %xor3A_2040 : vector<16xi32> to vector<16x1xi32>
      %gather3A_2042 = vector.shape_cast %broadcast_in_dim3A_2041 : vector<16x1xi32> to vector<16xi32>
      %gather3A_2043 = tpu.dynamic_gather %add3A_2037[%gather3A_2042] in [0] : vector<16xf32>, vector<16xi32> -> vector<16xf32>
      %add3A_2044 = arith.addf %add3A_2037, %gather3A_2043 : vector<16xf32>
      %xor3A_2045 = arith.constant 1 : i32
      %xor3A_2046 = vector.broadcast %xor3A_2045 : i32 to vector<16xi32>
      %xor3A_2047 = arith.xori %iota3A_2023, %xor3A_2046 : vector<16xi32>
      %broadcast_in_dim3A_2048 = vector.shape_cast %xor3A_2047 : vector<16xi32> to vector<16x1xi32>
      %gather3A_2049 = vector.shape_cast %broadcast_in_dim3A_2048 : vector<16x1xi32> to vector<16xi32>
      %gather3A_2050 = tpu.dynamic_gather %add3A_2044[%gather3A_2049] in [0] : vector<16xf32>, vector<16xi32> -> vector<16xf32>
      %add3A_2051 = arith.addf %add3A_2044, %gather3A_2050 : vector<16xf32>
      %add3A_2052 = arith.constant 3 : i32
      %add3A_2053 = arith.addi %add3A_1047, %add3A_2052 : i32
      %lt3A_2054 = arith.constant 15 : i32
      %lt3A_2055 = arith.cmpi slt, %add3A_2053, %lt3A_2054 : i32
      %convert_element_type3A_2056 = arith.extui %lt3A_2055 : i1 to i32
      %cond3A_2057 = arith.constant 0 : i32
      %cond3A_2058 = arith.cmpi ne, %convert_element_type3A_2056, %cond3A_2057 : i32
      scf.if %cond3A_2058 {
        %mul3A_3354 = arith.constant 16 : i32
        %mul3A_3355 = arith.muli %add3A_2053, %mul3A_3354 : i32
        %add3A_3356 = arith.addi %add3A_4, %mul3A_3355 : i32
        %dma_start3A_3357 = arith.constant 0 : i32
        %dma_start3A_3358 = tpu.memref_slice %arg3[%add3A_3356, %dma_start3A_3357] : memref<16384x2048xf32, #tpu.memory_space<hbm>> -> memref<16x2048xf32, #tpu.memory_space<hbm>>
        %dma_start3A_3359 = arith.constant 0 : i32
        %dma_start3A_3360 = tpu.memref_slice %arg3[%add3A_3356, %dma_start3A_3359] : memref<16384x2048xf32, #tpu.memory_space<hbm>> -> memref<16x2048xf32, #tpu.memory_space<hbm>>
        tpu.enqueue_dma source(%dma_start3A_3360 : memref<16x2048xf32, #tpu.memory_space<hbm>>) target(%arg8 : memref<16x2048xf32, #tpu.memory_space<vmem>>) target_semaphore(%arg14 : memref<!tpu.dma_semaphore, #tpu.memory_space<semaphore_mem>>)
      } else {
      }
      %mul3A_2059 = arith.constant 3 : i32
      %mul3A_2060 = arith.muli %scan3A_33, %mul3A_2059 : i32
      %add3A_2061 = arith.constant 2 : i32
      %add3A_2062 = arith.addi %mul3A_2060, %add3A_2061 : i32
      %dma_wait3A_2063 = arith.constant 0 : i32
      %dma_wait3A_2064 = arith.constant 0 : i32
      %dma_wait3A_2065 = tpu.memref_slice %arg3[%dma_wait3A_2063, %dma_wait3A_2064] : memref<16384x2048xf32, #tpu.memory_space<hbm>> -> memref<16x2048xf32, #tpu.memory_space<hbm>>
      %dma_wait3A_2066 = arith.constant 0 : i32
      %dma_wait3A_2067 = arith.constant 0 : i32
      %dma_wait3A_2068 = tpu.memref_slice %arg3[%dma_wait3A_2066, %dma_wait3A_2067] : memref<16384x2048xf32, #tpu.memory_space<hbm>> -> memref<16x2048xf32, #tpu.memory_space<hbm>>
      tpu.wait_dma2 semaphore(%arg15 : memref<!tpu.dma_semaphore, #tpu.memory_space<semaphore_mem>>) src(%dma_wait3A_2068 : memref<16x2048xf32, #tpu.memory_space<hbm>>) dst(%arg9 : memref<16x2048xf32, #tpu.memory_space<vmem>>)
      %broadcast_in_dim3A_2069 = arith.constant 0.000000e+00 : f32
      %broadcast_in_dim3A_2070 = vector.broadcast %broadcast_in_dim3A_2069 : f32 to vector<16xf32>
      %broadcast_in_dim3A_2071 = arith.constant 0.000000e+00 : f32
      %broadcast_in_dim3A_2072 = vector.broadcast %broadcast_in_dim3A_2071 : f32 to vector<16xf32>
      %broadcast_in_dim3A_2073 = arith.constant 0.000000e+00 : f32
      %broadcast_in_dim3A_2074 = vector.broadcast %broadcast_in_dim3A_2073 : f32 to vector<16xf32>
      %broadcast_in_dim3A_2075 = arith.constant 0.000000e+00 : f32
      %broadcast_in_dim3A_2076 = vector.broadcast %broadcast_in_dim3A_2075 : f32 to vector<16xf32>
      %broadcast_in_dim3A_2077 = arith.constant 0.000000e+00 : f32
      %broadcast_in_dim3A_2078 = vector.broadcast %broadcast_in_dim3A_2077 : f32 to vector<16xf32>
      %broadcast_in_dim3A_2079 = arith.constant 0.000000e+00 : f32
      %broadcast_in_dim3A_2080 = vector.broadcast %broadcast_in_dim3A_2079 : f32 to vector<16xf32>
      %broadcast_in_dim3A_2081 = arith.constant 0.000000e+00 : f32
      %broadcast_in_dim3A_2082 = vector.broadcast %broadcast_in_dim3A_2081 : f32 to vector<16xf32>
      %broadcast_in_dim3A_2083 = arith.constant 0.000000e+00 : f32
      %broadcast_in_dim3A_2084 = vector.broadcast %broadcast_in_dim3A_2083 : f32 to vector<16xf32>
      %broadcast_in_dim3A_2085 = arith.constant 0.000000e+00 : f32
      %broadcast_in_dim3A_2086 = vector.broadcast %broadcast_in_dim3A_2085 : f32 to vector<16xf32>
      %broadcast_in_dim3A_2087 = arith.constant 0.000000e+00 : f32
      %broadcast_in_dim3A_2088 = vector.broadcast %broadcast_in_dim3A_2087 : f32 to vector<16xf32>
      %broadcast_in_dim3A_2089 = arith.constant 0.000000e+00 : f32
      %broadcast_in_dim3A_2090 = vector.broadcast %broadcast_in_dim3A_2089 : f32 to vector<16xf32>
      %broadcast_in_dim3A_2091 = arith.constant 0.000000e+00 : f32
      %broadcast_in_dim3A_2092 = vector.broadcast %broadcast_in_dim3A_2091 : f32 to vector<16xf32>
      %broadcast_in_dim3A_2093 = arith.constant 0.000000e+00 : f32
      %broadcast_in_dim3A_2094 = vector.broadcast %broadcast_in_dim3A_2093 : f32 to vector<16xf32>
      %broadcast_in_dim3A_2095 = arith.constant 0.000000e+00 : f32
      %broadcast_in_dim3A_2096 = vector.broadcast %broadcast_in_dim3A_2095 : f32 to vector<16xf32>
      %broadcast_in_dim3A_2097 = arith.constant 0.000000e+00 : f32
      %broadcast_in_dim3A_2098 = vector.broadcast %broadcast_in_dim3A_2097 : f32 to vector<16xf32>
      %broadcast_in_dim3A_2099 = arith.constant 0.000000e+00 : f32
      %broadcast_in_dim3A_2100 = vector.broadcast %broadcast_in_dim3A_2099 : f32 to vector<16xf32>
      %broadcast_in_dim3A_2101 = arith.constant 0.000000e+00 : f32
      %broadcast_in_dim3A_2102 = vector.broadcast %broadcast_in_dim3A_2101 : f32 to vector<16xf32>
      %broadcast_in_dim3A_2103 = arith.constant 0.000000e+00 : f32
      %broadcast_in_dim3A_2104 = vector.broadcast %broadcast_in_dim3A_2103 : f32 to vector<16xf32>
      %broadcast_in_dim3A_2105 = arith.constant 0.000000e+00 : f32
      %broadcast_in_dim3A_2106 = vector.broadcast %broadcast_in_dim3A_2105 : f32 to vector<16xf32>
      %broadcast_in_dim3A_2107 = arith.constant 0.000000e+00 : f32
      %broadcast_in_dim3A_2108 = vector.broadcast %broadcast_in_dim3A_2107 : f32 to vector<16xf32>
      %broadcast_in_dim3A_2109 = arith.constant 0.000000e+00 : f32
      %broadcast_in_dim3A_2110 = vector.broadcast %broadcast_in_dim3A_2109 : f32 to vector<16xf32>
      %broadcast_in_dim3A_2111 = arith.constant 0.000000e+00 : f32
      %broadcast_in_dim3A_2112 = vector.broadcast %broadcast_in_dim3A_2111 : f32 to vector<16xf32>
      %broadcast_in_dim3A_2113 = arith.constant 0.000000e+00 : f32
      %broadcast_in_dim3A_2114 = vector.broadcast %broadcast_in_dim3A_2113 : f32 to vector<16xf32>
      %broadcast_in_dim3A_2115 = arith.constant 0.000000e+00 : f32
      %broadcast_in_dim3A_2116 = vector.broadcast %broadcast_in_dim3A_2115 : f32 to vector<16xf32>
      %broadcast_in_dim3A_2117 = arith.constant 0.000000e+00 : f32
      %broadcast_in_dim3A_2118 = vector.broadcast %broadcast_in_dim3A_2117 : f32 to vector<16xf32>
      %broadcast_in_dim3A_2119 = arith.constant 0.000000e+00 : f32
      %broadcast_in_dim3A_2120 = vector.broadcast %broadcast_in_dim3A_2119 : f32 to vector<16xf32>
      %broadcast_in_dim3A_2121 = arith.constant 0.000000e+00 : f32
      %broadcast_in_dim3A_2122 = vector.broadcast %broadcast_in_dim3A_2121 : f32 to vector<16xf32>
      %broadcast_in_dim3A_2123 = arith.constant 0.000000e+00 : f32
      %broadcast_in_dim3A_2124 = vector.broadcast %broadcast_in_dim3A_2123 : f32 to vector<16xf32>
      %broadcast_in_dim3A_2125 = arith.constant 0.000000e+00 : f32
      %broadcast_in_dim3A_2126 = vector.broadcast %broadcast_in_dim3A_2125 : f32 to vector<16xf32>
      %broadcast_in_dim3A_2127 = arith.constant 0.000000e+00 : f32
      %broadcast_in_dim3A_2128 = vector.broadcast %broadcast_in_dim3A_2127 : f32 to vector<16xf32>
      %broadcast_in_dim3A_2129 = arith.constant 0.000000e+00 : f32
      %broadcast_in_dim3A_2130 = vector.broadcast %broadcast_in_dim3A_2129 : f32 to vector<16xf32>
      %broadcast_in_dim3A_2131 = arith.constant 0.000000e+00 : f32
      %broadcast_in_dim3A_2132 = vector.broadcast %broadcast_in_dim3A_2131 : f32 to vector<16xf32>
      %scan3A_2133 = arith.constant 0 : i32
      %scan3A_2134 = arith.constant 128 : i32
      %scan3A_2135 = arith.addi %scan3A_2133, %scan3A_2134 : i32
      %scan3A_2136 = arith.constant 1 : i32
      %scan3A_2137:32 = scf.for %scan3A_3354 = %scan3A_2133 to %scan3A_2135 step %scan3A_2136 iter_args(%scan3A_3355 = %broadcast_in_dim3A_2070, %scan3A_3356 = %broadcast_in_dim3A_2072, %scan3A_3357 = %broadcast_in_dim3A_2074, %scan3A_3358 = %broadcast_in_dim3A_2076, %scan3A_3359 = %broadcast_in_dim3A_2078, %scan3A_3360 = %broadcast_in_dim3A_2080, %scan3A_3361 = %broadcast_in_dim3A_2082, %scan3A_3362 = %broadcast_in_dim3A_2084, %scan3A_3363 = %broadcast_in_dim3A_2086, %scan3A_3364 = %broadcast_in_dim3A_2088, %scan3A_3365 = %broadcast_in_dim3A_2090, %scan3A_3366 = %broadcast_in_dim3A_2092, %scan3A_3367 = %broadcast_in_dim3A_2094, %scan3A_3368 = %broadcast_in_dim3A_2096, %scan3A_3369 = %broadcast_in_dim3A_2098, %scan3A_3370 = %broadcast_in_dim3A_2100, %scan3A_3371 = %broadcast_in_dim3A_2102, %scan3A_3372 = %broadcast_in_dim3A_2104, %scan3A_3373 = %broadcast_in_dim3A_2106, %scan3A_3374 = %broadcast_in_dim3A_2108, %scan3A_3375 = %broadcast_in_dim3A_2110, %scan3A_3376 = %broadcast_in_dim3A_2112, %scan3A_3377 = %broadcast_in_dim3A_2114, %scan3A_3378 = %broadcast_in_dim3A_2116, %scan3A_3379 = %broadcast_in_dim3A_2118, %scan3A_3380 = %broadcast_in_dim3A_2120, %scan3A_3381 = %broadcast_in_dim3A_2122, %scan3A_3382 = %broadcast_in_dim3A_2124, %scan3A_3383 = %broadcast_in_dim3A_2126, %scan3A_3384 = %broadcast_in_dim3A_2128, %scan3A_3385 = %broadcast_in_dim3A_2130, %scan3A_3386 = %broadcast_in_dim3A_2132) -> (vector<16xf32>, vector<16xf32>, vector<16xf32>, vector<16xf32>, vector<16xf32>, vector<16xf32>, vector<16xf32>, vector<16xf32>, vector<16xf32>, vector<16xf32>, vector<16xf32>, vector<16xf32>, vector<16xf32>, vector<16xf32>, vector<16xf32>, vector<16xf32>, vector<16xf32>, vector<16xf32>, vector<16xf32>, vector<16xf32>, vector<16xf32>, vector<16xf32>, vector<16xf32>, vector<16xf32>, vector<16xf32>, vector<16xf32>, vector<16xf32>, vector<16xf32>, vector<16xf32>, vector<16xf32>, vector<16xf32>, vector<16xf32>)  : i32 {
        %mul3A_3387 = arith.constant 16 : i32
        %mul3A_3388 = arith.muli %scan3A_3354, %mul3A_3387 : i32
        %get3A = arith.index_cast %mul3A_3388 : i32 to index
        %get3A_3389 = tpu.vector_load %arg6[%get3A] {strides = array<i32>} : memref<2048xf32, #tpu.memory_space<vmem>>, vector<16xf32>,
        %get3A_3390 = vector.shape_cast %get3A_3389 : vector<16xf32> to vector<16xf32>
        %mul3A_3391 = arith.constant 16 : i32
        %mul3A_3392 = arith.muli %scan3A_3354, %mul3A_3391 : i32
        %get3A_3393 = arith.constant 0 : i32
        %get3A_3394 = arith.index_cast %get3A_3393 : i32 to index
        %get3A_3395 = arith.index_cast %mul3A_3392 : i32 to index
        %get3A_3396 = tpu.vector_load %arg9[%get3A_3394, %get3A_3395] {strides = array<i32>} : memref<16x2048xf32, #tpu.memory_space<vmem>>, vector<1x16xf32>,
        %get3A_3397 = vector.shape_cast %get3A_3396 : vector<1x16xf32> to vector<16xf32>
        %mul3A_3398 = arith.mulf %get3A_3397, %get3A_3390 : vector<16xf32>
        %add3A_3399 = arith.addf %scan3A_3355, %mul3A_3398 : vector<16xf32>
        %mul3A_3400 = arith.mulf %get3A_3397, %get3A_3397 : vector<16xf32>
        %add3A_3401 = arith.addf %scan3A_3356, %mul3A_3400 : vector<16xf32>
        %mul3A_3402 = arith.constant 16 : i32
        %mul3A_3403 = arith.muli %scan3A_3354, %mul3A_3402 : i32
        %get3A_3404 = arith.constant 1 : i32
        %get3A_3405 = arith.index_cast %get3A_3404 : i32 to index
        %get3A_3406 = arith.index_cast %mul3A_3403 : i32 to index
        %get3A_3407 = tpu.vector_load %arg9[%get3A_3405, %get3A_3406] {strides = array<i32>} : memref<16x2048xf32, #tpu.memory_space<vmem>>, vector<1x16xf32>,
        %get3A_3408 = vector.shape_cast %get3A_3407 : vector<1x16xf32> to vector<16xf32>
        %mul3A_3409 = arith.mulf %get3A_3408, %get3A_3390 : vector<16xf32>
        %add3A_3410 = arith.addf %scan3A_3357, %mul3A_3409 : vector<16xf32>
        %mul3A_3411 = arith.mulf %get3A_3408, %get3A_3408 : vector<16xf32>
        %add3A_3412 = arith.addf %scan3A_3358, %mul3A_3411 : vector<16xf32>
        %mul3A_3413 = arith.constant 16 : i32
        %mul3A_3414 = arith.muli %scan3A_3354, %mul3A_3413 : i32
        %get3A_3415 = arith.constant 2 : i32
        %get3A_3416 = arith.index_cast %get3A_3415 : i32 to index
        %get3A_3417 = arith.index_cast %mul3A_3414 : i32 to index
        %get3A_3418 = tpu.vector_load %arg9[%get3A_3416, %get3A_3417] {strides = array<i32>} : memref<16x2048xf32, #tpu.memory_space<vmem>>, vector<1x16xf32>,
        %get3A_3419 = vector.shape_cast %get3A_3418 : vector<1x16xf32> to vector<16xf32>
        %mul3A_3420 = arith.mulf %get3A_3419, %get3A_3390 : vector<16xf32>
        %add3A_3421 = arith.addf %scan3A_3359, %mul3A_3420 : vector<16xf32>
        %mul3A_3422 = arith.mulf %get3A_3419, %get3A_3419 : vector<16xf32>
        %add3A_3423 = arith.addf %scan3A_3360, %mul3A_3422 : vector<16xf32>
        %mul3A_3424 = arith.constant 16 : i32
        %mul3A_3425 = arith.muli %scan3A_3354, %mul3A_3424 : i32
        %get3A_3426 = arith.constant 3 : i32
        %get3A_3427 = arith.index_cast %get3A_3426 : i32 to index
        %get3A_3428 = arith.index_cast %mul3A_3425 : i32 to index
        %get3A_3429 = tpu.vector_load %arg9[%get3A_3427, %get3A_3428] {strides = array<i32>} : memref<16x2048xf32, #tpu.memory_space<vmem>>, vector<1x16xf32>,
        %get3A_3430 = vector.shape_cast %get3A_3429 : vector<1x16xf32> to vector<16xf32>
        %mul3A_3431 = arith.mulf %get3A_3430, %get3A_3390 : vector<16xf32>
        %add3A_3432 = arith.addf %scan3A_3361, %mul3A_3431 : vector<16xf32>
        %mul3A_3433 = arith.mulf %get3A_3430, %get3A_3430 : vector<16xf32>
        %add3A_3434 = arith.addf %scan3A_3362, %mul3A_3433 : vector<16xf32>
        %mul3A_3435 = arith.constant 16 : i32
        %mul3A_3436 = arith.muli %scan3A_3354, %mul3A_3435 : i32
        %get3A_3437 = arith.constant 4 : i32
        %get3A_3438 = arith.index_cast %get3A_3437 : i32 to index
        %get3A_3439 = arith.index_cast %mul3A_3436 : i32 to index
        %get3A_3440 = tpu.vector_load %arg9[%get3A_3438, %get3A_3439] {strides = array<i32>} : memref<16x2048xf32, #tpu.memory_space<vmem>>, vector<1x16xf32>,
        %get3A_3441 = vector.shape_cast %get3A_3440 : vector<1x16xf32> to vector<16xf32>
        %mul3A_3442 = arith.mulf %get3A_3441, %get3A_3390 : vector<16xf32>
        %add3A_3443 = arith.addf %scan3A_3363, %mul3A_3442 : vector<16xf32>
        %mul3A_3444 = arith.mulf %get3A_3441, %get3A_3441 : vector<16xf32>
        %add3A_3445 = arith.addf %scan3A_3364, %mul3A_3444 : vector<16xf32>
        %mul3A_3446 = arith.constant 16 : i32
        %mul3A_3447 = arith.muli %scan3A_3354, %mul3A_3446 : i32
        %get3A_3448 = arith.constant 5 : i32
        %get3A_3449 = arith.index_cast %get3A_3448 : i32 to index
        %get3A_3450 = arith.index_cast %mul3A_3447 : i32 to index
        %get3A_3451 = tpu.vector_load %arg9[%get3A_3449, %get3A_3450] {strides = array<i32>} : memref<16x2048xf32, #tpu.memory_space<vmem>>, vector<1x16xf32>,
        %get3A_3452 = vector.shape_cast %get3A_3451 : vector<1x16xf32> to vector<16xf32>
        %mul3A_3453 = arith.mulf %get3A_3452, %get3A_3390 : vector<16xf32>
        %add3A_3454 = arith.addf %scan3A_3365, %mul3A_3453 : vector<16xf32>
        %mul3A_3455 = arith.mulf %get3A_3452, %get3A_3452 : vector<16xf32>
        %add3A_3456 = arith.addf %scan3A_3366, %mul3A_3455 : vector<16xf32>
        %mul3A_3457 = arith.constant 16 : i32
        %mul3A_3458 = arith.muli %scan3A_3354, %mul3A_3457 : i32
        %get3A_3459 = arith.constant 6 : i32
        %get3A_3460 = arith.index_cast %get3A_3459 : i32 to index
        %get3A_3461 = arith.index_cast %mul3A_3458 : i32 to index
        %get3A_3462 = tpu.vector_load %arg9[%get3A_3460, %get3A_3461] {strides = array<i32>} : memref<16x2048xf32, #tpu.memory_space<vmem>>, vector<1x16xf32>,
        %get3A_3463 = vector.shape_cast %get3A_3462 : vector<1x16xf32> to vector<16xf32>
        %mul3A_3464 = arith.mulf %get3A_3463, %get3A_3390 : vector<16xf32>
        %add3A_3465 = arith.addf %scan3A_3367, %mul3A_3464 : vector<16xf32>
        %mul3A_3466 = arith.mulf %get3A_3463, %get3A_3463 : vector<16xf32>
        %add3A_3467 = arith.addf %scan3A_3368, %mul3A_3466 : vector<16xf32>
        %mul3A_3468 = arith.constant 16 : i32
        %mul3A_3469 = arith.muli %scan3A_3354, %mul3A_3468 : i32
        %get3A_3470 = arith.constant 7 : i32
        %get3A_3471 = arith.index_cast %get3A_3470 : i32 to index
        %get3A_3472 = arith.index_cast %mul3A_3469 : i32 to index
        %get3A_3473 = tpu.vector_load %arg9[%get3A_3471, %get3A_3472] {strides = array<i32>} : memref<16x2048xf32, #tpu.memory_space<vmem>>, vector<1x16xf32>,
        %get3A_3474 = vector.shape_cast %get3A_3473 : vector<1x16xf32> to vector<16xf32>
        %mul3A_3475 = arith.mulf %get3A_3474, %get3A_3390 : vector<16xf32>
        %add3A_3476 = arith.addf %scan3A_3369, %mul3A_3475 : vector<16xf32>
        %mul3A_3477 = arith.mulf %get3A_3474, %get3A_3474 : vector<16xf32>
        %add3A_3478 = arith.addf %scan3A_3370, %mul3A_3477 : vector<16xf32>
        %mul3A_3479 = arith.constant 16 : i32
        %mul3A_3480 = arith.muli %scan3A_3354, %mul3A_3479 : i32
        %get3A_3481 = arith.constant 8 : i32
        %get3A_3482 = arith.index_cast %get3A_3481 : i32 to index
        %get3A_3483 = arith.index_cast %mul3A_3480 : i32 to index
        %get3A_3484 = tpu.vector_load %arg9[%get3A_3482, %get3A_3483] {strides = array<i32>} : memref<16x2048xf32, #tpu.memory_space<vmem>>, vector<1x16xf32>,
        %get3A_3485 = vector.shape_cast %get3A_3484 : vector<1x16xf32> to vector<16xf32>
        %mul3A_3486 = arith.mulf %get3A_3485, %get3A_3390 : vector<16xf32>
        %add3A_3487 = arith.addf %scan3A_3371, %mul3A_3486 : vector<16xf32>
        %mul3A_3488 = arith.mulf %get3A_3485, %get3A_3485 : vector<16xf32>
        %add3A_3489 = arith.addf %scan3A_3372, %mul3A_3488 : vector<16xf32>
        %mul3A_3490 = arith.constant 16 : i32
        %mul3A_3491 = arith.muli %scan3A_3354, %mul3A_3490 : i32
        %get3A_3492 = arith.constant 9 : i32
        %get3A_3493 = arith.index_cast %get3A_3492 : i32 to index
        %get3A_3494 = arith.index_cast %mul3A_3491 : i32 to index
        %get3A_3495 = tpu.vector_load %arg9[%get3A_3493, %get3A_3494] {strides = array<i32>} : memref<16x2048xf32, #tpu.memory_space<vmem>>, vector<1x16xf32>,
        %get3A_3496 = vector.shape_cast %get3A_3495 : vector<1x16xf32> to vector<16xf32>
        %mul3A_3497 = arith.mulf %get3A_3496, %get3A_3390 : vector<16xf32>
        %add3A_3498 = arith.addf %scan3A_3373, %mul3A_3497 : vector<16xf32>
        %mul3A_3499 = arith.mulf %get3A_3496, %get3A_3496 : vector<16xf32>
        %add3A_3500 = arith.addf %scan3A_3374, %mul3A_3499 : vector<16xf32>
        %mul3A_3501 = arith.constant 16 : i32
        %mul3A_3502 = arith.muli %scan3A_3354, %mul3A_3501 : i32
        %get3A_3503 = arith.constant 10 : i32
        %get3A_3504 = arith.index_cast %get3A_3503 : i32 to index
        %get3A_3505 = arith.index_cast %mul3A_3502 : i32 to index
        %get3A_3506 = tpu.vector_load %arg9[%get3A_3504, %get3A_3505] {strides = array<i32>} : memref<16x2048xf32, #tpu.memory_space<vmem>>, vector<1x16xf32>,
        %get3A_3507 = vector.shape_cast %get3A_3506 : vector<1x16xf32> to vector<16xf32>
        %mul3A_3508 = arith.mulf %get3A_3507, %get3A_3390 : vector<16xf32>
        %add3A_3509 = arith.addf %scan3A_3375, %mul3A_3508 : vector<16xf32>
        %mul3A_3510 = arith.mulf %get3A_3507, %get3A_3507 : vector<16xf32>
        %add3A_3511 = arith.addf %scan3A_3376, %mul3A_3510 : vector<16xf32>
        %mul3A_3512 = arith.constant 16 : i32
        %mul3A_3513 = arith.muli %scan3A_3354, %mul3A_3512 : i32
        %get3A_3514 = arith.constant 11 : i32
        %get3A_3515 = arith.index_cast %get3A_3514 : i32 to index
        %get3A_3516 = arith.index_cast %mul3A_3513 : i32 to index
        %get3A_3517 = tpu.vector_load %arg9[%get3A_3515, %get3A_3516] {strides = array<i32>} : memref<16x2048xf32, #tpu.memory_space<vmem>>, vector<1x16xf32>,
        %get3A_3518 = vector.shape_cast %get3A_3517 : vector<1x16xf32> to vector<16xf32>
        %mul3A_3519 = arith.mulf %get3A_3518, %get3A_3390 : vector<16xf32>
        %add3A_3520 = arith.addf %scan3A_3377, %mul3A_3519 : vector<16xf32>
        %mul3A_3521 = arith.mulf %get3A_3518, %get3A_3518 : vector<16xf32>
        %add3A_3522 = arith.addf %scan3A_3378, %mul3A_3521 : vector<16xf32>
        %mul3A_3523 = arith.constant 16 : i32
        %mul3A_3524 = arith.muli %scan3A_3354, %mul3A_3523 : i32
        %get3A_3525 = arith.constant 12 : i32
        %get3A_3526 = arith.index_cast %get3A_3525 : i32 to index
        %get3A_3527 = arith.index_cast %mul3A_3524 : i32 to index
        %get3A_3528 = tpu.vector_load %arg9[%get3A_3526, %get3A_3527] {strides = array<i32>} : memref<16x2048xf32, #tpu.memory_space<vmem>>, vector<1x16xf32>,
        %get3A_3529 = vector.shape_cast %get3A_3528 : vector<1x16xf32> to vector<16xf32>
        %mul3A_3530 = arith.mulf %get3A_3529, %get3A_3390 : vector<16xf32>
        %add3A_3531 = arith.addf %scan3A_3379, %mul3A_3530 : vector<16xf32>
        %mul3A_3532 = arith.mulf %get3A_3529, %get3A_3529 : vector<16xf32>
        %add3A_3533 = arith.addf %scan3A_3380, %mul3A_3532 : vector<16xf32>
        %mul3A_3534 = arith.constant 16 : i32
        %mul3A_3535 = arith.muli %scan3A_3354, %mul3A_3534 : i32
        %get3A_3536 = arith.constant 13 : i32
        %get3A_3537 = arith.index_cast %get3A_3536 : i32 to index
        %get3A_3538 = arith.index_cast %mul3A_3535 : i32 to index
        %get3A_3539 = tpu.vector_load %arg9[%get3A_3537, %get3A_3538] {strides = array<i32>} : memref<16x2048xf32, #tpu.memory_space<vmem>>, vector<1x16xf32>,
        %get3A_3540 = vector.shape_cast %get3A_3539 : vector<1x16xf32> to vector<16xf32>
        %mul3A_3541 = arith.mulf %get3A_3540, %get3A_3390 : vector<16xf32>
        %add3A_3542 = arith.addf %scan3A_3381, %mul3A_3541 : vector<16xf32>
        %mul3A_3543 = arith.mulf %get3A_3540, %get3A_3540 : vector<16xf32>
        %add3A_3544 = arith.addf %scan3A_3382, %mul3A_3543 : vector<16xf32>
        %mul3A_3545 = arith.constant 16 : i32
        %mul3A_3546 = arith.muli %scan3A_3354, %mul3A_3545 : i32
        %get3A_3547 = arith.constant 14 : i32
        %get3A_3548 = arith.index_cast %get3A_3547 : i32 to index
        %get3A_3549 = arith.index_cast %mul3A_3546 : i32 to index
        %get3A_3550 = tpu.vector_load %arg9[%get3A_3548, %get3A_3549] {strides = array<i32>} : memref<16x2048xf32, #tpu.memory_space<vmem>>, vector<1x16xf32>,
        %get3A_3551 = vector.shape_cast %get3A_3550 : vector<1x16xf32> to vector<16xf32>
        %mul3A_3552 = arith.mulf %get3A_3551, %get3A_3390 : vector<16xf32>
        %add3A_3553 = arith.addf %scan3A_3383, %mul3A_3552 : vector<16xf32>
        %mul3A_3554 = arith.mulf %get3A_3551, %get3A_3551 : vector<16xf32>
        %add3A_3555 = arith.addf %scan3A_3384, %mul3A_3554 : vector<16xf32>
        %mul3A_3556 = arith.constant 16 : i32
        %mul3A_3557 = arith.muli %scan3A_3354, %mul3A_3556 : i32
        %get3A_3558 = arith.constant 15 : i32
        %get3A_3559 = arith.index_cast %get3A_3558 : i32 to index
        %get3A_3560 = arith.index_cast %mul3A_3557 : i32 to index
        %get3A_3561 = tpu.vector_load %arg9[%get3A_3559, %get3A_3560] {strides = array<i32>} : memref<16x2048xf32, #tpu.memory_space<vmem>>, vector<1x16xf32>,
        %get3A_3562 = vector.shape_cast %get3A_3561 : vector<1x16xf32> to vector<16xf32>
        %mul3A_3563 = arith.mulf %get3A_3562, %get3A_3390 : vector<16xf32>
        %add3A_3564 = arith.addf %scan3A_3385, %mul3A_3563 : vector<16xf32>
        %mul3A_3565 = arith.mulf %get3A_3562, %get3A_3562 : vector<16xf32>
        %add3A_3566 = arith.addf %scan3A_3386, %mul3A_3565 : vector<16xf32>
        scf.yield %add3A_3399, %add3A_3401, %add3A_3410, %add3A_3412, %add3A_3421, %add3A_3423, %add3A_3432, %add3A_3434, %add3A_3443, %add3A_3445, %add3A_3454, %add3A_3456, %add3A_3465, %add3A_3467, %add3A_3476, %add3A_3478, %add3A_3487, %add3A_3489, %add3A_3498, %add3A_3500, %add3A_3509, %add3A_3511, %add3A_3520, %add3A_3522, %add3A_3531, %add3A_3533, %add3A_3542, %add3A_3544, %add3A_3553, %add3A_3555, %add3A_3564, %add3A_3566 : vector<16xf32>, vector<16xf32>, vector<16xf32>, vector<16xf32>, vector<16xf32>, vector<16xf32>, vector<16xf32>, vector<16xf32>, vector<16xf32>, vector<16xf32>, vector<16xf32>, vector<16xf32>, vector<16xf32>, vector<16xf32>, vector<16xf32>, vector<16xf32>, vector<16xf32>, vector<16xf32>, vector<16xf32>, vector<16xf32>, vector<16xf32>, vector<16xf32>, vector<16xf32>, vector<16xf32>, vector<16xf32>, vector<16xf32>, vector<16xf32>, vector<16xf32>, vector<16xf32>, vector<16xf32>, vector<16xf32>, vector<16xf32>
      }
      %scan3A_2138 = arith.constant 128 : i32
      %iota3A_2139 = tpu.iota {dimensions = array<i32: 0>} : vector<16xi32>
      %xor3A_2140 = arith.constant 8 : i32
      %xor3A_2141 = vector.broadcast %xor3A_2140 : i32 to vector<16xi32>
      %xor3A_2142 = arith.xori %iota3A_2139, %xor3A_2141 : vector<16xi32>
      %broadcast_in_dim3A_2143 = vector.shape_cast %xor3A_2142 : vector<16xi32> to vector<16x1xi32>
      %gather3A_2144 = vector.shape_cast %broadcast_in_dim3A_2143 : vector<16x1xi32> to vector<16xi32>
      %gather3A_2145 = tpu.dynamic_gather %scan3A_2137#0[%gather3A_2144] in [0] : vector<16xf32>, vector<16xi32> -> vector<16xf32>
      %add3A_2146 = arith.addf %scan3A_2137#0, %gather3A_2145 : vector<16xf32>
      %xor3A_2147 = arith.constant 4 : i32
      %xor3A_2148 = vector.broadcast %xor3A_2147 : i32 to vector<16xi32>
      %xor3A_2149 = arith.xori %iota3A_2139, %xor3A_2148 : vector<16xi32>
      %broadcast_in_dim3A_2150 = vector.shape_cast %xor3A_2149 : vector<16xi32> to vector<16x1xi32>
      %gather3A_2151 = vector.shape_cast %broadcast_in_dim3A_2150 : vector<16x1xi32> to vector<16xi32>
      %gather3A_2152 = tpu.dynamic_gather %add3A_2146[%gather3A_2151] in [0] : vector<16xf32>, vector<16xi32> -> vector<16xf32>
      %add3A_2153 = arith.addf %add3A_2146, %gather3A_2152 : vector<16xf32>
      %xor3A_2154 = arith.constant 2 : i32
      %xor3A_2155 = vector.broadcast %xor3A_2154 : i32 to vector<16xi32>
      %xor3A_2156 = arith.xori %iota3A_2139, %xor3A_2155 : vector<16xi32>
      %broadcast_in_dim3A_2157 = vector.shape_cast %xor3A_2156 : vector<16xi32> to vector<16x1xi32>
      %gather3A_2158 = vector.shape_cast %broadcast_in_dim3A_2157 : vector<16x1xi32> to vector<16xi32>
      %gather3A_2159 = tpu.dynamic_gather %add3A_2153[%gather3A_2158] in [0] : vector<16xf32>, vector<16xi32> -> vector<16xf32>
      %add3A_2160 = arith.addf %add3A_2153, %gather3A_2159 : vector<16xf32>
      %xor3A_2161 = arith.constant 1 : i32
      %xor3A_2162 = vector.broadcast %xor3A_2161 : i32 to vector<16xi32>
      %xor3A_2163 = arith.xori %iota3A_2139, %xor3A_2162 : vector<16xi32>
      %broadcast_in_dim3A_2164 = vector.shape_cast %xor3A_2163 : vector<16xi32> to vector<16x1xi32>
      %gather3A_2165 = vector.shape_cast %broadcast_in_dim3A_2164 : vector<16x1xi32> to vector<16xi32>
      %gather3A_2166 = tpu.dynamic_gather %add3A_2160[%gather3A_2165] in [0] : vector<16xf32>, vector<16xi32> -> vector<16xf32>
      %add3A_2167 = arith.addf %add3A_2160, %gather3A_2166 : vector<16xf32>
      %iota3A_2168 = tpu.iota {dimensions = array<i32: 0>} : vector<16xi32>
      %xor3A_2169 = arith.constant 8 : i32
      %xor3A_2170 = vector.broadcast %xor3A_2169 : i32 to vector<16xi32>
      %xor3A_2171 = arith.xori %iota3A_2168, %xor3A_2170 : vector<16xi32>
      %broadcast_in_dim3A_2172 = vector.shape_cast %xor3A_2171 : vector<16xi32> to vector<16x1xi32>
      %gather3A_2173 = vector.shape_cast %broadcast_in_dim3A_2172 : vector<16x1xi32> to vector<16xi32>
      %gather3A_2174 = tpu.dynamic_gather %scan3A_2137#2[%gather3A_2173] in [0] : vector<16xf32>, vector<16xi32> -> vector<16xf32>
      %add3A_2175 = arith.addf %scan3A_2137#2, %gather3A_2174 : vector<16xf32>
      %xor3A_2176 = arith.constant 4 : i32
      %xor3A_2177 = vector.broadcast %xor3A_2176 : i32 to vector<16xi32>
      %xor3A_2178 = arith.xori %iota3A_2168, %xor3A_2177 : vector<16xi32>
      %broadcast_in_dim3A_2179 = vector.shape_cast %xor3A_2178 : vector<16xi32> to vector<16x1xi32>
      %gather3A_2180 = vector.shape_cast %broadcast_in_dim3A_2179 : vector<16x1xi32> to vector<16xi32>
      %gather3A_2181 = tpu.dynamic_gather %add3A_2175[%gather3A_2180] in [0] : vector<16xf32>, vector<16xi32> -> vector<16xf32>
      %add3A_2182 = arith.addf %add3A_2175, %gather3A_2181 : vector<16xf32>
      %xor3A_2183 = arith.constant 2 : i32
      %xor3A_2184 = vector.broadcast %xor3A_2183 : i32 to vector<16xi32>
      %xor3A_2185 = arith.xori %iota3A_2168, %xor3A_2184 : vector<16xi32>
      %broadcast_in_dim3A_2186 = vector.shape_cast %xor3A_2185 : vector<16xi32> to vector<16x1xi32>
      %gather3A_2187 = vector.shape_cast %broadcast_in_dim3A_2186 : vector<16x1xi32> to vector<16xi32>
      %gather3A_2188 = tpu.dynamic_gather %add3A_2182[%gather3A_2187] in [0] : vector<16xf32>, vector<16xi32> -> vector<16xf32>
      %add3A_2189 = arith.addf %add3A_2182, %gather3A_2188 : vector<16xf32>
      %xor3A_2190 = arith.constant 1 : i32
      %xor3A_2191 = vector.broadcast %xor3A_2190 : i32 to vector<16xi32>
      %xor3A_2192 = arith.xori %iota3A_2168, %xor3A_2191 : vector<16xi32>
      %broadcast_in_dim3A_2193 = vector.shape_cast %xor3A_2192 : vector<16xi32> to vector<16x1xi32>
      %gather3A_2194 = vector.shape_cast %broadcast_in_dim3A_2193 : vector<16x1xi32> to vector<16xi32>
      %gather3A_2195 = tpu.dynamic_gather %add3A_2189[%gather3A_2194] in [0] : vector<16xf32>, vector<16xi32> -> vector<16xf32>
      %add3A_2196 = arith.addf %add3A_2189, %gather3A_2195 : vector<16xf32>
      %iota3A_2197 = tpu.iota {dimensions = array<i32: 0>} : vector<16xi32>
      %xor3A_2198 = arith.constant 8 : i32
      %xor3A_2199 = vector.broadcast %xor3A_2198 : i32 to vector<16xi32>
      %xor3A_2200 = arith.xori %iota3A_2197, %xor3A_2199 : vector<16xi32>
      %broadcast_in_dim3A_2201 = vector.shape_cast %xor3A_2200 : vector<16xi32> to vector<16x1xi32>
      %gather3A_2202 = vector.shape_cast %broadcast_in_dim3A_2201 : vector<16x1xi32> to vector<16xi32>
      %gather3A_2203 = tpu.dynamic_gather %scan3A_2137#4[%gather3A_2202] in [0] : vector<16xf32>, vector<16xi32> -> vector<16xf32>
      %add3A_2204 = arith.addf %scan3A_2137#4, %gather3A_2203 : vector<16xf32>
      %xor3A_2205 = arith.constant 4 : i32
      %xor3A_2206 = vector.broadcast %xor3A_2205 : i32 to vector<16xi32>
      %xor3A_2207 = arith.xori %iota3A_2197, %xor3A_2206 : vector<16xi32>
      %broadcast_in_dim3A_2208 = vector.shape_cast %xor3A_2207 : vector<16xi32> to vector<16x1xi32>
      %gather3A_2209 = vector.shape_cast %broadcast_in_dim3A_2208 : vector<16x1xi32> to vector<16xi32>
      %gather3A_2210 = tpu.dynamic_gather %add3A_2204[%gather3A_2209] in [0] : vector<16xf32>, vector<16xi32> -> vector<16xf32>
      %add3A_2211 = arith.addf %add3A_2204, %gather3A_2210 : vector<16xf32>
      %xor3A_2212 = arith.constant 2 : i32
      %xor3A_2213 = vector.broadcast %xor3A_2212 : i32 to vector<16xi32>
      %xor3A_2214 = arith.xori %iota3A_2197, %xor3A_2213 : vector<16xi32>
      %broadcast_in_dim3A_2215 = vector.shape_cast %xor3A_2214 : vector<16xi32> to vector<16x1xi32>
      %gather3A_2216 = vector.shape_cast %broadcast_in_dim3A_2215 : vector<16x1xi32> to vector<16xi32>
      %gather3A_2217 = tpu.dynamic_gather %add3A_2211[%gather3A_2216] in [0] : vector<16xf32>, vector<16xi32> -> vector<16xf32>
      %add3A_2218 = arith.addf %add3A_2211, %gather3A_2217 : vector<16xf32>
      %xor3A_2219 = arith.constant 1 : i32
      %xor3A_2220 = vector.broadcast %xor3A_2219 : i32 to vector<16xi32>
      %xor3A_2221 = arith.xori %iota3A_2197, %xor3A_2220 : vector<16xi32>
      %broadcast_in_dim3A_2222 = vector.shape_cast %xor3A_2221 : vector<16xi32> to vector<16x1xi32>
      %gather3A_2223 = vector.shape_cast %broadcast_in_dim3A_2222 : vector<16x1xi32> to vector<16xi32>
      %gather3A_2224 = tpu.dynamic_gather %add3A_2218[%gather3A_2223] in [0] : vector<16xf32>, vector<16xi32> -> vector<16xf32>
      %add3A_2225 = arith.addf %add3A_2218, %gather3A_2224 : vector<16xf32>
      %iota3A_2226 = tpu.iota {dimensions = array<i32: 0>} : vector<16xi32>
      %xor3A_2227 = arith.constant 8 : i32
      %xor3A_2228 = vector.broadcast %xor3A_2227 : i32 to vector<16xi32>
      %xor3A_2229 = arith.xori %iota3A_2226, %xor3A_2228 : vector<16xi32>
      %broadcast_in_dim3A_2230 = vector.shape_cast %xor3A_2229 : vector<16xi32> to vector<16x1xi32>
      %gather3A_2231 = vector.shape_cast %broadcast_in_dim3A_2230 : vector<16x1xi32> to vector<16xi32>
      %gather3A_2232 = tpu.dynamic_gather %scan3A_2137#6[%gather3A_2231] in [0] : vector<16xf32>, vector<16xi32> -> vector<16xf32>
      %add3A_2233 = arith.addf %scan3A_2137#6, %gather3A_2232 : vector<16xf32>
      %xor3A_2234 = arith.constant 4 : i32
      %xor3A_2235 = vector.broadcast %xor3A_2234 : i32 to vector<16xi32>
      %xor3A_2236 = arith.xori %iota3A_2226, %xor3A_2235 : vector<16xi32>
      %broadcast_in_dim3A_2237 = vector.shape_cast %xor3A_2236 : vector<16xi32> to vector<16x1xi32>
      %gather3A_2238 = vector.shape_cast %broadcast_in_dim3A_2237 : vector<16x1xi32> to vector<16xi32>
      %gather3A_2239 = tpu.dynamic_gather %add3A_2233[%gather3A_2238] in [0] : vector<16xf32>, vector<16xi32> -> vector<16xf32>
      %add3A_2240 = arith.addf %add3A_2233, %gather3A_2239 : vector<16xf32>
      %xor3A_2241 = arith.constant 2 : i32
      %xor3A_2242 = vector.broadcast %xor3A_2241 : i32 to vector<16xi32>
      %xor3A_2243 = arith.xori %iota3A_2226, %xor3A_2242 : vector<16xi32>
      %broadcast_in_dim3A_2244 = vector.shape_cast %xor3A_2243 : vector<16xi32> to vector<16x1xi32>
      %gather3A_2245 = vector.shape_cast %broadcast_in_dim3A_2244 : vector<16x1xi32> to vector<16xi32>
      %gather3A_2246 = tpu.dynamic_gather %add3A_2240[%gather3A_2245] in [0] : vector<16xf32>, vector<16xi32> -> vector<16xf32>
      %add3A_2247 = arith.addf %add3A_2240, %gather3A_2246 : vector<16xf32>
      %xor3A_2248 = arith.constant 1 : i32
      %xor3A_2249 = vector.broadcast %xor3A_2248 : i32 to vector<16xi32>
      %xor3A_2250 = arith.xori %iota3A_2226, %xor3A_2249 : vector<16xi32>
      %broadcast_in_dim3A_2251 = vector.shape_cast %xor3A_2250 : vector<16xi32> to vector<16x1xi32>
      %gather3A_2252 = vector.shape_cast %broadcast_in_dim3A_2251 : vector<16x1xi32> to vector<16xi32>
      %gather3A_2253 = tpu.dynamic_gather %add3A_2247[%gather3A_2252] in [0] : vector<16xf32>, vector<16xi32> -> vector<16xf32>
      %add3A_2254 = arith.addf %add3A_2247, %gather3A_2253 : vector<16xf32>
      %iota3A_2255 = tpu.iota {dimensions = array<i32: 0>} : vector<16xi32>
      %xor3A_2256 = arith.constant 8 : i32
      %xor3A_2257 = vector.broadcast %xor3A_2256 : i32 to vector<16xi32>
      %xor3A_2258 = arith.xori %iota3A_2255, %xor3A_2257 : vector<16xi32>
      %broadcast_in_dim3A_2259 = vector.shape_cast %xor3A_2258 : vector<16xi32> to vector<16x1xi32>
      %gather3A_2260 = vector.shape_cast %broadcast_in_dim3A_2259 : vector<16x1xi32> to vector<16xi32>
      %gather3A_2261 = tpu.dynamic_gather %scan3A_2137#8[%gather3A_2260] in [0] : vector<16xf32>, vector<16xi32> -> vector<16xf32>
      %add3A_2262 = arith.addf %scan3A_2137#8, %gather3A_2261 : vector<16xf32>
      %xor3A_2263 = arith.constant 4 : i32
      %xor3A_2264 = vector.broadcast %xor3A_2263 : i32 to vector<16xi32>
      %xor3A_2265 = arith.xori %iota3A_2255, %xor3A_2264 : vector<16xi32>
      %broadcast_in_dim3A_2266 = vector.shape_cast %xor3A_2265 : vector<16xi32> to vector<16x1xi32>
      %gather3A_2267 = vector.shape_cast %broadcast_in_dim3A_2266 : vector<16x1xi32> to vector<16xi32>
      %gather3A_2268 = tpu.dynamic_gather %add3A_2262[%gather3A_2267] in [0] : vector<16xf32>, vector<16xi32> -> vector<16xf32>
      %add3A_2269 = arith.addf %add3A_2262, %gather3A_2268 : vector<16xf32>
      %xor3A_2270 = arith.constant 2 : i32
      %xor3A_2271 = vector.broadcast %xor3A_2270 : i32 to vector<16xi32>
      %xor3A_2272 = arith.xori %iota3A_2255, %xor3A_2271 : vector<16xi32>
      %broadcast_in_dim3A_2273 = vector.shape_cast %xor3A_2272 : vector<16xi32> to vector<16x1xi32>
      %gather3A_2274 = vector.shape_cast %broadcast_in_dim3A_2273 : vector<16x1xi32> to vector<16xi32>
      %gather3A_2275 = tpu.dynamic_gather %add3A_2269[%gather3A_2274] in [0] : vector<16xf32>, vector<16xi32> -> vector<16xf32>
      %add3A_2276 = arith.addf %add3A_2269, %gather3A_2275 : vector<16xf32>
      %xor3A_2277 = arith.constant 1 : i32
      %xor3A_2278 = vector.broadcast %xor3A_2277 : i32 to vector<16xi32>
      %xor3A_2279 = arith.xori %iota3A_2255, %xor3A_2278 : vector<16xi32>
      %broadcast_in_dim3A_2280 = vector.shape_cast %xor3A_2279 : vector<16xi32> to vector<16x1xi32>
      %gather3A_2281 = vector.shape_cast %broadcast_in_dim3A_2280 : vector<16x1xi32> to vector<16xi32>
      %gather3A_2282 = tpu.dynamic_gather %add3A_2276[%gather3A_2281] in [0] : vector<16xf32>, vector<16xi32> -> vector<16xf32>
      %add3A_2283 = arith.addf %add3A_2276, %gather3A_2282 : vector<16xf32>
      %iota3A_2284 = tpu.iota {dimensions = array<i32: 0>} : vector<16xi32>
      %xor3A_2285 = arith.constant 8 : i32
      %xor3A_2286 = vector.broadcast %xor3A_2285 : i32 to vector<16xi32>
      %xor3A_2287 = arith.xori %iota3A_2284, %xor3A_2286 : vector<16xi32>
      %broadcast_in_dim3A_2288 = vector.shape_cast %xor3A_2287 : vector<16xi32> to vector<16x1xi32>
      %gather3A_2289 = vector.shape_cast %broadcast_in_dim3A_2288 : vector<16x1xi32> to vector<16xi32>
      %gather3A_2290 = tpu.dynamic_gather %scan3A_2137#10[%gather3A_2289] in [0] : vector<16xf32>, vector<16xi32> -> vector<16xf32>
      %add3A_2291 = arith.addf %scan3A_2137#10, %gather3A_2290 : vector<16xf32>
      %xor3A_2292 = arith.constant 4 : i32
      %xor3A_2293 = vector.broadcast %xor3A_2292 : i32 to vector<16xi32>
      %xor3A_2294 = arith.xori %iota3A_2284, %xor3A_2293 : vector<16xi32>
      %broadcast_in_dim3A_2295 = vector.shape_cast %xor3A_2294 : vector<16xi32> to vector<16x1xi32>
      %gather3A_2296 = vector.shape_cast %broadcast_in_dim3A_2295 : vector<16x1xi32> to vector<16xi32>
      %gather3A_2297 = tpu.dynamic_gather %add3A_2291[%gather3A_2296] in [0] : vector<16xf32>, vector<16xi32> -> vector<16xf32>
      %add3A_2298 = arith.addf %add3A_2291, %gather3A_2297 : vector<16xf32>
      %xor3A_2299 = arith.constant 2 : i32
      %xor3A_2300 = vector.broadcast %xor3A_2299 : i32 to vector<16xi32>
      %xor3A_2301 = arith.xori %iota3A_2284, %xor3A_2300 : vector<16xi32>
      %broadcast_in_dim3A_2302 = vector.shape_cast %xor3A_2301 : vector<16xi32> to vector<16x1xi32>
      %gather3A_2303 = vector.shape_cast %broadcast_in_dim3A_2302 : vector<16x1xi32> to vector<16xi32>
      %gather3A_2304 = tpu.dynamic_gather %add3A_2298[%gather3A_2303] in [0] : vector<16xf32>, vector<16xi32> -> vector<16xf32>
      %add3A_2305 = arith.addf %add3A_2298, %gather3A_2304 : vector<16xf32>
      %xor3A_2306 = arith.constant 1 : i32
      %xor3A_2307 = vector.broadcast %xor3A_2306 : i32 to vector<16xi32>
      %xor3A_2308 = arith.xori %iota3A_2284, %xor3A_2307 : vector<16xi32>
      %broadcast_in_dim3A_2309 = vector.shape_cast %xor3A_2308 : vector<16xi32> to vector<16x1xi32>
      %gather3A_2310 = vector.shape_cast %broadcast_in_dim3A_2309 : vector<16x1xi32> to vector<16xi32>
      %gather3A_2311 = tpu.dynamic_gather %add3A_2305[%gather3A_2310] in [0] : vector<16xf32>, vector<16xi32> -> vector<16xf32>
      %add3A_2312 = arith.addf %add3A_2305, %gather3A_2311 : vector<16xf32>
      %iota3A_2313 = tpu.iota {dimensions = array<i32: 0>} : vector<16xi32>
      %xor3A_2314 = arith.constant 8 : i32
      %xor3A_2315 = vector.broadcast %xor3A_2314 : i32 to vector<16xi32>
      %xor3A_2316 = arith.xori %iota3A_2313, %xor3A_2315 : vector<16xi32>
      %broadcast_in_dim3A_2317 = vector.shape_cast %xor3A_2316 : vector<16xi32> to vector<16x1xi32>
      %gather3A_2318 = vector.shape_cast %broadcast_in_dim3A_2317 : vector<16x1xi32> to vector<16xi32>
      %gather3A_2319 = tpu.dynamic_gather %scan3A_2137#12[%gather3A_2318] in [0] : vector<16xf32>, vector<16xi32> -> vector<16xf32>
      %add3A_2320 = arith.addf %scan3A_2137#12, %gather3A_2319 : vector<16xf32>
      %xor3A_2321 = arith.constant 4 : i32
      %xor3A_2322 = vector.broadcast %xor3A_2321 : i32 to vector<16xi32>
      %xor3A_2323 = arith.xori %iota3A_2313, %xor3A_2322 : vector<16xi32>
      %broadcast_in_dim3A_2324 = vector.shape_cast %xor3A_2323 : vector<16xi32> to vector<16x1xi32>
      %gather3A_2325 = vector.shape_cast %broadcast_in_dim3A_2324 : vector<16x1xi32> to vector<16xi32>
      %gather3A_2326 = tpu.dynamic_gather %add3A_2320[%gather3A_2325] in [0] : vector<16xf32>, vector<16xi32> -> vector<16xf32>
      %add3A_2327 = arith.addf %add3A_2320, %gather3A_2326 : vector<16xf32>
      %xor3A_2328 = arith.constant 2 : i32
      %xor3A_2329 = vector.broadcast %xor3A_2328 : i32 to vector<16xi32>
      %xor3A_2330 = arith.xori %iota3A_2313, %xor3A_2329 : vector<16xi32>
      %broadcast_in_dim3A_2331 = vector.shape_cast %xor3A_2330 : vector<16xi32> to vector<16x1xi32>
      %gather3A_2332 = vector.shape_cast %broadcast_in_dim3A_2331 : vector<16x1xi32> to vector<16xi32>
      %gather3A_2333 = tpu.dynamic_gather %add3A_2327[%gather3A_2332] in [0] : vector<16xf32>, vector<16xi32> -> vector<16xf32>
      %add3A_2334 = arith.addf %add3A_2327, %gather3A_2333 : vector<16xf32>
      %xor3A_2335 = arith.constant 1 : i32
      %xor3A_2336 = vector.broadcast %xor3A_2335 : i32 to vector<16xi32>
      %xor3A_2337 = arith.xori %iota3A_2313, %xor3A_2336 : vector<16xi32>
      %broadcast_in_dim3A_2338 = vector.shape_cast %xor3A_2337 : vector<16xi32> to vector<16x1xi32>
      %gather3A_2339 = vector.shape_cast %broadcast_in_dim3A_2338 : vector<16x1xi32> to vector<16xi32>
      %gather3A_2340 = tpu.dynamic_gather %add3A_2334[%gather3A_2339] in [0] : vector<16xf32>, vector<16xi32> -> vector<16xf32>
      %add3A_2341 = arith.addf %add3A_2334, %gather3A_2340 : vector<16xf32>
      %iota3A_2342 = tpu.iota {dimensions = array<i32: 0>} : vector<16xi32>
      %xor3A_2343 = arith.constant 8 : i32
      %xor3A_2344 = vector.broadcast %xor3A_2343 : i32 to vector<16xi32>
      %xor3A_2345 = arith.xori %iota3A_2342, %xor3A_2344 : vector<16xi32>
      %broadcast_in_dim3A_2346 = vector.shape_cast %xor3A_2345 : vector<16xi32> to vector<16x1xi32>
      %gather3A_2347 = vector.shape_cast %broadcast_in_dim3A_2346 : vector<16x1xi32> to vector<16xi32>
      %gather3A_2348 = tpu.dynamic_gather %scan3A_2137#14[%gather3A_2347] in [0] : vector<16xf32>, vector<16xi32> -> vector<16xf32>
      %add3A_2349 = arith.addf %scan3A_2137#14, %gather3A_2348 : vector<16xf32>
      %xor3A_2350 = arith.constant 4 : i32
      %xor3A_2351 = vector.broadcast %xor3A_2350 : i32 to vector<16xi32>
      %xor3A_2352 = arith.xori %iota3A_2342, %xor3A_2351 : vector<16xi32>
      %broadcast_in_dim3A_2353 = vector.shape_cast %xor3A_2352 : vector<16xi32> to vector<16x1xi32>
      %gather3A_2354 = vector.shape_cast %broadcast_in_dim3A_2353 : vector<16x1xi32> to vector<16xi32>
      %gather3A_2355 = tpu.dynamic_gather %add3A_2349[%gather3A_2354] in [0] : vector<16xf32>, vector<16xi32> -> vector<16xf32>
      %add3A_2356 = arith.addf %add3A_2349, %gather3A_2355 : vector<16xf32>
      %xor3A_2357 = arith.constant 2 : i32
      %xor3A_2358 = vector.broadcast %xor3A_2357 : i32 to vector<16xi32>
      %xor3A_2359 = arith.xori %iota3A_2342, %xor3A_2358 : vector<16xi32>
      %broadcast_in_dim3A_2360 = vector.shape_cast %xor3A_2359 : vector<16xi32> to vector<16x1xi32>
      %gather3A_2361 = vector.shape_cast %broadcast_in_dim3A_2360 : vector<16x1xi32> to vector<16xi32>
      %gather3A_2362 = tpu.dynamic_gather %add3A_2356[%gather3A_2361] in [0] : vector<16xf32>, vector<16xi32> -> vector<16xf32>
      %add3A_2363 = arith.addf %add3A_2356, %gather3A_2362 : vector<16xf32>
      %xor3A_2364 = arith.constant 1 : i32
      %xor3A_2365 = vector.broadcast %xor3A_2364 : i32 to vector<16xi32>
      %xor3A_2366 = arith.xori %iota3A_2342, %xor3A_2365 : vector<16xi32>
      %broadcast_in_dim3A_2367 = vector.shape_cast %xor3A_2366 : vector<16xi32> to vector<16x1xi32>
      %gather3A_2368 = vector.shape_cast %broadcast_in_dim3A_2367 : vector<16x1xi32> to vector<16xi32>
      %gather3A_2369 = tpu.dynamic_gather %add3A_2363[%gather3A_2368] in [0] : vector<16xf32>, vector<16xi32> -> vector<16xf32>
      %add3A_2370 = arith.addf %add3A_2363, %gather3A_2369 : vector<16xf32>
      %iota3A_2371 = tpu.iota {dimensions = array<i32: 0>} : vector<16xi32>
      %xor3A_2372 = arith.constant 8 : i32
      %xor3A_2373 = vector.broadcast %xor3A_2372 : i32 to vector<16xi32>
      %xor3A_2374 = arith.xori %iota3A_2371, %xor3A_2373 : vector<16xi32>
      %broadcast_in_dim3A_2375 = vector.shape_cast %xor3A_2374 : vector<16xi32> to vector<16x1xi32>
      %gather3A_2376 = vector.shape_cast %broadcast_in_dim3A_2375 : vector<16x1xi32> to vector<16xi32>
      %gather3A_2377 = tpu.dynamic_gather %scan3A_2137#16[%gather3A_2376] in [0] : vector<16xf32>, vector<16xi32> -> vector<16xf32>
      %add3A_2378 = arith.addf %scan3A_2137#16, %gather3A_2377 : vector<16xf32>
      %xor3A_2379 = arith.constant 4 : i32
      %xor3A_2380 = vector.broadcast %xor3A_2379 : i32 to vector<16xi32>
      %xor3A_2381 = arith.xori %iota3A_2371, %xor3A_2380 : vector<16xi32>
      %broadcast_in_dim3A_2382 = vector.shape_cast %xor3A_2381 : vector<16xi32> to vector<16x1xi32>
      %gather3A_2383 = vector.shape_cast %broadcast_in_dim3A_2382 : vector<16x1xi32> to vector<16xi32>
      %gather3A_2384 = tpu.dynamic_gather %add3A_2378[%gather3A_2383] in [0] : vector<16xf32>, vector<16xi32> -> vector<16xf32>
      %add3A_2385 = arith.addf %add3A_2378, %gather3A_2384 : vector<16xf32>
      %xor3A_2386 = arith.constant 2 : i32
      %xor3A_2387 = vector.broadcast %xor3A_2386 : i32 to vector<16xi32>
      %xor3A_2388 = arith.xori %iota3A_2371, %xor3A_2387 : vector<16xi32>
      %broadcast_in_dim3A_2389 = vector.shape_cast %xor3A_2388 : vector<16xi32> to vector<16x1xi32>
      %gather3A_2390 = vector.shape_cast %broadcast_in_dim3A_2389 : vector<16x1xi32> to vector<16xi32>
      %gather3A_2391 = tpu.dynamic_gather %add3A_2385[%gather3A_2390] in [0] : vector<16xf32>, vector<16xi32> -> vector<16xf32>
      %add3A_2392 = arith.addf %add3A_2385, %gather3A_2391 : vector<16xf32>
      %xor3A_2393 = arith.constant 1 : i32
      %xor3A_2394 = vector.broadcast %xor3A_2393 : i32 to vector<16xi32>
      %xor3A_2395 = arith.xori %iota3A_2371, %xor3A_2394 : vector<16xi32>
      %broadcast_in_dim3A_2396 = vector.shape_cast %xor3A_2395 : vector<16xi32> to vector<16x1xi32>
      %gather3A_2397 = vector.shape_cast %broadcast_in_dim3A_2396 : vector<16x1xi32> to vector<16xi32>
      %gather3A_2398 = tpu.dynamic_gather %add3A_2392[%gather3A_2397] in [0] : vector<16xf32>, vector<16xi32> -> vector<16xf32>
      %add3A_2399 = arith.addf %add3A_2392, %gather3A_2398 : vector<16xf32>
      %iota3A_2400 = tpu.iota {dimensions = array<i32: 0>} : vector<16xi32>
      %xor3A_2401 = arith.constant 8 : i32
      %xor3A_2402 = vector.broadcast %xor3A_2401 : i32 to vector<16xi32>
      %xor3A_2403 = arith.xori %iota3A_2400, %xor3A_2402 : vector<16xi32>
      %broadcast_in_dim3A_2404 = vector.shape_cast %xor3A_2403 : vector<16xi32> to vector<16x1xi32>
      %gather3A_2405 = vector.shape_cast %broadcast_in_dim3A_2404 : vector<16x1xi32> to vector<16xi32>
      %gather3A_2406 = tpu.dynamic_gather %scan3A_2137#18[%gather3A_2405] in [0] : vector<16xf32>, vector<16xi32> -> vector<16xf32>
      %add3A_2407 = arith.addf %scan3A_2137#18, %gather3A_2406 : vector<16xf32>
      %xor3A_2408 = arith.constant 4 : i32
      %xor3A_2409 = vector.broadcast %xor3A_2408 : i32 to vector<16xi32>
      %xor3A_2410 = arith.xori %iota3A_2400, %xor3A_2409 : vector<16xi32>
      %broadcast_in_dim3A_2411 = vector.shape_cast %xor3A_2410 : vector<16xi32> to vector<16x1xi32>
      %gather3A_2412 = vector.shape_cast %broadcast_in_dim3A_2411 : vector<16x1xi32> to vector<16xi32>
      %gather3A_2413 = tpu.dynamic_gather %add3A_2407[%gather3A_2412] in [0] : vector<16xf32>, vector<16xi32> -> vector<16xf32>
      %add3A_2414 = arith.addf %add3A_2407, %gather3A_2413 : vector<16xf32>
      %xor3A_2415 = arith.constant 2 : i32
      %xor3A_2416 = vector.broadcast %xor3A_2415 : i32 to vector<16xi32>
      %xor3A_2417 = arith.xori %iota3A_2400, %xor3A_2416 : vector<16xi32>
      %broadcast_in_dim3A_2418 = vector.shape_cast %xor3A_2417 : vector<16xi32> to vector<16x1xi32>
      %gather3A_2419 = vector.shape_cast %broadcast_in_dim3A_2418 : vector<16x1xi32> to vector<16xi32>
      %gather3A_2420 = tpu.dynamic_gather %add3A_2414[%gather3A_2419] in [0] : vector<16xf32>, vector<16xi32> -> vector<16xf32>
      %add3A_2421 = arith.addf %add3A_2414, %gather3A_2420 : vector<16xf32>
      %xor3A_2422 = arith.constant 1 : i32
      %xor3A_2423 = vector.broadcast %xor3A_2422 : i32 to vector<16xi32>
      %xor3A_2424 = arith.xori %iota3A_2400, %xor3A_2423 : vector<16xi32>
      %broadcast_in_dim3A_2425 = vector.shape_cast %xor3A_2424 : vector<16xi32> to vector<16x1xi32>
      %gather3A_2426 = vector.shape_cast %broadcast_in_dim3A_2425 : vector<16x1xi32> to vector<16xi32>
      %gather3A_2427 = tpu.dynamic_gather %add3A_2421[%gather3A_2426] in [0] : vector<16xf32>, vector<16xi32> -> vector<16xf32>
      %add3A_2428 = arith.addf %add3A_2421, %gather3A_2427 : vector<16xf32>
      %iota3A_2429 = tpu.iota {dimensions = array<i32: 0>} : vector<16xi32>
      %xor3A_2430 = arith.constant 8 : i32
      %xor3A_2431 = vector.broadcast %xor3A_2430 : i32 to vector<16xi32>
      %xor3A_2432 = arith.xori %iota3A_2429, %xor3A_2431 : vector<16xi32>
      %broadcast_in_dim3A_2433 = vector.shape_cast %xor3A_2432 : vector<16xi32> to vector<16x1xi32>
      %gather3A_2434 = vector.shape_cast %broadcast_in_dim3A_2433 : vector<16x1xi32> to vector<16xi32>
      %gather3A_2435 = tpu.dynamic_gather %scan3A_2137#20[%gather3A_2434] in [0] : vector<16xf32>, vector<16xi32> -> vector<16xf32>
      %add3A_2436 = arith.addf %scan3A_2137#20, %gather3A_2435 : vector<16xf32>
      %xor3A_2437 = arith.constant 4 : i32
      %xor3A_2438 = vector.broadcast %xor3A_2437 : i32 to vector<16xi32>
      %xor3A_2439 = arith.xori %iota3A_2429, %xor3A_2438 : vector<16xi32>
      %broadcast_in_dim3A_2440 = vector.shape_cast %xor3A_2439 : vector<16xi32> to vector<16x1xi32>
      %gather3A_2441 = vector.shape_cast %broadcast_in_dim3A_2440 : vector<16x1xi32> to vector<16xi32>
      %gather3A_2442 = tpu.dynamic_gather %add3A_2436[%gather3A_2441] in [0] : vector<16xf32>, vector<16xi32> -> vector<16xf32>
      %add3A_2443 = arith.addf %add3A_2436, %gather3A_2442 : vector<16xf32>
      %xor3A_2444 = arith.constant 2 : i32
      %xor3A_2445 = vector.broadcast %xor3A_2444 : i32 to vector<16xi32>
      %xor3A_2446 = arith.xori %iota3A_2429, %xor3A_2445 : vector<16xi32>
      %broadcast_in_dim3A_2447 = vector.shape_cast %xor3A_2446 : vector<16xi32> to vector<16x1xi32>
      %gather3A_2448 = vector.shape_cast %broadcast_in_dim3A_2447 : vector<16x1xi32> to vector<16xi32>
      %gather3A_2449 = tpu.dynamic_gather %add3A_2443[%gather3A_2448] in [0] : vector<16xf32>, vector<16xi32> -> vector<16xf32>
      %add3A_2450 = arith.addf %add3A_2443, %gather3A_2449 : vector<16xf32>
      %xor3A_2451 = arith.constant 1 : i32
      %xor3A_2452 = vector.broadcast %xor3A_2451 : i32 to vector<16xi32>
      %xor3A_2453 = arith.xori %iota3A_2429, %xor3A_2452 : vector<16xi32>
      %broadcast_in_dim3A_2454 = vector.shape_cast %xor3A_2453 : vector<16xi32> to vector<16x1xi32>
      %gather3A_2455 = vector.shape_cast %broadcast_in_dim3A_2454 : vector<16x1xi32> to vector<16xi32>
      %gather3A_2456 = tpu.dynamic_gather %add3A_2450[%gather3A_2455] in [0] : vector<16xf32>, vector<16xi32> -> vector<16xf32>
      %add3A_2457 = arith.addf %add3A_2450, %gather3A_2456 : vector<16xf32>
      %iota3A_2458 = tpu.iota {dimensions = array<i32: 0>} : vector<16xi32>
      %xor3A_2459 = arith.constant 8 : i32
      %xor3A_2460 = vector.broadcast %xor3A_2459 : i32 to vector<16xi32>
      %xor3A_2461 = arith.xori %iota3A_2458, %xor3A_2460 : vector<16xi32>
      %broadcast_in_dim3A_2462 = vector.shape_cast %xor3A_2461 : vector<16xi32> to vector<16x1xi32>
      %gather3A_2463 = vector.shape_cast %broadcast_in_dim3A_2462 : vector<16x1xi32> to vector<16xi32>
      %gather3A_2464 = tpu.dynamic_gather %scan3A_2137#22[%gather3A_2463] in [0] : vector<16xf32>, vector<16xi32> -> vector<16xf32>
      %add3A_2465 = arith.addf %scan3A_2137#22, %gather3A_2464 : vector<16xf32>
      %xor3A_2466 = arith.constant 4 : i32
      %xor3A_2467 = vector.broadcast %xor3A_2466 : i32 to vector<16xi32>
      %xor3A_2468 = arith.xori %iota3A_2458, %xor3A_2467 : vector<16xi32>
      %broadcast_in_dim3A_2469 = vector.shape_cast %xor3A_2468 : vector<16xi32> to vector<16x1xi32>
      %gather3A_2470 = vector.shape_cast %broadcast_in_dim3A_2469 : vector<16x1xi32> to vector<16xi32>
      %gather3A_2471 = tpu.dynamic_gather %add3A_2465[%gather3A_2470] in [0] : vector<16xf32>, vector<16xi32> -> vector<16xf32>
      %add3A_2472 = arith.addf %add3A_2465, %gather3A_2471 : vector<16xf32>
      %xor3A_2473 = arith.constant 2 : i32
      %xor3A_2474 = vector.broadcast %xor3A_2473 : i32 to vector<16xi32>
      %xor3A_2475 = arith.xori %iota3A_2458, %xor3A_2474 : vector<16xi32>
      %broadcast_in_dim3A_2476 = vector.shape_cast %xor3A_2475 : vector<16xi32> to vector<16x1xi32>
      %gather3A_2477 = vector.shape_cast %broadcast_in_dim3A_2476 : vector<16x1xi32> to vector<16xi32>
      %gather3A_2478 = tpu.dynamic_gather %add3A_2472[%gather3A_2477] in [0] : vector<16xf32>, vector<16xi32> -> vector<16xf32>
      %add3A_2479 = arith.addf %add3A_2472, %gather3A_2478 : vector<16xf32>
      %xor3A_2480 = arith.constant 1 : i32
      %xor3A_2481 = vector.broadcast %xor3A_2480 : i32 to vector<16xi32>
      %xor3A_2482 = arith.xori %iota3A_2458, %xor3A_2481 : vector<16xi32>
      %broadcast_in_dim3A_2483 = vector.shape_cast %xor3A_2482 : vector<16xi32> to vector<16x1xi32>
      %gather3A_2484 = vector.shape_cast %broadcast_in_dim3A_2483 : vector<16x1xi32> to vector<16xi32>
      %gather3A_2485 = tpu.dynamic_gather %add3A_2479[%gather3A_2484] in [0] : vector<16xf32>, vector<16xi32> -> vector<16xf32>
      %add3A_2486 = arith.addf %add3A_2479, %gather3A_2485 : vector<16xf32>
      %iota3A_2487 = tpu.iota {dimensions = array<i32: 0>} : vector<16xi32>
      %xor3A_2488 = arith.constant 8 : i32
      %xor3A_2489 = vector.broadcast %xor3A_2488 : i32 to vector<16xi32>
      %xor3A_2490 = arith.xori %iota3A_2487, %xor3A_2489 : vector<16xi32>
      %broadcast_in_dim3A_2491 = vector.shape_cast %xor3A_2490 : vector<16xi32> to vector<16x1xi32>
      %gather3A_2492 = vector.shape_cast %broadcast_in_dim3A_2491 : vector<16x1xi32> to vector<16xi32>
      %gather3A_2493 = tpu.dynamic_gather %scan3A_2137#24[%gather3A_2492] in [0] : vector<16xf32>, vector<16xi32> -> vector<16xf32>
      %add3A_2494 = arith.addf %scan3A_2137#24, %gather3A_2493 : vector<16xf32>
      %xor3A_2495 = arith.constant 4 : i32
      %xor3A_2496 = vector.broadcast %xor3A_2495 : i32 to vector<16xi32>
      %xor3A_2497 = arith.xori %iota3A_2487, %xor3A_2496 : vector<16xi32>
      %broadcast_in_dim3A_2498 = vector.shape_cast %xor3A_2497 : vector<16xi32> to vector<16x1xi32>
      %gather3A_2499 = vector.shape_cast %broadcast_in_dim3A_2498 : vector<16x1xi32> to vector<16xi32>
      %gather3A_2500 = tpu.dynamic_gather %add3A_2494[%gather3A_2499] in [0] : vector<16xf32>, vector<16xi32> -> vector<16xf32>
      %add3A_2501 = arith.addf %add3A_2494, %gather3A_2500 : vector<16xf32>
      %xor3A_2502 = arith.constant 2 : i32
      %xor3A_2503 = vector.broadcast %xor3A_2502 : i32 to vector<16xi32>
      %xor3A_2504 = arith.xori %iota3A_2487, %xor3A_2503 : vector<16xi32>
      %broadcast_in_dim3A_2505 = vector.shape_cast %xor3A_2504 : vector<16xi32> to vector<16x1xi32>
      %gather3A_2506 = vector.shape_cast %broadcast_in_dim3A_2505 : vector<16x1xi32> to vector<16xi32>
      %gather3A_2507 = tpu.dynamic_gather %add3A_2501[%gather3A_2506] in [0] : vector<16xf32>, vector<16xi32> -> vector<16xf32>
      %add3A_2508 = arith.addf %add3A_2501, %gather3A_2507 : vector<16xf32>
      %xor3A_2509 = arith.constant 1 : i32
      %xor3A_2510 = vector.broadcast %xor3A_2509 : i32 to vector<16xi32>
      %xor3A_2511 = arith.xori %iota3A_2487, %xor3A_2510 : vector<16xi32>
      %broadcast_in_dim3A_2512 = vector.shape_cast %xor3A_2511 : vector<16xi32> to vector<16x1xi32>
      %gather3A_2513 = vector.shape_cast %broadcast_in_dim3A_2512 : vector<16x1xi32> to vector<16xi32>
      %gather3A_2514 = tpu.dynamic_gather %add3A_2508[%gather3A_2513] in [0] : vector<16xf32>, vector<16xi32> -> vector<16xf32>
      %add3A_2515 = arith.addf %add3A_2508, %gather3A_2514 : vector<16xf32>
      %iota3A_2516 = tpu.iota {dimensions = array<i32: 0>} : vector<16xi32>
      %xor3A_2517 = arith.constant 8 : i32
      %xor3A_2518 = vector.broadcast %xor3A_2517 : i32 to vector<16xi32>
      %xor3A_2519 = arith.xori %iota3A_2516, %xor3A_2518 : vector<16xi32>
      %broadcast_in_dim3A_2520 = vector.shape_cast %xor3A_2519 : vector<16xi32> to vector<16x1xi32>
      %gather3A_2521 = vector.shape_cast %broadcast_in_dim3A_2520 : vector<16x1xi32> to vector<16xi32>
      %gather3A_2522 = tpu.dynamic_gather %scan3A_2137#26[%gather3A_2521] in [0] : vector<16xf32>, vector<16xi32> -> vector<16xf32>
      %add3A_2523 = arith.addf %scan3A_2137#26, %gather3A_2522 : vector<16xf32>
      %xor3A_2524 = arith.constant 4 : i32
      %xor3A_2525 = vector.broadcast %xor3A_2524 : i32 to vector<16xi32>
      %xor3A_2526 = arith.xori %iota3A_2516, %xor3A_2525 : vector<16xi32>
      %broadcast_in_dim3A_2527 = vector.shape_cast %xor3A_2526 : vector<16xi32> to vector<16x1xi32>
      %gather3A_2528 = vector.shape_cast %broadcast_in_dim3A_2527 : vector<16x1xi32> to vector<16xi32>
      %gather3A_2529 = tpu.dynamic_gather %add3A_2523[%gather3A_2528] in [0] : vector<16xf32>, vector<16xi32> -> vector<16xf32>
      %add3A_2530 = arith.addf %add3A_2523, %gather3A_2529 : vector<16xf32>
      %xor3A_2531 = arith.constant 2 : i32
      %xor3A_2532 = vector.broadcast %xor3A_2531 : i32 to vector<16xi32>
      %xor3A_2533 = arith.xori %iota3A_2516, %xor3A_2532 : vector<16xi32>
      %broadcast_in_dim3A_2534 = vector.shape_cast %xor3A_2533 : vector<16xi32> to vector<16x1xi32>
      %gather3A_2535 = vector.shape_cast %broadcast_in_dim3A_2534 : vector<16x1xi32> to vector<16xi32>
      %gather3A_2536 = tpu.dynamic_gather %add3A_2530[%gather3A_2535] in [0] : vector<16xf32>, vector<16xi32> -> vector<16xf32>
      %add3A_2537 = arith.addf %add3A_2530, %gather3A_2536 : vector<16xf32>
      %xor3A_2538 = arith.constant 1 : i32
      %xor3A_2539 = vector.broadcast %xor3A_2538 : i32 to vector<16xi32>
      %xor3A_2540 = arith.xori %iota3A_2516, %xor3A_2539 : vector<16xi32>
      %broadcast_in_dim3A_2541 = vector.shape_cast %xor3A_2540 : vector<16xi32> to vector<16x1xi32>
      %gather3A_2542 = vector.shape_cast %broadcast_in_dim3A_2541 : vector<16x1xi32> to vector<16xi32>
      %gather3A_2543 = tpu.dynamic_gather %add3A_2537[%gather3A_2542] in [0] : vector<16xf32>, vector<16xi32> -> vector<16xf32>
      %add3A_2544 = arith.addf %add3A_2537, %gather3A_2543 : vector<16xf32>
      %iota3A_2545 = tpu.iota {dimensions = array<i32: 0>} : vector<16xi32>
      %xor3A_2546 = arith.constant 8 : i32
      %xor3A_2547 = vector.broadcast %xor3A_2546 : i32 to vector<16xi32>
      %xor3A_2548 = arith.xori %iota3A_2545, %xor3A_2547 : vector<16xi32>
      %broadcast_in_dim3A_2549 = vector.shape_cast %xor3A_2548 : vector<16xi32> to vector<16x1xi32>
      %gather3A_2550 = vector.shape_cast %broadcast_in_dim3A_2549 : vector<16x1xi32> to vector<16xi32>
      %gather3A_2551 = tpu.dynamic_gather %scan3A_2137#28[%gather3A_2550] in [0] : vector<16xf32>, vector<16xi32> -> vector<16xf32>
      %add3A_2552 = arith.addf %scan3A_2137#28, %gather3A_2551 : vector<16xf32>
      %xor3A_2553 = arith.constant 4 : i32
      %xor3A_2554 = vector.broadcast %xor3A_2553 : i32 to vector<16xi32>
      %xor3A_2555 = arith.xori %iota3A_2545, %xor3A_2554 : vector<16xi32>
      %broadcast_in_dim3A_2556 = vector.shape_cast %xor3A_2555 : vector<16xi32> to vector<16x1xi32>
      %gather3A_2557 = vector.shape_cast %broadcast_in_dim3A_2556 : vector<16x1xi32> to vector<16xi32>
      %gather3A_2558 = tpu.dynamic_gather %add3A_2552[%gather3A_2557] in [0] : vector<16xf32>, vector<16xi32> -> vector<16xf32>
      %add3A_2559 = arith.addf %add3A_2552, %gather3A_2558 : vector<16xf32>
      %xor3A_2560 = arith.constant 2 : i32
      %xor3A_2561 = vector.broadcast %xor3A_2560 : i32 to vector<16xi32>
      %xor3A_2562 = arith.xori %iota3A_2545, %xor3A_2561 : vector<16xi32>
      %broadcast_in_dim3A_2563 = vector.shape_cast %xor3A_2562 : vector<16xi32> to vector<16x1xi32>
      %gather3A_2564 = vector.shape_cast %broadcast_in_dim3A_2563 : vector<16x1xi32> to vector<16xi32>
      %gather3A_2565 = tpu.dynamic_gather %add3A_2559[%gather3A_2564] in [0] : vector<16xf32>, vector<16xi32> -> vector<16xf32>
      %add3A_2566 = arith.addf %add3A_2559, %gather3A_2565 : vector<16xf32>
      %xor3A_2567 = arith.constant 1 : i32
      %xor3A_2568 = vector.broadcast %xor3A_2567 : i32 to vector<16xi32>
      %xor3A_2569 = arith.xori %iota3A_2545, %xor3A_2568 : vector<16xi32>
      %broadcast_in_dim3A_2570 = vector.shape_cast %xor3A_2569 : vector<16xi32> to vector<16x1xi32>
      %gather3A_2571 = vector.shape_cast %broadcast_in_dim3A_2570 : vector<16x1xi32> to vector<16xi32>
      %gather3A_2572 = tpu.dynamic_gather %add3A_2566[%gather3A_2571] in [0] : vector<16xf32>, vector<16xi32> -> vector<16xf32>
      %add3A_2573 = arith.addf %add3A_2566, %gather3A_2572 : vector<16xf32>
      %iota3A_2574 = tpu.iota {dimensions = array<i32: 0>} : vector<16xi32>
      %xor3A_2575 = arith.constant 8 : i32
      %xor3A_2576 = vector.broadcast %xor3A_2575 : i32 to vector<16xi32>
      %xor3A_2577 = arith.xori %iota3A_2574, %xor3A_2576 : vector<16xi32>
      %broadcast_in_dim3A_2578 = vector.shape_cast %xor3A_2577 : vector<16xi32> to vector<16x1xi32>
      %gather3A_2579 = vector.shape_cast %broadcast_in_dim3A_2578 : vector<16x1xi32> to vector<16xi32>
      %gather3A_2580 = tpu.dynamic_gather %scan3A_2137#30[%gather3A_2579] in [0] : vector<16xf32>, vector<16xi32> -> vector<16xf32>
      %add3A_2581 = arith.addf %scan3A_2137#30, %gather3A_2580 : vector<16xf32>
      %xor3A_2582 = arith.constant 4 : i32
      %xor3A_2583 = vector.broadcast %xor3A_2582 : i32 to vector<16xi32>
      %xor3A_2584 = arith.xori %iota3A_2574, %xor3A_2583 : vector<16xi32>
      %broadcast_in_dim3A_2585 = vector.shape_cast %xor3A_2584 : vector<16xi32> to vector<16x1xi32>
      %gather3A_2586 = vector.shape_cast %broadcast_in_dim3A_2585 : vector<16x1xi32> to vector<16xi32>
      %gather3A_2587 = tpu.dynamic_gather %add3A_2581[%gather3A_2586] in [0] : vector<16xf32>, vector<16xi32> -> vector<16xf32>
      %add3A_2588 = arith.addf %add3A_2581, %gather3A_2587 : vector<16xf32>
      %xor3A_2589 = arith.constant 2 : i32
      %xor3A_2590 = vector.broadcast %xor3A_2589 : i32 to vector<16xi32>
      %xor3A_2591 = arith.xori %iota3A_2574, %xor3A_2590 : vector<16xi32>
      %broadcast_in_dim3A_2592 = vector.shape_cast %xor3A_2591 : vector<16xi32> to vector<16x1xi32>
      %gather3A_2593 = vector.shape_cast %broadcast_in_dim3A_2592 : vector<16x1xi32> to vector<16xi32>
      %gather3A_2594 = tpu.dynamic_gather %add3A_2588[%gather3A_2593] in [0] : vector<16xf32>, vector<16xi32> -> vector<16xf32>
      %add3A_2595 = arith.addf %add3A_2588, %gather3A_2594 : vector<16xf32>
      %xor3A_2596 = arith.constant 1 : i32
      %xor3A_2597 = vector.broadcast %xor3A_2596 : i32 to vector<16xi32>
      %xor3A_2598 = arith.xori %iota3A_2574, %xor3A_2597 : vector<16xi32>
      %broadcast_in_dim3A_2599 = vector.shape_cast %xor3A_2598 : vector<16xi32> to vector<16x1xi32>
      %gather3A_2600 = vector.shape_cast %broadcast_in_dim3A_2599 : vector<16x1xi32> to vector<16xi32>
      %gather3A_2601 = tpu.dynamic_gather %add3A_2595[%gather3A_2600] in [0] : vector<16xf32>, vector<16xi32> -> vector<16xf32>
      %add3A_2602 = arith.addf %add3A_2595, %gather3A_2601 : vector<16xf32>
      %iota3A_2603 = tpu.iota {dimensions = array<i32: 0>} : vector<16xi32>
      %xor3A_2604 = arith.constant 8 : i32
      %xor3A_2605 = vector.broadcast %xor3A_2604 : i32 to vector<16xi32>
      %xor3A_2606 = arith.xori %iota3A_2603, %xor3A_2605 : vector<16xi32>
      %broadcast_in_dim3A_2607 = vector.shape_cast %xor3A_2606 : vector<16xi32> to vector<16x1xi32>
      %gather3A_2608 = vector.shape_cast %broadcast_in_dim3A_2607 : vector<16x1xi32> to vector<16xi32>
      %gather3A_2609 = tpu.dynamic_gather %scan3A_2137#1[%gather3A_2608] in [0] : vector<16xf32>, vector<16xi32> -> vector<16xf32>
      %add3A_2610 = arith.addf %scan3A_2137#1, %gather3A_2609 : vector<16xf32>
      %xor3A_2611 = arith.constant 4 : i32
      %xor3A_2612 = vector.broadcast %xor3A_2611 : i32 to vector<16xi32>
      %xor3A_2613 = arith.xori %iota3A_2603, %xor3A_2612 : vector<16xi32>
      %broadcast_in_dim3A_2614 = vector.shape_cast %xor3A_2613 : vector<16xi32> to vector<16x1xi32>
      %gather3A_2615 = vector.shape_cast %broadcast_in_dim3A_2614 : vector<16x1xi32> to vector<16xi32>
      %gather3A_2616 = tpu.dynamic_gather %add3A_2610[%gather3A_2615] in [0] : vector<16xf32>, vector<16xi32> -> vector<16xf32>
      %add3A_2617 = arith.addf %add3A_2610, %gather3A_2616 : vector<16xf32>
      %xor3A_2618 = arith.constant 2 : i32
      %xor3A_2619 = vector.broadcast %xor3A_2618 : i32 to vector<16xi32>
      %xor3A_2620 = arith.xori %iota3A_2603, %xor3A_2619 : vector<16xi32>
      %broadcast_in_dim3A_2621 = vector.shape_cast %xor3A_2620 : vector<16xi32> to vector<16x1xi32>
      %gather3A_2622 = vector.shape_cast %broadcast_in_dim3A_2621 : vector<16x1xi32> to vector<16xi32>
      %gather3A_2623 = tpu.dynamic_gather %add3A_2617[%gather3A_2622] in [0] : vector<16xf32>, vector<16xi32> -> vector<16xf32>
      %add3A_2624 = arith.addf %add3A_2617, %gather3A_2623 : vector<16xf32>
      %xor3A_2625 = arith.constant 1 : i32
      %xor3A_2626 = vector.broadcast %xor3A_2625 : i32 to vector<16xi32>
      %xor3A_2627 = arith.xori %iota3A_2603, %xor3A_2626 : vector<16xi32>
      %broadcast_in_dim3A_2628 = vector.shape_cast %xor3A_2627 : vector<16xi32> to vector<16x1xi32>
      %gather3A_2629 = vector.shape_cast %broadcast_in_dim3A_2628 : vector<16x1xi32> to vector<16xi32>
      %gather3A_2630 = tpu.dynamic_gather %add3A_2624[%gather3A_2629] in [0] : vector<16xf32>, vector<16xi32> -> vector<16xf32>
      %add3A_2631 = arith.addf %add3A_2624, %gather3A_2630 : vector<16xf32>
      %iota3A_2632 = tpu.iota {dimensions = array<i32: 0>} : vector<16xi32>
      %xor3A_2633 = arith.constant 8 : i32
      %xor3A_2634 = vector.broadcast %xor3A_2633 : i32 to vector<16xi32>
      %xor3A_2635 = arith.xori %iota3A_2632, %xor3A_2634 : vector<16xi32>
      %broadcast_in_dim3A_2636 = vector.shape_cast %xor3A_2635 : vector<16xi32> to vector<16x1xi32>
      %gather3A_2637 = vector.shape_cast %broadcast_in_dim3A_2636 : vector<16x1xi32> to vector<16xi32>
      %gather3A_2638 = tpu.dynamic_gather %scan3A_2137#3[%gather3A_2637] in [0] : vector<16xf32>, vector<16xi32> -> vector<16xf32>
      %add3A_2639 = arith.addf %scan3A_2137#3, %gather3A_2638 : vector<16xf32>
      %xor3A_2640 = arith.constant 4 : i32
      %xor3A_2641 = vector.broadcast %xor3A_2640 : i32 to vector<16xi32>
      %xor3A_2642 = arith.xori %iota3A_2632, %xor3A_2641 : vector<16xi32>
      %broadcast_in_dim3A_2643 = vector.shape_cast %xor3A_2642 : vector<16xi32> to vector<16x1xi32>
      %gather3A_2644 = vector.shape_cast %broadcast_in_dim3A_2643 : vector<16x1xi32> to vector<16xi32>
      %gather3A_2645 = tpu.dynamic_gather %add3A_2639[%gather3A_2644] in [0] : vector<16xf32>, vector<16xi32> -> vector<16xf32>
      %add3A_2646 = arith.addf %add3A_2639, %gather3A_2645 : vector<16xf32>
      %xor3A_2647 = arith.constant 2 : i32
      %xor3A_2648 = vector.broadcast %xor3A_2647 : i32 to vector<16xi32>
      %xor3A_2649 = arith.xori %iota3A_2632, %xor3A_2648 : vector<16xi32>
      %broadcast_in_dim3A_2650 = vector.shape_cast %xor3A_2649 : vector<16xi32> to vector<16x1xi32>
      %gather3A_2651 = vector.shape_cast %broadcast_in_dim3A_2650 : vector<16x1xi32> to vector<16xi32>
      %gather3A_2652 = tpu.dynamic_gather %add3A_2646[%gather3A_2651] in [0] : vector<16xf32>, vector<16xi32> -> vector<16xf32>
      %add3A_2653 = arith.addf %add3A_2646, %gather3A_2652 : vector<16xf32>
      %xor3A_2654 = arith.constant 1 : i32
      %xor3A_2655 = vector.broadcast %xor3A_2654 : i32 to vector<16xi32>
      %xor3A_2656 = arith.xori %iota3A_2632, %xor3A_2655 : vector<16xi32>
      %broadcast_in_dim3A_2657 = vector.shape_cast %xor3A_2656 : vector<16xi32> to vector<16x1xi32>
      %gather3A_2658 = vector.shape_cast %broadcast_in_dim3A_2657 : vector<16x1xi32> to vector<16xi32>
      %gather3A_2659 = tpu.dynamic_gather %add3A_2653[%gather3A_2658] in [0] : vector<16xf32>, vector<16xi32> -> vector<16xf32>
      %add3A_2660 = arith.addf %add3A_2653, %gather3A_2659 : vector<16xf32>
      %iota3A_2661 = tpu.iota {dimensions = array<i32: 0>} : vector<16xi32>
      %xor3A_2662 = arith.constant 8 : i32
      %xor3A_2663 = vector.broadcast %xor3A_2662 : i32 to vector<16xi32>
      %xor3A_2664 = arith.xori %iota3A_2661, %xor3A_2663 : vector<16xi32>
      %broadcast_in_dim3A_2665 = vector.shape_cast %xor3A_2664 : vector<16xi32> to vector<16x1xi32>
      %gather3A_2666 = vector.shape_cast %broadcast_in_dim3A_2665 : vector<16x1xi32> to vector<16xi32>
      %gather3A_2667 = tpu.dynamic_gather %scan3A_2137#5[%gather3A_2666] in [0] : vector<16xf32>, vector<16xi32> -> vector<16xf32>
      %add3A_2668 = arith.addf %scan3A_2137#5, %gather3A_2667 : vector<16xf32>
      %xor3A_2669 = arith.constant 4 : i32
      %xor3A_2670 = vector.broadcast %xor3A_2669 : i32 to vector<16xi32>
      %xor3A_2671 = arith.xori %iota3A_2661, %xor3A_2670 : vector<16xi32>
      %broadcast_in_dim3A_2672 = vector.shape_cast %xor3A_2671 : vector<16xi32> to vector<16x1xi32>
      %gather3A_2673 = vector.shape_cast %broadcast_in_dim3A_2672 : vector<16x1xi32> to vector<16xi32>
      %gather3A_2674 = tpu.dynamic_gather %add3A_2668[%gather3A_2673] in [0] : vector<16xf32>, vector<16xi32> -> vector<16xf32>
      %add3A_2675 = arith.addf %add3A_2668, %gather3A_2674 : vector<16xf32>
      %xor3A_2676 = arith.constant 2 : i32
      %xor3A_2677 = vector.broadcast %xor3A_2676 : i32 to vector<16xi32>
      %xor3A_2678 = arith.xori %iota3A_2661, %xor3A_2677 : vector<16xi32>
      %broadcast_in_dim3A_2679 = vector.shape_cast %xor3A_2678 : vector<16xi32> to vector<16x1xi32>
      %gather3A_2680 = vector.shape_cast %broadcast_in_dim3A_2679 : vector<16x1xi32> to vector<16xi32>
      %gather3A_2681 = tpu.dynamic_gather %add3A_2675[%gather3A_2680] in [0] : vector<16xf32>, vector<16xi32> -> vector<16xf32>
      %add3A_2682 = arith.addf %add3A_2675, %gather3A_2681 : vector<16xf32>
      %xor3A_2683 = arith.constant 1 : i32
      %xor3A_2684 = vector.broadcast %xor3A_2683 : i32 to vector<16xi32>
      %xor3A_2685 = arith.xori %iota3A_2661, %xor3A_2684 : vector<16xi32>
      %broadcast_in_dim3A_2686 = vector.shape_cast %xor3A_2685 : vector<16xi32> to vector<16x1xi32>
      %gather3A_2687 = vector.shape_cast %broadcast_in_dim3A_2686 : vector<16x1xi32> to vector<16xi32>
      %gather3A_2688 = tpu.dynamic_gather %add3A_2682[%gather3A_2687] in [0] : vector<16xf32>, vector<16xi32> -> vector<16xf32>
      %add3A_2689 = arith.addf %add3A_2682, %gather3A_2688 : vector<16xf32>
      %iota3A_2690 = tpu.iota {dimensions = array<i32: 0>} : vector<16xi32>
      %xor3A_2691 = arith.constant 8 : i32
      %xor3A_2692 = vector.broadcast %xor3A_2691 : i32 to vector<16xi32>
      %xor3A_2693 = arith.xori %iota3A_2690, %xor3A_2692 : vector<16xi32>
      %broadcast_in_dim3A_2694 = vector.shape_cast %xor3A_2693 : vector<16xi32> to vector<16x1xi32>
      %gather3A_2695 = vector.shape_cast %broadcast_in_dim3A_2694 : vector<16x1xi32> to vector<16xi32>
      %gather3A_2696 = tpu.dynamic_gather %scan3A_2137#7[%gather3A_2695] in [0] : vector<16xf32>, vector<16xi32> -> vector<16xf32>
      %add3A_2697 = arith.addf %scan3A_2137#7, %gather3A_2696 : vector<16xf32>
      %xor3A_2698 = arith.constant 4 : i32
      %xor3A_2699 = vector.broadcast %xor3A_2698 : i32 to vector<16xi32>
      %xor3A_2700 = arith.xori %iota3A_2690, %xor3A_2699 : vector<16xi32>
      %broadcast_in_dim3A_2701 = vector.shape_cast %xor3A_2700 : vector<16xi32> to vector<16x1xi32>
      %gather3A_2702 = vector.shape_cast %broadcast_in_dim3A_2701 : vector<16x1xi32> to vector<16xi32>
      %gather3A_2703 = tpu.dynamic_gather %add3A_2697[%gather3A_2702] in [0] : vector<16xf32>, vector<16xi32> -> vector<16xf32>
      %add3A_2704 = arith.addf %add3A_2697, %gather3A_2703 : vector<16xf32>
      %xor3A_2705 = arith.constant 2 : i32
      %xor3A_2706 = vector.broadcast %xor3A_2705 : i32 to vector<16xi32>
      %xor3A_2707 = arith.xori %iota3A_2690, %xor3A_2706 : vector<16xi32>
      %broadcast_in_dim3A_2708 = vector.shape_cast %xor3A_2707 : vector<16xi32> to vector<16x1xi32>
      %gather3A_2709 = vector.shape_cast %broadcast_in_dim3A_2708 : vector<16x1xi32> to vector<16xi32>
      %gather3A_2710 = tpu.dynamic_gather %add3A_2704[%gather3A_2709] in [0] : vector<16xf32>, vector<16xi32> -> vector<16xf32>
      %add3A_2711 = arith.addf %add3A_2704, %gather3A_2710 : vector<16xf32>
      %xor3A_2712 = arith.constant 1 : i32
      %xor3A_2713 = vector.broadcast %xor3A_2712 : i32 to vector<16xi32>
      %xor3A_2714 = arith.xori %iota3A_2690, %xor3A_2713 : vector<16xi32>
      %broadcast_in_dim3A_2715 = vector.shape_cast %xor3A_2714 : vector<16xi32> to vector<16x1xi32>
      %gather3A_2716 = vector.shape_cast %broadcast_in_dim3A_2715 : vector<16x1xi32> to vector<16xi32>
      %gather3A_2717 = tpu.dynamic_gather %add3A_2711[%gather3A_2716] in [0] : vector<16xf32>, vector<16xi32> -> vector<16xf32>
      %add3A_2718 = arith.addf %add3A_2711, %gather3A_2717 : vector<16xf32>
      %iota3A_2719 = tpu.iota {dimensions = array<i32: 0>} : vector<16xi32>
      %xor3A_2720 = arith.constant 8 : i32
      %xor3A_2721 = vector.broadcast %xor3A_2720 : i32 to vector<16xi32>
      %xor3A_2722 = arith.xori %iota3A_2719, %xor3A_2721 : vector<16xi32>
      %broadcast_in_dim3A_2723 = vector.shape_cast %xor3A_2722 : vector<16xi32> to vector<16x1xi32>
      %gather3A_2724 = vector.shape_cast %broadcast_in_dim3A_2723 : vector<16x1xi32> to vector<16xi32>
      %gather3A_2725 = tpu.dynamic_gather %scan3A_2137#9[%gather3A_2724] in [0] : vector<16xf32>, vector<16xi32> -> vector<16xf32>
      %add3A_2726 = arith.addf %scan3A_2137#9, %gather3A_2725 : vector<16xf32>
      %xor3A_2727 = arith.constant 4 : i32
      %xor3A_2728 = vector.broadcast %xor3A_2727 : i32 to vector<16xi32>
      %xor3A_2729 = arith.xori %iota3A_2719, %xor3A_2728 : vector<16xi32>
      %broadcast_in_dim3A_2730 = vector.shape_cast %xor3A_2729 : vector<16xi32> to vector<16x1xi32>
      %gather3A_2731 = vector.shape_cast %broadcast_in_dim3A_2730 : vector<16x1xi32> to vector<16xi32>
      %gather3A_2732 = tpu.dynamic_gather %add3A_2726[%gather3A_2731] in [0] : vector<16xf32>, vector<16xi32> -> vector<16xf32>
      %add3A_2733 = arith.addf %add3A_2726, %gather3A_2732 : vector<16xf32>
      %xor3A_2734 = arith.constant 2 : i32
      %xor3A_2735 = vector.broadcast %xor3A_2734 : i32 to vector<16xi32>
      %xor3A_2736 = arith.xori %iota3A_2719, %xor3A_2735 : vector<16xi32>
      %broadcast_in_dim3A_2737 = vector.shape_cast %xor3A_2736 : vector<16xi32> to vector<16x1xi32>
      %gather3A_2738 = vector.shape_cast %broadcast_in_dim3A_2737 : vector<16x1xi32> to vector<16xi32>
      %gather3A_2739 = tpu.dynamic_gather %add3A_2733[%gather3A_2738] in [0] : vector<16xf32>, vector<16xi32> -> vector<16xf32>
      %add3A_2740 = arith.addf %add3A_2733, %gather3A_2739 : vector<16xf32>
      %xor3A_2741 = arith.constant 1 : i32
      %xor3A_2742 = vector.broadcast %xor3A_2741 : i32 to vector<16xi32>
      %xor3A_2743 = arith.xori %iota3A_2719, %xor3A_2742 : vector<16xi32>
      %broadcast_in_dim3A_2744 = vector.shape_cast %xor3A_2743 : vector<16xi32> to vector<16x1xi32>
      %gather3A_2745 = vector.shape_cast %broadcast_in_dim3A_2744 : vector<16x1xi32> to vector<16xi32>
      %gather3A_2746 = tpu.dynamic_gather %add3A_2740[%gather3A_2745] in [0] : vector<16xf32>, vector<16xi32> -> vector<16xf32>
      %add3A_2747 = arith.addf %add3A_2740, %gather3A_2746 : vector<16xf32>
      %iota3A_2748 = tpu.iota {dimensions = array<i32: 0>} : vector<16xi32>
      %xor3A_2749 = arith.constant 8 : i32
      %xor3A_2750 = vector.broadcast %xor3A_2749 : i32 to vector<16xi32>
      %xor3A_2751 = arith.xori %iota3A_2748, %xor3A_2750 : vector<16xi32>
      %broadcast_in_dim3A_2752 = vector.shape_cast %xor3A_2751 : vector<16xi32> to vector<16x1xi32>
      %gather3A_2753 = vector.shape_cast %broadcast_in_dim3A_2752 : vector<16x1xi32> to vector<16xi32>
      %gather3A_2754 = tpu.dynamic_gather %scan3A_2137#11[%gather3A_2753] in [0] : vector<16xf32>, vector<16xi32> -> vector<16xf32>
      %add3A_2755 = arith.addf %scan3A_2137#11, %gather3A_2754 : vector<16xf32>
      %xor3A_2756 = arith.constant 4 : i32
      %xor3A_2757 = vector.broadcast %xor3A_2756 : i32 to vector<16xi32>
      %xor3A_2758 = arith.xori %iota3A_2748, %xor3A_2757 : vector<16xi32>
      %broadcast_in_dim3A_2759 = vector.shape_cast %xor3A_2758 : vector<16xi32> to vector<16x1xi32>
      %gather3A_2760 = vector.shape_cast %broadcast_in_dim3A_2759 : vector<16x1xi32> to vector<16xi32>
      %gather3A_2761 = tpu.dynamic_gather %add3A_2755[%gather3A_2760] in [0] : vector<16xf32>, vector<16xi32> -> vector<16xf32>
      %add3A_2762 = arith.addf %add3A_2755, %gather3A_2761 : vector<16xf32>
      %xor3A_2763 = arith.constant 2 : i32
      %xor3A_2764 = vector.broadcast %xor3A_2763 : i32 to vector<16xi32>
      %xor3A_2765 = arith.xori %iota3A_2748, %xor3A_2764 : vector<16xi32>
      %broadcast_in_dim3A_2766 = vector.shape_cast %xor3A_2765 : vector<16xi32> to vector<16x1xi32>
      %gather3A_2767 = vector.shape_cast %broadcast_in_dim3A_2766 : vector<16x1xi32> to vector<16xi32>
      %gather3A_2768 = tpu.dynamic_gather %add3A_2762[%gather3A_2767] in [0] : vector<16xf32>, vector<16xi32> -> vector<16xf32>
      %add3A_2769 = arith.addf %add3A_2762, %gather3A_2768 : vector<16xf32>
      %xor3A_2770 = arith.constant 1 : i32
      %xor3A_2771 = vector.broadcast %xor3A_2770 : i32 to vector<16xi32>
      %xor3A_2772 = arith.xori %iota3A_2748, %xor3A_2771 : vector<16xi32>
      %broadcast_in_dim3A_2773 = vector.shape_cast %xor3A_2772 : vector<16xi32> to vector<16x1xi32>
      %gather3A_2774 = vector.shape_cast %broadcast_in_dim3A_2773 : vector<16x1xi32> to vector<16xi32>
      %gather3A_2775 = tpu.dynamic_gather %add3A_2769[%gather3A_2774] in [0] : vector<16xf32>, vector<16xi32> -> vector<16xf32>
      %add3A_2776 = arith.addf %add3A_2769, %gather3A_2775 : vector<16xf32>
      %iota3A_2777 = tpu.iota {dimensions = array<i32: 0>} : vector<16xi32>
      %xor3A_2778 = arith.constant 8 : i32
      %xor3A_2779 = vector.broadcast %xor3A_2778 : i32 to vector<16xi32>
      %xor3A_2780 = arith.xori %iota3A_2777, %xor3A_2779 : vector<16xi32>
      %broadcast_in_dim3A_2781 = vector.shape_cast %xor3A_2780 : vector<16xi32> to vector<16x1xi32>
      %gather3A_2782 = vector.shape_cast %broadcast_in_dim3A_2781 : vector<16x1xi32> to vector<16xi32>
      %gather3A_2783 = tpu.dynamic_gather %scan3A_2137#13[%gather3A_2782] in [0] : vector<16xf32>, vector<16xi32> -> vector<16xf32>
      %add3A_2784 = arith.addf %scan3A_2137#13, %gather3A_2783 : vector<16xf32>
      %xor3A_2785 = arith.constant 4 : i32
      %xor3A_2786 = vector.broadcast %xor3A_2785 : i32 to vector<16xi32>
      %xor3A_2787 = arith.xori %iota3A_2777, %xor3A_2786 : vector<16xi32>
      %broadcast_in_dim3A_2788 = vector.shape_cast %xor3A_2787 : vector<16xi32> to vector<16x1xi32>
      %gather3A_2789 = vector.shape_cast %broadcast_in_dim3A_2788 : vector<16x1xi32> to vector<16xi32>
      %gather3A_2790 = tpu.dynamic_gather %add3A_2784[%gather3A_2789] in [0] : vector<16xf32>, vector<16xi32> -> vector<16xf32>
      %add3A_2791 = arith.addf %add3A_2784, %gather3A_2790 : vector<16xf32>
      %xor3A_2792 = arith.constant 2 : i32
      %xor3A_2793 = vector.broadcast %xor3A_2792 : i32 to vector<16xi32>
      %xor3A_2794 = arith.xori %iota3A_2777, %xor3A_2793 : vector<16xi32>
      %broadcast_in_dim3A_2795 = vector.shape_cast %xor3A_2794 : vector<16xi32> to vector<16x1xi32>
      %gather3A_2796 = vector.shape_cast %broadcast_in_dim3A_2795 : vector<16x1xi32> to vector<16xi32>
      %gather3A_2797 = tpu.dynamic_gather %add3A_2791[%gather3A_2796] in [0] : vector<16xf32>, vector<16xi32> -> vector<16xf32>
      %add3A_2798 = arith.addf %add3A_2791, %gather3A_2797 : vector<16xf32>
      %xor3A_2799 = arith.constant 1 : i32
      %xor3A_2800 = vector.broadcast %xor3A_2799 : i32 to vector<16xi32>
      %xor3A_2801 = arith.xori %iota3A_2777, %xor3A_2800 : vector<16xi32>
      %broadcast_in_dim3A_2802 = vector.shape_cast %xor3A_2801 : vector<16xi32> to vector<16x1xi32>
      %gather3A_2803 = vector.shape_cast %broadcast_in_dim3A_2802 : vector<16x1xi32> to vector<16xi32>
      %gather3A_2804 = tpu.dynamic_gather %add3A_2798[%gather3A_2803] in [0] : vector<16xf32>, vector<16xi32> -> vector<16xf32>
      %add3A_2805 = arith.addf %add3A_2798, %gather3A_2804 : vector<16xf32>
      %iota3A_2806 = tpu.iota {dimensions = array<i32: 0>} : vector<16xi32>
      %xor3A_2807 = arith.constant 8 : i32
      %xor3A_2808 = vector.broadcast %xor3A_2807 : i32 to vector<16xi32>
      %xor3A_2809 = arith.xori %iota3A_2806, %xor3A_2808 : vector<16xi32>
      %broadcast_in_dim3A_2810 = vector.shape_cast %xor3A_2809 : vector<16xi32> to vector<16x1xi32>
      %gather3A_2811 = vector.shape_cast %broadcast_in_dim3A_2810 : vector<16x1xi32> to vector<16xi32>
      %gather3A_2812 = tpu.dynamic_gather %scan3A_2137#15[%gather3A_2811] in [0] : vector<16xf32>, vector<16xi32> -> vector<16xf32>
      %add3A_2813 = arith.addf %scan3A_2137#15, %gather3A_2812 : vector<16xf32>
      %xor3A_2814 = arith.constant 4 : i32
      %xor3A_2815 = vector.broadcast %xor3A_2814 : i32 to vector<16xi32>
      %xor3A_2816 = arith.xori %iota3A_2806, %xor3A_2815 : vector<16xi32>
      %broadcast_in_dim3A_2817 = vector.shape_cast %xor3A_2816 : vector<16xi32> to vector<16x1xi32>
      %gather3A_2818 = vector.shape_cast %broadcast_in_dim3A_2817 : vector<16x1xi32> to vector<16xi32>
      %gather3A_2819 = tpu.dynamic_gather %add3A_2813[%gather3A_2818] in [0] : vector<16xf32>, vector<16xi32> -> vector<16xf32>
      %add3A_2820 = arith.addf %add3A_2813, %gather3A_2819 : vector<16xf32>
      %xor3A_2821 = arith.constant 2 : i32
      %xor3A_2822 = vector.broadcast %xor3A_2821 : i32 to vector<16xi32>
      %xor3A_2823 = arith.xori %iota3A_2806, %xor3A_2822 : vector<16xi32>
      %broadcast_in_dim3A_2824 = vector.shape_cast %xor3A_2823 : vector<16xi32> to vector<16x1xi32>
      %gather3A_2825 = vector.shape_cast %broadcast_in_dim3A_2824 : vector<16x1xi32> to vector<16xi32>
      %gather3A_2826 = tpu.dynamic_gather %add3A_2820[%gather3A_2825] in [0] : vector<16xf32>, vector<16xi32> -> vector<16xf32>
      %add3A_2827 = arith.addf %add3A_2820, %gather3A_2826 : vector<16xf32>
      %xor3A_2828 = arith.constant 1 : i32
      %xor3A_2829 = vector.broadcast %xor3A_2828 : i32 to vector<16xi32>
      %xor3A_2830 = arith.xori %iota3A_2806, %xor3A_2829 : vector<16xi32>
      %broadcast_in_dim3A_2831 = vector.shape_cast %xor3A_2830 : vector<16xi32> to vector<16x1xi32>
      %gather3A_2832 = vector.shape_cast %broadcast_in_dim3A_2831 : vector<16x1xi32> to vector<16xi32>
      %gather3A_2833 = tpu.dynamic_gather %add3A_2827[%gather3A_2832] in [0] : vector<16xf32>, vector<16xi32> -> vector<16xf32>
      %add3A_2834 = arith.addf %add3A_2827, %gather3A_2833 : vector<16xf32>
      %iota3A_2835 = tpu.iota {dimensions = array<i32: 0>} : vector<16xi32>
      %xor3A_2836 = arith.constant 8 : i32
      %xor3A_2837 = vector.broadcast %xor3A_2836 : i32 to vector<16xi32>
      %xor3A_2838 = arith.xori %iota3A_2835, %xor3A_2837 : vector<16xi32>
      %broadcast_in_dim3A_2839 = vector.shape_cast %xor3A_2838 : vector<16xi32> to vector<16x1xi32>
      %gather3A_2840 = vector.shape_cast %broadcast_in_dim3A_2839 : vector<16x1xi32> to vector<16xi32>
      %gather3A_2841 = tpu.dynamic_gather %scan3A_2137#17[%gather3A_2840] in [0] : vector<16xf32>, vector<16xi32> -> vector<16xf32>
      %add3A_2842 = arith.addf %scan3A_2137#17, %gather3A_2841 : vector<16xf32>
      %xor3A_2843 = arith.constant 4 : i32
      %xor3A_2844 = vector.broadcast %xor3A_2843 : i32 to vector<16xi32>
      %xor3A_2845 = arith.xori %iota3A_2835, %xor3A_2844 : vector<16xi32>
      %broadcast_in_dim3A_2846 = vector.shape_cast %xor3A_2845 : vector<16xi32> to vector<16x1xi32>
      %gather3A_2847 = vector.shape_cast %broadcast_in_dim3A_2846 : vector<16x1xi32> to vector<16xi32>
      %gather3A_2848 = tpu.dynamic_gather %add3A_2842[%gather3A_2847] in [0] : vector<16xf32>, vector<16xi32> -> vector<16xf32>
      %add3A_2849 = arith.addf %add3A_2842, %gather3A_2848 : vector<16xf32>
      %xor3A_2850 = arith.constant 2 : i32
      %xor3A_2851 = vector.broadcast %xor3A_2850 : i32 to vector<16xi32>
      %xor3A_2852 = arith.xori %iota3A_2835, %xor3A_2851 : vector<16xi32>
      %broadcast_in_dim3A_2853 = vector.shape_cast %xor3A_2852 : vector<16xi32> to vector<16x1xi32>
      %gather3A_2854 = vector.shape_cast %broadcast_in_dim3A_2853 : vector<16x1xi32> to vector<16xi32>
      %gather3A_2855 = tpu.dynamic_gather %add3A_2849[%gather3A_2854] in [0] : vector<16xf32>, vector<16xi32> -> vector<16xf32>
      %add3A_2856 = arith.addf %add3A_2849, %gather3A_2855 : vector<16xf32>
      %xor3A_2857 = arith.constant 1 : i32
      %xor3A_2858 = vector.broadcast %xor3A_2857 : i32 to vector<16xi32>
      %xor3A_2859 = arith.xori %iota3A_2835, %xor3A_2858 : vector<16xi32>
      %broadcast_in_dim3A_2860 = vector.shape_cast %xor3A_2859 : vector<16xi32> to vector<16x1xi32>
      %gather3A_2861 = vector.shape_cast %broadcast_in_dim3A_2860 : vector<16x1xi32> to vector<16xi32>
      %gather3A_2862 = tpu.dynamic_gather %add3A_2856[%gather3A_2861] in [0] : vector<16xf32>, vector<16xi32> -> vector<16xf32>
      %add3A_2863 = arith.addf %add3A_2856, %gather3A_2862 : vector<16xf32>
      %iota3A_2864 = tpu.iota {dimensions = array<i32: 0>} : vector<16xi32>
      %xor3A_2865 = arith.constant 8 : i32
      %xor3A_2866 = vector.broadcast %xor3A_2865 : i32 to vector<16xi32>
      %xor3A_2867 = arith.xori %iota3A_2864, %xor3A_2866 : vector<16xi32>
      %broadcast_in_dim3A_2868 = vector.shape_cast %xor3A_2867 : vector<16xi32> to vector<16x1xi32>
      %gather3A_2869 = vector.shape_cast %broadcast_in_dim3A_2868 : vector<16x1xi32> to vector<16xi32>
      %gather3A_2870 = tpu.dynamic_gather %scan3A_2137#19[%gather3A_2869] in [0] : vector<16xf32>, vector<16xi32> -> vector<16xf32>
      %add3A_2871 = arith.addf %scan3A_2137#19, %gather3A_2870 : vector<16xf32>
      %xor3A_2872 = arith.constant 4 : i32
      %xor3A_2873 = vector.broadcast %xor3A_2872 : i32 to vector<16xi32>
      %xor3A_2874 = arith.xori %iota3A_2864, %xor3A_2873 : vector<16xi32>
      %broadcast_in_dim3A_2875 = vector.shape_cast %xor3A_2874 : vector<16xi32> to vector<16x1xi32>
      %gather3A_2876 = vector.shape_cast %broadcast_in_dim3A_2875 : vector<16x1xi32> to vector<16xi32>
      %gather3A_2877 = tpu.dynamic_gather %add3A_2871[%gather3A_2876] in [0] : vector<16xf32>, vector<16xi32> -> vector<16xf32>
      %add3A_2878 = arith.addf %add3A_2871, %gather3A_2877 : vector<16xf32>
      %xor3A_2879 = arith.constant 2 : i32
      %xor3A_2880 = vector.broadcast %xor3A_2879 : i32 to vector<16xi32>
      %xor3A_2881 = arith.xori %iota3A_2864, %xor3A_2880 : vector<16xi32>
      %broadcast_in_dim3A_2882 = vector.shape_cast %xor3A_2881 : vector<16xi32> to vector<16x1xi32>
      %gather3A_2883 = vector.shape_cast %broadcast_in_dim3A_2882 : vector<16x1xi32> to vector<16xi32>
      %gather3A_2884 = tpu.dynamic_gather %add3A_2878[%gather3A_2883] in [0] : vector<16xf32>, vector<16xi32> -> vector<16xf32>
      %add3A_2885 = arith.addf %add3A_2878, %gather3A_2884 : vector<16xf32>
      %xor3A_2886 = arith.constant 1 : i32
      %xor3A_2887 = vector.broadcast %xor3A_2886 : i32 to vector<16xi32>
      %xor3A_2888 = arith.xori %iota3A_2864, %xor3A_2887 : vector<16xi32>
      %broadcast_in_dim3A_2889 = vector.shape_cast %xor3A_2888 : vector<16xi32> to vector<16x1xi32>
      %gather3A_2890 = vector.shape_cast %broadcast_in_dim3A_2889 : vector<16x1xi32> to vector<16xi32>
      %gather3A_2891 = tpu.dynamic_gather %add3A_2885[%gather3A_2890] in [0] : vector<16xf32>, vector<16xi32> -> vector<16xf32>
      %add3A_2892 = arith.addf %add3A_2885, %gather3A_2891 : vector<16xf32>
      %iota3A_2893 = tpu.iota {dimensions = array<i32: 0>} : vector<16xi32>
      %xor3A_2894 = arith.constant 8 : i32
      %xor3A_2895 = vector.broadcast %xor3A_2894 : i32 to vector<16xi32>
      %xor3A_2896 = arith.xori %iota3A_2893, %xor3A_2895 : vector<16xi32>
      %broadcast_in_dim3A_2897 = vector.shape_cast %xor3A_2896 : vector<16xi32> to vector<16x1xi32>
      %gather3A_2898 = vector.shape_cast %broadcast_in_dim3A_2897 : vector<16x1xi32> to vector<16xi32>
      %gather3A_2899 = tpu.dynamic_gather %scan3A_2137#21[%gather3A_2898] in [0] : vector<16xf32>, vector<16xi32> -> vector<16xf32>
      %add3A_2900 = arith.addf %scan3A_2137#21, %gather3A_2899 : vector<16xf32>
      %xor3A_2901 = arith.constant 4 : i32
      %xor3A_2902 = vector.broadcast %xor3A_2901 : i32 to vector<16xi32>
      %xor3A_2903 = arith.xori %iota3A_2893, %xor3A_2902 : vector<16xi32>
      %broadcast_in_dim3A_2904 = vector.shape_cast %xor3A_2903 : vector<16xi32> to vector<16x1xi32>
      %gather3A_2905 = vector.shape_cast %broadcast_in_dim3A_2904 : vector<16x1xi32> to vector<16xi32>
      %gather3A_2906 = tpu.dynamic_gather %add3A_2900[%gather3A_2905] in [0] : vector<16xf32>, vector<16xi32> -> vector<16xf32>
      %add3A_2907 = arith.addf %add3A_2900, %gather3A_2906 : vector<16xf32>
      %xor3A_2908 = arith.constant 2 : i32
      %xor3A_2909 = vector.broadcast %xor3A_2908 : i32 to vector<16xi32>
      %xor3A_2910 = arith.xori %iota3A_2893, %xor3A_2909 : vector<16xi32>
      %broadcast_in_dim3A_2911 = vector.shape_cast %xor3A_2910 : vector<16xi32> to vector<16x1xi32>
      %gather3A_2912 = vector.shape_cast %broadcast_in_dim3A_2911 : vector<16x1xi32> to vector<16xi32>
      %gather3A_2913 = tpu.dynamic_gather %add3A_2907[%gather3A_2912] in [0] : vector<16xf32>, vector<16xi32> -> vector<16xf32>
      %add3A_2914 = arith.addf %add3A_2907, %gather3A_2913 : vector<16xf32>
      %xor3A_2915 = arith.constant 1 : i32
      %xor3A_2916 = vector.broadcast %xor3A_2915 : i32 to vector<16xi32>
      %xor3A_2917 = arith.xori %iota3A_2893, %xor3A_2916 : vector<16xi32>
      %broadcast_in_dim3A_2918 = vector.shape_cast %xor3A_2917 : vector<16xi32> to vector<16x1xi32>
      %gather3A_2919 = vector.shape_cast %broadcast_in_dim3A_2918 : vector<16x1xi32> to vector<16xi32>
      %gather3A_2920 = tpu.dynamic_gather %add3A_2914[%gather3A_2919] in [0] : vector<16xf32>, vector<16xi32> -> vector<16xf32>
      %add3A_2921 = arith.addf %add3A_2914, %gather3A_2920 : vector<16xf32>
      %iota3A_2922 = tpu.iota {dimensions = array<i32: 0>} : vector<16xi32>
      %xor3A_2923 = arith.constant 8 : i32
      %xor3A_2924 = vector.broadcast %xor3A_2923 : i32 to vector<16xi32>
      %xor3A_2925 = arith.xori %iota3A_2922, %xor3A_2924 : vector<16xi32>
      %broadcast_in_dim3A_2926 = vector.shape_cast %xor3A_2925 : vector<16xi32> to vector<16x1xi32>
      %gather3A_2927 = vector.shape_cast %broadcast_in_dim3A_2926 : vector<16x1xi32> to vector<16xi32>
      %gather3A_2928 = tpu.dynamic_gather %scan3A_2137#23[%gather3A_2927] in [0] : vector<16xf32>, vector<16xi32> -> vector<16xf32>
      %add3A_2929 = arith.addf %scan3A_2137#23, %gather3A_2928 : vector<16xf32>
      %xor3A_2930 = arith.constant 4 : i32
      %xor3A_2931 = vector.broadcast %xor3A_2930 : i32 to vector<16xi32>
      %xor3A_2932 = arith.xori %iota3A_2922, %xor3A_2931 : vector<16xi32>
      %broadcast_in_dim3A_2933 = vector.shape_cast %xor3A_2932 : vector<16xi32> to vector<16x1xi32>
      %gather3A_2934 = vector.shape_cast %broadcast_in_dim3A_2933 : vector<16x1xi32> to vector<16xi32>
      %gather3A_2935 = tpu.dynamic_gather %add3A_2929[%gather3A_2934] in [0] : vector<16xf32>, vector<16xi32> -> vector<16xf32>
      %add3A_2936 = arith.addf %add3A_2929, %gather3A_2935 : vector<16xf32>
      %xor3A_2937 = arith.constant 2 : i32
      %xor3A_2938 = vector.broadcast %xor3A_2937 : i32 to vector<16xi32>
      %xor3A_2939 = arith.xori %iota3A_2922, %xor3A_2938 : vector<16xi32>
      %broadcast_in_dim3A_2940 = vector.shape_cast %xor3A_2939 : vector<16xi32> to vector<16x1xi32>
      %gather3A_2941 = vector.shape_cast %broadcast_in_dim3A_2940 : vector<16x1xi32> to vector<16xi32>
      %gather3A_2942 = tpu.dynamic_gather %add3A_2936[%gather3A_2941] in [0] : vector<16xf32>, vector<16xi32> -> vector<16xf32>
      %add3A_2943 = arith.addf %add3A_2936, %gather3A_2942 : vector<16xf32>
      %xor3A_2944 = arith.constant 1 : i32
      %xor3A_2945 = vector.broadcast %xor3A_2944 : i32 to vector<16xi32>
      %xor3A_2946 = arith.xori %iota3A_2922, %xor3A_2945 : vector<16xi32>
      %broadcast_in_dim3A_2947 = vector.shape_cast %xor3A_2946 : vector<16xi32> to vector<16x1xi32>
      %gather3A_2948 = vector.shape_cast %broadcast_in_dim3A_2947 : vector<16x1xi32> to vector<16xi32>
      %gather3A_2949 = tpu.dynamic_gather %add3A_2943[%gather3A_2948] in [0] : vector<16xf32>, vector<16xi32> -> vector<16xf32>
      %add3A_2950 = arith.addf %add3A_2943, %gather3A_2949 : vector<16xf32>
      %iota3A_2951 = tpu.iota {dimensions = array<i32: 0>} : vector<16xi32>
      %xor3A_2952 = arith.constant 8 : i32
      %xor3A_2953 = vector.broadcast %xor3A_2952 : i32 to vector<16xi32>
      %xor3A_2954 = arith.xori %iota3A_2951, %xor3A_2953 : vector<16xi32>
      %broadcast_in_dim3A_2955 = vector.shape_cast %xor3A_2954 : vector<16xi32> to vector<16x1xi32>
      %gather3A_2956 = vector.shape_cast %broadcast_in_dim3A_2955 : vector<16x1xi32> to vector<16xi32>
      %gather3A_2957 = tpu.dynamic_gather %scan3A_2137#25[%gather3A_2956] in [0] : vector<16xf32>, vector<16xi32> -> vector<16xf32>
      %add3A_2958 = arith.addf %scan3A_2137#25, %gather3A_2957 : vector<16xf32>
      %xor3A_2959 = arith.constant 4 : i32
      %xor3A_2960 = vector.broadcast %xor3A_2959 : i32 to vector<16xi32>
      %xor3A_2961 = arith.xori %iota3A_2951, %xor3A_2960 : vector<16xi32>
      %broadcast_in_dim3A_2962 = vector.shape_cast %xor3A_2961 : vector<16xi32> to vector<16x1xi32>
      %gather3A_2963 = vector.shape_cast %broadcast_in_dim3A_2962 : vector<16x1xi32> to vector<16xi32>
      %gather3A_2964 = tpu.dynamic_gather %add3A_2958[%gather3A_2963] in [0] : vector<16xf32>, vector<16xi32> -> vector<16xf32>
      %add3A_2965 = arith.addf %add3A_2958, %gather3A_2964 : vector<16xf32>
      %xor3A_2966 = arith.constant 2 : i32
      %xor3A_2967 = vector.broadcast %xor3A_2966 : i32 to vector<16xi32>
      %xor3A_2968 = arith.xori %iota3A_2951, %xor3A_2967 : vector<16xi32>
      %broadcast_in_dim3A_2969 = vector.shape_cast %xor3A_2968 : vector<16xi32> to vector<16x1xi32>
      %gather3A_2970 = vector.shape_cast %broadcast_in_dim3A_2969 : vector<16x1xi32> to vector<16xi32>
      %gather3A_2971 = tpu.dynamic_gather %add3A_2965[%gather3A_2970] in [0] : vector<16xf32>, vector<16xi32> -> vector<16xf32>
      %add3A_2972 = arith.addf %add3A_2965, %gather3A_2971 : vector<16xf32>
      %xor3A_2973 = arith.constant 1 : i32
      %xor3A_2974 = vector.broadcast %xor3A_2973 : i32 to vector<16xi32>
      %xor3A_2975 = arith.xori %iota3A_2951, %xor3A_2974 : vector<16xi32>
      %broadcast_in_dim3A_2976 = vector.shape_cast %xor3A_2975 : vector<16xi32> to vector<16x1xi32>
      %gather3A_2977 = vector.shape_cast %broadcast_in_dim3A_2976 : vector<16x1xi32> to vector<16xi32>
      %gather3A_2978 = tpu.dynamic_gather %add3A_2972[%gather3A_2977] in [0] : vector<16xf32>, vector<16xi32> -> vector<16xf32>
      %add3A_2979 = arith.addf %add3A_2972, %gather3A_2978 : vector<16xf32>
      %iota3A_2980 = tpu.iota {dimensions = array<i32: 0>} : vector<16xi32>
      %xor3A_2981 = arith.constant 8 : i32
      %xor3A_2982 = vector.broadcast %xor3A_2981 : i32 to vector<16xi32>
      %xor3A_2983 = arith.xori %iota3A_2980, %xor3A_2982 : vector<16xi32>
      %broadcast_in_dim3A_2984 = vector.shape_cast %xor3A_2983 : vector<16xi32> to vector<16x1xi32>
      %gather3A_2985 = vector.shape_cast %broadcast_in_dim3A_2984 : vector<16x1xi32> to vector<16xi32>
      %gather3A_2986 = tpu.dynamic_gather %scan3A_2137#27[%gather3A_2985] in [0] : vector<16xf32>, vector<16xi32> -> vector<16xf32>
      %add3A_2987 = arith.addf %scan3A_2137#27, %gather3A_2986 : vector<16xf32>
      %xor3A_2988 = arith.constant 4 : i32
      %xor3A_2989 = vector.broadcast %xor3A_2988 : i32 to vector<16xi32>
      %xor3A_2990 = arith.xori %iota3A_2980, %xor3A_2989 : vector<16xi32>
      %broadcast_in_dim3A_2991 = vector.shape_cast %xor3A_2990 : vector<16xi32> to vector<16x1xi32>
      %gather3A_2992 = vector.shape_cast %broadcast_in_dim3A_2991 : vector<16x1xi32> to vector<16xi32>
      %gather3A_2993 = tpu.dynamic_gather %add3A_2987[%gather3A_2992] in [0] : vector<16xf32>, vector<16xi32> -> vector<16xf32>
      %add3A_2994 = arith.addf %add3A_2987, %gather3A_2993 : vector<16xf32>
      %xor3A_2995 = arith.constant 2 : i32
      %xor3A_2996 = vector.broadcast %xor3A_2995 : i32 to vector<16xi32>
      %xor3A_2997 = arith.xori %iota3A_2980, %xor3A_2996 : vector<16xi32>
      %broadcast_in_dim3A_2998 = vector.shape_cast %xor3A_2997 : vector<16xi32> to vector<16x1xi32>
      %gather3A_2999 = vector.shape_cast %broadcast_in_dim3A_2998 : vector<16x1xi32> to vector<16xi32>
      %gather3A_3000 = tpu.dynamic_gather %add3A_2994[%gather3A_2999] in [0] : vector<16xf32>, vector<16xi32> -> vector<16xf32>
      %add3A_3001 = arith.addf %add3A_2994, %gather3A_3000 : vector<16xf32>
      %xor3A_3002 = arith.constant 1 : i32
      %xor3A_3003 = vector.broadcast %xor3A_3002 : i32 to vector<16xi32>
      %xor3A_3004 = arith.xori %iota3A_2980, %xor3A_3003 : vector<16xi32>
      %broadcast_in_dim3A_3005 = vector.shape_cast %xor3A_3004 : vector<16xi32> to vector<16x1xi32>
      %gather3A_3006 = vector.shape_cast %broadcast_in_dim3A_3005 : vector<16x1xi32> to vector<16xi32>
      %gather3A_3007 = tpu.dynamic_gather %add3A_3001[%gather3A_3006] in [0] : vector<16xf32>, vector<16xi32> -> vector<16xf32>
      %add3A_3008 = arith.addf %add3A_3001, %gather3A_3007 : vector<16xf32>
      %iota3A_3009 = tpu.iota {dimensions = array<i32: 0>} : vector<16xi32>
      %xor3A_3010 = arith.constant 8 : i32
      %xor3A_3011 = vector.broadcast %xor3A_3010 : i32 to vector<16xi32>
      %xor3A_3012 = arith.xori %iota3A_3009, %xor3A_3011 : vector<16xi32>
      %broadcast_in_dim3A_3013 = vector.shape_cast %xor3A_3012 : vector<16xi32> to vector<16x1xi32>
      %gather3A_3014 = vector.shape_cast %broadcast_in_dim3A_3013 : vector<16x1xi32> to vector<16xi32>
      %gather3A_3015 = tpu.dynamic_gather %scan3A_2137#29[%gather3A_3014] in [0] : vector<16xf32>, vector<16xi32> -> vector<16xf32>
      %add3A_3016 = arith.addf %scan3A_2137#29, %gather3A_3015 : vector<16xf32>
      %xor3A_3017 = arith.constant 4 : i32
      %xor3A_3018 = vector.broadcast %xor3A_3017 : i32 to vector<16xi32>
      %xor3A_3019 = arith.xori %iota3A_3009, %xor3A_3018 : vector<16xi32>
      %broadcast_in_dim3A_3020 = vector.shape_cast %xor3A_3019 : vector<16xi32> to vector<16x1xi32>
      %gather3A_3021 = vector.shape_cast %broadcast_in_dim3A_3020 : vector<16x1xi32> to vector<16xi32>
      %gather3A_3022 = tpu.dynamic_gather %add3A_3016[%gather3A_3021] in [0] : vector<16xf32>, vector<16xi32> -> vector<16xf32>
      %add3A_3023 = arith.addf %add3A_3016, %gather3A_3022 : vector<16xf32>
      %xor3A_3024 = arith.constant 2 : i32
      %xor3A_3025 = vector.broadcast %xor3A_3024 : i32 to vector<16xi32>
      %xor3A_3026 = arith.xori %iota3A_3009, %xor3A_3025 : vector<16xi32>
      %broadcast_in_dim3A_3027 = vector.shape_cast %xor3A_3026 : vector<16xi32> to vector<16x1xi32>
      %gather3A_3028 = vector.shape_cast %broadcast_in_dim3A_3027 : vector<16x1xi32> to vector<16xi32>
      %gather3A_3029 = tpu.dynamic_gather %add3A_3023[%gather3A_3028] in [0] : vector<16xf32>, vector<16xi32> -> vector<16xf32>
      %add3A_3030 = arith.addf %add3A_3023, %gather3A_3029 : vector<16xf32>
      %xor3A_3031 = arith.constant 1 : i32
      %xor3A_3032 = vector.broadcast %xor3A_3031 : i32 to vector<16xi32>
      %xor3A_3033 = arith.xori %iota3A_3009, %xor3A_3032 : vector<16xi32>
      %broadcast_in_dim3A_3034 = vector.shape_cast %xor3A_3033 : vector<16xi32> to vector<16x1xi32>
      %gather3A_3035 = vector.shape_cast %broadcast_in_dim3A_3034 : vector<16x1xi32> to vector<16xi32>
      %gather3A_3036 = tpu.dynamic_gather %add3A_3030[%gather3A_3035] in [0] : vector<16xf32>, vector<16xi32> -> vector<16xf32>
      %add3A_3037 = arith.addf %add3A_3030, %gather3A_3036 : vector<16xf32>
      %iota3A_3038 = tpu.iota {dimensions = array<i32: 0>} : vector<16xi32>
      %xor3A_3039 = arith.constant 8 : i32
      %xor3A_3040 = vector.broadcast %xor3A_3039 : i32 to vector<16xi32>
      %xor3A_3041 = arith.xori %iota3A_3038, %xor3A_3040 : vector<16xi32>
      %broadcast_in_dim3A_3042 = vector.shape_cast %xor3A_3041 : vector<16xi32> to vector<16x1xi32>
      %gather3A_3043 = vector.shape_cast %broadcast_in_dim3A_3042 : vector<16x1xi32> to vector<16xi32>
      %gather3A_3044 = tpu.dynamic_gather %scan3A_2137#31[%gather3A_3043] in [0] : vector<16xf32>, vector<16xi32> -> vector<16xf32>
      %add3A_3045 = arith.addf %scan3A_2137#31, %gather3A_3044 : vector<16xf32>
      %xor3A_3046 = arith.constant 4 : i32
      %xor3A_3047 = vector.broadcast %xor3A_3046 : i32 to vector<16xi32>
      %xor3A_3048 = arith.xori %iota3A_3038, %xor3A_3047 : vector<16xi32>
      %broadcast_in_dim3A_3049 = vector.shape_cast %xor3A_3048 : vector<16xi32> to vector<16x1xi32>
      %gather3A_3050 = vector.shape_cast %broadcast_in_dim3A_3049 : vector<16x1xi32> to vector<16xi32>
      %gather3A_3051 = tpu.dynamic_gather %add3A_3045[%gather3A_3050] in [0] : vector<16xf32>, vector<16xi32> -> vector<16xf32>
      %add3A_3052 = arith.addf %add3A_3045, %gather3A_3051 : vector<16xf32>
      %xor3A_3053 = arith.constant 2 : i32
      %xor3A_3054 = vector.broadcast %xor3A_3053 : i32 to vector<16xi32>
      %xor3A_3055 = arith.xori %iota3A_3038, %xor3A_3054 : vector<16xi32>
      %broadcast_in_dim3A_3056 = vector.shape_cast %xor3A_3055 : vector<16xi32> to vector<16x1xi32>
      %gather3A_3057 = vector.shape_cast %broadcast_in_dim3A_3056 : vector<16x1xi32> to vector<16xi32>
      %gather3A_3058 = tpu.dynamic_gather %add3A_3052[%gather3A_3057] in [0] : vector<16xf32>, vector<16xi32> -> vector<16xf32>
      %add3A_3059 = arith.addf %add3A_3052, %gather3A_3058 : vector<16xf32>
      %xor3A_3060 = arith.constant 1 : i32
      %xor3A_3061 = vector.broadcast %xor3A_3060 : i32 to vector<16xi32>
      %xor3A_3062 = arith.xori %iota3A_3038, %xor3A_3061 : vector<16xi32>
      %broadcast_in_dim3A_3063 = vector.shape_cast %xor3A_3062 : vector<16xi32> to vector<16x1xi32>
      %gather3A_3064 = vector.shape_cast %broadcast_in_dim3A_3063 : vector<16x1xi32> to vector<16xi32>
      %gather3A_3065 = tpu.dynamic_gather %add3A_3059[%gather3A_3064] in [0] : vector<16xf32>, vector<16xi32> -> vector<16xf32>
      %add3A_3066 = arith.addf %add3A_3059, %gather3A_3065 : vector<16xf32>
      %add3A_3067 = arith.constant 3 : i32
      %add3A_3068 = arith.addi %add3A_2062, %add3A_3067 : i32
      %lt3A_3069 = arith.constant 15 : i32
      %lt3A_3070 = arith.cmpi slt, %add3A_3068, %lt3A_3069 : i32
      %convert_element_type3A_3071 = arith.extui %lt3A_3070 : i1 to i32
      %cond3A_3072 = arith.constant 0 : i32
      %cond3A_3073 = arith.cmpi ne, %convert_element_type3A_3071, %cond3A_3072 : i32
      scf.if %cond3A_3073 {
        %mul3A_3354 = arith.constant 16 : i32
        %mul3A_3355 = arith.muli %add3A_3068, %mul3A_3354 : i32
        %add3A_3356 = arith.addi %add3A_4, %mul3A_3355 : i32
        %dma_start3A_3357 = arith.constant 0 : i32
        %dma_start3A_3358 = tpu.memref_slice %arg3[%add3A_3356, %dma_start3A_3357] : memref<16384x2048xf32, #tpu.memory_space<hbm>> -> memref<16x2048xf32, #tpu.memory_space<hbm>>
        %dma_start3A_3359 = arith.constant 0 : i32
        %dma_start3A_3360 = tpu.memref_slice %arg3[%add3A_3356, %dma_start3A_3359] : memref<16384x2048xf32, #tpu.memory_space<hbm>> -> memref<16x2048xf32, #tpu.memory_space<hbm>>
        tpu.enqueue_dma source(%dma_start3A_3360 : memref<16x2048xf32, #tpu.memory_space<hbm>>) target(%arg9 : memref<16x2048xf32, #tpu.memory_space<vmem>>) target_semaphore(%arg15 : memref<!tpu.dma_semaphore, #tpu.memory_space<semaphore_mem>>)
      } else {
      }
      %eq3A = arith.constant 0 : i32
      %eq3A_3074 = vector.broadcast %eq3A : i32 to vector<16xi32>
      %eq3A_3075 = arith.cmpi eq, %iota3A, %eq3A_3074 : vector<16xi32>
      %select_n3A = arith.select %eq3A_3075, %add3A_140, %broadcast_in_dim3A_22 : vector<16xi1>, vector<16xf32>
      %select_n3A_3076 = arith.select %eq3A_3075, %add3A_604, %broadcast_in_dim3A_22 : vector<16xi1>, vector<16xf32>
      %eq3A_3077 = arith.constant 1 : i32
      %eq3A_3078 = vector.broadcast %eq3A_3077 : i32 to vector<16xi32>
      %eq3A_3079 = arith.cmpi eq, %iota3A, %eq3A_3078 : vector<16xi32>
      %select_n3A_3080 = arith.select %eq3A_3079, %add3A_169, %select_n3A : vector<16xi1>, vector<16xf32>
      %select_n3A_3081 = arith.select %eq3A_3079, %add3A_633, %select_n3A_3076 : vector<16xi1>, vector<16xf32>
      %eq3A_3082 = arith.constant 2 : i32
      %eq3A_3083 = vector.broadcast %eq3A_3082 : i32 to vector<16xi32>
      %eq3A_3084 = arith.cmpi eq, %iota3A, %eq3A_3083 : vector<16xi32>
      %select_n3A_3085 = arith.select %eq3A_3084, %add3A_198, %select_n3A_3080 : vector<16xi1>, vector<16xf32>
      %select_n3A_3086 = arith.select %eq3A_3084, %add3A_662, %select_n3A_3081 : vector<16xi1>, vector<16xf32>
      %eq3A_3087 = arith.constant 3 : i32
      %eq3A_3088 = vector.broadcast %eq3A_3087 : i32 to vector<16xi32>
      %eq3A_3089 = arith.cmpi eq, %iota3A, %eq3A_3088 : vector<16xi32>
      %select_n3A_3090 = arith.select %eq3A_3089, %add3A_227, %select_n3A_3085 : vector<16xi1>, vector<16xf32>
      %select_n3A_3091 = arith.select %eq3A_3089, %add3A_691, %select_n3A_3086 : vector<16xi1>, vector<16xf32>
      %eq3A_3092 = arith.constant 4 : i32
      %eq3A_3093 = vector.broadcast %eq3A_3092 : i32 to vector<16xi32>
      %eq3A_3094 = arith.cmpi eq, %iota3A, %eq3A_3093 : vector<16xi32>
      %select_n3A_3095 = arith.select %eq3A_3094, %add3A_256, %select_n3A_3090 : vector<16xi1>, vector<16xf32>
      %select_n3A_3096 = arith.select %eq3A_3094, %add3A_720, %select_n3A_3091 : vector<16xi1>, vector<16xf32>
      %eq3A_3097 = arith.constant 5 : i32
      %eq3A_3098 = vector.broadcast %eq3A_3097 : i32 to vector<16xi32>
      %eq3A_3099 = arith.cmpi eq, %iota3A, %eq3A_3098 : vector<16xi32>
      %select_n3A_3100 = arith.select %eq3A_3099, %add3A_285, %select_n3A_3095 : vector<16xi1>, vector<16xf32>
      %select_n3A_3101 = arith.select %eq3A_3099, %add3A_749, %select_n3A_3096 : vector<16xi1>, vector<16xf32>
      %eq3A_3102 = arith.constant 6 : i32
      %eq3A_3103 = vector.broadcast %eq3A_3102 : i32 to vector<16xi32>
      %eq3A_3104 = arith.cmpi eq, %iota3A, %eq3A_3103 : vector<16xi32>
      %select_n3A_3105 = arith.select %eq3A_3104, %add3A_314, %select_n3A_3100 : vector<16xi1>, vector<16xf32>
      %select_n3A_3106 = arith.select %eq3A_3104, %add3A_778, %select_n3A_3101 : vector<16xi1>, vector<16xf32>
      %eq3A_3107 = arith.constant 7 : i32
      %eq3A_3108 = vector.broadcast %eq3A_3107 : i32 to vector<16xi32>
      %eq3A_3109 = arith.cmpi eq, %iota3A, %eq3A_3108 : vector<16xi32>
      %select_n3A_3110 = arith.select %eq3A_3109, %add3A_343, %select_n3A_3105 : vector<16xi1>, vector<16xf32>
      %select_n3A_3111 = arith.select %eq3A_3109, %add3A_807, %select_n3A_3106 : vector<16xi1>, vector<16xf32>
      %eq3A_3112 = arith.constant 8 : i32
      %eq3A_3113 = vector.broadcast %eq3A_3112 : i32 to vector<16xi32>
      %eq3A_3114 = arith.cmpi eq, %iota3A, %eq3A_3113 : vector<16xi32>
      %select_n3A_3115 = arith.select %eq3A_3114, %add3A_372, %select_n3A_3110 : vector<16xi1>, vector<16xf32>
      %select_n3A_3116 = arith.select %eq3A_3114, %add3A_836, %select_n3A_3111 : vector<16xi1>, vector<16xf32>
      %eq3A_3117 = arith.constant 9 : i32
      %eq3A_3118 = vector.broadcast %eq3A_3117 : i32 to vector<16xi32>
      %eq3A_3119 = arith.cmpi eq, %iota3A, %eq3A_3118 : vector<16xi32>
      %select_n3A_3120 = arith.select %eq3A_3119, %add3A_401, %select_n3A_3115 : vector<16xi1>, vector<16xf32>
      %select_n3A_3121 = arith.select %eq3A_3119, %add3A_865, %select_n3A_3116 : vector<16xi1>, vector<16xf32>
      %eq3A_3122 = arith.constant 10 : i32
      %eq3A_3123 = vector.broadcast %eq3A_3122 : i32 to vector<16xi32>
      %eq3A_3124 = arith.cmpi eq, %iota3A, %eq3A_3123 : vector<16xi32>
      %select_n3A_3125 = arith.select %eq3A_3124, %add3A_430, %select_n3A_3120 : vector<16xi1>, vector<16xf32>
      %select_n3A_3126 = arith.select %eq3A_3124, %add3A_894, %select_n3A_3121 : vector<16xi1>, vector<16xf32>
      %eq3A_3127 = arith.constant 11 : i32
      %eq3A_3128 = vector.broadcast %eq3A_3127 : i32 to vector<16xi32>
      %eq3A_3129 = arith.cmpi eq, %iota3A, %eq3A_3128 : vector<16xi32>
      %select_n3A_3130 = arith.select %eq3A_3129, %add3A_459, %select_n3A_3125 : vector<16xi1>, vector<16xf32>
      %select_n3A_3131 = arith.select %eq3A_3129, %add3A_923, %select_n3A_3126 : vector<16xi1>, vector<16xf32>
      %eq3A_3132 = arith.constant 12 : i32
      %eq3A_3133 = vector.broadcast %eq3A_3132 : i32 to vector<16xi32>
      %eq3A_3134 = arith.cmpi eq, %iota3A, %eq3A_3133 : vector<16xi32>
      %select_n3A_3135 = arith.select %eq3A_3134, %add3A_488, %select_n3A_3130 : vector<16xi1>, vector<16xf32>
      %select_n3A_3136 = arith.select %eq3A_3134, %add3A_952, %select_n3A_3131 : vector<16xi1>, vector<16xf32>
      %eq3A_3137 = arith.constant 13 : i32
      %eq3A_3138 = vector.broadcast %eq3A_3137 : i32 to vector<16xi32>
      %eq3A_3139 = arith.cmpi eq, %iota3A, %eq3A_3138 : vector<16xi32>
      %select_n3A_3140 = arith.select %eq3A_3139, %add3A_517, %select_n3A_3135 : vector<16xi1>, vector<16xf32>
      %select_n3A_3141 = arith.select %eq3A_3139, %add3A_981, %select_n3A_3136 : vector<16xi1>, vector<16xf32>
      %eq3A_3142 = arith.constant 14 : i32
      %eq3A_3143 = vector.broadcast %eq3A_3142 : i32 to vector<16xi32>
      %eq3A_3144 = arith.cmpi eq, %iota3A, %eq3A_3143 : vector<16xi32>
      %select_n3A_3145 = arith.select %eq3A_3144, %add3A_546, %select_n3A_3140 : vector<16xi1>, vector<16xf32>
      %select_n3A_3146 = arith.select %eq3A_3144, %add3A_1010, %select_n3A_3141 : vector<16xi1>, vector<16xf32>
      %eq3A_3147 = arith.constant 15 : i32
      %eq3A_3148 = vector.broadcast %eq3A_3147 : i32 to vector<16xi32>
      %eq3A_3149 = arith.cmpi eq, %iota3A, %eq3A_3148 : vector<16xi32>
      %select_n3A_3150 = arith.select %eq3A_3149, %add3A_575, %select_n3A_3145 : vector<16xi1>, vector<16xf32>
      %select_n3A_3151 = arith.select %eq3A_3149, %add3A_1039, %select_n3A_3146 : vector<16xi1>, vector<16xf32>
      %mul3A_3152 = arith.constant 3 : i32
      %mul3A_3153 = arith.muli %scan3A_33, %mul3A_3152 : i32
      %mul3A_3154 = arith.constant 16 : i32
      %mul3A_3155 = arith.muli %mul3A_3153, %mul3A_3154 : i32
      %add3A_3156 = arith.constant 0 : i32
      %add3A_3157 = arith.addi %mul3A_3155, %add3A_3156 : i32
      %swap3A = arith.index_cast %add3A_3157 : i32 to index
      %swap3A_3158 = tpu.vector_load %arg10[%swap3A] {strides = array<i32>} : memref<240xf32, #tpu.memory_space<vmem>>, vector<16xf32>,
      %swap3A_3159 = vector.shape_cast %swap3A_3158 : vector<16xf32> to vector<16xf32>
      %swap3A_3160 = vector.shape_cast %select_n3A_3150 : vector<16xf32> to vector<16xf32>
      tpu.vector_store %arg10[%swap3A], %swap3A_3160 {strides = array<i32>} : memref<240xf32, #tpu.memory_space<vmem>>, vector<16xf32>,
      %swap3A_3161 = arith.index_cast %add3A_3157 : i32 to index
      %swap3A_3162 = tpu.vector_load %arg11[%swap3A_3161] {strides = array<i32>} : memref<240xf32, #tpu.memory_space<vmem>>, vector<16xf32>,
      %swap3A_3163 = vector.shape_cast %swap3A_3162 : vector<16xf32> to vector<16xf32>
      %swap3A_3164 = vector.shape_cast %select_n3A_3151 : vector<16xf32> to vector<16xf32>
      tpu.vector_store %arg11[%swap3A_3161], %swap3A_3164 {strides = array<i32>} : memref<240xf32, #tpu.memory_space<vmem>>, vector<16xf32>,
      %eq3A_3165 = arith.constant 0 : i32
      %eq3A_3166 = vector.broadcast %eq3A_3165 : i32 to vector<16xi32>
      %eq3A_3167 = arith.cmpi eq, %iota3A, %eq3A_3166 : vector<16xi32>
      %select_n3A_3168 = arith.select %eq3A_3167, %add3A_1152, %broadcast_in_dim3A_22 : vector<16xi1>, vector<16xf32>
      %select_n3A_3169 = arith.select %eq3A_3167, %add3A_1616, %broadcast_in_dim3A_22 : vector<16xi1>, vector<16xf32>
      %eq3A_3170 = arith.constant 1 : i32
      %eq3A_3171 = vector.broadcast %eq3A_3170 : i32 to vector<16xi32>
      %eq3A_3172 = arith.cmpi eq, %iota3A, %eq3A_3171 : vector<16xi32>
      %select_n3A_3173 = arith.select %eq3A_3172, %add3A_1181, %select_n3A_3168 : vector<16xi1>, vector<16xf32>
      %select_n3A_3174 = arith.select %eq3A_3172, %add3A_1645, %select_n3A_3169 : vector<16xi1>, vector<16xf32>
      %eq3A_3175 = arith.constant 2 : i32
      %eq3A_3176 = vector.broadcast %eq3A_3175 : i32 to vector<16xi32>
      %eq3A_3177 = arith.cmpi eq, %iota3A, %eq3A_3176 : vector<16xi32>
      %select_n3A_3178 = arith.select %eq3A_3177, %add3A_1210, %select_n3A_3173 : vector<16xi1>, vector<16xf32>
      %select_n3A_3179 = arith.select %eq3A_3177, %add3A_1674, %select_n3A_3174 : vector<16xi1>, vector<16xf32>
      %eq3A_3180 = arith.constant 3 : i32
      %eq3A_3181 = vector.broadcast %eq3A_3180 : i32 to vector<16xi32>
      %eq3A_3182 = arith.cmpi eq, %iota3A, %eq3A_3181 : vector<16xi32>
      %select_n3A_3183 = arith.select %eq3A_3182, %add3A_1239, %select_n3A_3178 : vector<16xi1>, vector<16xf32>
      %select_n3A_3184 = arith.select %eq3A_3182, %add3A_1703, %select_n3A_3179 : vector<16xi1>, vector<16xf32>
      %eq3A_3185 = arith.constant 4 : i32
      %eq3A_3186 = vector.broadcast %eq3A_3185 : i32 to vector<16xi32>
      %eq3A_3187 = arith.cmpi eq, %iota3A, %eq3A_3186 : vector<16xi32>
      %select_n3A_3188 = arith.select %eq3A_3187, %add3A_1268, %select_n3A_3183 : vector<16xi1>, vector<16xf32>
      %select_n3A_3189 = arith.select %eq3A_3187, %add3A_1732, %select_n3A_3184 : vector<16xi1>, vector<16xf32>
      %eq3A_3190 = arith.constant 5 : i32
      %eq3A_3191 = vector.broadcast %eq3A_3190 : i32 to vector<16xi32>
      %eq3A_3192 = arith.cmpi eq, %iota3A, %eq3A_3191 : vector<16xi32>
      %select_n3A_3193 = arith.select %eq3A_3192, %add3A_1297, %select_n3A_3188 : vector<16xi1>, vector<16xf32>
      %select_n3A_3194 = arith.select %eq3A_3192, %add3A_1761, %select_n3A_3189 : vector<16xi1>, vector<16xf32>
      %eq3A_3195 = arith.constant 6 : i32
      %eq3A_3196 = vector.broadcast %eq3A_3195 : i32 to vector<16xi32>
      %eq3A_3197 = arith.cmpi eq, %iota3A, %eq3A_3196 : vector<16xi32>
      %select_n3A_3198 = arith.select %eq3A_3197, %add3A_1326, %select_n3A_3193 : vector<16xi1>, vector<16xf32>
      %select_n3A_3199 = arith.select %eq3A_3197, %add3A_1790, %select_n3A_3194 : vector<16xi1>, vector<16xf32>
      %eq3A_3200 = arith.constant 7 : i32
      %eq3A_3201 = vector.broadcast %eq3A_3200 : i32 to vector<16xi32>
      %eq3A_3202 = arith.cmpi eq, %iota3A, %eq3A_3201 : vector<16xi32>
      %select_n3A_3203 = arith.select %eq3A_3202, %add3A_1355, %select_n3A_3198 : vector<16xi1>, vector<16xf32>
      %select_n3A_3204 = arith.select %eq3A_3202, %add3A_1819, %select_n3A_3199 : vector<16xi1>, vector<16xf32>
      %eq3A_3205 = arith.constant 8 : i32
      %eq3A_3206 = vector.broadcast %eq3A_3205 : i32 to vector<16xi32>
      %eq3A_3207 = arith.cmpi eq, %iota3A, %eq3A_3206 : vector<16xi32>
      %select_n3A_3208 = arith.select %eq3A_3207, %add3A_1384, %select_n3A_3203 : vector<16xi1>, vector<16xf32>
      %select_n3A_3209 = arith.select %eq3A_3207, %add3A_1848, %select_n3A_3204 : vector<16xi1>, vector<16xf32>
      %eq3A_3210 = arith.constant 9 : i32
      %eq3A_3211 = vector.broadcast %eq3A_3210 : i32 to vector<16xi32>
      %eq3A_3212 = arith.cmpi eq, %iota3A, %eq3A_3211 : vector<16xi32>
      %select_n3A_3213 = arith.select %eq3A_3212, %add3A_1413, %select_n3A_3208 : vector<16xi1>, vector<16xf32>
      %select_n3A_3214 = arith.select %eq3A_3212, %add3A_1877, %select_n3A_3209 : vector<16xi1>, vector<16xf32>
      %eq3A_3215 = arith.constant 10 : i32
      %eq3A_3216 = vector.broadcast %eq3A_3215 : i32 to vector<16xi32>
      %eq3A_3217 = arith.cmpi eq, %iota3A, %eq3A_3216 : vector<16xi32>
      %select_n3A_3218 = arith.select %eq3A_3217, %add3A_1442, %select_n3A_3213 : vector<16xi1>, vector<16xf32>
      %select_n3A_3219 = arith.select %eq3A_3217, %add3A_1906, %select_n3A_3214 : vector<16xi1>, vector<16xf32>
      %eq3A_3220 = arith.constant 11 : i32
      %eq3A_3221 = vector.broadcast %eq3A_3220 : i32 to vector<16xi32>
      %eq3A_3222 = arith.cmpi eq, %iota3A, %eq3A_3221 : vector<16xi32>
      %select_n3A_3223 = arith.select %eq3A_3222, %add3A_1471, %select_n3A_3218 : vector<16xi1>, vector<16xf32>
      %select_n3A_3224 = arith.select %eq3A_3222, %add3A_1935, %select_n3A_3219 : vector<16xi1>, vector<16xf32>
      %eq3A_3225 = arith.constant 12 : i32
      %eq3A_3226 = vector.broadcast %eq3A_3225 : i32 to vector<16xi32>
      %eq3A_3227 = arith.cmpi eq, %iota3A, %eq3A_3226 : vector<16xi32>
      %select_n3A_3228 = arith.select %eq3A_3227, %add3A_1500, %select_n3A_3223 : vector<16xi1>, vector<16xf32>
      %select_n3A_3229 = arith.select %eq3A_3227, %add3A_1964, %select_n3A_3224 : vector<16xi1>, vector<16xf32>
      %eq3A_3230 = arith.constant 13 : i32
      %eq3A_3231 = vector.broadcast %eq3A_3230 : i32 to vector<16xi32>
      %eq3A_3232 = arith.cmpi eq, %iota3A, %eq3A_3231 : vector<16xi32>
      %select_n3A_3233 = arith.select %eq3A_3232, %add3A_1529, %select_n3A_3228 : vector<16xi1>, vector<16xf32>
      %select_n3A_3234 = arith.select %eq3A_3232, %add3A_1993, %select_n3A_3229 : vector<16xi1>, vector<16xf32>
      %eq3A_3235 = arith.constant 14 : i32
      %eq3A_3236 = vector.broadcast %eq3A_3235 : i32 to vector<16xi32>
      %eq3A_3237 = arith.cmpi eq, %iota3A, %eq3A_3236 : vector<16xi32>
      %select_n3A_3238 = arith.select %eq3A_3237, %add3A_1558, %select_n3A_3233 : vector<16xi1>, vector<16xf32>
      %select_n3A_3239 = arith.select %eq3A_3237, %add3A_2022, %select_n3A_3234 : vector<16xi1>, vector<16xf32>
      %eq3A_3240 = arith.constant 15 : i32
      %eq3A_3241 = vector.broadcast %eq3A_3240 : i32 to vector<16xi32>
      %eq3A_3242 = arith.cmpi eq, %iota3A, %eq3A_3241 : vector<16xi32>
      %select_n3A_3243 = arith.select %eq3A_3242, %add3A_1587, %select_n3A_3238 : vector<16xi1>, vector<16xf32>
      %select_n3A_3244 = arith.select %eq3A_3242, %add3A_2051, %select_n3A_3239 : vector<16xi1>, vector<16xf32>
      %mul3A_3245 = arith.constant 3 : i32
      %mul3A_3246 = arith.muli %scan3A_33, %mul3A_3245 : i32
      %mul3A_3247 = arith.constant 16 : i32
      %mul3A_3248 = arith.muli %mul3A_3246, %mul3A_3247 : i32
      %add3A_3249 = arith.constant 16 : i32
      %add3A_3250 = arith.addi %mul3A_3248, %add3A_3249 : i32
      %swap3A_3251 = arith.index_cast %add3A_3250 : i32 to index
      %swap3A_3252 = tpu.vector_load %arg10[%swap3A_3251] {strides = array<i32>} : memref<240xf32, #tpu.memory_space<vmem>>, vector<16xf32>,
      %swap3A_3253 = vector.shape_cast %swap3A_3252 : vector<16xf32> to vector<16xf32>
      %swap3A_3254 = vector.shape_cast %select_n3A_3243 : vector<16xf32> to vector<16xf32>
      tpu.vector_store %arg10[%swap3A_3251], %swap3A_3254 {strides = array<i32>} : memref<240xf32, #tpu.memory_space<vmem>>, vector<16xf32>,
      %swap3A_3255 = arith.index_cast %add3A_3250 : i32 to index
      %swap3A_3256 = tpu.vector_load %arg11[%swap3A_3255] {strides = array<i32>} : memref<240xf32, #tpu.memory_space<vmem>>, vector<16xf32>,
      %swap3A_3257 = vector.shape_cast %swap3A_3256 : vector<16xf32> to vector<16xf32>
      %swap3A_3258 = vector.shape_cast %select_n3A_3244 : vector<16xf32> to vector<16xf32>
      tpu.vector_store %arg11[%swap3A_3255], %swap3A_3258 {strides = array<i32>} : memref<240xf32, #tpu.memory_space<vmem>>, vector<16xf32>,
      %eq3A_3259 = arith.constant 0 : i32
      %eq3A_3260 = vector.broadcast %eq3A_3259 : i32 to vector<16xi32>
      %eq3A_3261 = arith.cmpi eq, %iota3A, %eq3A_3260 : vector<16xi32>
      %select_n3A_3262 = arith.select %eq3A_3261, %add3A_2167, %broadcast_in_dim3A_22 : vector<16xi1>, vector<16xf32>
      %select_n3A_3263 = arith.select %eq3A_3261, %add3A_2631, %broadcast_in_dim3A_22 : vector<16xi1>, vector<16xf32>
      %eq3A_3264 = arith.constant 1 : i32
      %eq3A_3265 = vector.broadcast %eq3A_3264 : i32 to vector<16xi32>
      %eq3A_3266 = arith.cmpi eq, %iota3A, %eq3A_3265 : vector<16xi32>
      %select_n3A_3267 = arith.select %eq3A_3266, %add3A_2196, %select_n3A_3262 : vector<16xi1>, vector<16xf32>
      %select_n3A_3268 = arith.select %eq3A_3266, %add3A_2660, %select_n3A_3263 : vector<16xi1>, vector<16xf32>
      %eq3A_3269 = arith.constant 2 : i32
      %eq3A_3270 = vector.broadcast %eq3A_3269 : i32 to vector<16xi32>
      %eq3A_3271 = arith.cmpi eq, %iota3A, %eq3A_3270 : vector<16xi32>
      %select_n3A_3272 = arith.select %eq3A_3271, %add3A_2225, %select_n3A_3267 : vector<16xi1>, vector<16xf32>
      %select_n3A_3273 = arith.select %eq3A_3271, %add3A_2689, %select_n3A_3268 : vector<16xi1>, vector<16xf32>
      %eq3A_3274 = arith.constant 3 : i32
      %eq3A_3275 = vector.broadcast %eq3A_3274 : i32 to vector<16xi32>
      %eq3A_3276 = arith.cmpi eq, %iota3A, %eq3A_3275 : vector<16xi32>
      %select_n3A_3277 = arith.select %eq3A_3276, %add3A_2254, %select_n3A_3272 : vector<16xi1>, vector<16xf32>
      %select_n3A_3278 = arith.select %eq3A_3276, %add3A_2718, %select_n3A_3273 : vector<16xi1>, vector<16xf32>
      %eq3A_3279 = arith.constant 4 : i32
      %eq3A_3280 = vector.broadcast %eq3A_3279 : i32 to vector<16xi32>
      %eq3A_3281 = arith.cmpi eq, %iota3A, %eq3A_3280 : vector<16xi32>
      %select_n3A_3282 = arith.select %eq3A_3281, %add3A_2283, %select_n3A_3277 : vector<16xi1>, vector<16xf32>
      %select_n3A_3283 = arith.select %eq3A_3281, %add3A_2747, %select_n3A_3278 : vector<16xi1>, vector<16xf32>
      %eq3A_3284 = arith.constant 5 : i32
      %eq3A_3285 = vector.broadcast %eq3A_3284 : i32 to vector<16xi32>
      %eq3A_3286 = arith.cmpi eq, %iota3A, %eq3A_3285 : vector<16xi32>
      %select_n3A_3287 = arith.select %eq3A_3286, %add3A_2312, %select_n3A_3282 : vector<16xi1>, vector<16xf32>
      %select_n3A_3288 = arith.select %eq3A_3286, %add3A_2776, %select_n3A_3283 : vector<16xi1>, vector<16xf32>
      %eq3A_3289 = arith.constant 6 : i32
      %eq3A_3290 = vector.broadcast %eq3A_3289 : i32 to vector<16xi32>
      %eq3A_3291 = arith.cmpi eq, %iota3A, %eq3A_3290 : vector<16xi32>
      %select_n3A_3292 = arith.select %eq3A_3291, %add3A_2341, %select_n3A_3287 : vector<16xi1>, vector<16xf32>
      %select_n3A_3293 = arith.select %eq3A_3291, %add3A_2805, %select_n3A_3288 : vector<16xi1>, vector<16xf32>
      %eq3A_3294 = arith.constant 7 : i32
      %eq3A_3295 = vector.broadcast %eq3A_3294 : i32 to vector<16xi32>
      %eq3A_3296 = arith.cmpi eq, %iota3A, %eq3A_3295 : vector<16xi32>
      %select_n3A_3297 = arith.select %eq3A_3296, %add3A_2370, %select_n3A_3292 : vector<16xi1>, vector<16xf32>
      %select_n3A_3298 = arith.select %eq3A_3296, %add3A_2834, %select_n3A_3293 : vector<16xi1>, vector<16xf32>
      %eq3A_3299 = arith.constant 8 : i32
      %eq3A_3300 = vector.broadcast %eq3A_3299 : i32 to vector<16xi32>
      %eq3A_3301 = arith.cmpi eq, %iota3A, %eq3A_3300 : vector<16xi32>
      %select_n3A_3302 = arith.select %eq3A_3301, %add3A_2399, %select_n3A_3297 : vector<16xi1>, vector<16xf32>
      %select_n3A_3303 = arith.select %eq3A_3301, %add3A_2863, %select_n3A_3298 : vector<16xi1>, vector<16xf32>
      %eq3A_3304 = arith.constant 9 : i32
      %eq3A_3305 = vector.broadcast %eq3A_3304 : i32 to vector<16xi32>
      %eq3A_3306 = arith.cmpi eq, %iota3A, %eq3A_3305 : vector<16xi32>
      %select_n3A_3307 = arith.select %eq3A_3306, %add3A_2428, %select_n3A_3302 : vector<16xi1>, vector<16xf32>
      %select_n3A_3308 = arith.select %eq3A_3306, %add3A_2892, %select_n3A_3303 : vector<16xi1>, vector<16xf32>
      %eq3A_3309 = arith.constant 10 : i32
      %eq3A_3310 = vector.broadcast %eq3A_3309 : i32 to vector<16xi32>
      %eq3A_3311 = arith.cmpi eq, %iota3A, %eq3A_3310 : vector<16xi32>
      %select_n3A_3312 = arith.select %eq3A_3311, %add3A_2457, %select_n3A_3307 : vector<16xi1>, vector<16xf32>
      %select_n3A_3313 = arith.select %eq3A_3311, %add3A_2921, %select_n3A_3308 : vector<16xi1>, vector<16xf32>
      %eq3A_3314 = arith.constant 11 : i32
      %eq3A_3315 = vector.broadcast %eq3A_3314 : i32 to vector<16xi32>
      %eq3A_3316 = arith.cmpi eq, %iota3A, %eq3A_3315 : vector<16xi32>
      %select_n3A_3317 = arith.select %eq3A_3316, %add3A_2486, %select_n3A_3312 : vector<16xi1>, vector<16xf32>
      %select_n3A_3318 = arith.select %eq3A_3316, %add3A_2950, %select_n3A_3313 : vector<16xi1>, vector<16xf32>
      %eq3A_3319 = arith.constant 12 : i32
      %eq3A_3320 = vector.broadcast %eq3A_3319 : i32 to vector<16xi32>
      %eq3A_3321 = arith.cmpi eq, %iota3A, %eq3A_3320 : vector<16xi32>
      %select_n3A_3322 = arith.select %eq3A_3321, %add3A_2515, %select_n3A_3317 : vector<16xi1>, vector<16xf32>
      %select_n3A_3323 = arith.select %eq3A_3321, %add3A_2979, %select_n3A_3318 : vector<16xi1>, vector<16xf32>
      %eq3A_3324 = arith.constant 13 : i32
      %eq3A_3325 = vector.broadcast %eq3A_3324 : i32 to vector<16xi32>
      %eq3A_3326 = arith.cmpi eq, %iota3A, %eq3A_3325 : vector<16xi32>
      %select_n3A_3327 = arith.select %eq3A_3326, %add3A_2544, %select_n3A_3322 : vector<16xi1>, vector<16xf32>
      %select_n3A_3328 = arith.select %eq3A_3326, %add3A_3008, %select_n3A_3323 : vector<16xi1>, vector<16xf32>
      %eq3A_3329 = arith.constant 14 : i32
      %eq3A_3330 = vector.broadcast %eq3A_3329 : i32 to vector<16xi32>
      %eq3A_3331 = arith.cmpi eq, %iota3A, %eq3A_3330 : vector<16xi32>
      %select_n3A_3332 = arith.select %eq3A_3331, %add3A_2573, %select_n3A_3327 : vector<16xi1>, vector<16xf32>
      %select_n3A_3333 = arith.select %eq3A_3331, %add3A_3037, %select_n3A_3328 : vector<16xi1>, vector<16xf32>
      %eq3A_3334 = arith.constant 15 : i32
      %eq3A_3335 = vector.broadcast %eq3A_3334 : i32 to vector<16xi32>
      %eq3A_3336 = arith.cmpi eq, %iota3A, %eq3A_3335 : vector<16xi32>
      %select_n3A_3337 = arith.select %eq3A_3336, %add3A_2602, %select_n3A_3332 : vector<16xi1>, vector<16xf32>
      %select_n3A_3338 = arith.select %eq3A_3336, %add3A_3066, %select_n3A_3333 : vector<16xi1>, vector<16xf32>
      %mul3A_3339 = arith.constant 3 : i32
      %mul3A_3340 = arith.muli %scan3A_33, %mul3A_3339 : i32
      %mul3A_3341 = arith.constant 16 : i32
      %mul3A_3342 = arith.muli %mul3A_3340, %mul3A_3341 : i32
      %add3A_3343 = arith.constant 32 : i32
      %add3A_3344 = arith.addi %mul3A_3342, %add3A_3343 : i32
      %swap3A_3345 = arith.index_cast %add3A_3344 : i32 to index
      %swap3A_3346 = tpu.vector_load %arg10[%swap3A_3345] {strides = array<i32>} : memref<240xf32, #tpu.memory_space<vmem>>, vector<16xf32>,
      %swap3A_3347 = vector.shape_cast %swap3A_3346 : vector<16xf32> to vector<16xf32>
      %swap3A_3348 = vector.shape_cast %select_n3A_3337 : vector<16xf32> to vector<16xf32>
      tpu.vector_store %arg10[%swap3A_3345], %swap3A_3348 {strides = array<i32>} : memref<240xf32, #tpu.memory_space<vmem>>, vector<16xf32>,
      %swap3A_3349 = arith.index_cast %add3A_3344 : i32 to index
      %swap3A_3350 = tpu.vector_load %arg11[%swap3A_3349] {strides = array<i32>} : memref<240xf32, #tpu.memory_space<vmem>>, vector<16xf32>,
      %swap3A_3351 = vector.shape_cast %swap3A_3350 : vector<16xf32> to vector<16xf32>
      %swap3A_3352 = vector.shape_cast %select_n3A_3338 : vector<16xf32> to vector<16xf32>
      tpu.vector_store %arg11[%swap3A_3349], %swap3A_3352 {strides = array<i32>} : memref<240xf32, #tpu.memory_space<vmem>>, vector<16xf32>,
      %scan3A_3353 = arith.constant 0 : i32
      scf.yield %scan3A_3353 : i32
    }
    %scan3A_28 = arith.constant 5 : i32
    %mul3A_29 = arith.constant 240 : i32
    %mul3A_30 = arith.muli %add3A, %mul3A_29 : i32
    "tpu.region"() ({
      %run_scoped3A = tpu.sem_alloc : memref<!tpu.dma_semaphore, #tpu.memory_space<semaphore_mem>>
      %dma_start3A_33 = tpu.memref_slice %arg4[%mul3A_30] : memref<7680xf32, #tpu.memory_space<hbm>> -> memref<240xf32, #tpu.memory_space<hbm>>
      %dma_start3A_34 = tpu.memref_slice %arg4[%mul3A_30] : memref<7680xf32, #tpu.memory_space<hbm>> -> memref<240xf32, #tpu.memory_space<hbm>>
      tpu.enqueue_dma source(%arg10 : memref<240xf32, #tpu.memory_space<vmem>>) target(%dma_start3A_34 : memref<240xf32, #tpu.memory_space<hbm>>) target_semaphore(%run_scoped3A : memref<!tpu.dma_semaphore, #tpu.memory_space<semaphore_mem>>)
      %dma_wait3A = tpu.memref_slice %arg4[%mul3A_30] : memref<7680xf32, #tpu.memory_space<hbm>> -> memref<240xf32, #tpu.memory_space<hbm>>
      %dma_wait3A_35 = tpu.memref_slice %arg4[%mul3A_30] : memref<7680xf32, #tpu.memory_space<hbm>> -> memref<240xf32, #tpu.memory_space<hbm>>
      tpu.wait_dma2 semaphore(%run_scoped3A : memref<!tpu.dma_semaphore, #tpu.memory_space<semaphore_mem>>) src(%arg10 : memref<240xf32, #tpu.memory_space<vmem>>) dst(%dma_wait3A_35 : memref<240xf32, #tpu.memory_space<hbm>>)
      tpu.yield
    }) : () -> ()
    %mul3A_31 = arith.constant 240 : i32
    %mul3A_32 = arith.muli %add3A, %mul3A_31 : i32
    "tpu.region"() ({
      %run_scoped3A = tpu.sem_alloc : memref<!tpu.dma_semaphore, #tpu.memory_space<semaphore_mem>>
      %dma_start3A_33 = tpu.memref_slice %arg5[%mul3A_32] : memref<7680xf32, #tpu.memory_space<hbm>> -> memref<240xf32, #tpu.memory_space<hbm>>
      %dma_start3A_34 = tpu.memref_slice %arg5[%mul3A_32] : memref<7680xf32, #tpu.memory_space<hbm>> -> memref<240xf32, #tpu.memory_space<hbm>>
      tpu.enqueue_dma source(%arg11 : memref<240xf32, #tpu.memory_space<vmem>>) target(%dma_start3A_34 : memref<240xf32, #tpu.memory_space<hbm>>) target_semaphore(%run_scoped3A : memref<!tpu.dma_semaphore, #tpu.memory_space<semaphore_mem>>)
      %dma_wait3A = tpu.memref_slice %arg5[%mul3A_32] : memref<7680xf32, #tpu.memory_space<hbm>> -> memref<240xf32, #tpu.memory_space<hbm>>
      %dma_wait3A_35 = tpu.memref_slice %arg5[%mul3A_32] : memref<7680xf32, #tpu.memory_space<hbm>> -> memref<240xf32, #tpu.memory_space<hbm>>
      tpu.wait_dma2 semaphore(%run_scoped3A : memref<!tpu.dma_semaphore, #tpu.memory_space<semaphore_mem>>) src(%arg11 : memref<240xf32, #tpu.memory_space<vmem>>) dst(%dma_wait3A_35 : memref<240xf32, #tpu.memory_space<hbm>>)
      tpu.yield
    }) : () -> ()
    return
  }
}

module attributes {stable_mosaic.version = 14 : i64} {
  func.func @_tc_body(%arg0: i32, %arg1: memref<2048x1xf32, #tpu.memory_space<vmem>>, %arg2: memref<512x2048xf32, #tpu.memory_space<vmem>>, %arg3: memref<8x128xf32, #tpu.memory_space<vmem>>) attributes {dimension_semantics = [#tpu.dimension_semantics<arbitrary>], iteration_bounds = array<i64: 17>, scalar_prefetch = 0 : i64, scratch_operands = 0 : i64, tpu.core_type = #tpu.core_type<tc>, window_params = [{pipeline_mode = #tpu.pipeline_mode<synchronous>, transform_indices = @transform_0, window_bounds = array<i64: 2048, 1>}, {transform_indices = @transform_1, window_bounds = array<i64: 512, 2048>}, {transform_indices = @transform_2, window_bounds = array<i64: 8, 128>}]} {
    %get3A = arith.constant 0 : index
    %get3A_0 = arith.constant 0 : index
    %get3A_1 = vector.load %arg1[%get3A, %get3A_0] : memref<2048x1xf32, #tpu.memory_space<vmem>>, vector<2048x1xf32>
    %get3A_2 = arith.constant 0 : index
    %get3A_3 = arith.constant 0 : index
    %get3A_4 = vector.load %arg2[%get3A_2, %get3A_3] : memref<512x2048xf32, #tpu.memory_space<vmem>>, vector<512x2048xf32>
    %dot_general3A = arith.constant dense<0.000000e+00> : vector<512x1xf32>
    %dot_general3A_5 = tpu.matmul %get3A_4, %get3A_1, %dot_general3A {dimension_numbers = #tpu.dot_dimension_numbers<[1], [0], [0], [1], [0, 0, 1, 1], [], []>, transpose_lhs_hint = false} : vector<512x2048xf32>, vector<2048x1xf32>, vector<512x1xf32> -> vector<512x1xf32>
    %mul3A = arith.mulf %get3A_4, %get3A_4 : vector<512x2048xf32>
    %broadcast_in_dim3A = arith.constant 1.000000e+00 : f32
    %broadcast_in_dim3A_6 = vector.broadcast %broadcast_in_dim3A : f32 to vector<2048x1xf32>
    %dot_general3A_7 = arith.constant dense<0.000000e+00> : vector<512x1xf32>
    %dot_general3A_8 = tpu.matmul %mul3A, %broadcast_in_dim3A_6, %dot_general3A_7 {dimension_numbers = #tpu.dot_dimension_numbers<[1], [0], [0], [1], [0, 0, 1, 1], [], []>, transpose_lhs_hint = false} : vector<512x2048xf32>, vector<2048x1xf32>, vector<512x1xf32> -> vector<512x1xf32>
    %mul3A_9 = arith.mulf %get3A_1, %get3A_1 : vector<2048x1xf32>
    %reduce_sum3A = vector.shape_cast %mul3A_9 : vector<2048x1xf32> to vector<1x2048x1xf32>
    %reduce_sum3A_10 = arith.constant dense<0.000000e+00> : vector<1xf32>
    %reduce_sum3A_11 = vector.multi_reduction <add>, %reduce_sum3A, %reduce_sum3A_10 [1, 2] : vector<1x2048x1xf32> to vector<1xf32>
    %reduce_sum3A_12 = vector.shape_cast %reduce_sum3A_11 : vector<1xf32> to vector<1x1x1xf32>
    %reduce_sum3A_13 = vector.extract %reduce_sum3A_12[0, 0, 0] : f32 from vector<1x1x1xf32>
    %sqrt3A = math.sqrt %reduce_sum3A_13 : f32
    %max3A = arith.constant 9.99999993E-9 : f32
    %max3A_14 = arith.maximumf %sqrt3A, %max3A : f32
    %sqrt3A_15 = math.sqrt %dot_general3A_8 : vector<512x1xf32>
    %max3A_16 = arith.constant 9.99999993E-9 : f32
    %max3A_17 = vector.broadcast %max3A_16 : f32 to vector<512x1xf32>
    %max3A_18 = arith.maximumf %sqrt3A_15, %max3A_17 : vector<512x1xf32>
    %mul3A_19 = vector.broadcast %max3A_14 : f32 to vector<512x1xf32>
    %mul3A_20 = arith.mulf %max3A_18, %mul3A_19 : vector<512x1xf32>
    %div3A = arith.divf %dot_general3A_5, %mul3A_20 : vector<512x1xf32>
    %div3A_21 = arith.constant 1.000000e-01 : f32
    %div3A_22 = vector.broadcast %div3A_21 : f32 to vector<512x1xf32>
    %div3A_23 = arith.divf %div3A, %div3A_22 : vector<512x1xf32>
    %reshape3A = vector.shape_cast %div3A_23 : vector<512x1xf32> to vector<4x128xf32>
    %jit3A = arith.constant 2 : i32
    %eq3A = arith.constant 0 : i32
    %eq3A_24 = arith.cmpi eq, %jit3A, %eq3A : i32
    %jit3A_25 = arith.constant 1 : i32
    %select_n3A = arith.select %eq3A_24, %jit3A_25, %jit3A : i32
    %rem3A = arith.remsi %arg0, %select_n3A : i32
    %ne3A = arith.constant 0 : i32
    %ne3A_26 = arith.cmpi ne, %rem3A, %ne3A : i32
    %lt3A = arith.constant 0 : i32
    %lt3A_27 = arith.cmpi slt, %rem3A, %lt3A : i32
    %lt3A_28 = arith.constant 0 : i32
    %lt3A_29 = arith.cmpi slt, %select_n3A, %lt3A_28 : i32
    %ne3A_30 = arith.xori %lt3A_27, %lt3A_29 : i1
    %and3A = arith.andi %ne3A_30, %ne3A_26 : i1
    %add3A = arith.addi %rem3A, %select_n3A : i32
    %select_n3A_31 = arith.select %and3A, %add3A, %rem3A : i32
    %mul3A_32 = arith.constant 4 : i32
    %mul3A_33 = arith.muli %select_n3A_31, %mul3A_32 : i32
    %swap3A = arith.index_cast %mul3A_33 : i32 to index
    %swap3A_34 = arith.constant 0 : index
    %swap3A_35 = vector.load %arg3[%swap3A, %swap3A_34] : memref<8x128xf32, #tpu.memory_space<vmem>>, vector<4x128xf32>
    tpu.vector_store %arg3[%swap3A, %swap3A_34], %reshape3A {strides = array<i32>} : memref<8x128xf32, #tpu.memory_space<vmem>>, vector<4x128xf32>,
    return
  }
  func.func @transform_0(%arg0: i32) -> (i32, i32) {
    %c0_i32 = arith.constant 0 : i32
    %c0_i32_0 = arith.constant 0 : i32
    %c0_i32_1 = arith.constant 0 : i32
    return %c0_i32, %c0_i32_0 : i32, i32
  }
  func.func @transform_1(%arg0: i32) -> (i32, i32) {
    %c0_i32 = arith.constant 0 : i32
    %c0_i32_0 = arith.constant 0 : i32
    return %arg0, %c0_i32 : i32, i32
  }
  func.func @transform_2(%arg0: i32) -> (i32, i32) {
    %jit3A = arith.constant 2 : i32
    %div3A = arith.divsi %arg0, %jit3A : i32
    %sign3A = arith.constant 0 : i32
    %sign3A_0 = arith.cmpi sgt, %arg0, %sign3A : i32
    %sign3A_1 = arith.extui %sign3A_0 : i1 to i32
    %sign3A_2 = arith.constant 0 : i32
    %sign3A_3 = arith.cmpi slt, %arg0, %sign3A_2 : i32
    %sign3A_4 = arith.extui %sign3A_3 : i1 to i32
    %sign3A_5 = arith.subi %sign3A_1, %sign3A_4 : i32
    %sign3A_6 = arith.constant 0 : i32
    %sign3A_7 = arith.cmpi sgt, %jit3A, %sign3A_6 : i32
    %sign3A_8 = arith.extui %sign3A_7 : i1 to i32
    %sign3A_9 = arith.constant 0 : i32
    %sign3A_10 = arith.cmpi slt, %jit3A, %sign3A_9 : i32
    %sign3A_11 = arith.extui %sign3A_10 : i1 to i32
    %sign3A_12 = arith.subi %sign3A_8, %sign3A_11 : i32
    %ne3A = arith.cmpi ne, %sign3A_5, %sign3A_12 : i32
    %rem3A = arith.remsi %arg0, %jit3A : i32
    %ne3A_13 = arith.constant 0 : i32
    %ne3A_14 = arith.cmpi ne, %rem3A, %ne3A_13 : i32
    %and3A = arith.andi %ne3A, %ne3A_14 : i1
    %sub3A = arith.constant 1 : i32
    %sub3A_15 = arith.subi %div3A, %sub3A : i32
    %select_n3A = arith.select %and3A, %sub3A_15, %div3A : i32
    %c0_i32 = arith.constant 0 : i32
    %c0_i32_16 = arith.constant 0 : i32
    return %select_n3A, %c0_i32 : i32, i32
  }
}

module attributes {stable_mosaic.version = 14 : i64} {
  func.func @_fin_body(%arg0: i32, %arg1: memref<2048x1xf32, #tpu.memory_space<vmem>>, %arg2: memref<68x128xf32, #tpu.memory_space<vmem>>, %arg3: memref<60x128xf32, #tpu.memory_space<vmem>>, %arg4: memref<60x128xf32, #tpu.memory_space<vmem>>, %arg5: memref<16384x2048xf32, #tpu.memory_space<any>>, %arg6: memref<100x2048xf32, #tpu.memory_space<vmem>>, %arg7: memref<100xf32, #tpu.memory_space<vmem>>, %arg8: memref<128x128xf32, #tpu.memory_space<vmem>>, %arg9: memref<!tpu.dma_semaphore, #tpu.memory_space<semaphore_mem>>) attributes {dimension_semantics = [#tpu.dimension_semantics<arbitrary>], iteration_bounds = array<i64: 1>, scalar_prefetch = 0 : i64, scratch_operands = 2 : i64, tpu.core_type = #tpu.core_type<tc>, window_params = [{pipeline_mode = #tpu.pipeline_mode<synchronous>, transform_indices = @transform_0, window_bounds = array<i64: 2048, 1>}, {pipeline_mode = #tpu.pipeline_mode<synchronous>, transform_indices = @transform_1, window_bounds = array<i64: 68, 128>}, {pipeline_mode = #tpu.pipeline_mode<synchronous>, transform_indices = @transform_2, window_bounds = array<i64: 60, 128>}, {pipeline_mode = #tpu.pipeline_mode<synchronous>, transform_indices = @transform_3, window_bounds = array<i64: 60, 128>}, {}, {pipeline_mode = #tpu.pipeline_mode<synchronous>, transform_indices = @transform_5, window_bounds = array<i64: 100, 2048>}, {pipeline_mode = #tpu.pipeline_mode<synchronous>, transform_indices = @transform_6, window_bounds = array<i64: 100>}]} {
    %get3A = arith.constant 0 : index
    %get3A_0 = arith.constant 0 : index
    %get3A_1 = vector.load %arg1[%get3A, %get3A_0] : memref<2048x1xf32, #tpu.memory_space<vmem>>, vector<2048x1xf32>
    %mul3A = arith.mulf %get3A_1, %get3A_1 : vector<2048x1xf32>
    %reduce_sum3A = vector.shape_cast %mul3A : vector<2048x1xf32> to vector<1x2048x1xf32>
    %reduce_sum3A_2 = arith.constant dense<0.000000e+00> : vector<1xf32>
    %reduce_sum3A_3 = vector.multi_reduction <add>, %reduce_sum3A, %reduce_sum3A_2 [1, 2] : vector<1x2048x1xf32> to vector<1xf32>
    %reduce_sum3A_4 = vector.shape_cast %reduce_sum3A_3 : vector<1xf32> to vector<1x1x1xf32>
    %reduce_sum3A_5 = vector.extract %reduce_sum3A_4[0, 0, 0] : f32 from vector<1x1x1xf32>
    %sqrt3A = math.sqrt %reduce_sum3A_5 : f32
    %max3A = arith.constant 9.99999993E-9 : f32
    %max3A_6 = arith.maximumf %sqrt3A, %max3A : f32
    %get3A_7 = arith.constant 0 : index
    %get3A_8 = arith.constant 0 : index
    %get3A_9 = vector.load %arg2[%get3A_7, %get3A_8] : memref<68x128xf32, #tpu.memory_space<vmem>>, vector<68x128xf32>
    %swap3A = arith.constant 0 : index
    %swap3A_10 = arith.constant 0 : index
    %swap3A_11 = vector.load %arg8[%swap3A, %swap3A_10] : memref<128x128xf32, #tpu.memory_space<vmem>>, vector<68x128xf32>
    tpu.vector_store %arg8[%swap3A, %swap3A_10], %get3A_9 {strides = array<i32>} : memref<128x128xf32, #tpu.memory_space<vmem>>, vector<68x128xf32>,
    %get3A_12 = arith.constant 0 : index
    %get3A_13 = arith.constant 0 : index
    %get3A_14 = vector.load %arg4[%get3A_12, %get3A_13] : memref<60x128xf32, #tpu.memory_space<vmem>>, vector<60x128xf32>
    %sqrt3A_15 = math.sqrt %get3A_14 : vector<60x128xf32>
    %max3A_16 = arith.constant 9.99999993E-9 : f32
    %max3A_17 = vector.broadcast %max3A_16 : f32 to vector<60x128xf32>
    %max3A_18 = arith.maximumf %sqrt3A_15, %max3A_17 : vector<60x128xf32>
    %get3A_19 = arith.constant 0 : index
    %get3A_20 = arith.constant 0 : index
    %get3A_21 = vector.load %arg3[%get3A_19, %get3A_20] : memref<60x128xf32, #tpu.memory_space<vmem>>, vector<60x128xf32>
    %mul3A_22 = vector.broadcast %max3A_6 : f32 to vector<60x128xf32>
    %mul3A_23 = arith.mulf %max3A_18, %mul3A_22 : vector<60x128xf32>
    %div3A = arith.divf %get3A_21, %mul3A_23 : vector<60x128xf32>
    %div3A_24 = arith.constant 1.000000e-01 : f32
    %div3A_25 = vector.broadcast %div3A_24 : f32 to vector<60x128xf32>
    %div3A_26 = arith.divf %div3A, %div3A_25 : vector<60x128xf32>
    %swap3A_27 = arith.constant 68 : index
    %swap3A_28 = arith.constant 0 : index
    %swap3A_29 = vector.load %arg8[%swap3A_27, %swap3A_28] : memref<128x128xf32, #tpu.memory_space<vmem>>, vector<60x128xf32>
    tpu.vector_store %arg8[%swap3A_27, %swap3A_28], %div3A_26 {strides = array<i32>} : memref<128x128xf32, #tpu.memory_space<vmem>>, vector<60x128xf32>,
    %broadcast_in_dim3A = arith.constant 0.000000e+00 : f32
    %broadcast_in_dim3A_30 = vector.broadcast %broadcast_in_dim3A : f32 to vector<100x2048xf32>
    %swap3A_31 = arith.constant 0 : index
    %swap3A_32 = arith.constant 0 : index
    %swap3A_33 = vector.load %arg6[%swap3A_31, %swap3A_32] : memref<100x2048xf32, #tpu.memory_space<vmem>>, vector<100x2048xf32>
    tpu.vector_store %arg6[%swap3A_31, %swap3A_32], %broadcast_in_dim3A_30 {strides = array<i32>} : memref<100x2048xf32, #tpu.memory_space<vmem>>, vector<100x2048xf32>,
    %broadcast_in_dim3A_34 = arith.constant 0.000000e+00 : f32
    %broadcast_in_dim3A_35 = vector.broadcast %broadcast_in_dim3A_34 : f32 to vector<100xf32>
    %swap3A_36 = arith.constant 0 : index
    %swap3A_37 = vector.load %arg7[%swap3A_36] : memref<100xf32, #tpu.memory_space<vmem>>, vector<100xf32>
    tpu.vector_store %arg7[%swap3A_36], %broadcast_in_dim3A_35 {strides = array<i32>} : memref<100xf32, #tpu.memory_space<vmem>>, vector<100xf32>,
    %iota3A = tpu.iota {dimensions = array<i32: 0>} : vector<128x128xi32>
    %mul3A_38 = arith.constant 128 : i32
    %mul3A_39 = vector.broadcast %mul3A_38 : i32 to vector<128x128xi32>
    %mul3A_40 = arith.muli %iota3A, %mul3A_39 : vector<128x128xi32>
    %iota3A_41 = tpu.iota {dimensions = array<i32: 1>} : vector<128x128xi32>
    %add3A = arith.addi %mul3A_40, %iota3A_41 : vector<128x128xi32>
    %iota3A_42 = tpu.iota {dimensions = array<i32: 1>} : vector<1x100xi32>
    %iota3A_43 = vector.shape_cast %iota3A_42 : vector<1x100xi32> to vector<100xi32>
    %get3A_44 = arith.constant 0 : index
    %get3A_45 = arith.constant 0 : index
    %get3A_46 = vector.load %arg8[%get3A_44, %get3A_45] : memref<128x128xf32, #tpu.memory_space<vmem>>, vector<128x128xf32>
    %reduce_max3A = vector.shape_cast %get3A_46 : vector<128x128xf32> to vector<1x128x128xf32>
    %reduce_max3A_47 = arith.constant dense<0xFF800000> : vector<1xf32>
    %reduce_max3A_48 = vector.multi_reduction <maximumf>, %reduce_max3A, %reduce_max3A_47 [1, 2] : vector<1x128x128xf32> to vector<1xf32>
    %reduce_max3A_49 = vector.shape_cast %reduce_max3A_48 : vector<1xf32> to vector<1x1x1xf32>
    %reduce_max3A_50 = vector.extract %reduce_max3A_49[0, 0, 0] : f32 from vector<1x1x1xf32>
    %while3A = arith.constant 1073741824 : i32
    %while3A_51 = arith.constant 0 : i32
    %while3A_52:2 = scf.while (%while3A_53 = %while3A_51, %while3A_54 = %reduce_max3A_50) : (i32, f32) -> (i32, f32) {
      %lt3A = arith.constant 100 : i32
      %lt3A_55 = arith.cmpi slt, %while3A_53, %lt3A : i32
      %ge3A = arith.constant 8.500000e-01 : f32
      %ge3A_56 = arith.cmpf oge, %while3A_54, %ge3A : f32
      %and3A = arith.andi %lt3A_55, %ge3A_56 : i1
      scf.condition(%and3A) %while3A_53, %while3A_54 : i32, f32
    } do {
    ^bb0(%while3A_53: i32, %while3A_54: f32):
      %get3A_55 = arith.constant 0 : index
      %get3A_56 = arith.constant 0 : index
      %get3A_57 = vector.load %arg8[%get3A_55, %get3A_56] : memref<128x128xf32, #tpu.memory_space<vmem>>, vector<128x128xf32>
      %eq3A = vector.broadcast %while3A_54 : f32 to vector<128x128xf32>
      %eq3A_58 = arith.cmpf oeq, %get3A_57, %eq3A : vector<128x128xf32>
      %broadcast_in_dim3A_59 = vector.broadcast %while3A : i32 to vector<128x128xi32>
      %select_n3A = arith.select %eq3A_58, %add3A, %broadcast_in_dim3A_59 : vector<128x128xi1>, vector<128x128xi32>
      %reduce_min3A = vector.shape_cast %select_n3A : vector<128x128xi32> to vector<1x128x128xi32>
      %reduce_min3A_60 = arith.constant dense<2147483647> : vector<1xi32>
      %reduce_min3A_61 = vector.multi_reduction <minsi>, %reduce_min3A, %reduce_min3A_60 [1, 2] : vector<1x128x128xi32> to vector<1xi32>
      %reduce_min3A_62 = vector.shape_cast %reduce_min3A_61 : vector<1xi32> to vector<1x1x1xi32>
      %reduce_min3A_63 = vector.extract %reduce_min3A_62[0, 0, 0] : i32 from vector<1x1x1xi32>
      %eq3A_64 = vector.broadcast %while3A_53 : i32 to vector<100xi32>
      %eq3A_65 = arith.cmpi eq, %iota3A_43, %eq3A_64 : vector<100xi32>
      %get3A_66 = arith.constant 0 : index
      %get3A_67 = vector.load %arg7[%get3A_66] : memref<100xf32, #tpu.memory_space<vmem>>, vector<100xf32>
      %broadcast_in_dim3A_68 = vector.broadcast %while3A_54 : f32 to vector<100xf32>
      %select_n3A_69 = arith.select %eq3A_65, %broadcast_in_dim3A_68, %get3A_67 : vector<100xi1>, vector<100xf32>
      %swap3A_70 = arith.constant 0 : index
      %swap3A_71 = vector.load %arg7[%swap3A_70] : memref<100xf32, #tpu.memory_space<vmem>>, vector<100xf32>
      tpu.vector_store %arg7[%swap3A_70], %select_n3A_69 {strides = array<i32>} : memref<100xf32, #tpu.memory_space<vmem>>, vector<100xf32>,
      %eq3A_72 = vector.broadcast %reduce_min3A_63 : i32 to vector<128x128xi32>
      %eq3A_73 = arith.cmpi eq, %add3A, %eq3A_72 : vector<128x128xi32>
      %jit3A = arith.constant 0xFF800000 : f32
      %broadcast_in_dim3A_74 = vector.broadcast %jit3A : f32 to vector<128x128xf32>
      %select_n3A_75 = arith.select %eq3A_73, %broadcast_in_dim3A_74, %get3A_57 : vector<128x128xi1>, vector<128x128xf32>
      %swap3A_76 = arith.constant 0 : index
      %swap3A_77 = arith.constant 0 : index
      %swap3A_78 = vector.load %arg8[%swap3A_76, %swap3A_77] : memref<128x128xf32, #tpu.memory_space<vmem>>, vector<128x128xf32>
      tpu.vector_store %arg8[%swap3A_76, %swap3A_77], %select_n3A_75 {strides = array<i32>} : memref<128x128xf32, #tpu.memory_space<vmem>>, vector<128x128xf32>,
      %dma_start3A = arith.constant 0 : i32
      %dma_start3A_79 = tpu.memref_slice %arg6[%while3A_53, %dma_start3A] : memref<100x2048xf32, #tpu.memory_space<vmem>> -> memref<1x2048xf32, #tpu.memory_space<vmem>>
      %dma_start3A_80 = arith.constant 0 : i32
      %dma_start3A_81 = tpu.memref_slice %arg5[%reduce_min3A_63, %dma_start3A_80] : memref<16384x2048xf32, #tpu.memory_space<any>> -> memref<1x2048xf32, #tpu.memory_space<any>>
      tpu.enqueue_dma source(%dma_start3A_81 : memref<1x2048xf32, #tpu.memory_space<any>>) target(%dma_start3A_79 : memref<1x2048xf32, #tpu.memory_space<vmem>>) target_semaphore(%arg9 : memref<!tpu.dma_semaphore, #tpu.memory_space<semaphore_mem>>)
      %dma_wait3A = arith.constant 0 : i32
      %dma_wait3A_82 = tpu.memref_slice %arg6[%while3A_53, %dma_wait3A] : memref<100x2048xf32, #tpu.memory_space<vmem>> -> memref<1x2048xf32, #tpu.memory_space<vmem>>
      %dma_wait3A_83 = arith.constant 0 : i32
      %dma_wait3A_84 = tpu.memref_slice %arg5[%reduce_min3A_63, %dma_wait3A_83] : memref<16384x2048xf32, #tpu.memory_space<any>> -> memref<1x2048xf32, #tpu.memory_space<any>>
      tpu.wait_dma2 semaphore(%arg9 : memref<!tpu.dma_semaphore, #tpu.memory_space<semaphore_mem>>) src(%dma_wait3A_84 : memref<1x2048xf32, #tpu.memory_space<any>>) dst(%dma_wait3A_82 : memref<1x2048xf32, #tpu.memory_space<vmem>>)
      %add3A_85 = arith.constant 1 : i32
      %add3A_86 = arith.addi %while3A_53, %add3A_85 : i32
      %get3A_87 = arith.constant 0 : index
      %get3A_88 = arith.constant 0 : index
      %get3A_89 = vector.load %arg8[%get3A_87, %get3A_88] : memref<128x128xf32, #tpu.memory_space<vmem>>, vector<128x128xf32>
      %reduce_max3A_90 = vector.shape_cast %get3A_89 : vector<128x128xf32> to vector<1x128x128xf32>
      %reduce_max3A_91 = arith.constant dense<0xFF800000> : vector<1xf32>
      %reduce_max3A_92 = vector.multi_reduction <maximumf>, %reduce_max3A_90, %reduce_max3A_91 [1, 2] : vector<1x128x128xf32> to vector<1xf32>
      %reduce_max3A_93 = vector.shape_cast %reduce_max3A_92 : vector<1xf32> to vector<1x1x1xf32>
      %reduce_max3A_94 = vector.extract %reduce_max3A_93[0, 0, 0] : f32 from vector<1x1x1xf32>
      scf.yield %add3A_86, %reduce_max3A_94 : i32, f32
    }
    return
  }
  func.func @transform_0(%arg0: i32) -> (i32, i32) {
    %c0_i32 = arith.constant 0 : i32
    %c0_i32_0 = arith.constant 0 : i32
    %c0_i32_1 = arith.constant 0 : i32
    return %c0_i32, %c0_i32_0 : i32, i32
  }
  func.func @transform_1(%arg0: i32) -> (i32, i32) {
    %c0_i32 = arith.constant 0 : i32
    %c0_i32_0 = arith.constant 0 : i32
    %c0_i32_1 = arith.constant 0 : i32
    return %c0_i32, %c0_i32_0 : i32, i32
  }
  func.func @transform_2(%arg0: i32) -> (i32, i32) {
    %c0_i32 = arith.constant 0 : i32
    %c0_i32_0 = arith.constant 0 : i32
    %c0_i32_1 = arith.constant 0 : i32
    return %c0_i32, %c0_i32_0 : i32, i32
  }
  func.func @transform_3(%arg0: i32) -> (i32, i32) {
    %c0_i32 = arith.constant 0 : i32
    %c0_i32_0 = arith.constant 0 : i32
    %c0_i32_1 = arith.constant 0 : i32
    return %c0_i32, %c0_i32_0 : i32, i32
  }
  func.func @transform_5(%arg0: i32) -> (i32, i32) {
    %c0_i32 = arith.constant 0 : i32
    %c0_i32_0 = arith.constant 0 : i32
    %c0_i32_1 = arith.constant 0 : i32
    return %c0_i32, %c0_i32_0 : i32, i32
  }
  func.func @transform_6(%arg0: i32) -> i32 {
    %c0_i32 = arith.constant 0 : i32
    %c0_i32_0 = arith.constant 0 : i32
    return %c0_i32 : i32
  }
}

</mosaic_0001>

<sc_bundles>
// kernel: _run.5.cloned.1.call-start
scs
__scs_entry_jumppad:
0x0: {  	(pc) =	sbr.rel $0x88, $3  }
0x1: {  	(tag) =	ssettag $0x0;
	lr =	simm.s32 $0x1  }
0x2: {  	[smem:$0x3F9F] =	sst lr;
	_ =	strace $0xD0000000  }
0x3: {  	_ = 	snop  }
0x4: {  	_ = 	snop  }
0x5: {  	_ = 	snop  }
0x6: {  	_ = 	snop  }
0x7: {  	_ = 	snop  }
__scs_overlays_trampoline_lowered:
0x8: {  	[smem:$0x3FAE] =	sst s0  }
0x9: {  	[smem:$0x3FAF] =	sst s1  }
0xa: {  	[smem:$0x3FB0] =	sst s2  }
0xb: {  	[smem:$0x3FB1] =	sst s3  }
0xc: {  	[smem:$0x3FB2] =	sst s4  }
0xd: {  	[smem:$0x3FB3] =	sst s5  }
0xe: {  	[smem:$0x3FB4] =	sst s6  }
0xf: {  	[smem:$0x3FB5] =	sst s7  }
0x10: {  	[smem:$0x3FB6] =	sst s8  }
0x11: {  	[smem:$0x3FB7] =	sst s9;
	s0 =	simm.s32 @!p0 $0x0  }
0x12: {  	s1 =	sld [smem:$0x3F9D];
	s0 =	simm.s32 @p0 $0x1  }
0x13: {  	[smem:$0x3FB8] =	sst s0;
	s0 =	simm.s32 @!p1 $0x0  }
0x14: {  	s2 =	sld [smem:$0x3F9C];
	s0 =	simm.s32 @p1 $0x1  }
0x15: {  	[smem:$0x3FB9] =	sst s0;
	s0 =	simm.s32 @!p2 $0x0  }
0x16: {  	s3 =	sld [smem:$0x3FDB];
	s0 =	simm.s32 @p2 $0x1  }
0x17: {  	s4 =	simm.s32 $0x1BF5;
	[smem:$0x3FBB] =	sst s0  }
0x18: {  	s0 =	sld [smem:$0x3F9E];
	_ =	swait.ge [sflag:s4], $0x0  }
0x19: {  	s7 =	sld [smem:$0x3F9F]  }
0x1a: {  	s8 =	sadd.s32 $0xFFFFE003, lr  }
0x1b: {  	s9 =	sadd.s32 $0xFFFFFEF7, lr;
	s5 =	simm.s32 $0xFFFFFFFF;
	p2 =	slt.u32 s8, $0xFFFFF086  }
0x1c: {  	p1 =	slt.u32 s9, $0xF7A;
	s5 =	simm.s32 @!p2 $0x0  }
0x1d: {  	s5 =	simm.s32 @p1 $0x1;
	p0 =	seq.s32 s7, s2  }
0x1e: {  	s7 =	smul.u32 @!p0 $0xF7A, s2;
	p2 =	seq.s32 @!p0 s5, $0x0  }
0x1f: {  	s9 =	smul.u32 $0xF7A, s1;
	s8 =	simm.s32 @!p0 $0x1BF5;
	p2 =	por !p2, p0  }
0x20: {  	[sflag:s8] =	ssyncset.s32 @!p0 $0xFFFFF086;
	s6 =	sadd.s32 @!p0 s3, s7;
	s7 =	simm.s32 @!p0 $0x108  }
0x21: {  	s3 =	sadd.s32 s3, s9;
	s6 =	sadd.s32 @!p0 $0x88, s6;
	s7 =	simm.s32 @p2 $0x1082  }
0x22: {  	[simem:s7], [sflag:s8] =	dma.local @!p0 [hbm:s6], $0xF7A  }
0x23: {  	s9 =	sor.u32 $0xD0000000, s2;
	s6 =	simm.s32 $0x108;
	_ =	swait.ge @!p0 [sflag:s8], $0x0  }
0x24: {  	s3 =	sadd.s32 $0x88, s3;
	s6 =	simm.s32 @!p1 $0x1082;
	[sflag:s4] =	ssyncset.s32 $0xFFFFF086  }
0x25: {  	[simem:s6], [sflag:s4] =	dma.local [hbm:s3], $0xF7A  }
0x26: {  	[smem:$0x3F9F] =	sst s1;
	(tag) =	ssettag s2;
	_ =	strace s9  }
0x27: {  	s1 =	sld [smem:$0x3FAF]  }
0x28: {  	s2 =	sld [smem:$0x3FB0]  }
0x29: {  	s4 =	sld [smem:$0x3FB2]  }
0x2a: {  	p0 =	seq.s32 s5, $0x0;
	s5 =	sld [smem:$0x3FB3]  }
0x2b: {  	s6 =	sld [smem:$0x3FB4]  }
0x2c: {  	s7 =	sld [smem:$0x3FB5]  }
0x2d: {  	s3 =	simm.s32 $0x108;
	s8 =	sld [smem:$0x3FB6]  }
0x2e: {  	s3 =	simm.s32 @!p0 $0x1082;
	s9 =	sld [smem:$0x3FB7]  }
0x2f: {  	lr =	sadd.s32 s0, s3;
	s0 =	sld [smem:$0x3FAE]  }
0x30: {  	s3 =	sld [smem:$0x3FB1]  }
0x31: {  	[smem:$0x3FBA] =	sst s10  }
0x32: {  	s10 =	sld [smem:$0x3FB8];
	_ =	sdelay $0x3  }
0x33: {  	p0 =	seq.s32 s10, $0x1;
	s10 =	sld [smem:$0x3FBA];
	_ =	sdelay $0x3  }
0x34: {  	[smem:$0x3FBA] =	sst s10  }
0x35: {  	s10 =	sld [smem:$0x3FB9];
	_ =	sdelay $0x3  }
0x36: {  	p1 =	seq.s32 s10, $0x1;
	s10 =	sld [smem:$0x3FBA];
	_ =	sdelay $0x3  }
0x37: {  	[smem:$0x3FBA] =	sst s10  }
0x38: {  	s10 =	sld [smem:$0x3FBB]  }
0x39: {  	_ = 	snop;
	(pc) =	sbr.ind lr, $3  }
0x3a: {  	_ = 	snop  }
0x3b: {  	_ = 	snop  }
0x3c: {  	p2 =	seq.s32 s10, $0x1;
	s10 =	sld [smem:$0x3FBA]  }
0x3d: {  	_ =	shalt  }
0x3e: {  	_ =	shalt  }
0x3f: {  	_ =	shalt  }
0x40: {  	_ =	shalt  }
0x41: {  	_ =	shalt  }
0x42: {  	_ =	shalt  }
0x43: {  	_ =	shalt  }
0x44: {  	_ =	shalt  }
0x45: {  	_ =	shalt  }
0x46: {  	_ =	shalt  }
0x47: {  	_ =	shalt  }
0x48: {  	_ =	shalt  }
0x49: {  	_ =	shalt  }
0x4a: {  	_ =	shalt  }
0x4b: {  	_ =	shalt  }
0x4c: {  	_ =	shalt  }
0x4d: {  	_ =	shalt  }
0x4e: {  	_ =	shalt  }
0x4f: {  	_ =	shalt  }
0x50: {  	_ =	shalt  }
0x51: {  	_ =	shalt  }
0x52: {  	_ =	shalt  }
0x53: {  	_ =	shalt  }
0x54: {  	_ =	shalt  }
0x55: {  	_ =	shalt  }
0x56: {  	_ =	shalt  }
0x57: {  	_ =	shalt  }
0x58: {  	_ =	shalt  }
0x59: {  	_ =	shalt  }
0x5a: {  	_ =	shalt  }
0x5b: {  	_ =	shalt  }
0x5c: {  	_ =	shalt  }
0x5d: {  	_ =	shalt  }
0x5e: {  	_ =	shalt  }
0x5f: {  	_ =	shalt  }
0x60: {  	_ =	shalt  }
0x61: {  	_ =	shalt  }
0x62: {  	_ =	shalt  }
0x63: {  	_ =	shalt  }
0x64: {  	_ =	shalt  }
0x65: {  	_ =	shalt  }
0x66: {  	_ =	shalt  }
0x67: {  	_ =	shalt  }
0x68: {  	_ =	shalt  }
0x69: {  	_ =	shalt  }
0x6a: {  	_ =	shalt  }
0x6b: {  	_ =	shalt  }
0x6c: {  	_ =	shalt  }
0x6d: {  	_ =	shalt  }
0x6e: {  	_ =	shalt  }
0x6f: {  	_ =	shalt  }
0x70: {  	_ =	shalt  }
0x71: {  	_ =	shalt  }
0x72: {  	_ =	shalt  }
0x73: {  	_ =	shalt  }
0x74: {  	_ =	shalt  }
0x75: {  	_ =	shalt  }
0x76: {  	_ =	shalt  }
0x77: {  	_ =	shalt  }
0x78: {  	_ =	shalt  }
0x79: {  	_ =	shalt  }
0x7a: {  	_ =	shalt  }
0x7b: {  	_ =	shalt  }
0x7c: {  	_ =	shalt  }
0x7d: {  	_ =	shalt  }
0x7e: {  	_ =	shalt  }
0x7f: {  	_ =	shalt  }
0x80: {  	_ =	shalt  }
0x81: {  	_ =	shalt  }
0x82: {  	_ =	shalt  }
0x83: {  	_ =	shalt  }
0x84: {  	_ =	shalt  }
0x85: {  	_ =	shalt  }
0x86: {  	_ =	shalt  }
0x87: {  	_ =	shalt  }
.Lfunc_end0:
.L_simem_size_0:
called_computation_lowered:
.L_overlay_start_0:
0x88: {  	s2 =	sld [smem:$0x3FD9]  }
0x89: {  	s3 =	sld [smem:$0x3FFE];
	_ =	sdelay $0x1  }
0x8a: {  	s1 =	srdreg.scid  }
0x8b: {  	s0 =	sand.u32 $0x1, s1  }
0x8c: {  	s14 =	sshll.u32 s0, $0xA;
	s2 =	sadd.s32 s3, s2  }
0x8d: {  	s2 =	sadd.s32 s2, s14  }
0x8e: {  	[smem:$0x3FC6] =	sst s2  }
0x8f: {  	_ = 	snop  }
0x90: {  	s2 =	sld [smem:$0x3FD0];
	_ =	sdelay $0x1  }
0x91: {  	s15 =	sld [smem:$0x3FC9]  }
0x92: {  	s5 =	simm.s32 $0xA;
	s6 =	simm.s32 $0x10;
	s4 =	sld [smem:$0x3FC8]  }
0x93: {  	[smem:s6], [sflag:s5] =	dma.local [hbm:s2], $0x1  }
0x94: {  	_ =	swait.eq [sflag:s5], $0x1  }
0x95: {  	[sflag:s5] =	ssyncset.done $0x0  }
0x96: {  	[sflag:s5] =	ssyncadd.s32 $0xFFFFFFFF  }
0x97: {  	s16 =	sld [smem:$0x10];
	(tm) =	ssettm $0x1  }
0x98: {  	s17 =	sld [smem:$0x3FFB];
	_ =	sdelay $0x3  }
0x99: {  	_ =	strace s17  }
0x9a: {  	s5 =	sld [smem:$0x3FFC];
	_ =	sdelay $0x3  }
0x9b: {  	_ =	strace s5  }
0x9c: {  	s5 =	sld [smem:$0x3FFD];
	_ =	sdelay $0x3  }
0x9d: {  	_ =	strace s5  }
0x9e: {  	_ =	strace $0x8FFFFFFF  }
0x9f: {  	s18 =	sld [smem:$0x3FDB];
	_ =	sdelay $0x1  }
0xa0: {  	s19 =	simm.s32 $_scs_section_size  }
0xa1: {  	s7 =	simm.s32 $_size__tile_overlayer_lowered;
	s8 =	simm.s32 $_tile_overlayer_lowered  }
0xa2: {  	s22 =	simm.s32 $0x1BFF;
	s21 =	sshll.u32 s8, $0x1;
	s5 =	sadd.s32 s19, s18  }
0xa3: {  	s9 =	simm.s32 $0x0;
	s20 =	sshll.u32 s7, $0x1;
	s7 =	sadd.s32 s21, s5  }
0xa4: {  	[timem:s9], [sflag:s22] =	dma.local [hbm:s7], s20  }
0xa5: {  	_ =	swait.ge [sflag:s22], s20  }
0xa6: {  	s6 =	ssub.s32 $0x0, s20;
	[sflag:s22] =	ssyncset.done $0x0  }
0xa7: {  	[sflag:s22] =	ssyncadd.s32 s6;
	_ =	sdelay $0x1  }
0xa8: {  	s23 =	simm.s32 $0x1B8B  }
0xa9: {  	_ =	swait.ge [sflag:s23], $0x1  }
0xaa: {  	[sflag:s23] =	ssyncset.done $0x0  }
0xab: {  	s25 =	simm.s32 $0x1B8E;
	s24 =	sld [smem:$0x3FFE];
	[sflag:s23] =	ssyncadd.s32 $0xFFFFFFFF  }
0xac: {  	s26 =	simm.s32 $execute0_lowered;
	[smem:$0x3FD2] =	sst s25  }
0xad: {  	s7 =	sshll.u32 s26, $0x1;
	_ =	strace $0x80000046;
	[dreg:$0x1] =	wrdreg $0xFFFFFFFF  }
0xae: {  	s28 =	simm.s32 $_size_execute0_lowered;
	s5 =	sadd.s32 s5, s7;
	[dreg:$0x0] =	wrdreg $0x0  }
0xaf: {  	s7 =	sshll.u32 s28, $0x1;
	[dreg:$0x2] =	wrdreg s5  }
0xb0: {  	[dreg:$0x3] =	wrdreg s7  }
0xb1: {  	[dreg:$0x4] =	wrdreg $0xC0  }
0xb2: {  	_ =	task [dreg:s9], $0x5FFFF  }
0xb3: {  	[dreg:$0x1] =	wrdreg $0xFFFFFFFF  }
0xb4: {  	[dreg:$0x0] =	wrdreg $0x60  }
0xb5: {  	[dreg:$0x2] =	wrdreg s15  }
0xb6: {  	[dreg:$0x3] =	wrdreg s4  }
0xb7: {  	[dreg:$0x4] =	wrdreg s16  }
0xb8: {  	[dreg:$0x5] =	wrdreg s24  }
0xb9: {  	[dreg:$0x6] =	wrdreg $0x9  }
0xba: {  	_ =	task.clear_ibuf [dreg:s9], $0x7FFFF;
	_ =	strace $0x90000046  }
0xbb: {  	s29 =	simm.s32 $0x9;
	_ =	strace $0x80000048  }
0xbc: {  	_ =	swait.ge [sflag:s29], $0x1  }
0xbd: {  	[sflag:s29] =	ssyncadd.s32 $0xFFFFFFFF  }
0xbe: {  	_ =	strace $0x90000048  }
0xbf: {  	_ =	sfence  }
0xc0: {  	s30 =	sld [smem:$0x0];
	_ =	sdelay $0x2  }
0xc1: {  	s31 =	sshll.u32 s1, $0xD;
	s1 =	sshrl.u32 s1, $0x2  }
0xc2: {  	s3 =	sand.u32 $0x4000, s31;
	s1 =	sadd.s32 s1, s30  }
0xc3: {  	s0 =	sor.u32 s3, s0;
	s1 =	sshll.u32 s1, $0x11  }
0xc4: {  	s0 =	sor.u32 s1, s0  }
0xc5: {  	s0 =	sadd.s32 $0x8F2B, s0  }
0xc6: {  	[sflag:s0] =	ssyncadd.remote.s32 $0x1  }
0xc7: {  	_ =	sfence.sel $0xFFFF  }
0xc8: {  	[dreg:$0x0] =	wrdreg $0xFFFFFFFF;
	(pc) =	sbr.abs _section_cstart, $3  }
0xc9: {  	[dreg:$0x1] =	wrdreg $0xFFFFFFFF  }
0xca: {  	_ =	task.clear_ibuf [dreg:s9], $0x2FFFF;
	_ =	strace $0x9FFFFFFF  }
0xcb: {  	(tm) =	ssettm $0x7FFFFFFF  }
tec
execute0_lowered:
.L_overlay_start_1:
0x0: {  	(tag) =	ssettag $0x1  }
0x1: {  	v0 =	vimm.s32 $0xFEDCBA98;
	v1 =	vimm.s32 $0x76543210  }
0x2: {  	s2 =	rddreg [dreg:$0x1];
	v2 =	vimm.s32 $0xBA98FEDC;
	v3 =	vimm.s32 $0x32107654;
	v4 =	vimm.s32 $0xDCFE98BA  }
0x3: {  	s0 =	srdreg.scid;
	s1 =	rddreg [dreg:$0x2];
	v5 =	vimm.s32 $0x54761032;
	v6 =	vimm.s32 $0xEFCDAB89;
	v7 =	vimm.s32 $0x67452301  }
0x4: {  	s3 =	stileid.u32;
	s5 =	rddreg [dreg:$0x3];
	s4 =	simm.s32 $0x0;
	vm8 =	vmmov $0x1;
	vm9 =	vmmov $0x3;
	vm10 =	vmmov $0x7  }
0x5: {  	s14 =	simm.s32 $0x1;
	s16 =	simm.s32 $0x8800;
	s17 =	simm.s32 $0x10800;
	vm11 =	vmmov $0xf;
	vm12 =	vmmov $0x1f;
	vm13 =	vmmov $0x3f  }
0x6: {  	s18 =	simm.s32 $0x2;
	s19 =	simm.s32 $0x3;
	s20 =	simm.s32 $0x4;
	vm7 =	vmmov $0x7f;
	vm6 =	vmmov $0xff;
	vm5 =	vmmov $0x1ff  }
0x7: {  	s21 =	simm.s32 $0x18800;
	vm3 =	vmmov $0x3ff;
	vm2 =	vmmov $0x7ff;
	vm1 =	vmmov $0xfff;
	s0 =	sand.u32 $0x1, s0;
	s3 =	sshll.u32 s3, $0x1  }
0x8: {  	s22 =	simm.s32 $0x5;
	s23 =	simm.s32 $0x18900;
	v0 =	vunpack.c.l.s4.s8 v0;
	v1 =	vunpack.c.l.s4.s8 v1;
	v2 =	vunpack.c.l.s4.s8 v2;
	s3 =	sor.u32 s0, s3  }
0x9: {  	s24 =	simm.s32 $0x0;
	v3 =	vunpack.c.l.s4.s8 v3;
	v4 =	vunpack.c.l.s4.s8 v4;
	v5 =	vunpack.c.l.s4.s8 v5;
	s0 =	ssub.s32 $0x2, s0;
	s6 =	smul.u32 $0xF0, s3  }
0xa: {  	[smem:$0x7FF] =	sst s4;
	v6 =	vunpack.c.l.s4.s8 v6;
	v7 =	vunpack.c.l.s4.s8 v7;
	s3 =	smul.u32 $0x78000, s3;
	v0 =	vunpack.c.0.s8.s32 v0;
	s30 =	sshrl.u32 s0, $0x1  }
0xb: {  	_ =	strace $0x80000047;
	v2 =	vunpack.c.0.s8.s32 v2;
	v3 =	vunpack.c.0.s8.s32 v3;
	v4 =	vunpack.c.0.s8.s32 v4;
	s0 =	ssub.s32 s0, s30;
	s11 =	sshrl.u32 s6, $0x3  }
0xc: {  	v5 =	vunpack.c.0.s8.s32 v5;
	v6 =	vunpack.c.0.s8.s32 v6;
	v7 =	vunpack.c.0.s8.s32 v7;
	s7 =	sadd.s32 $0x2200, s6;
	s3 =	sshrl.u32 s3, $0x3;
	s13 =	smax.u32 s0, $0x1  }
0xd: {  	vm0 =	vmmov $0x1fff;
	v1 =	vunpack.c.0.s8.s32 v1;
	v2 =	vcombine.low v3, v2;
	s12 =	sadd.s32 s11, s5;
	s31 =	sshll.u32 s7, $0x8;
	s3 =	sadd.s32 s2, s3  }
0xe: {  	v3 =	vcombine.low v5, v4;
	v4 =	vcombine.low v7, v6;
	v0 =	vand.u32 $0xF, v0;
	s10 =	sshll.u32 s7, $0xB;
	s11 =	sadd.s32 s1, s11;
	s5 =	sadd.s32 s2, s31  }
0xf: {  	vm4 =	vmmov $0x3fff;
	vm14 =	vmmov $0x7fff;
	v0 =	vcombine.low v0, v1;
	s6 =	sadd.s32 $0x221000, s3;
	s7 =	sadd.s32 $0x222000, s3;
	s8 =	sadd.s32 $0x18000, s10  }
0x10: {  	s9 =	sadd.s32 $0x20000, s10;
	s10 =	sadd.s32 $0x28000, s10;
	s12 =	sadd.s32 $0xE00, s12;
	v1 =	vand.u32 $0xF, v2;
	v2 =	vand.u32 $0xF, v3;
	v3 =	vand.u32 $0xF, v4  }
.LBB2_1:
0x11: {  	s0 =	rddreg [dreg:$0x0]  }
0x12: {  	[tilespmem:s4], [sflag:$0x1] =	stream.linear.gather [hbm4b:s0+s4], $0x800, $0x38;
	[tilespmem:$0x18A00] =	vst v63  }
0x13: {  	_ =	swait.ge [sflag:s14], $0x800  }
0x14: {  	[sflag:s14] =	ssyncset.done $0x0  }
0x15: {  	s31 =	simm.s32 $0x800;
	[sflag:s14] =	ssyncadd.s32 $0xFFFFF800  }
0x16: {  	[tilespmem:s31], [sflag:$0x2] =	stream.linear.gather [hbm4b:s5+s4], $0x8000, $0x38;
	[tilespmem:$0x18A00] =	vst v63  }
0x17: {  	_ = 	snop  }
0x18: {  	[tilespmem:s16], [sflag:$0x3] =	stream.linear.gather [hbm4b:s6+s4], $0x8000, $0x38;
	[tilespmem:$0x18A00] =	vst v63  }
0x19: {  	s25 =	simm.s32 $0x0  }
0x1a: {  	[tilespmem:s17], [sflag:$0x4] =	stream.linear.gather [hbm4b:s7+s4], $0x8000, $0x38;
	[tilespmem:$0x18A00] =	vst v63  }
.LBB2_2:
0x1b: {  	_ =	swait.ge [sflag:s18], $0x8000  }
0x1c: {  	s1 =	simm.s32 $0x0;
	[sflag:s18] =	ssyncset.done $0x0  }
0x1d: {  	s0 =	sand.u32 $0x70, s1;
	s3 =	sand.u32 $0x3C00, s1;
	[sflag:s18] =	ssyncadd.s32 $0xFFFF8000  }
0x1e: {  	s0 =	sor.u32 s0, s3;
	v16 =	vld [tilespmem:s1+$0x0]  }
0x1f: {  	v4 =	vld [tilespmem:s0+$0x4B80]  }
0x20: {  	v5 =	vld [tilespmem:s0+$0x4B00]  }
0x21: {  	v6 =	vld [tilespmem:s0+$0x4A80]  }
0x22: {  	v7 =	vld [tilespmem:s0+$0x4A00]  }
0x23: {  	v20 =	vld [tilespmem:s0+$0xA80]  }
0x24: {  	v17 =	vimm.f32 $0.0e+00;
	v35 =	vimm.f32 $0.0e+00;
	v33 =	vimm.f32 $0.0e+00;
	v8 =	vld [tilespmem:s0+$0xA00]  }
0x25: {  	v37 =	vimm.f32 $0.0e+00;
	v34 =	vimm.f32 $0.0e+00;
	v32 =	vimm.f32 $0.0e+00;
	v21 =	vld [tilespmem:s0+$0xB00]  }
0x26: {  	v28 =	vimm.f32 $0.0e+00;
	v29 =	vimm.f32 $0.0e+00;
	v13 =	vld [tilespmem:s0+$0x4880];
	v9 =	vmul.f32 v4, v16  }
0x27: {  	v39 =	vimm.f32 $0.0e+00;
	v22 =	vld [tilespmem:s0+$0x880];
	v10 =	vmul.f32 v5, v16;
	v5 =	vmul.f32 v5, v5  }
0x28: {  	v25 =	vimm.f32 $0.0e+00;
	s1 =	sand.u32 $0x7, s1;
	v11 =	vmul.f32 v6, v16;
	v6 =	vmul.f32 v6, v6  }
0x29: {  	v26 =	vimm.f32 $0.0e+00;
	s1 =	sshll.u32 s1, $0x4;
	v14 =	vmul.f32 v20, v16;
	v12 =	vmul.f32 v7, v16  }
0x2a: {  	v30 =	vimm.f32 $0.0e+00;
	v40 =	vld [tilespmem:s0+$0x4900];
	s1 =	sadd.s32 $0x0, s1;
	v15 =	vmul.f32 v8, v16;
	v8 =	vmul.f32 v8, v8  }
0x2b: {  	v31 =	vimm.f32 $0.0e+00;
	s1 =	sor.u32 $0x380, s1;
	v43 =	vmul.f32 v21, v16;
	v7 =	vmul.f32 v7, v7  }
0x2c: {  	v27 =	vimm.f32 $0.0e+00;
	v23 =	vld [tilespmem:s1+$0x800];
	v46 =	vmul.f32 v13, v16;
	v45 =	vmul.f32 v22, v16  }
0x2d: {  	v13 =	vmul.f32 v13, v13;
	v38 =	vmul.f32 v22, v22;
	v19 =	vadd.f32 v10, v17;
	v10 =	vld [tilespmem:s0+$0x4980]  }
0x2e: {  	v18 =	vadd.f32 v9, v17;
	v9 =	vmul.f32 v4, v4;
	v4 =	vadd.f32 v5, v17  }
0x2f: {  	v42 =	vmul.f32 v40, v16;
	v11 =	vadd.f32 v11, v17;
	v5 =	vadd.f32 v6, v17  }
0x30: {  	v49 =	vmul.f32 v21, v21;
	v12 =	vadd.f32 v12, v17;
	v15 =	vadd.f32 v15, v17  }
0x31: {  	v21 =	vimm.f32 $0.0e+00;
	v14 =	vadd.f32 v14, v17;
	v7 =	vadd.f32 v7, v17  }
0x32: {  	v48 =	vld [tilespmem:s0+$0x4800];
	v6 =	vadd.f32 v9, v17;
	v50 =	vmul.f32 v23, v23;
	v22 =	vmul.f32 v10, v16  }
0x33: {  	v44 =	vld [tilespmem:s0+$0x980];
	v9 =	vadd.f32 v13, v17;
	v47 =	vmul.f32 v23, v16;
	v24 =	vmul.f32 v10, v10  }
0x34: {  	s26 =	simm.s32 $0x80;
	v36 =	vld [tilespmem:s0+$0x900];
	v23 =	vimm.f32 $0.0e+00;
	v10 =	vadd.f32 v8, v17;
	v13 =	vadd.f32 v22, v17  }
0x35: {  	s28 =	simm.s32 $0x1;
	s29 =	simm.s32 $0x10;
	v41 =	vld [tilespmem:s0+$0x800];
	s1 =	simm.s32 $0x10;
	v8 =	vadd.f32 v24, v17;
	v22 =	vimm.f32 $0.0e+00;
	v24 =	vimm.f32 $0.0e+00  }
.LBB2_3:
0x36: {  	s0 =	sand.u32 $0x7, s28  }
0x37: {  	s3 =	sand.u32 $0x70, s1;
	s30 =	sand.u32 $0x3C00, s26;
	v17 =	vadd.f32 v43, v17;
	v43 =	vmul.f32 v48, v16;
	v35 =	vadd.f32 v46, v35;
	s31 =	smov.u32 s1  }
0x38: {  	v20 =	vmul.f32 v20, v20;
	v33 =	vadd.f32 v50, v33;
	s0 =	sshll.u32 s0, $0x4;
	v46 =	vld [tilespmem:s29+$0x0];
	s3 =	sor.u32 s3, s30;
	s30 =	sadd.s32 $0x10, s1;
	v51 =	vmul.f32 v44, v16  }
0x39: {  	p0 =	sne.s32 s1, $0x7F0;
	v37 =	vadd.f32 v45, v37;
	v45 =	vmul.f32 v48, v48;
	v34 =	vadd.f32 v49, v34;
	s0 =	sadd.s32 s0, s26;
	v50 =	vld [tilespmem:s3+$0x4980]  }
0x3a: {  	v48 =	vmul.f32 v41, v16;
	v40 =	vmul.f32 v40, v40;
	v32 =	vadd.f32 v47, v32;
	s0 =	sor.u32 $0x380, s0;
	v49 =	vld [tilespmem:s3+$0x4880]  }
0x3b: {  	v52 =	vmul.f32 v36, v16;
	v28 =	vadd.f32 v42, v28;
	v21 =	vadd.f32 v45, v21;
	v47 =	vld [tilespmem:s3+$0x4B80]  }
0x3c: {  	v44 =	vmul.f32 v44, v44;
	v22 =	vadd.f32 v20, v22;
	v29 =	vadd.f32 v51, v29;
	v42 =	vld [tilespmem:s3+$0x4B00]  }
0x3d: {  	v41 =	vmul.f32 v41, v41;
	v36 =	vmul.f32 v36, v36;
	v39 =	vadd.f32 v48, v39;
	v45 =	vld [tilespmem:s3+$0x4A80];
	v16 =	vmovc v46  }
0x3e: {  	v25 =	vadd.f32 v38, v25;
	v26 =	vadd.f32 v44, v26;
	v46 =	vld [tilespmem:s3+$0x4A00]  }
0x3f: {  	v23 =	vadd.f32 v52, v23;
	v24 =	vadd.f32 v43, v24;
	v20 =	vld [tilespmem:s3+$0xA80]  }
0x40: {  	v30 =	vadd.f32 v41, v30;
	v31 =	vadd.f32 v36, v31;
	v38 =	vld [tilespmem:s3+$0xA00];
	v43 =	vmul.f32 v47, v16  }
0x41: {  	v27 =	vadd.f32 v40, v27;
	v51 =	vld [tilespmem:s3+$0xB00];
	v41 =	vmul.f32 v42, v16;
	v42 =	vmul.f32 v42, v42  }
0x42: {  	v44 =	vld [tilespmem:s3+$0x880];
	v40 =	vmul.f32 v45, v16;
	v45 =	vmul.f32 v45, v45;
	v18 =	vadd.f32 v43, v18  }
0x43: {  	v36 =	vld [tilespmem:s3+$0x900];
	v19 =	vadd.f32 v41, v19;
	v4 =	vadd.f32 v42, v4;
	v42 =	vmul.f32 v47, v47  }
0x44: {  	v48 =	vmul.f32 v46, v16;
	v41 =	vld [tilespmem:s3+$0x800];
	v47 =	vmul.f32 v20, v16;
	v11 =	vadd.f32 v40, v11  }
0x45: {  	v5 =	vadd.f32 v45, v5;
	v52 =	vmul.f32 v38, v16;
	v53 =	vmul.f32 v38, v38;
	v40 =	vld [tilespmem:s3+$0x4900]  }
0x46: {  	v55 =	vmul.f32 v46, v46;
	v12 =	vadd.f32 v48, v12;
	v43 =	vmul.f32 v51, v16;
	v54 =	vld [tilespmem:s0+$0x800]  }
0x47: {  	v46 =	vmul.f32 v49, v16;
	v14 =	vadd.f32 v47, v14;
	v15 =	vadd.f32 v52, v15  }
.Ltmp0:
0x48: {  	v6 =	vadd.f32 v42, v6;
	v47 =	vmul.f32 v49, v49;
	v45 =	vmul.f32 v44, v16;
	v48 =	vld [tilespmem:s3+$0x4800];
	(pc) =	sbr.rel @p0 .LBB2_3-.Ltmp0, $4  }
0x49: {  	v7 =	vadd.f32 v55, v7;
	v49 =	vmul.f32 v50, v16;
	v38 =	vmul.f32 v44, v44;
	v44 =	vld [tilespmem:s3+$0x980]  }
0x4a: {  	v52 =	vmul.f32 v50, v50;
	v9 =	vadd.f32 v47, v9;
	v42 =	vmul.f32 v40, v16  }
0x4b: {  	s28 =	sadd.s32 $0x1, s28;
	v10 =	vadd.f32 v53, v10;
	v13 =	vadd.f32 v49, v13;
	v50 =	vmul.f32 v54, v54  }
0x4c: {  	s29 =	sadd.s32 $0x10, s29;
	s26 =	sadd.s32 $0x80, s26;
	s1 =	smov.u32 s30;
	v49 =	vmul.f32 v51, v51;
	v8 =	vadd.f32 v52, v8;
	v47 =	vmul.f32 v54, v16  }
0x4d: {  	v51 =	vmul.f32 v41, v16;
	_ =	sdelay $0x1  }
0x4e: {  	v39 =	vadd.f32 v51, v39;
	_ =	sdelay $0x1  }
0x4f: {  	v62 =	vperm.xlane v39, v0;
	_ =	sdelay $0x1  }
0x50: {  	v39 =	vadd.f32 v62, v39;
	_ =	sdelay $0x1  }
0x51: {  	v37 =	vadd.f32 v45, v37;
	v55 =	vperm.xlane v39, v1  }
0x52: {  	v43 =	vadd.f32 v43, v17  }
0x53: {  	v17 =	vadd.f32 v50, v33;
	v63 =	vperm.xlane v37, v0;
	v33 =	vadd.f32 v55, v39;
	_ =	sdelay $0x1  }
0x54: {  	v37 =	vadd.f32 v63, v37;
	v59 =	vperm.xlane v33, v2;
	_ =	sdelay $0x1  }
0x55: {  	v52 =	vmul.f32 v48, v16;
	v57 =	vperm.xlane v37, v1;
	v33 =	vadd.f32 v59, v33  }
0x56: {  	v53 =	vmul.f32 v44, v16;
	v16 =	vmul.f32 v36, v16  }
0x57: {  	v40 =	vmul.f32 v40, v40;
	v58 =	vadd.f32 v57, v37;
	v37 =	vperm.xlane v33, v3  }
0x58: {  	v23 =	vadd.f32 v16, v23  }
0x59: {  	v16 =	vadd.f32 v40, v27;
	v27 =	vadd.f32 v37, v33  }
0x5a: {  	v35 =	vadd.f32 v46, v35;
	v54 =	vmul.f32 v20, v20;
	v56 =	vmul.f32 v48, v48  }
0x5b: {  	v20 =	vadd.f32 v49, v34;
	v32 =	vadd.f32 v47, v32;
	[tilespmem:$0x1FE00] =	vst v27;
	v27 =	vperm.xlane v23, v0  }
0x5c: {  	v45 =	vperm.xlane v15, v0;
	v21 =	vadd.f32 v56, v21;
	v22 =	vadd.f32 v54, v22  }
0x5d: {  	v60 =	vmul.f32 v44, v44;
	v24 =	vadd.f32 v52, v24;
	v23 =	vadd.f32 v27, v23  }
0x5e: {  	v15 =	vadd.f32 v45, v15;
	v29 =	vadd.f32 v53, v29;
	v47 =	vperm.xlane v32, v0  }
0x5f: {  	v26 =	vadd.f32 v60, v26;
	v27 =	vperm.xlane v14, v0;
	v48 =	vperm.xlane v23, v1  }
0x60: {  	v50 =	vperm.xlane v15, v1;
	v44 =	vperm.xlane v29, v0;
	v32 =	vadd.f32 v47, v32  }
0x61: {  	v46 =	vperm.xlane v43, v0;
	v14 =	vadd.f32 v27, v14;
	v23 =	vadd.f32 v48, v23  }
0x62: {  	v62 =	vmul.f32 v41, v41;
	v15 =	vadd.f32 v50, v15;
	v29 =	vadd.f32 v44, v29  }
0x63: {  	v27 =	vadd.f32 v46, v43;
	v51 =	vperm.xlane v14, v1;
	v54 =	vperm.xlane v23, v2  }
0x64: {  	v53 =	vperm.xlane v32, v1;
	v30 =	vadd.f32 v62, v30;
	v56 =	vperm.xlane v15, v2  }
0x65: {  	v52 =	vperm.xlane v27, v1;
	v14 =	vadd.f32 v51, v14;
	v23 =	vadd.f32 v54, v23  }
0x66: {  	v32 =	vadd.f32 v53, v32;
	v61 =	vperm.xlane v58, v2;
	v15 =	vadd.f32 v56, v15  }
0x67: {  	v27 =	vadd.f32 v52, v27;
	v57 =	vperm.xlane v14, v2;
	v60 =	vperm.xlane v23, v3  }
0x68: {  	v34 =	vadd.f32 v61, v58;
	v62 =	vperm.xlane v15, v3;
	v59 =	vperm.xlane v32, v2  }
0x69: {  	v58 =	vperm.xlane v27, v2;
	v14 =	vadd.f32 v57, v14;
	v23 =	vadd.f32 v60, v23  }
0x6a: {  	v49 =	vperm.xlane v29, v1;
	v15 =	vadd.f32 v62, v15;
	v32 =	vadd.f32 v59, v32  }
0x6b: {  	v63 =	vmul.f32 v36, v36;
	v27 =	vadd.f32 v58, v27;
	[tilespmem:$0x1FE20] =	vst v23;
	v23 =	vperm.xlane v14, v3  }
0x6c: {  	v29 =	vadd.f32 v49, v29;
	[tilespmem:$0x1FE40] =	vst v15;
	v15 =	vperm.xlane v32, v3  }
0x6d: {  	v31 =	vadd.f32 v63, v31;
	v63 =	vperm.xlane v27, v3;
	v14 =	vadd.f32 v23, v14  }
0x6e: {  	v55 =	vperm.xlane v29, v2;
	v15 =	vadd.f32 v15, v32  }
0x6f: {  	[tilespmem:$0x1FE50] =	vst v14;
	v14 =	vadd.f32 v63, v27  }
0x70: {  	v28 =	vadd.f32 v42, v28;
	v29 =	vadd.f32 v55, v29;
	[tilespmem:$0x1FE70] =	vst v15  }
0x71: {  	v15 =	vperm.xlane v35, v0;
	[tilespmem:$0x1FE60] =	vst v14;
	v14 =	vperm.xlane v24, v0  }
0x72: {  	v61 =	vperm.xlane v29, v3;
	v23 =	vperm.xlane v28, v0  }
0x73: {  	v15 =	vadd.f32 v15, v35;
	v14 =	vadd.f32 v14, v24;
	v24 =	vperm.xlane v13, v0  }
0x74: {  	v29 =	vadd.f32 v61, v29;
	v27 =	vperm.xlane v12, v0;
	v23 =	vadd.f32 v23, v28  }
0x75: {  	v28 =	vperm.xlane v11, v0;
	v13 =	vadd.f32 v24, v13;
	v24 =	vperm.xlane v15, v1  }
0x76: {  	[tilespmem:$0x1FE30] =	vst v29;
	v12 =	vadd.f32 v27, v12;
	v27 =	vperm.xlane v23, v1;
	v29 =	vperm.xlane v14, v1  }
0x77: {  	v11 =	vadd.f32 v28, v11;
	v28 =	vperm.xlane v13, v1;
	v15 =	vadd.f32 v24, v15  }
0x78: {  	v23 =	vadd.f32 v27, v23;
	v14 =	vadd.f32 v29, v14;
	v29 =	vperm.xlane v12, v1  }
0x79: {  	v24 =	vperm.xlane v11, v1;
	v13 =	vadd.f32 v28, v13;
	v28 =	vperm.xlane v15, v2  }
0x7a: {  	v27 =	vperm.xlane v14, v2;
	v12 =	vadd.f32 v29, v12;
	v29 =	vperm.xlane v23, v2  }
0x7b: {  	v11 =	vadd.f32 v24, v11;
	v24 =	vperm.xlane v13, v2;
	v15 =	vadd.f32 v28, v15  }
0x7c: {  	v14 =	vadd.f32 v27, v14;
	v27 =	vperm.xlane v12, v2  }
0x7d: {  	v23 =	vadd.f32 v29, v23;
	v13 =	vadd.f32 v24, v13;
	v24 =	vperm.xlane v15, v3  }
0x7e: {  	v28 =	vperm.xlane v11, v2  }
0x7f: {  	v12 =	vadd.f32 v27, v12;
	v27 =	vperm.xlane v23, v3;
	v15 =	vadd.f32 v24, v15  }
0x80: {  	v29 =	vperm.xlane v14, v3  }
0x81: {  	v11 =	vadd.f32 v28, v11;
	[tilespmem:$0x1FE90] =	vst v15;
	v15 =	vadd.f32 v27, v23  }
0x82: {  	v14 =	vadd.f32 v29, v14;
	v28 =	vperm.xlane v12, v3  }
0x83: {  	[tilespmem:$0x1FEA0] =	vst v15;
	v15 =	vperm.xlane v11, v3  }
0x84: {  	[tilespmem:$0x1FE80] =	vst v14;
	v14 =	vperm.xlane v13, v3;
	v12 =	vadd.f32 v28, v12  }
0x85: {  	v11 =	vadd.f32 v15, v11  }
0x86: {  	v13 =	vadd.f32 v14, v13;
	[tilespmem:$0x1FEC0] =	vst v12;
	v12 =	vperm.xlane v19, v0  }
0x87: {  	v25 =	vadd.f32 v38, v25;
	[tilespmem:$0x1FED0] =	vst v11;
	v11 =	vperm.xlane v18, v0  }
0x88: {  	[tilespmem:$0x1FEB0] =	vst v13;
	v13 =	vperm.xlane v30, v0;
	v12 =	vadd.f32 v12, v19  }
0x89: {  	v14 =	vperm.xlane v25, v0;
	v11 =	vadd.f32 v11, v18  }
0x8a: {  	v15 =	vperm.xlane v31, v0;
	v13 =	vadd.f32 v13, v30;
	v19 =	vperm.xlane v12, v1  }
0x8b: {  	v14 =	vadd.f32 v14, v25;
	v18 =	vperm.xlane v26, v0;
	v23 =	vperm.xlane v11, v1  }
0x8c: {  	v15 =	vadd.f32 v15, v31;
	v24 =	vperm.xlane v13, v1;
	v12 =	vadd.f32 v19, v12  }
0x8d: {  	v19 =	vperm.xlane v14, v1;
	v18 =	vadd.f32 v18, v26;
	v11 =	vadd.f32 v23, v11  }
0x8e: {  	v25 =	vperm.xlane v15, v1;
	v13 =	vadd.f32 v24, v13;
	v24 =	vperm.xlane v12, v2  }
0x8f: {  	v14 =	vadd.f32 v19, v14;
	v23 =	vperm.xlane v18, v1;
	v19 =	vperm.xlane v11, v2  }
0x90: {  	v15 =	vadd.f32 v25, v15;
	v25 =	vperm.xlane v13, v2;
	v12 =	vadd.f32 v24, v12  }
0x91: {  	v18 =	vadd.f32 v23, v18;
	v23 =	vperm.xlane v14, v2;
	v11 =	vadd.f32 v19, v11  }
0x92: {  	v24 =	vperm.xlane v15, v2;
	v13 =	vadd.f32 v25, v13;
	v25 =	vperm.xlane v12, v3  }
0x93: {  	v14 =	vadd.f32 v23, v14;
	v23 =	vperm.xlane v11, v3  }
0x94: {  	v15 =	vadd.f32 v24, v15;
	v12 =	vadd.f32 v25, v12  }
0x95: {  	v19 =	vperm.xlane v18, v2;
	v24 =	vperm.xlane v13, v3;
	v11 =	vadd.f32 v23, v11  }
0x96: {  	[tilespmem:$0x1FEE0] =	vst v12;
	v12 =	vperm.xlane v14, v3  }
0x97: {  	v18 =	vadd.f32 v19, v18;
	[tilespmem:$0x1FEF0] =	vst v11;
	v11 =	vadd.f32 v24, v13  }
0x98: {  	v19 =	vperm.xlane v15, v3;
	v12 =	vadd.f32 v12, v14  }
0x99: {  	[tilespmem:$0x1FF00] =	vst v11;
	v11 =	vperm.xlane v18, v3  }
0x9a: {  	[tilespmem:$0x1FF10] =	vst v12;
	v12 =	vadd.f32 v19, v15  }
0x9b: {  	v11 =	vadd.f32 v11, v18  }
0x9c: {  	[tilespmem:$0x1FF20] =	vst v12;
	v12 =	vperm.xlane v10, v0  }
0x9d: {  	[tilespmem:$0x1FF30] =	vst v11;
	v11 =	vperm.xlane v22, v0  }
0x9e: {  	v13 =	vperm.xlane v20, v0;
	v10 =	vadd.f32 v12, v10  }
0x9f: {  	v12 =	vperm.xlane v17, v0;
	v11 =	vadd.f32 v11, v22  }
0xa0: {  	v14 =	vperm.xlane v21, v0;
	v13 =	vadd.f32 v13, v20;
	v18 =	vperm.xlane v10, v1  }
0xa1: {  	v15 =	vperm.xlane v9, v0;
	v12 =	vadd.f32 v12, v17;
	v17 =	vperm.xlane v11, v1  }
0xa2: {  	v14 =	vadd.f32 v14, v21;
	v19 =	vperm.xlane v13, v1;
	v10 =	vadd.f32 v18, v10  }
0xa3: {  	v9 =	vadd.f32 v15, v9;
	v15 =	vperm.xlane v12, v1;
	v11 =	vadd.f32 v17, v11  }
0xa4: {  	v13 =	vadd.f32 v19, v13;
	v18 =	vperm.xlane v14, v1;
	v19 =	vperm.xlane v10, v2  }
0xa5: {  	v12 =	vadd.f32 v15, v12;
	v17 =	vperm.xlane v9, v1;
	v15 =	vperm.xlane v11, v2  }
0xa6: {  	v14 =	vadd.f32 v18, v14;
	v18 =	vperm.xlane v13, v2;
	v10 =	vadd.f32 v19, v10  }
0xa7: {  	v9 =	vadd.f32 v17, v9;
	v17 =	vperm.xlane v12, v2;
	v11 =	vadd.f32 v15, v11  }
0xa8: {  	v19 =	vperm.xlane v14, v2;
	v13 =	vadd.f32 v18, v13;
	v18 =	vperm.xlane v10, v3  }
0xa9: {  	v12 =	vadd.f32 v17, v12;
	v17 =	vperm.xlane v11, v3  }
0xaa: {  	v14 =	vadd.f32 v19, v14;
	v10 =	vadd.f32 v18, v10  }
0xab: {  	v19 =	vperm.xlane v13, v3;
	v15 =	vperm.xlane v9, v2;
	v11 =	vadd.f32 v17, v11  }
0xac: {  	[tilespmem:$0x1FF40] =	vst v10;
	v10 =	vperm.xlane v12, v3  }
0xad: {  	v41 =	vperm.xlane v34, v3;
	v9 =	vadd.f32 v15, v9;
	[tilespmem:$0x1FF50] =	vst v11;
	v11 =	vadd.f32 v19, v13  }
0xae: {  	v36 =	vimm.f32 $0.0e+00;
	v15 =	vperm.xlane v14, v3;
	v10 =	vadd.f32 v10, v12  }
0xaf: {  	p0 =	seq.s32 s25, $0x4;
	v42 =	vadd.f32 v41, v34;
	v33 =	vimm.f32 $0.0e+00;
	[tilespmem:$0x1FF60] =	vst v11;
	v11 =	vperm.xlane v9, v3  }
0xb0: {  	s26 =	smul.u32 @!p0 $0x18000, s25;
	v32 =	vimm.f32 $0.0e+00;
	v35 =	vimm.f32 $0.0e+00;
	[tilespmem:$0x1FF70] =	vst v10;
	v10 =	vadd.f32 v15, v14  }
0xb1: {  	v29 =	vimm.f32 $0.0e+00;
	v27 =	vimm.f32 $0.0e+00;
	v9 =	vadd.f32 v11, v9  }
0xb2: {  	s0 =	sadd.s32 @!p0 s26, s8;
	v28 =	vimm.f32 $0.0e+00;
	[tilespmem:$0x1FF80] =	vst v10;
	v10 =	vperm.xlane v16, v0;
	v11 =	vperm.xlane v7, v0  }
0xb3: {  	s0 =	sshrl.u32 @!p0 s0, $0x3;
	v30 =	vimm.f32 $0.0e+00;
	v31 =	vimm.f32 $0.0e+00;
	[tilespmem:$0x1FF90] =	vst v9;
	v9 =	vperm.xlane v8, v0  }
0xb4: {  	s1 =	simm.s32 @!p0 $0x0;
	s3 =	simm.s32 @!p0 $0x800;
	s0 =	sadd.s32 @!p0 s2, s0;
	v13 =	vperm.xlane v4, v0;
	v10 =	vadd.f32 v10, v16;
	v7 =	vadd.f32 v11, v7  }
0xb5: {  	[tilespmem:s3], [sflag:$0x2] =	stream.linear.gather @!p0 [hbm4b:s0+s1], $0x8000, $0x38;
	v12 =	vperm.xlane v5, v0;
	v8 =	vadd.f32 v9, v8;
	v9 =	vperm.xlane v6, v0;
	[tilespmem:$0x18A00] =	vst v63  }
0xb6: {  	[tilespmem:$0x1FE10] =	vst v42;
	v4 =	vadd.f32 v13, v4;
	v11 =	vperm.xlane v10, v1;
	v13 =	vperm.xlane v7, v1  }
0xb7: {  	v5 =	vadd.f32 v12, v5;
	_ =	swait.ge [sflag:s19], $0x8000;
	v12 =	vperm.xlane v8, v1;
	v6 =	vadd.f32 v9, v6  }
0xb8: {  	[sflag:s19] =	ssyncset.done $0x0;
	v9 =	vadd.f32 v11, v10;
	v11 =	vperm.xlane v4, v1;
	v7 =	vadd.f32 v13, v7  }
0xb9: {  	s0 =	simm.s32 $0x0;
	v26 =	vimm.f32 $0.0e+00;
	[sflag:s19] =	ssyncadd.s32 $0xFFFF8000;
	v10 =	vperm.xlane v5, v1;
	v8 =	vadd.f32 v12, v8  }
0xba: {  	s15 =	sand.u32 $0x70, s0;
	s31 =	sand.u32 $0x3C00, s0;
	v14 =	vld [tilespmem:s0+$0x0];
	s0 =	sand.u32 $0x7, s0;
	v12 =	vperm.xlane v6, v1;
	v4 =	vadd.f32 v11, v4;
	v11 =	vperm.xlane v7, v2  }
0xbb: {  	s3 =	sor.u32 s15, s31;
	v25 =	vimm.f32 $0.0e+00;
	s0 =	sshll.u32 s0, $0x4;
	v13 =	vperm.xlane v9, v2;
	v5 =	vadd.f32 v10, v5  }
0xbc: {  	v18 =	vld [tilespmem:s3+$0xCA00];
	s0 =	sadd.s32 $0x0, s0;
	v10 =	vperm.xlane v8, v2;
	v6 =	vadd.f32 v12, v6;
	v7 =	vadd.f32 v11, v7  }
0xbd: {  	v23 =	vimm.f32 $0.0e+00;
	v38 =	vld [tilespmem:s3+$0xC900];
	s0 =	sor.u32 $0x380, s0;
	v9 =	vadd.f32 v13, v9;
	v13 =	vperm.xlane v4, v2  }
0xbe: {  	v22 =	vld [tilespmem:s0+$0x8800];
	v8 =	vadd.f32 v10, v8;
	v10 =	vperm.xlane v6, v2;
	v16 =	vperm.xlane v7, v3  }
0xbf: {  	v19 =	vld [tilespmem:s3+$0x8A80];
	v12 =	vperm.xlane v5, v2;
	v15 =	vperm.xlane v9, v3;
	v4 =	vadd.f32 v13, v4  }
0xc0: {  	v11 =	vld [tilespmem:s3+$0xCB80];
	v13 =	vperm.xlane v8, v3;
	v6 =	vadd.f32 v10, v6;
	v7 =	vadd.f32 v16, v7  }
0xc1: {  	v5 =	vadd.f32 v12, v5;
	v12 =	vld [tilespmem:s3+$0xCB00];
	v9 =	vadd.f32 v15, v9;
	v15 =	vperm.xlane v4, v3  }
0xc2: {  	v24 =	vimm.f32 $0.0e+00;
	v10 =	vld [tilespmem:s3+$0xCA80];
	v8 =	vadd.f32 v13, v8;
	[tilespmem:$0x1FFC0] =	vst v7;
	v7 =	vperm.xlane v6, v3  }
0xc3: {  	v40 =	vmul.f32 v38, v14;
	v48 =	vmul.f32 v22, v22;
	[tilespmem:$0x1FFA0] =	vst v9;
	v4 =	vadd.f32 v15, v4;
	v13 =	vld [tilespmem:s3+$0x8880]  }
0xc4: {  	v20 =	vld [tilespmem:s3+$0xC980];
	v45 =	vmul.f32 v22, v14;
	v9 =	vperm.xlane v5, v3;
	[tilespmem:$0x1FFB0] =	vst v8;
	v6 =	vadd.f32 v7, v6  }
0xc5: {  	v17 =	vimm.f32 $0.0e+00;
	v15 =	vmul.f32 v18, v14;
	[tilespmem:$0x1FFE0] =	vst v4;
	v4 =	vmul.f32 v11, v14;
	v8 =	vld [tilespmem:s3+$0x8B00]  }
0xc6: {  	v5 =	vadd.f32 v9, v5;
	v7 =	vmul.f32 v12, v12;
	v9 =	vld [tilespmem:s3+$0xC880];
	[tilespmem:$0x1FFF0] =	vst v6;
	v6 =	vmul.f32 v12, v14  }
0xc7: {  	v12 =	vmul.f32 v10, v14;
	v10 =	vmul.f32 v10, v10;
	v50 =	vadd.f32 v4, v17  }
0xc8: {  	[tilespmem:$0x1FFD0] =	vst v5;
	v5 =	vld [tilespmem:s3+$0x8A00];
	v4 =	vadd.f32 v7, v17;
	v7 =	vmul.f32 v19, v14;
	v42 =	vmul.f32 v13, v14  }
0xc9: {  	v22 =	vimm.f32 $0.0e+00;
	v39 =	vmul.f32 v13, v13;
	v13 =	vmul.f32 v20, v14  }
0xca: {  	v51 =	vadd.f32 v6, v17;
	v6 =	vmul.f32 v11, v11;
	v11 =	vadd.f32 v12, v17  }
0xcb: {  	v12 =	vadd.f32 v15, v17;
	v41 =	vmul.f32 v8, v14;
	v44 =	vmul.f32 v9, v14  }
0xcc: {  	v9 =	vmul.f32 v9, v9;
	v13 =	vadd.f32 v13, v17;
	v47 =	vmul.f32 v8, v8  }
0xcd: {  	v6 =	vadd.f32 v6, v17;
	v16 =	vmul.f32 v5, v14;
	v21 =	vmul.f32 v5, v5  }
0xce: {  	v46 =	vld [tilespmem:s3+$0xC800];
	v5 =	vadd.f32 v10, v17;
	v10 =	vmul.f32 v18, v18;
	v9 =	vadd.f32 v9, v17  }
0xcf: {  	v43 =	vld [tilespmem:s3+$0x8980];
	v18 =	vmul.f32 v20, v20;
	v15 =	vadd.f32 v16, v17;
	v16 =	vadd.f32 v7, v17  }
0xd0: {  	s28 =	simm.s32 $0x80;
	v34 =	vld [tilespmem:s3+$0x8900];
	v20 =	vimm.f32 $0.0e+00;
	v7 =	vadd.f32 v10, v17;
	v10 =	vadd.f32 v21, v17  }
0xd1: {  	s29 =	simm.s32 $0x1;
	s30 =	simm.s32 $0x10;
	v37 =	vld [tilespmem:s3+$0x8800];
	s0 =	simm.s32 $0x10;
	v8 =	vadd.f32 v18, v17;
	v18 =	vimm.f32 $0.0e+00;
	v21 =	vimm.f32 $0.0e+00  }
.LBB2_5:
0xd2: {  	s1 =	sand.u32 $0x7, s29  }
0xd3: {  	s3 =	sand.u32 $0x70, s0;
	s31 =	sand.u32 $0x3C00, s28;
	v17 =	vadd.f32 v41, v17;
	v41 =	vmul.f32 v46, v14;
	v33 =	vadd.f32 v44, v33;
	s15 =	smov.u32 s0  }
0xd4: {  	v19 =	vmul.f32 v19, v19;
	v18 =	vadd.f32 v48, v18;
	s1 =	sshll.u32 s1, $0x4;
	v44 =	vld [tilespmem:s30+$0x0];
	s3 =	sor.u32 s3, s31;
	s31 =	sadd.s32 $0x10, s0;
	v49 =	vmul.f32 v43, v14  }
0xd5: {  	p1 =	sne.s32 s0, $0x7F0;
	v35 =	vadd.f32 v42, v35;
	v42 =	vmul.f32 v46, v46;
	v32 =	vadd.f32 v47, v32;
	s1 =	sadd.s32 s1, s28;
	v48 =	vld [tilespmem:s3+$0xC980]  }
0xd6: {  	v46 =	vmul.f32 v37, v14;
	v38 =	vmul.f32 v38, v38;
	v30 =	vadd.f32 v45, v30;
	s0 =	sor.u32 $0x380, s1;
	v47 =	vld [tilespmem:s3+$0xC880]  }
0xd7: {  	v52 =	vmul.f32 v34, v14;
	v20 =	vadd.f32 v40, v20;
	v31 =	vadd.f32 v42, v31;
	v45 =	vld [tilespmem:s3+$0xCB80]  }
0xd8: {  	v42 =	vmul.f32 v43, v43;
	v27 =	vadd.f32 v19, v27;
	v26 =	vadd.f32 v49, v26;
	v40 =	vld [tilespmem:s3+$0xCB00]  }
0xd9: {  	v37 =	vmul.f32 v37, v37;
	v34 =	vmul.f32 v34, v34;
	v36 =	vadd.f32 v46, v36;
	v43 =	vld [tilespmem:s3+$0xCA80];
	v14 =	vmovc v44  }
0xda: {  	v23 =	vadd.f32 v39, v23;
	v28 =	vadd.f32 v42, v28;
	v44 =	vld [tilespmem:s3+$0xCA00]  }
0xdb: {  	v21 =	vadd.f32 v52, v21;
	v22 =	vadd.f32 v41, v22;
	v19 =	vld [tilespmem:s3+$0x8A80]  }
0xdc: {  	v29 =	vadd.f32 v37, v29;
	v24 =	vadd.f32 v34, v24;
	v39 =	vld [tilespmem:s3+$0x8A00];
	v41 =	vmul.f32 v45, v14  }
0xdd: {  	v25 =	vadd.f32 v38, v25;
	v49 =	vld [tilespmem:s3+$0x8B00];
	v37 =	vmul.f32 v40, v14;
	v40 =	vmul.f32 v40, v40  }
0xde: {  	v52 =	vld [tilespmem:s3+$0x8880];
	v38 =	vmul.f32 v43, v14;
	v42 =	vmul.f32 v43, v43;
	v50 =	vadd.f32 v41, v50  }
0xdf: {  	v34 =	vld [tilespmem:s3+$0x8900];
	v51 =	vadd.f32 v37, v51;
	v4 =	vadd.f32 v40, v4;
	v40 =	vmul.f32 v45, v45  }
0xe0: {  	v45 =	vmul.f32 v44, v14;
	v37 =	vld [tilespmem:s3+$0x8800];
	v43 =	vmul.f32 v19, v14;
	v11 =	vadd.f32 v38, v11  }
0xe1: {  	v5 =	vadd.f32 v42, v5;
	v46 =	vmul.f32 v39, v14;
	v53 =	vmul.f32 v39, v39;
	v38 =	vld [tilespmem:s3+$0xC900]  }
0xe2: {  	v12 =	vadd.f32 v45, v12;
	v45 =	vmul.f32 v44, v44;
	v41 =	vmul.f32 v49, v14;
	v54 =	vld [tilespmem:s0+$0x8800]  }
0xe3: {  	v44 =	vmul.f32 v47, v14;
	v16 =	vadd.f32 v43, v16;
	v15 =	vadd.f32 v46, v15  }
.Ltmp1:
0xe4: {  	v47 =	vmul.f32 v47, v47;
	v6 =	vadd.f32 v40, v6;
	v42 =	vmul.f32 v52, v14;
	v46 =	vld [tilespmem:s3+$0xC800];
	(pc) =	sbr.rel @p1 .LBB2_5-.Ltmp1, $4  }
0xe5: {  	v39 =	vmul.f32 v52, v52;
	v52 =	vmul.f32 v48, v14;
	v7 =	vadd.f32 v45, v7;
	v43 =	vld [tilespmem:s3+$0x8980]  }
0xe6: {  	v55 =	vmul.f32 v48, v48;
	v9 =	vadd.f32 v47, v9;
	v40 =	vmul.f32 v38, v14  }
0xe7: {  	s29 =	sadd.s32 $0x1, s29;
	v10 =	vadd.f32 v53, v10;
	v13 =	vadd.f32 v52, v13;
	v48 =	vmul.f32 v54, v54  }
0xe8: {  	s30 =	sadd.s32 $0x10, s30;
	s28 =	sadd.s32 $0x80, s28;
	v8 =	vadd.f32 v55, v8;
	s0 =	smov.u32 s31;
	v47 =	vmul.f32 v49, v49;
	v45 =	vmul.f32 v54, v14  }
0xe9: {  	v49 =	vmul.f32 v37, v14;
	_ =	sdelay $0x1  }
0xea: {  	v36 =	vadd.f32 v49, v36;
	_ =	sdelay $0x1  }
0xeb: {  	v35 =	vadd.f32 v42, v35;
	v56 =	vperm.xlane v36, v0;
	_ =	sdelay $0x1  }
0xec: {  	v57 =	vperm.xlane v35, v0;
	v36 =	vadd.f32 v56, v36;
	_ =	sdelay $0x1  }
0xed: {  	v35 =	vadd.f32 v57, v35;
	v61 =	vperm.xlane v36, v1  }
0xee: {  	v41 =	vadd.f32 v41, v17;
	v17 =	vadd.f32 v48, v18;
	v63 =	vmul.f32 v19, v19  }
0xef: {  	v18 =	vadd.f32 v47, v32;
	v62 =	vperm.xlane v35, v1;
	v32 =	vadd.f32 v61, v36  }
0xf0: {  	v49 =	vadd.f32 v40, v20  }
0xf1: {  	v20 =	vadd.f32 v63, v27;
	v35 =	vadd.f32 v62, v35;
	v27 =	vperm.xlane v32, v2  }
0xf2: {  	v58 =	vmul.f32 v46, v14  }
0xf3: {  	v60 =	vmul.f32 v46, v46;
	v53 =	vperm.xlane v35, v2;
	v27 =	vadd.f32 v27, v32  }
0xf4: {  	v59 =	vmul.f32 v43, v14;
	v14 =	vmul.f32 v34, v14  }
0xf5: {  	v55 =	vadd.f32 v53, v35;
	v57 =	vperm.xlane v27, v3  }
0xf6: {  	v19 =	vadd.f32 v60, v31;
	v31 =	vmul.f32 v38, v38;
	v21 =	vadd.f32 v14, v21  }
0xf7: {  	v22 =	vadd.f32 v58, v22;
	v58 =	vperm.xlane v55, v3;
	v27 =	vadd.f32 v57, v27  }
0xf8: {  	v14 =	vadd.f32 v31, v25;
	v25 =	vperm.xlane v21, v0  }
0xf9: {  	v26 =	vadd.f32 v59, v26;
	[tilespmem:$0x1FC80] =	vst v27;
	v27 =	vadd.f32 v58, v55  }
0xfa: {  	v21 =	vadd.f32 v25, v21  }
0xfb: {  	[tilespmem:$0x1FC90] =	vst v27;
	v27 =	vperm.xlane v26, v0  }
0xfc: {  	v60 =	vperm.xlane v21, v1  }
0xfd: {  	v30 =	vadd.f32 v45, v30;
	v25 =	vperm.xlane v15, v0;
	v26 =	vadd.f32 v27, v26  }
0xfe: {  	v31 =	vperm.xlane v16, v0;
	v21 =	vadd.f32 v60, v21;
	v27 =	vperm.xlane v41, v0  }
0xff: {  	v59 =	vperm.xlane v30, v0;
	v15 =	vadd.f32 v25, v15;
	v25 =	vperm.xlane v26, v1  }
0x100: {  	v16 =	vadd.f32 v31, v16;
	v63 =	vperm.xlane v21, v2;
	v27 =	vadd.f32 v27, v41  }
0x101: {  	v30 =	vadd.f32 v59, v30;
	v31 =	vperm.xlane v15, v1;
	v25 =	vadd.f32 v25, v26  }
0x102: {  	v61 =	vperm.xlane v16, v1;
	v21 =	vadd.f32 v63, v21;
	v26 =	vperm.xlane v27, v1  }
0x103: {  	v62 =	vperm.xlane v30, v1;
	v15 =	vadd.f32 v31, v15;
	v31 =	vperm.xlane v25, v2  }
0x104: {  	v16 =	vadd.f32 v61, v16;
	v35 =	vperm.xlane v21, v3;
	v26 =	vadd.f32 v26, v27  }
0x105: {  	v27 =	vadd.f32 v62, v30;
	v30 =	vperm.xlane v15, v2;
	v25 =	vadd.f32 v31, v25  }
0x106: {  	v32 =	vperm.xlane v16, v2;
	v21 =	vadd.f32 v35, v21  }
0x107: {  	v31 =	vperm.xlane v26, v2;
	v15 =	vadd.f32 v30, v15;
	v30 =	vperm.xlane v25, v3  }
0x108: {  	v56 =	vmul.f32 v34, v34;
	v16 =	vadd.f32 v32, v16;
	v34 =	vperm.xlane v27, v2  }
0x109: {  	[tilespmem:$0x1FCA0] =	vst v21;
	v26 =	vadd.f32 v31, v26;
	v21 =	vperm.xlane v15, v3;
	v25 =	vadd.f32 v30, v25  }
0x10a: {  	v27 =	vadd.f32 v34, v27  }
0x10b: {  	v31 =	vperm.xlane v16, v3;
	v15 =	vadd.f32 v21, v15;
	[tilespmem:$0x1FCB0] =	vst v25;
	v25 =	vperm.xlane v26, v3;
	_ =	sdelay $0x1  }
0x10c: {  	v30 =	vperm.xlane v27, v3;
	[tilespmem:$0x1FCC0] =	vst v15;
	v15 =	vadd.f32 v31, v16;
	v16 =	vadd.f32 v25, v26;
	_ =	sdelay $0x1  }
0x10d: {  	v33 =	vadd.f32 v44, v33;
	[tilespmem:$0x1FCE0] =	vst v16;
	v16 =	vadd.f32 v30, v27  }
0x10e: {  	[tilespmem:$0x1FCD0] =	vst v15;
	v15 =	vperm.xlane v22, v0  }
0x10f: {  	[tilespmem:$0x1FCF0] =	vst v16;
	v16 =	vperm.xlane v33, v0  }
0x110: {  	v15 =	vadd.f32 v15, v22;
	v22 =	vperm.xlane v13, v0  }
0x111: {  	v21 =	vperm.xlane v49, v0;
	v16 =	vadd.f32 v16, v33  }
0x112: {  	v26 =	vperm.xlane v11, v0;
	v13 =	vadd.f32 v22, v13  }
0x113: {  	v21 =	vadd.f32 v21, v49;
	v25 =	vperm.xlane v12, v0;
	v22 =	vperm.xlane v16, v1  }
0x114: {  	v11 =	vadd.f32 v26, v11;
	v27 =	vperm.xlane v15, v1;
	v26 =	vperm.xlane v13, v1  }
0x115: {  	v12 =	vadd.f32 v25, v12;
	v25 =	vperm.xlane v21, v1;
	v16 =	vadd.f32 v22, v16  }
0x116: {  	v15 =	vadd.f32 v27, v15;
	v27 =	vperm.xlane v11, v1;
	v13 =	vadd.f32 v26, v13  }
0x117: {  	v21 =	vadd.f32 v25, v21;
	v22 =	vperm.xlane v12, v1;
	v25 =	vperm.xlane v16, v2  }
0x118: {  	v30 =	vperm.xlane v15, v2;
	v11 =	vadd.f32 v27, v11;
	v26 =	vperm.xlane v13, v2  }
0x119: {  	v12 =	vadd.f32 v22, v12;
	v22 =	vperm.xlane v21, v2;
	v16 =	vadd.f32 v25, v16  }
0x11a: {  	v15 =	vadd.f32 v30, v15;
	v27 =	vperm.xlane v11, v2;
	v13 =	vadd.f32 v26, v13  }
0x11b: {  	v25 =	vperm.xlane v12, v2;
	v21 =	vadd.f32 v22, v21;
	v22 =	vperm.xlane v16, v3  }
0x11c: {  	v30 =	vperm.xlane v15, v3;
	v11 =	vadd.f32 v27, v11  }
0x11d: {  	v12 =	vadd.f32 v25, v12;
	v25 =	vperm.xlane v13, v3;
	v16 =	vadd.f32 v22, v16  }
0x11e: {  	v15 =	vadd.f32 v30, v15;
	v22 =	vperm.xlane v11, v3  }
0x11f: {  	v13 =	vadd.f32 v25, v13;
	[tilespmem:$0x1FD10] =	vst v16;
	v16 =	vperm.xlane v12, v3  }
0x120: {  	v54 =	vmul.f32 v37, v37;
	[tilespmem:$0x1FD00] =	vst v15;
	v15 =	vperm.xlane v21, v3;
	v11 =	vadd.f32 v22, v11  }
0x121: {  	v23 =	vadd.f32 v39, v23;
	[tilespmem:$0x1FD30] =	vst v13;
	v13 =	vperm.xlane v51, v0;
	v12 =	vadd.f32 v16, v12  }
0x122: {  	v29 =	vadd.f32 v54, v29;
	v15 =	vadd.f32 v15, v21;
	[tilespmem:$0x1FD50] =	vst v11;
	v11 =	vperm.xlane v50, v0  }
0x123: {  	v52 =	vmul.f32 v43, v43;
	v24 =	vadd.f32 v56, v24;
	[tilespmem:$0x1FD40] =	vst v12;
	v12 =	vadd.f32 v13, v51  }
0x124: {  	[tilespmem:$0x1FD20] =	vst v15;
	v15 =	vperm.xlane v23, v0;
	v13 =	vperm.xlane v29, v0;
	v11 =	vadd.f32 v11, v50  }
0x125: {  	v28 =	vadd.f32 v52, v28;
	v16 =	vperm.xlane v24, v0;
	v22 =	vperm.xlane v12, v1  }
0x126: {  	v15 =	vadd.f32 v15, v23;
	v13 =	vadd.f32 v13, v29;
	v23 =	vperm.xlane v11, v1  }
0x127: {  	v21 =	vperm.xlane v28, v0;
	v12 =	vadd.f32 v22, v12  }
0x128: {  	v16 =	vadd.f32 v16, v24;
	v22 =	vperm.xlane v13, v1;
	v11 =	vadd.f32 v23, v11  }
0x129: {  	v21 =	vadd.f32 v21, v28;
	v26 =	vperm.xlane v12, v2  }
0x12a: {  	v23 =	vperm.xlane v16, v1;
	v13 =	vadd.f32 v22, v13;
	v22 =	vperm.xlane v11, v2  }
0x12b: {  	v25 =	vperm.xlane v21, v1;
	v24 =	vperm.xlane v15, v1;
	v12 =	vadd.f32 v26, v12  }
0x12c: {  	v16 =	vadd.f32 v23, v16;
	v23 =	vperm.xlane v13, v2;
	v11 =	vadd.f32 v22, v11  }
0x12d: {  	v21 =	vadd.f32 v25, v21;
	v15 =	vadd.f32 v24, v15;
	v26 =	vperm.xlane v12, v3  }
0x12e: {  	v22 =	vperm.xlane v16, v2;
	v13 =	vadd.f32 v23, v13;
	v23 =	vperm.xlane v11, v3  }
0x12f: {  	v24 =	vperm.xlane v15, v2;
	v12 =	vadd.f32 v26, v12  }
0x130: {  	v25 =	vperm.xlane v21, v2;
	v16 =	vadd.f32 v22, v16;
	v11 =	vadd.f32 v23, v11  }
0x131: {  	v15 =	vadd.f32 v24, v15;
	[tilespmem:$0x1FD60] =	vst v12;
	v12 =	vperm.xlane v13, v3  }
0x132: {  	v21 =	vadd.f32 v25, v21;
	[tilespmem:$0x1FD70] =	vst v11;
	v11 =	vperm.xlane v16, v3  }
0x133: {  	v22 =	vperm.xlane v15, v3;
	v12 =	vadd.f32 v12, v13  }
0x134: {  	v23 =	vperm.xlane v21, v3;
	v11 =	vadd.f32 v11, v16  }
0x135: {  	[tilespmem:$0x1FD80] =	vst v12;
	v12 =	vadd.f32 v22, v15  }
0x136: {  	[tilespmem:$0x1FDA0] =	vst v11;
	v11 =	vadd.f32 v23, v21  }
0x137: {  	[tilespmem:$0x1FD90] =	vst v12;
	v12 =	vperm.xlane v10, v0  }
0x138: {  	[tilespmem:$0x1FDB0] =	vst v11;
	v11 =	vperm.xlane v20, v0  }
0x139: {  	v13 =	vperm.xlane v17, v0;
	v16 =	vperm.xlane v9, v0;
	v10 =	vadd.f32 v12, v10  }
0x13a: {  	v15 =	vperm.xlane v19, v0;
	v12 =	vperm.xlane v18, v0;
	v11 =	vadd.f32 v11, v20  }
0x13b: {  	v13 =	vadd.f32 v13, v17;
	v9 =	vadd.f32 v16, v9;
	v20 =	vperm.xlane v10, v1  }
0x13c: {  	v15 =	vadd.f32 v15, v19;
	v12 =	vadd.f32 v12, v18;
	v17 =	vperm.xlane v11, v1  }
0x13d: {  	v19 =	vperm.xlane v9, v1;
	v10 =	vadd.f32 v20, v10  }
0x13e: {  	v16 =	vperm.xlane v12, v1;
	v11 =	vadd.f32 v17, v11;
	v17 =	vperm.xlane v15, v1  }
0x13f: {  	v9 =	vadd.f32 v19, v9;
	v18 =	vperm.xlane v13, v1;
	v20 =	vperm.xlane v10, v2  }
0x140: {  	v12 =	vadd.f32 v16, v12;
	v16 =	vperm.xlane v11, v2;
	v15 =	vadd.f32 v17, v15  }
0x141: {  	v19 =	vperm.xlane v9, v2;
	v13 =	vadd.f32 v18, v13;
	v10 =	vadd.f32 v20, v10  }
0x142: {  	v17 =	vperm.xlane v12, v2;
	v11 =	vadd.f32 v16, v11;
	v16 =	vperm.xlane v15, v2  }
0x143: {  	v18 =	vperm.xlane v13, v2;
	v20 =	vperm.xlane v10, v3  }
0x144: {  	v12 =	vadd.f32 v17, v12;
	v17 =	vperm.xlane v11, v3;
	v15 =	vadd.f32 v16, v15  }
0x145: {  	v9 =	vadd.f32 v19, v9;
	v13 =	vadd.f32 v18, v13  }
0x146: {  	s0 =	sadd.s32 @!p0 s26, s9;
	v10 =	vadd.f32 v20, v10;
	v61 =	vadd.f32 v17, v11;
	v11 =	vperm.xlane v15, v3  }
0x147: {  	s0 =	sshrl.u32 @!p0 s0, $0x3;
	v17 =	vperm.xlane v9, v3  }
0x148: {  	s1 =	simm.s32 @!p0 $0x0;
	s3 =	simm.s32 @!p0 $0x8800;
	s0 =	sadd.s32 @!p0 s2, s0;
	v16 =	vperm.xlane v13, v3;
	[tilespmem:$0x1FDC0] =	vst v10;
	v10 =	vperm.xlane v12, v3;
	v11 =	vadd.f32 v11, v15  }
0x149: {  	[tilespmem:s3], [sflag:$0x3] =	stream.linear.gather @!p0 [hbm4b:s0+s1], $0x8000, $0x38;
	v9 =	vadd.f32 v17, v9;
	[tilespmem:$0x18A00] =	vst v63  }
0x14a: {  	v60 =	vadd.f32 v10, v12;
	v10 =	vadd.f32 v16, v13;
	[tilespmem:$0x1FDE0] =	vst v11;
	v12 =	vperm.xlane v5, v0  }
0x14b: {  	v42 =	vimm.f32 $0.0e+00;
	v44 =	vimm.f32 $0.0e+00;
	v37 =	vimm.f32 $0.0e+00;
	[tilespmem:$0x1FDF0] =	vst v9  }
0x14c: {  	v39 =	vimm.f32 $0.0e+00;
	v43 =	vimm.f32 $0.0e+00;
	[tilespmem:$0x1FDD0] =	vst v10;
	v5 =	vadd.f32 v12, v5  }
0x14d: {  	v40 =	vimm.f32 $0.0e+00;
	v38 =	vimm.f32 $0.0e+00;
	v32 =	vimm.f32 $0.0e+00;
	_ =	swait.ge [sflag:s20], $0x8000  }
0x14e: {  	s0 =	simm.s32 $0x0;
	v35 =	vimm.f32 $0.0e+00;
	v41 =	vimm.f32 $0.0e+00;
	v12 =	vperm.xlane v5, v1;
	[sflag:s20] =	ssyncset.done $0x0  }
0x14f: {  	s3 =	sand.u32 $0x70, s0;
	s15 =	sand.u32 $0x3C00, s0;
	v31 =	vimm.f32 $0.0e+00;
	v9 =	vperm.xlane v8, v0;
	v10 =	vperm.xlane v14, v0;
	[sflag:s20] =	ssyncadd.s32 $0xFFFF8000  }
0x150: {  	s3 =	sor.u32 s3, s15;
	v33 =	vimm.f32 $0.0e+00;
	v13 =	vperm.xlane v6, v0;
	v5 =	vadd.f32 v12, v5;
	v12 =	vld [tilespmem:s0+$0x0]  }
0x151: {  	v11 =	vperm.xlane v7, v0;
	v8 =	vadd.f32 v9, v8;
	v10 =	vadd.f32 v10, v14;
	v16 =	vld [tilespmem:s3+$0x14900]  }
0x152: {  	s28 =	sadd.s32 $0x10800, s3;
	v27 =	vimm.f32 $0.0e+00;
	v9 =	vperm.xlane v4, v0;
	v6 =	vadd.f32 v13, v6;
	v17 =	vld [tilespmem:s3+$0x14880]  }
0x153: {  	v7 =	vadd.f32 v11, v7;
	v11 =	vperm.xlane v8, v1;
	v14 =	vperm.xlane v10, v1;
	v19 =	vld [tilespmem:s28+$0x200]  }
0x154: {  	v30 =	vimm.f32 $0.0e+00;
	v4 =	vadd.f32 v9, v4;
	v13 =	vperm.xlane v6, v1;
	v21 =	vld [tilespmem:s28+$0x300]  }
0x155: {  	v8 =	vadd.f32 v11, v8;
	v34 =	vld [tilespmem:s3+$0x14A80];
	v9 =	vadd.f32 v14, v10;
	v10 =	vperm.xlane v7, v1  }
0x156: {  	v11 =	vperm.xlane v4, v1;
	v6 =	vadd.f32 v13, v6;
	v45 =	vld [tilespmem:s28+$0x100];
	v13 =	vperm.xlane v5, v2  }
0x157: {  	s0 =	sand.u32 $0x7, s0;
	v25 =	vld [tilespmem:s3+$0x14980];
	v14 =	vperm.xlane v9, v2;
	v7 =	vadd.f32 v10, v7;
	v10 =	vperm.xlane v8, v2  }
0x158: {  	v28 =	vimm.f32 $0.0e+00;
	s0 =	sshll.u32 s0, $0x4;
	v22 =	vmul.f32 v17, v12;
	v24 =	vmul.f32 v19, v19  }
0x159: {  	v26 =	vimm.f32 $0.0e+00;
	v50 =	vld [tilespmem:s28+$0x180];
	s0 =	sadd.s32 $0x0, s0;
	v48 =	vmul.f32 v21, v21;
	v47 =	vmul.f32 v21, v12  }
0x15a: {  	v4 =	vadd.f32 v11, v4;
	s0 =	sor.u32 $0x380, s0;
	v21 =	vmul.f32 v17, v17;
	v46 =	vmul.f32 v34, v12  }
0x15b: {  	v13 =	vadd.f32 v13, v5;
	v23 =	vld [tilespmem:s0+$0x10800];
	v52 =	vmul.f32 v16, v16;
	v56 =	vmul.f32 v45, v12  }
0x15c: {  	v57 =	vmul.f32 v25, v25;
	v9 =	vadd.f32 v14, v9;
	v11 =	vperm.xlane v7, v2  }
0x15d: {  	v8 =	vadd.f32 v10, v8;
	v10 =	vperm.xlane v4, v2;
	v14 =	vperm.xlane v6, v2  }
0x15e: {  	v53 =	vmul.f32 v50, v12;
	v15 =	vperm.xlane v9, v3;
	v11 =	vadd.f32 v11, v7  }
0x15f: {  	v5 =	vperm.xlane v8, v3;
	v10 =	vadd.f32 v10, v4;
	v14 =	vadd.f32 v14, v6  }
0x160: {  	v20 =	vld [tilespmem:s3+$0x14A00];
	v51 =	vmul.f32 v23, v23;
	v7 =	vadd.f32 v15, v9;
	v4 =	vperm.xlane v11, v3  }
0x161: {  	v9 =	vperm.xlane v13, v3;
	v15 =	vld [tilespmem:s3+$0x10800];
	v6 =	vadd.f32 v5, v8;
	v8 =	vperm.xlane v10, v3  }
0x162: {  	v54 =	vmul.f32 v23, v12;
	v18 =	vperm.xlane v14, v3;
	v5 =	vadd.f32 v4, v11  }
0x163: {  	v4 =	vadd.f32 v9, v13;
	v63 =	vadd.f32 v8, v10;
	v8 =	vmul.f32 v16, v12  }
0x164: {  	v62 =	vadd.f32 v18, v14;
	v13 =	vld [tilespmem:s28+$0x280];
	v18 =	vimm.f32 $0.0e+00;
	v9 =	vmul.f32 v19, v12  }
0x165: {  	v14 =	vadd.f32 v8, v18;
	v8 =	vmul.f32 v20, v20;
	v20 =	vmul.f32 v20, v12  }
0x166: {  	v22 =	vadd.f32 v22, v18;
	v10 =	vmul.f32 v15, v12;
	v11 =	vmul.f32 v15, v15  }
0x167: {  	v15 =	vadd.f32 v9, v18;
	v9 =	vadd.f32 v24, v18;
	v24 =	vimm.f32 $0.0e+00  }
0x168: {  	v55 =	vld [tilespmem:s28+$0x80];
	v8 =	vadd.f32 v8, v18;
	v17 =	vadd.f32 v20, v18;
	v20 =	vmul.f32 v25, v12  }
0x169: {  	v29 =	vld [tilespmem:s3+$0x14800];
	v25 =	vimm.f32 $0.0e+00;
	v19 =	vadd.f32 v10, v18;
	v10 =	vmul.f32 v13, v12  }
0x16a: {  	s31 =	simm.s32 $0x10;
	v36 =	vld [tilespmem:s3+$0x14B80];
	v11 =	vadd.f32 v11, v18;
	v23 =	vadd.f32 v20, v18;
	v20 =	vimm.f32 $0.0e+00  }
0x16b: {  	s29 =	simm.s32 $0x1;
	s30 =	simm.s32 $0x10;
	v49 =	vld [tilespmem:s3+$0x14B00];
	s28 =	simm.s32 $0x80;
	v16 =	vadd.f32 v10, v18;
	v10 =	vadd.f32 v21, v18;
	v21 =	vimm.f32 $0.0e+00  }
.LBB2_7:
0x16c: {  	s0 =	sand.u32 $0x7, s29  }
0x16d: {  	s1 =	sand.u32 $0x70, s31;
	s3 =	sand.u32 $0x3C00, s28;
	v58 =	vmul.f32 v55, v12;
	v18 =	vadd.f32 v56, v18;
	v24 =	vadd.f32 v57, v24;
	s15 =	smov.u32 s31  }
0x16e: {  	v55 =	vmul.f32 v55, v55;
	v50 =	vmul.f32 v50, v50;
	v25 =	vadd.f32 v52, v25;
	s0 =	sshll.u32 s0, $0x4;
	v56 =	vld [tilespmem:s30+$0x0];
	s3 =	sor.u32 s1, s3;
	s1 =	sadd.s32 $0x10, s31  }
0x16f: {  	p1 =	sne.s32 s31, $0x7F0;
	v34 =	vmul.f32 v34, v34;
	v32 =	vadd.f32 v53, v32;
	v42 =	vadd.f32 v54, v42;
	s15 =	sadd.s32 s0, s28;
	s0 =	sadd.s32 $0x10800, s3;
	v52 =	vld [tilespmem:s3+$0x14900]  }
0x170: {  	v43 =	vadd.f32 v51, v43;
	v44 =	vadd.f32 v58, v44;
	v53 =	vld [tilespmem:s0+$0x300];
	s15 =	sor.u32 $0x380, s15;
	v51 =	vmul.f32 v49, v12  }
0x171: {  	v45 =	vmul.f32 v45, v45;
	v57 =	vmul.f32 v13, v13;
	v33 =	vadd.f32 v48, v33;
	v54 =	vld [tilespmem:s3+$0x14880]  }
0x172: {  	v41 =	vadd.f32 v55, v41;
	v55 =	vmul.f32 v29, v12;
	v48 =	vld [tilespmem:s0+$0x200];
	v40 =	vadd.f32 v51, v40  }
0x173: {  	v38 =	vadd.f32 v47, v38;
	v47 =	vmul.f32 v29, v29;
	v37 =	vadd.f32 v50, v37;
	v13 =	vld [tilespmem:s0+$0x280]  }
0x174: {  	v31 =	vadd.f32 v46, v31;
	v39 =	vadd.f32 v45, v39;
	v50 =	vmul.f32 v52, v56;
	v51 =	vld [tilespmem:s3+$0x14A00]  }
0x175: {  	v28 =	vadd.f32 v57, v28;
	v35 =	vadd.f32 v34, v35;
	v34 =	vmul.f32 v36, v12;
	v12 =	vmovc v56;
	v45 =	vld [tilespmem:s3+$0x10800]  }
0x176: {  	v36 =	vmul.f32 v36, v36;
	v46 =	vmul.f32 v49, v49;
	v30 =	vadd.f32 v55, v30;
	v58 =	vld [tilespmem:s15+$0x10800]  }
0x177: {  	v20 =	vadd.f32 v34, v20;
	v49 =	vmul.f32 v54, v12;
	v14 =	vadd.f32 v50, v14;
	v29 =	vld [tilespmem:s3+$0x14800]  }
0x178: {  	v26 =	vadd.f32 v36, v26;
	v50 =	vmul.f32 v48, v12;
	v55 =	vmul.f32 v48, v48;
	v34 =	vld [tilespmem:s3+$0x14A80]  }
0x179: {  	v27 =	vadd.f32 v46, v27;
	v56 =	vmul.f32 v51, v12;
	v48 =	vmul.f32 v51, v51;
	v36 =	vld [tilespmem:s3+$0x14B80]  }
0x17a: {  	v21 =	vadd.f32 v47, v21;
	v46 =	vmul.f32 v45, v12;
	v51 =	vmul.f32 v45, v45;
	v45 =	vld [tilespmem:s0+$0x100]  }
0x17b: {  	v15 =	vadd.f32 v50, v15;
	v57 =	vld [tilespmem:s3+$0x14980];
	v8 =	vadd.f32 v48, v8  }
0x17c: {  	v59 =	vmul.f32 v13, v12;
	v48 =	vmul.f32 v53, v53;
	v19 =	vadd.f32 v46, v19  }
0x17d: {  	v47 =	vmul.f32 v53, v12;
	v9 =	vadd.f32 v55, v9;
	v11 =	vadd.f32 v51, v11;
	v50 =	vld [tilespmem:s0+$0x180]  }
.Ltmp2:
0x17e: {  	v53 =	vmul.f32 v54, v54;
	v17 =	vadd.f32 v56, v17;
	v46 =	vmul.f32 v34, v12;
	v55 =	vld [tilespmem:s0+$0x80];
	(pc) =	sbr.rel @p1 .LBB2_7-.Ltmp2, $4  }
0x17f: {  	v52 =	vmul.f32 v52, v52;
	v51 =	vmul.f32 v58, v58  }
0x180: {  	v16 =	vadd.f32 v59, v16;
	v10 =	vadd.f32 v53, v10;
	v59 =	vmul.f32 v57, v12  }
0x181: {  	s29 =	sadd.s32 $0x1, s29;
	v22 =	vadd.f32 v49, v22;
	v56 =	vmul.f32 v45, v12;
	v57 =	vmul.f32 v57, v57;
	v49 =	vld [tilespmem:s3+$0x14B00]  }
0x182: {  	s30 =	sadd.s32 $0x10, s30;
	s28 =	sadd.s32 $0x80, s28;
	s31 =	smov.u32 s1;
	v54 =	vmul.f32 v58, v12;
	v53 =	vmul.f32 v50, v12;
	v23 =	vadd.f32 v59, v23  }
0x183: {  	v58 =	vmul.f32 v55, v12;
	v18 =	vadd.f32 v56, v18  }
0x184: {  	v24 =	vadd.f32 v57, v24;
	v25 =	vadd.f32 v52, v25;
	v59 =	vperm.xlane v19, v0  }
0x185: {  	v33 =	vadd.f32 v48, v33;
	v45 =	vmul.f32 v45, v45;
	v52 =	vadd.f32 v53, v32  }
0x186: {  	v42 =	vadd.f32 v54, v42;
	v32 =	vadd.f32 v51, v43;
	v54 =	vmul.f32 v55, v55  }
0x187: {  	v13 =	vmul.f32 v13, v13;
	v44 =	vadd.f32 v58, v44;
	v19 =	vadd.f32 v59, v19  }
0x188: {  	v58 =	vmul.f32 v50, v50;
	v56 =	vmul.f32 v49, v12;
	v41 =	vadd.f32 v54, v41  }
0x189: {  	v54 =	vmul.f32 v34, v34;
	v34 =	vadd.f32 v13, v28;
	v55 =	vperm.xlane v44, v0  }
0x18a: {  	v43 =	vmul.f32 v36, v36;
	v37 =	vadd.f32 v58, v37;
	v40 =	vadd.f32 v56, v40  }
0x18b: {  	v59 =	vperm.xlane v19, v1;
	v28 =	vadd.f32 v54, v35;
	v57 =	vadd.f32 v55, v44  }
0x18c: {  	v58 =	vmul.f32 v36, v12;
	v44 =	vadd.f32 v47, v38;
	v38 =	vadd.f32 v45, v39  }
0x18d: {  	v50 =	vperm.xlane v52, v0;
	v19 =	vadd.f32 v59, v19;
	v45 =	vadd.f32 v46, v31  }
0x18e: {  	v55 =	vmul.f32 v29, v12;
	v59 =	vmul.f32 v49, v49;
	v36 =	vadd.f32 v58, v20  }
0x18f: {  	v46 =	vmul.f32 v29, v29;
	v49 =	vperm.xlane v18, v0;
	v20 =	vadd.f32 v50, v52  }
0x190: {  	v51 =	vperm.xlane v57, v1;
	v35 =	vadd.f32 v55, v30;
	v30 =	vadd.f32 v43, v26  }
0x191: {  	v56 =	vperm.xlane v19, v2;
	v31 =	vadd.f32 v59, v27;
	v39 =	vadd.f32 v46, v21  }
0x192: {  	v18 =	vadd.f32 v49, v18;
	v58 =	vperm.xlane v20, v1;
	v53 =	vadd.f32 v51, v57  }
0x193: {  	v54 =	vperm.xlane v44, v0;
	v55 =	vperm.xlane v42, v0;
	v19 =	vadd.f32 v56, v19  }
0x194: {  	v51 =	vperm.xlane v15, v0;
	v20 =	vadd.f32 v58, v20;
	v57 =	vperm.xlane v53, v2  }
0x195: {  	v56 =	vadd.f32 v54, v44;
	v21 =	vadd.f32 v55, v42;
	v47 =	vperm.xlane v19, v3  }
0x196: {  	v15 =	vadd.f32 v51, v15;
	v50 =	vperm.xlane v20, v2;
	v13 =	vadd.f32 v57, v53  }
0x197: {  	v12 =	vadd.f32 v47, v19;
	v53 =	vperm.xlane v16, v0;
	v57 =	vperm.xlane v18, v1  }
0x198: {  	v59 =	vperm.xlane v15, v1;
	v47 =	vperm.xlane v56, v1;
	v27 =	vadd.f32 v50, v20  }
0x199: {  	v50 =	vperm.xlane v17, v0;
	v16 =	vadd.f32 v53, v16;
	v18 =	vadd.f32 v57, v18  }
0x19a: {  	v48 =	vperm.xlane v13, v3;
	v15 =	vadd.f32 v59, v15;
	v19 =	vadd.f32 v47, v56  }
0x19b: {  	v56 =	vperm.xlane v27, v3;
	v47 =	vperm.xlane v22, v0;
	v17 =	vadd.f32 v50, v17  }
0x19c: {  	v13 =	vadd.f32 v48, v13;
	v46 =	vperm.xlane v16, v1;
	v48 =	vperm.xlane v21, v1  }
0x19d: {  	v49 =	vperm.xlane v18, v2;
	v29 =	vperm.xlane v15, v2;
	v22 =	vadd.f32 v47, v22  }
0x19e: {  	v42 =	vperm.xlane v19, v2;
	v16 =	vadd.f32 v46, v16;
	v21 =	vadd.f32 v48, v21  }
0x19f: {  	v18 =	vadd.f32 v49, v18;
	v46 =	vperm.xlane v35, v0;
	v48 =	vperm.xlane v14, v0  }
0x1a0: {  	v15 =	vadd.f32 v29, v15;
	v49 =	vperm.xlane v23, v0;
	v51 =	vperm.xlane v16, v2  }
0x1a1: {  	v53 =	vadd.f32 v42, v19;
	v52 =	vperm.xlane v21, v2;
	v54 =	vperm.xlane v18, v3  }
0x1a2: {  	v57 =	vperm.xlane v15, v3;
	v26 =	vadd.f32 v46, v35;
	v14 =	vadd.f32 v48, v14  }
0x1a3: {  	v59 =	vperm.xlane v53, v3;
	v23 =	vadd.f32 v49, v23;
	v16 =	vadd.f32 v51, v16  }
0x1a4: {  	v55 =	vadd.f32 v52, v21;
	v20 =	vadd.f32 v54, v18;
	v51 =	vperm.xlane v45, v0  }
0x1a5: {  	v21 =	vadd.f32 v56, v27;
	v52 =	vperm.xlane v26, v1;
	v54 =	vperm.xlane v14, v1  }
0x1a6: {  	v19 =	vadd.f32 v57, v15;
	v56 =	vperm.xlane v17, v1;
	v58 =	vperm.xlane v16, v3  }
0x1a7: {  	v44 =	vperm.xlane v55, v3;
	v27 =	vadd.f32 v51, v45;
	v26 =	vadd.f32 v52, v26  }
0x1a8: {  	v14 =	vadd.f32 v54, v14;
	v17 =	vadd.f32 v56, v17;
	v54 =	vperm.xlane v36, v0  }
0x1a9: {  	v18 =	vadd.f32 v58, v16;
	v16 =	vadd.f32 v59, v53;
	v53 =	vperm.xlane v22, v1  }
0x1aa: {  	v15 =	vadd.f32 v44, v55;
	v55 =	vperm.xlane v23, v1;
	v57 =	vperm.xlane v27, v1  }
0x1ab: {  	v58 =	vperm.xlane v26, v2;
	v42 =	vperm.xlane v14, v2;
	v22 =	vadd.f32 v53, v22  }
0x1ac: {  	v43 =	vperm.xlane v17, v2;
	v23 =	vadd.f32 v55, v23;
	v27 =	vadd.f32 v57, v27  }
0x1ad: {  	v26 =	vadd.f32 v58, v26;
	v53 =	vperm.xlane v40, v0;
	v55 =	vperm.xlane v11, v0  }
0x1ae: {  	v14 =	vadd.f32 v42, v14;
	v57 =	vperm.xlane v38, v0;
	v59 =	vperm.xlane v22, v2  }
0x1af: {  	v17 =	vadd.f32 v43, v17;
	v45 =	vperm.xlane v23, v2;
	v46 =	vperm.xlane v27, v2  }
0x1b0: {  	v47 =	vperm.xlane v26, v3;
	v11 =	vadd.f32 v55, v11;
	v38 =	vadd.f32 v57, v38  }
0x1b1: {  	v49 =	vperm.xlane v14, v3;
	v22 =	vadd.f32 v59, v22;
	v29 =	vadd.f32 v45, v23  }
0x1b2: {  	v51 =	vperm.xlane v17, v3;
	v35 =	vadd.f32 v46, v27;
	v27 =	vadd.f32 v47, v26  }
0x1b3: {  	v23 =	vadd.f32 v49, v14;
	v42 =	vperm.xlane v11, v1;
	v43 =	vperm.xlane v38, v1  }
0x1b4: {  	v17 =	vadd.f32 v51, v17;
	v48 =	vperm.xlane v22, v3;
	v50 =	vperm.xlane v29, v3  }
0x1b5: {  	v52 =	vperm.xlane v35, v3;
	v11 =	vadd.f32 v42, v11;
	v38 =	vadd.f32 v43, v38  }
0x1b6: {  	v56 =	vperm.xlane v41, v0;
	v26 =	vadd.f32 v48, v22;
	v22 =	vadd.f32 v50, v29  }
0x1b7: {  	v58 =	vperm.xlane v37, v0;
	v14 =	vadd.f32 v52, v35;
	v29 =	vadd.f32 v53, v40  }
0x1b8: {  	v35 =	vadd.f32 v54, v36;
	v40 =	vadd.f32 v56, v41;
	v42 =	vperm.xlane v11, v2  }
0x1b9: {  	v36 =	vadd.f32 v58, v37;
	v43 =	vperm.xlane v38, v2;
	v59 =	vperm.xlane v29, v1  }
0x1ba: {  	v45 =	vperm.xlane v35, v1;
	v46 =	vperm.xlane v40, v1;
	v51 =	vadd.f32 v42, v11  }
0x1bb: {  	v47 =	vperm.xlane v36, v1;
	v53 =	vadd.f32 v43, v38;
	v29 =	vadd.f32 v59, v29  }
0x1bc: {  	v35 =	vadd.f32 v45, v35;
	v40 =	vadd.f32 v46, v40  }
0x1bd: {  	v36 =	vadd.f32 v47, v36;
	v57 =	vperm.xlane v51, v3;
	v59 =	vperm.xlane v53, v3  }
0x1be: {  	v48 =	vperm.xlane v29, v2;
	v49 =	vperm.xlane v35, v2  }
0x1bf: {  	v50 =	vperm.xlane v40, v2;
	v52 =	vperm.xlane v36, v2;
	v37 =	vadd.f32 v59, v53  }
0x1c0: {  	v53 =	vperm.xlane v39, v0;
	v29 =	vadd.f32 v48, v29;
	v35 =	vadd.f32 v49, v35  }
0x1c1: {  	v40 =	vadd.f32 v50, v40;
	v55 =	vadd.f32 v52, v36;
	v49 =	vperm.xlane v9, v0  }
0x1c2: {  	v36 =	vadd.f32 v57, v51;
	v50 =	vperm.xlane v34, v0;
	v51 =	vperm.xlane v33, v0  }
0x1c3: {  	v52 =	vperm.xlane v32, v0;
	v39 =	vadd.f32 v53, v39;
	v54 =	vperm.xlane v29, v3  }
0x1c4: {  	v56 =	vperm.xlane v35, v3;
	v58 =	vperm.xlane v40, v3;
	v9 =	vadd.f32 v49, v9  }
0x1c5: {  	v48 =	vperm.xlane v55, v3;
	v34 =	vadd.f32 v50, v34;
	v33 =	vadd.f32 v51, v33  }
0x1c6: {  	v32 =	vadd.f32 v52, v32;
	v43 =	vperm.xlane v39, v1;
	v11 =	vadd.f32 v54, v29  }
0x1c7: {  	v29 =	vadd.f32 v56, v35;
	v38 =	vadd.f32 v58, v40;
	v54 =	vperm.xlane v10, v0  }
0x1c8: {  	v35 =	vadd.f32 v48, v55;
	v55 =	vperm.xlane v9, v1;
	v56 =	vperm.xlane v34, v1  }
0x1c9: {  	v42 =	vperm.xlane v33, v1;
	v39 =	vadd.f32 v43, v39;
	v10 =	vadd.f32 v54, v10  }
0x1ca: {  	v57 =	vperm.xlane v32, v1;
	v9 =	vadd.f32 v55, v9;
	v34 =	vadd.f32 v56, v34  }
0x1cb: {  	v33 =	vadd.f32 v42, v33;
	v43 =	vperm.xlane v39, v2;
	v56 =	vperm.xlane v25, v0  }
0x1cc: {  	v32 =	vadd.f32 v57, v32;
	v57 =	vperm.xlane v24, v0;
	v58 =	vperm.xlane v10, v1  }
0x1cd: {  	v59 =	vperm.xlane v9, v2;
	v45 =	vperm.xlane v34, v2;
	v48 =	vadd.f32 v43, v39  }
0x1ce: {  	v42 =	vperm.xlane v33, v2;
	v25 =	vadd.f32 v56, v25;
	v24 =	vadd.f32 v57, v24  }
0x1cf: {  	v46 =	vperm.xlane v32, v2;
	v10 =	vadd.f32 v58, v10;
	v9 =	vadd.f32 v59, v9  }
0x1d0: {  	v41 =	vadd.f32 v45, v34;
	v54 =	vperm.xlane v48, v3;
	v59 =	vperm.xlane v28, v0  }
0x1d1: {  	v44 =	vld [tilespmem:$0x1FE10];
	v32 =	vadd.f32 v46, v32;
	v45 =	vperm.xlane v31, v0;
	v47 =	vperm.xlane v10, v2  }
0x1d2: {  	v46 =	vperm.xlane v30, v0;
	v49 =	vperm.xlane v9, v3;
	v28 =	vadd.f32 v59, v28;
	v59 =	vld [tilespmem:$0x1FE00]  }
0x1d3: {  	v31 =	vadd.f32 v45, v31;
	v45 =	vld [tilespmem:$0x1FF00];
	v50 =	vadd.f32 v47, v10;
	v47 =	vperm.xlane v25, v1  }
0x1d4: {  	v30 =	vadd.f32 v46, v30;
	v46 =	vld [tilespmem:$0x1FF10];
	v10 =	vadd.f32 v54, v48;
	v48 =	vperm.xlane v24, v1  }
0x1d5: {  	v34 =	vadd.f32 v49, v9;
	v49 =	vperm.xlane v28, v1;
	v25 =	vadd.f32 v47, v25;
	v47 =	vld [tilespmem:$0x1FE20]  }
0x1d6: {  	v33 =	vadd.f32 v42, v33;
	v51 =	vperm.xlane v41, v3;
	v24 =	vadd.f32 v48, v24;
	v48 =	vld [tilespmem:$0x1FF20]  }
0x1d7: {  	v55 =	vperm.xlane v50, v3;
	v28 =	vadd.f32 v49, v28;
	v49 =	vld [tilespmem:$0x1FE30]  }
0x1d8: {  	v52 =	vperm.xlane v33, v3;
	v39 =	vadd.f32 v51, v41;
	v40 =	vsel vm8, v59, v44;
	v59 =	vld [tilespmem:$0x1FE80]  }
0x1d9: {  	v41 =	vsel vm8, v45, v46;
	v45 =	vld [tilespmem:$0x1FF80];
	v9 =	vadd.f32 v55, v50;
	v50 =	vperm.xlane v30, v1  }
0x1da: {  	v53 =	vperm.xlane v32, v3;
	v46 =	vld [tilespmem:$0x1FE90];
	v51 =	vperm.xlane v25, v2  }
0x1db: {  	v33 =	vadd.f32 v52, v33;
	v52 =	vperm.xlane v24, v2;
	v30 =	vadd.f32 v50, v30;
	v50 =	vld [tilespmem:$0x1FF30]  }
0x1dc: {  	v32 =	vadd.f32 v53, v32;
	v53 =	vperm.xlane v28, v2;
	v25 =	vadd.f32 v51, v25;
	v51 =	vld [tilespmem:$0x1FE40]  }
0x1dd: {  	v24 =	vadd.f32 v52, v24;
	v52 =	vld [tilespmem:$0x1FF40]  }
0x1de: {  	v28 =	vadd.f32 v53, v28;
	v53 =	vld [tilespmem:$0x1FE50]  }
0x1df: {  	v40 =	vsel vm9, v40, v47;
	v47 =	vld [tilespmem:$0x1FF90]  }
0x1e0: {  	v41 =	vsel vm9, v41, v48;
	v48 =	vld [tilespmem:$0x1FEA0];
	v54 =	vperm.xlane v30, v2  }
0x1e1: {  	v55 =	vperm.xlane v25, v3;
	v40 =	vsel vm10, v40, v49;
	v49 =	vld [tilespmem:$0x1FFA0]  }
0x1e2: {  	v56 =	vperm.xlane v24, v3;
	v30 =	vadd.f32 v54, v30;
	v54 =	vld [tilespmem:$0x1FF50]  }
0x1e3: {  	v57 =	vperm.xlane v28, v3;
	v25 =	vadd.f32 v55, v25;
	v55 =	vld [tilespmem:$0x1FE60]  }
0x1e4: {  	v24 =	vadd.f32 v56, v24;
	v56 =	vld [tilespmem:$0x1FF60]  }
0x1e5: {  	v28 =	vadd.f32 v57, v28;
	v57 =	vld [tilespmem:$0x1FE70]  }
0x1e6: {  	v58 =	vperm.xlane v8, v0;
	v41 =	vsel vm10, v41, v50;
	v50 =	vld [tilespmem:$0x1FEB0]  }
0x1e7: {  	v40 =	vsel vm11, v40, v51;
	v51 =	vld [tilespmem:$0x1FFB0]  }
0x1e8: {  	v8 =	vadd.f32 v58, v8;
	v58 =	vperm.xlane v30, v3;
	v41 =	vsel vm11, v41, v52;
	v52 =	vld [tilespmem:$0x1FEC0]  }
0x1e9: {  	v40 =	vsel vm12, v40, v53;
	v53 =	vld [tilespmem:$0x1FFC0]  }
0x1ea: {  	v42 =	vperm.xlane v8, v1;
	v30 =	vadd.f32 v58, v30;
	v58 =	vld [tilespmem:$0x1FF70]  }
0x1eb: {  	v41 =	vsel vm12, v41, v54;
	v54 =	vld [tilespmem:$0x1FED0]  }
0x1ec: {  	v8 =	vadd.f32 v42, v8;
	v40 =	vsel vm13, v40, v55;
	v55 =	vld [tilespmem:$0x1FC80]  }
0x1ed: {  	v41 =	vsel vm13, v41, v56;
	v56 =	vld [tilespmem:$0x1FC90]  }
0x1ee: {  	v42 =	vperm.xlane v8, v2;
	v40 =	vsel vm7, v40, v57;
	v57 =	vld [tilespmem:$0x1FFD0]  }
0x1ef: {  	v43 =	vperm.xlane v31, v1;
	v40 =	vsel vm6, v40, v59;
	v59 =	vld [tilespmem:$0x1FD90]  }
0x1f0: {  	v8 =	vadd.f32 v42, v8;
	v40 =	vsel vm5, v40, v46;
	v41 =	vsel vm7, v41, v58;
	v58 =	vld [tilespmem:$0x1FD80]  }
0x1f1: {  	v31 =	vadd.f32 v43, v31;
	v40 =	vsel vm3, v40, v48;
	v48 =	vld [tilespmem:$0x1FCA0]  }
0x1f2: {  	v42 =	vperm.xlane v8, v3;
	v40 =	vsel vm2, v40, v50;
	v50 =	vld [tilespmem:$0x1FCB0]  }
0x1f3: {  	v43 =	vperm.xlane v31, v2;
	v40 =	vsel vm1, v40, v52;
	v52 =	vld [tilespmem:$0x1FDB0]  }
0x1f4: {  	v8 =	vadd.f32 v42, v8;
	v41 =	vsel vm6, v41, v45;
	v42 =	vsel vm8, v55, v56;
	v55 =	vld [tilespmem:$0x1FDC0]  }
0x1f5: {  	v41 =	vsel vm5, v41, v47;
	v56 =	vld [tilespmem:$0x1FCD0]  }
0x1f6: {  	v31 =	vadd.f32 v43, v31;
	v41 =	vsel vm3, v41, v49;
	v49 =	vld [tilespmem:$0x1FDA0]  }
0x1f7: {  	v40 =	vsel vm0, v40, v54;
	v54 =	vld [tilespmem:$0x1FFE0]  }
0x1f8: {  	v43 =	vperm.xlane v31, v3;
	v41 =	vsel vm2, v41, v51;
	v51 =	vld [tilespmem:$0x1FEE0]  }
0x1f9: {  	v41 =	vsel vm1, v41, v53;
	v53 =	vld [tilespmem:$0x1FCC0]  }
0x1fa: {  	v12 =	vsel vm8, v12, v13;
	v31 =	vadd.f32 v43, v31;
	v43 =	vsel vm8, v58, v59;
	v58 =	vld [tilespmem:$0x1FEF0]  }
0x1fb: {  	v12 =	vsel vm9, v12, v20;
	v59 =	vld [tilespmem:$0x1FCF0];
	v43 =	vsel vm9, v43, v49  }
0x1fc: {  	v12 =	vsel vm10, v12, v21;
	v42 =	vsel vm9, v42, v48;
	v48 =	vld [tilespmem:$0x1FD00];
	v43 =	vsel vm10, v43, v52  }
0x1fd: {  	v12 =	vsel vm11, v12, v19;
	v41 =	vsel vm0, v41, v57;
	v57 =	vld [tilespmem:$0x1FCE0];
	v43 =	vsel vm11, v43, v55  }
0x1fe: {  	v12 =	vsel vm12, v12, v18;
	v43 =	vsel vm12, v43, v61;
	v61 =	vld [tilespmem:$0x1FDD0]  }
0x1ff: {  	v12 =	vsel vm13, v12, v16;
	v49 =	vld [tilespmem:$0x1FDE0]  }
0x200: {  	v36 =	vsel vm8, v36, v38;
	v42 =	vsel vm10, v42, v50;
	v40 =	vsel vm4, v40, v51;
	v51 =	vld [tilespmem:$0x1FDF0]  }
0x201: {  	v12 =	vsel vm7, v12, v15;
	v36 =	vsel vm9, v36, v37;
	v50 =	vld [tilespmem:$0x1FD10];
	v42 =	vsel vm11, v42, v53  }
0x202: {  	v41 =	vsel vm4, v41, v54;
	v52 =	vld [tilespmem:$0x1FD20];
	v42 =	vsel vm12, v42, v56;
	v43 =	vsel vm13, v43, v60  }
0x203: {  	v40 =	vsel vm14, v40, v58;
	v42 =	vsel vm13, v42, v57;
	v60 =	vld [tilespmem:$0x1FFF0];
	v43 =	vsel vm7, v43, v61  }
0x204: {  	v54 =	vld [tilespmem:$0x1FD30];
	v53 =	vsel vm10, v36, v35;
	v42 =	vsel vm7, v42, v59;
	v43 =	vsel vm6, v43, v49  }
0x205: {  	v58 =	vsel vm6, v12, v27;
	v42 =	vsel vm6, v42, v48;
	v13 =	vsel vm5, v43, v51  }
0x206: {  	v56 =	vld [tilespmem:$0x1FD40];
	v42 =	vsel vm5, v42, v50;
	v7 =	vsel vm3, v13, v7;
	v13 =	vsel vm11, v53, v34  }
0x207: {  	v59 =	vld [tilespmem:$0x1FD50];
	v20 =	vsel vm3, v42, v52;
	v6 =	vsel vm2, v7, v6;
	v55 =	vsel vm12, v13, v39  }
0x208: {  	v61 =	vld [tilespmem:$0x1FD60];
	v41 =	vsel vm14, v41, v60;
	v7 =	vsel vm13, v55, v33;
	v5 =	vsel vm1, v6, v5  }
0x209: {  	s0 =	sadd.s32 @!p0 s26, s10;
	v19 =	vsel vm2, v20, v54;
	v57 =	vsel vm7, v7, v32;
	v4 =	vsel vm0, v5, v4  }
0x20a: {  	s1 =	simm.s32 @!p0 $0x0;
	s3 =	simm.s32 @!p0 $0x10800;
	s0 =	sshrl.u32 @!p0 s0, $0x3;
	v7 =	vsel vm5, v58, v26;
	v6 =	vsel vm6, v57, v10;
	v4 =	vsel vm4, v4, v63;
	v63 =	vld [tilespmem:$0x1FD70]  }
0x20b: {  	s15 =	smul.u32 $0x30, s25;
	s25 =	sadd.s32 $0x1, s25;
	s0 =	sadd.s32 @!p0 s2, s0;
	v13 =	vsel vm1, v19, v56;
	v60 =	vsel vm3, v7, v23;
	v5 =	vsel vm5, v6, v9  }
0x20c: {  	[tilespmem:s3], [sflag:$0x4] =	stream.linear.gather @!p0 [hbm4b:s0+s1], $0x8000, $0x38;
	v12 =	vsel vm0, v13, v59;
	v6 =	vsel vm2, v60, v22;
	v5 =	vsel vm3, v5, v25;
	[tilespmem:$0x18A00] =	vst v63  }
0x20d: {  	p0 =	sne.s32 s25, $0x5;
	[tilespmem:s15+$0x18800] =	vst v40;
	v7 =	vsel vm4, v12, v61;
	v6 =	vsel vm1, v6, v17;
	v5 =	vsel vm2, v5, v24  }
.Ltmp3:
0x20e: {  	[tilespmem:s15+$0x18900] =	vst v41;
	v4 =	vsel vm14, v4, v62;
	v6 =	vsel vm0, v6, v14;
	v5 =	vsel vm1, v5, v8;
	(pc) =	sbr.rel @p0 .LBB2_2-.Ltmp3, $4  }
0x20f: {  	[tilespmem:s15+$0x18910] =	vst v4;
	v6 =	vsel vm4, v6, v11;
	v7 =	vsel vm14, v7, v63;
	v5 =	vsel vm0, v5, v28  }
0x210: {  	[tilespmem:s15+$0x18810] =	vst v7;
	v4 =	vsel vm4, v5, v31;
	v5 =	vsel vm14, v6, v29  }
0x211: {  	v4 =	vsel vm14, v4, v30;
	[tilespmem:s15+$0x18820] =	vst v5  }
0x212: {  	[tilespmem:s15+$0x18920] =	vst v4  }
0x213: {  	[hbm4b:s11+s4] =	stream.linear.scatter [tilespmem:s21], [sflag:$0x5], $0xF0, $0x38;
	[tilespmem:$0x18A00] =	vst v63  }
0x214: {  	s24 =	sadd.s32 $0x1, s24;
	_ =	swait.ge [sflag:s22], $0xF0  }
0x215: {  	p0 =	sne.s32 s24, s13;
	[sflag:s22] =	ssyncset.done $0x0  }
.Ltmp4:
0x216: {  	[sflag:s22] =	ssyncadd.s32 $0xFFFFFF10;
	(pc) =	sbr.rel @p0 .LBB2_1-.Ltmp4, $4  }
0x217: {  	[hbm4b:s12+s4] =	stream.linear.scatter [tilespmem:s23], [sflag:$0x5], $0xF0, $0x38;
	[tilespmem:$0x18A00] =	vst v63  }
0x218: {  	_ =	swait.ge [sflag:s22], $0xF0  }
0x219: {  	[sflag:s22] =	ssyncset.done $0x0  }
0x21a: {  	[sflag:s22] =	ssyncadd.s32 $0xFFFFFF10  }
0x21b: {  	_ =	sfence.sel $0x180000  }
0x21c: {  	[bflag:$0x0] =	sbarrier.arrive $0xFFFF  }
0x21d: {  	_ =	strace $0x90000047  }
0x21e: {  	s0 =	stileid.u32;
	[bflag:$0x2] =	sbarrier.arrive $0xFFFF  }
0x21f: {  	p0 =	sne.s32 s0, $0x0;
	s0 =	rddreg [dreg:$0x4]  }
0x220: {  	s0 =	sadd.s32 @!p0 $0x100000, s0  }
0x221: {  	[sflag:s0] =	ssyncadd.tile.s32 @!p0 $0x1;
	_ =	shalt  }
.Lfunc_end2:
_tile_overlayer_lowered:
.L_overlay_start_2:
0x222: {  	(tag) =	ssettag $0x2  }
0x223: {  	s0 =	rddreg [dreg:$0x0];
	s2 =	stileid.u32  }
0x224: {  	s1 =	rddreg [dreg:$0x1];
	p0 =	sne.s32 s2, $0x0  }
0x225: {  	s3 =	rddreg [dreg:$0x2];
	[bflag:$0x3] =	sbarrier.arrive $0xFFFF;
	s2 =	simm.s32 @!p0 $0x1C05  }
0x226: {  	[timem:s3], [sflag:s2] =	dma.local @!p0 [hbm:s0], s1  }
0x227: {  	s0 =	simm.s32 @!p0 $0x5  }
0x228: {  	_ =	swait.ge @!p0 [sflag:s0], s1  }
0x229: {  	s1 =	ssub.s32 @!p0 $0x0, s1;
	[sflag:s0] =	ssyncset.done @!p0 $0x0  }
0x22a: {  	[sflag:s0] =	ssyncadd.s32 @!p0 s1  }
0x22b: {  	[bflag:$0x3] =	sbarrier.arrive $0xFFFF  }
0x22c: {  	_ =	shalt  }

</sc_bundles>
